<compile_context>
chip_gen: v7x
topology: tpu7x:2x2x1
jax: 0.10.2.dev20260603
libtpu: 0.0.44.dev20260713+nightly
codegen_flags: <defaults>
</compile_context>

<pallas_src>
import functools

import jax
import jax.numpy as jnp
from jax import lax
from jax.experimental import pallas as pl
from jax.experimental.pallas import tpu as pltpu
from jax.experimental.pallas import tpu_sc as plsc

VOCAB = 1_000_000
EMB = 32
B = 16384
T = 50
RW = 128


@functools.lru_cache(maxsize=1)
def _build():
    info = plsc.get_sparse_core_info()
    nc, ns = info.num_cores, info.num_subcores
    nw = nc * ns
    blk = B // nw
    nstream = blk // RW

    mesh = plsc.VectorSubcoreMesh(core_axis_name="c", subcore_axis_name="s")

    @functools.partial(
        pl.kernel,
        mesh=mesh,
        compiler_params=pltpu.CompilerParams(
            use_tc_tiling_on_sc=False, needs_layout_passes=False
        ),
        out_type=jax.ShapeDtypeStruct((T, EMB, B), jnp.float32),
        scratch_types=[
            pltpu.VMEM((blk, T), jnp.int32),
            pltpu.VMEM((blk,), jnp.int32),
            pltpu.VMEM((blk, EMB), jnp.float32),
            pltpu.VMEM((blk, EMB), jnp.float32),
            pltpu.VMEM((EMB, blk), jnp.float32),
            pltpu.SemaphoreType.DMA,
            pltpu.SemaphoreType.DMA,
        ],
    )
    def emb_kernel(
        table_hbm, x_hbm, out_hbm,
        xb_v, idx_v, rows_a, rows_b, outb_v, sem_a, sem_b,
    ):
        wid = lax.axis_index("s") * nc + lax.axis_index("c")
        b0 = wid * blk
        lanes = lax.iota(jnp.int32, 16)

        pltpu.sync_copy(x_hbm.at[pl.ds(b0, blk)], xb_v)

        def fire(t, rows, sem):
            @plsc.parallel_loop(0, blk // 16, unroll=4)
            def _(jj):
                r16 = jj * 16 + lanes
                idx_v[pl.ds(jj * 16, 16)] = plsc.load_gather(
                    xb_v, [r16, jnp.full((16,), t, jnp.int32)]
                )

            return [
                pltpu.async_copy(
                    table_hbm.at[idx_v.at[pl.ds(j * RW, RW)]],
                    rows.at[pl.ds(j * RW, RW)],
                    sem,
                )
                for j in range(nstream)
            ]

        def drain(rows, sem):
            for j in range(nstream):
                pltpu.make_async_copy(
                    table_hbm.at[idx_v.at[pl.ds(j * RW, RW)]],
                    rows.at[pl.ds(j * RW, RW)],
                    sem,
                ).wait()

        def finish(t, rows):
            @plsc.parallel_loop(0, blk // 16, unroll=4)
            def _(jj):
                row16 = jj * 16 + lanes
                ecol = lanes
                for _s in range(EMB):
                    vals = plsc.load_gather(rows, [row16, ecol])
                    plsc.store_scatter(outb_v, [ecol, row16], vals)
                    ecol = jnp.bitwise_and(ecol + 1, EMB - 1)

            pltpu.sync_copy(outb_v, out_hbm.at[t, :, pl.ds(b0, blk)])

        fire(0, rows_a, sem_a)

        def pair_body(p, _):
            drain(rows_a, sem_a)
            fire(2 * p + 1, rows_b, sem_b)
            finish(2 * p, rows_a)
            drain(rows_b, sem_b)
            fire(2 * p + 2, rows_a, sem_a)
            finish(2 * p + 1, rows_b)
            return 0

        lax.fori_loop(0, T // 2 - 1, pair_body, 0)
        drain(rows_a, sem_a)
        fire(T - 1, rows_b, sem_b)
        finish(T - 2, rows_a)
        drain(rows_b, sem_b)
        finish(T - 1, rows_b)

    return emb_kernel


def kernel(x, table):
    outp = _build()(table, x)
    return jnp.transpose(outp, (2, 0, 1))

# --- scband reference (transcript-rebuilt; emitter-appended) ---
"""Pipeline reference for scband-token-embedding-module-12412455485607 (READ-ONLY COPY).

The authoritative reference and input builder live on the scoring server;
editing this copy changes nothing except your own understanding.
"""

import jax, jax.numpy as jnp
import numpy as np

VOCAB = 1000000
EMB = 32

def setup_inputs(seed: int = 0) -> dict:
    key = jax.random.key(seed)
    k1, k2 = jax.random.split(key)
    x = jax.random.randint(k1, (16384, 50), 0, VOCAB, dtype=jnp.int64 if jax.config.jax_enable_x64 else jnp.int32)
    table = jax.random.normal(k2, (VOCAB, EMB), dtype=jnp.float32)
    return {"x": x, "table": table}

def reference(x, table):
    # nn.Embedding forward: row gather from the embedding table
    return jnp.take(table, x, axis=0)

if __name__ == "__main__":
    import jax
    _d = setup_inputs()
    print(jax.jit(kernel)(*tuple(_d.values())))

</pallas_src>

<mosaic_0001>
#map = affine_map<(d0, d1) -> (0, 0)>
#map1 = affine_map<(d0, d1) -> (0, 0, 0)>
module attributes {stable_mosaic.version = 14 : i64} {
  func.func @emb_kernel(%arg0: i32, %arg1: i32, %arg2: memref<1000000x32xf32, #tpu.memory_space<hbm>>, %arg3: memref<16384x50xi32, #tpu.memory_space<hbm>>, %arg4: memref<50x32x16384xf32, #tpu.memory_space<hbm>>, %arg5: memref<512x50xi32, #tpu.memory_space<vmem>>, %arg6: memref<512xi32, #tpu.memory_space<vmem>>, %arg7: memref<512x32xf32, #tpu.memory_space<vmem>>, %arg8: memref<512x32xf32, #tpu.memory_space<vmem>>, %arg9: memref<32x512xf32, #tpu.memory_space<vmem>>, %arg10: memref<!tpu.dma_semaphore, #tpu.memory_space<semaphore_mem>>, %arg11: memref<!tpu.dma_semaphore, #tpu.memory_space<semaphore_mem>>) attributes {dimension_semantics = [#tpu.dimension_semantics<core_parallel>, #tpu.dimension_semantics<subcore_parallel>], iteration_bounds = array<i64: 2, 16>, scalar_prefetch = 0 : i64, scratch_operands = 7 : i64, tpu.core_type = #tpu.core_type<sc_vector_subcore>, window_params = [{transform_indices = #map}, {transform_indices = #map}, {transform_indices = #map1}]} {
    %mul3A = arith.constant 2 : i32
    %mul3A_0 = arith.muli %arg1, %mul3A : i32
    %add3A = arith.addi %mul3A_0, %arg0 : i32
    %mul3A_1 = arith.constant 512 : i32
    %mul3A_2 = arith.muli %add3A, %mul3A_1 : i32
    %iota3A = tpu.iota {dimensions = array<i32: 0>} : vector<16xi32>
    "tpu.region"() ({
      %run_scoped3A_147 = tpu.sem_alloc : memref<!tpu.dma_semaphore, #tpu.memory_space<semaphore_mem>>
      %dma_start3A_148 = arith.constant 0 : i32
      %dma_start3A_149 = tpu.memref_slice %arg3[%mul3A_2, %dma_start3A_148] : memref<16384x50xi32, #tpu.memory_space<hbm>> -> memref<512x50xi32, #tpu.memory_space<hbm>>
      %dma_start3A_150 = arith.constant 0 : i32
      %dma_start3A_151 = tpu.memref_slice %arg3[%mul3A_2, %dma_start3A_150] : memref<16384x50xi32, #tpu.memory_space<hbm>> -> memref<512x50xi32, #tpu.memory_space<hbm>>
      tpu.enqueue_dma source(%dma_start3A_151 : memref<512x50xi32, #tpu.memory_space<hbm>>) target(%arg5 : memref<512x50xi32, #tpu.memory_space<vmem>>) target_semaphore(%run_scoped3A_147 : memref<!tpu.dma_semaphore, #tpu.memory_space<semaphore_mem>>)
      %dma_wait3A_152 = arith.constant 0 : i32
      %dma_wait3A_153 = tpu.memref_slice %arg3[%mul3A_2, %dma_wait3A_152] : memref<16384x50xi32, #tpu.memory_space<hbm>> -> memref<512x50xi32, #tpu.memory_space<hbm>>
      %dma_wait3A_154 = arith.constant 0 : i32
      %dma_wait3A_155 = tpu.memref_slice %arg3[%mul3A_2, %dma_wait3A_154] : memref<16384x50xi32, #tpu.memory_space<hbm>> -> memref<512x50xi32, #tpu.memory_space<hbm>>
      tpu.wait_dma2 semaphore(%run_scoped3A_147 : memref<!tpu.dma_semaphore, #tpu.memory_space<semaphore_mem>>) src(%dma_wait3A_155 : memref<512x50xi32, #tpu.memory_space<hbm>>) dst(%arg5 : memref<512x50xi32, #tpu.memory_space<vmem>>)
      tpu.yield
    }) : () -> ()
    %parallel_loop3A = arith.constant 0 : i32
    %parallel_loop3A_3 = arith.constant 32 : i32
    %parallel_loop3A_4 = arith.constant 1 : i32
    scf.for %parallel_loop3A_147 = %parallel_loop3A to %parallel_loop3A_3 step %parallel_loop3A_4  : i32 {
      %parallel_loop3A_148 = arith.constant 16 : i32
      %parallel_loop3A_149 = arith.muli %parallel_loop3A_147, %parallel_loop3A_148 : i32
      %parallel_loop3A_150 = vector.broadcast %parallel_loop3A_149 : i32 to vector<16xi32>
      %parallel_loop3A_151 = arith.addi %parallel_loop3A_150, %iota3A : vector<16xi32>
      %parallel_loop3A_152 = arith.constant 0 : i32
      %parallel_loop3A_153 = vector.broadcast %parallel_loop3A_152 : i32 to vector<16xi32>
      %parallel_loop3A_154 = tpu.vector_load_idx %arg5[%parallel_loop3A_151, %parallel_loop3A_153] : memref<512x50xi32, #tpu.memory_space<vmem>>[vector<16xi32>, vector<16xi32>], vector<16xi32>,
      %parallel_loop3A_155 = arith.constant 16 : i32
      %parallel_loop3A_156 = arith.muli %parallel_loop3A_147, %parallel_loop3A_155 : i32
      %parallel_loop3A_157 = arith.index_cast %parallel_loop3A_156 : i32 to index
      %parallel_loop3A_158 = tpu.vector_load %arg6[%parallel_loop3A_157] {strides = array<i32>} : memref<512xi32, #tpu.memory_space<vmem>>, vector<16xi32>,
      tpu.vector_store %arg6[%parallel_loop3A_157], %parallel_loop3A_154 {strides = array<i32>} : memref<512xi32, #tpu.memory_space<vmem>>, vector<16xi32>,
    } {sc.loop_unroll_factor = 4 : i64, sc.parallel_access}
    %dma_start3A = arith.constant 0 : i32
    %dma_start3A_5 = arith.constant 0 : i32
    %dma_start3A_6 = tpu.memref_slice %arg7[%dma_start3A, %dma_start3A_5] : memref<512x32xf32, #tpu.memory_space<vmem>> -> memref<128x32xf32, #tpu.memory_space<vmem>>
    %dma_start3A_7 = arith.constant 0 : i32
    %dma_start3A_8 = tpu.memref_slice %arg6[%dma_start3A_7] : memref<512xi32, #tpu.memory_space<vmem>> -> memref<128xi32, #tpu.memory_space<vmem>>
    %dma_start3A_9 = arith.constant 0 : i32
    %dma_start3A_10 = arith.constant 0 : i32
    %dma_start3A_11 = tpu.memref_slice %arg2[%dma_start3A_9, %dma_start3A_10] : memref<1000000x32xf32, #tpu.memory_space<hbm>> -> memref<1000000x32xf32, #tpu.memory_space<hbm>>
    tpu.enqueue_indirect_dma source(%dma_start3A_11 : memref<1000000x32xf32, #tpu.memory_space<hbm>>) target(%dma_start3A_6 : memref<128x32xf32, #tpu.memory_space<vmem>>) offsets(%dma_start3A_8 : memref<128xi32, #tpu.memory_space<vmem>>) semaphore(%arg10 : memref<!tpu.dma_semaphore, #tpu.memory_space<semaphore_mem>>)
    %dma_start3A_12 = arith.constant 128 : i32
    %dma_start3A_13 = arith.constant 0 : i32
    %dma_start3A_14 = tpu.memref_slice %arg7[%dma_start3A_12, %dma_start3A_13] : memref<512x32xf32, #tpu.memory_space<vmem>> -> memref<128x32xf32, #tpu.memory_space<vmem>>
    %dma_start3A_15 = arith.constant 128 : i32
    %dma_start3A_16 = tpu.memref_slice %arg6[%dma_start3A_15] : memref<512xi32, #tpu.memory_space<vmem>> -> memref<128xi32, #tpu.memory_space<vmem>>
    %dma_start3A_17 = arith.constant 0 : i32
    %dma_start3A_18 = arith.constant 0 : i32
    %dma_start3A_19 = tpu.memref_slice %arg2[%dma_start3A_17, %dma_start3A_18] : memref<1000000x32xf32, #tpu.memory_space<hbm>> -> memref<1000000x32xf32, #tpu.memory_space<hbm>>
    tpu.enqueue_indirect_dma source(%dma_start3A_19 : memref<1000000x32xf32, #tpu.memory_space<hbm>>) target(%dma_start3A_14 : memref<128x32xf32, #tpu.memory_space<vmem>>) offsets(%dma_start3A_16 : memref<128xi32, #tpu.memory_space<vmem>>) semaphore(%arg10 : memref<!tpu.dma_semaphore, #tpu.memory_space<semaphore_mem>>)
    %dma_start3A_20 = arith.constant 256 : i32
    %dma_start3A_21 = arith.constant 0 : i32
    %dma_start3A_22 = tpu.memref_slice %arg7[%dma_start3A_20, %dma_start3A_21] : memref<512x32xf32, #tpu.memory_space<vmem>> -> memref<128x32xf32, #tpu.memory_space<vmem>>
    %dma_start3A_23 = arith.constant 256 : i32
    %dma_start3A_24 = tpu.memref_slice %arg6[%dma_start3A_23] : memref<512xi32, #tpu.memory_space<vmem>> -> memref<128xi32, #tpu.memory_space<vmem>>
    %dma_start3A_25 = arith.constant 0 : i32
    %dma_start3A_26 = arith.constant 0 : i32
    %dma_start3A_27 = tpu.memref_slice %arg2[%dma_start3A_25, %dma_start3A_26] : memref<1000000x32xf32, #tpu.memory_space<hbm>> -> memref<1000000x32xf32, #tpu.memory_space<hbm>>
    tpu.enqueue_indirect_dma source(%dma_start3A_27 : memref<1000000x32xf32, #tpu.memory_space<hbm>>) target(%dma_start3A_22 : memref<128x32xf32, #tpu.memory_space<vmem>>) offsets(%dma_start3A_24 : memref<128xi32, #tpu.memory_space<vmem>>) semaphore(%arg10 : memref<!tpu.dma_semaphore, #tpu.memory_space<semaphore_mem>>)
    %dma_start3A_28 = arith.constant 384 : i32
    %dma_start3A_29 = arith.constant 0 : i32
    %dma_start3A_30 = tpu.memref_slice %arg7[%dma_start3A_28, %dma_start3A_29] : memref<512x32xf32, #tpu.memory_space<vmem>> -> memref<128x32xf32, #tpu.memory_space<vmem>>
    %dma_start3A_31 = arith.constant 384 : i32
    %dma_start3A_32 = tpu.memref_slice %arg6[%dma_start3A_31] : memref<512xi32, #tpu.memory_space<vmem>> -> memref<128xi32, #tpu.memory_space<vmem>>
    %dma_start3A_33 = arith.constant 0 : i32
    %dma_start3A_34 = arith.constant 0 : i32
    %dma_start3A_35 = tpu.memref_slice %arg2[%dma_start3A_33, %dma_start3A_34] : memref<1000000x32xf32, #tpu.memory_space<hbm>> -> memref<1000000x32xf32, #tpu.memory_space<hbm>>
    tpu.enqueue_indirect_dma source(%dma_start3A_35 : memref<1000000x32xf32, #tpu.memory_space<hbm>>) target(%dma_start3A_30 : memref<128x32xf32, #tpu.memory_space<vmem>>) offsets(%dma_start3A_32 : memref<128xi32, #tpu.memory_space<vmem>>) semaphore(%arg10 : memref<!tpu.dma_semaphore, #tpu.memory_space<semaphore_mem>>)
    %scan3A = arith.constant 0 : i32
    %scan3A_36 = arith.constant 0 : i32
    %scan3A_37 = arith.constant 24 : i32
    %scan3A_38 = arith.addi %scan3A_36, %scan3A_37 : i32
    %scan3A_39 = arith.constant 1 : i32
    %scan3A_40 = scf.for %scan3A_147 = %scan3A_36 to %scan3A_38 step %scan3A_39 iter_args(%scan3A_148 = %scan3A) -> (i32)  : i32 {
      %dma_wait3A_149 = arith.constant 0 : i32
      %dma_wait3A_150 = arith.constant 0 : i32
      %dma_wait3A_151 = tpu.memref_slice %arg7[%dma_wait3A_149, %dma_wait3A_150] : memref<512x32xf32, #tpu.memory_space<vmem>> -> memref<128x32xf32, #tpu.memory_space<vmem>>
      %dma_wait3A_152 = arith.constant 0 : i32
      %dma_wait3A_153 = tpu.memref_slice %arg6[%dma_wait3A_152] : memref<512xi32, #tpu.memory_space<vmem>> -> memref<128xi32, #tpu.memory_space<vmem>>
      %dma_wait3A_154 = arith.constant 0 : i32
      %dma_wait3A_155 = arith.constant 0 : i32
      %dma_wait3A_156 = tpu.memref_slice %arg2[%dma_wait3A_154, %dma_wait3A_155] : memref<1000000x32xf32, #tpu.memory_space<hbm>> -> memref<1000000x32xf32, #tpu.memory_space<hbm>>
      tpu.wait_indirect_dma semaphore(%arg10 : memref<!tpu.dma_semaphore, #tpu.memory_space<semaphore_mem>>) src(%dma_wait3A_156 : memref<1000000x32xf32, #tpu.memory_space<hbm>>) dst(%dma_wait3A_151 : memref<128x32xf32, #tpu.memory_space<vmem>>)
      %dma_wait3A_157 = arith.constant 128 : i32
      %dma_wait3A_158 = arith.constant 0 : i32
      %dma_wait3A_159 = tpu.memref_slice %arg7[%dma_wait3A_157, %dma_wait3A_158] : memref<512x32xf32, #tpu.memory_space<vmem>> -> memref<128x32xf32, #tpu.memory_space<vmem>>
      %dma_wait3A_160 = arith.constant 128 : i32
      %dma_wait3A_161 = tpu.memref_slice %arg6[%dma_wait3A_160] : memref<512xi32, #tpu.memory_space<vmem>> -> memref<128xi32, #tpu.memory_space<vmem>>
      %dma_wait3A_162 = arith.constant 0 : i32
      %dma_wait3A_163 = arith.constant 0 : i32
      %dma_wait3A_164 = tpu.memref_slice %arg2[%dma_wait3A_162, %dma_wait3A_163] : memref<1000000x32xf32, #tpu.memory_space<hbm>> -> memref<1000000x32xf32, #tpu.memory_space<hbm>>
      tpu.wait_indirect_dma semaphore(%arg10 : memref<!tpu.dma_semaphore, #tpu.memory_space<semaphore_mem>>) src(%dma_wait3A_164 : memref<1000000x32xf32, #tpu.memory_space<hbm>>) dst(%dma_wait3A_159 : memref<128x32xf32, #tpu.memory_space<vmem>>)
      %dma_wait3A_165 = arith.constant 256 : i32
      %dma_wait3A_166 = arith.constant 0 : i32
      %dma_wait3A_167 = tpu.memref_slice %arg7[%dma_wait3A_165, %dma_wait3A_166] : memref<512x32xf32, #tpu.memory_space<vmem>> -> memref<128x32xf32, #tpu.memory_space<vmem>>
      %dma_wait3A_168 = arith.constant 256 : i32
      %dma_wait3A_169 = tpu.memref_slice %arg6[%dma_wait3A_168] : memref<512xi32, #tpu.memory_space<vmem>> -> memref<128xi32, #tpu.memory_space<vmem>>
      %dma_wait3A_170 = arith.constant 0 : i32
      %dma_wait3A_171 = arith.constant 0 : i32
      %dma_wait3A_172 = tpu.memref_slice %arg2[%dma_wait3A_170, %dma_wait3A_171] : memref<1000000x32xf32, #tpu.memory_space<hbm>> -> memref<1000000x32xf32, #tpu.memory_space<hbm>>
      tpu.wait_indirect_dma semaphore(%arg10 : memref<!tpu.dma_semaphore, #tpu.memory_space<semaphore_mem>>) src(%dma_wait3A_172 : memref<1000000x32xf32, #tpu.memory_space<hbm>>) dst(%dma_wait3A_167 : memref<128x32xf32, #tpu.memory_space<vmem>>)
      %dma_wait3A_173 = arith.constant 384 : i32
      %dma_wait3A_174 = arith.constant 0 : i32
      %dma_wait3A_175 = tpu.memref_slice %arg7[%dma_wait3A_173, %dma_wait3A_174] : memref<512x32xf32, #tpu.memory_space<vmem>> -> memref<128x32xf32, #tpu.memory_space<vmem>>
      %dma_wait3A_176 = arith.constant 384 : i32
      %dma_wait3A_177 = tpu.memref_slice %arg6[%dma_wait3A_176] : memref<512xi32, #tpu.memory_space<vmem>> -> memref<128xi32, #tpu.memory_space<vmem>>
      %dma_wait3A_178 = arith.constant 0 : i32
      %dma_wait3A_179 = arith.constant 0 : i32
      %dma_wait3A_180 = tpu.memref_slice %arg2[%dma_wait3A_178, %dma_wait3A_179] : memref<1000000x32xf32, #tpu.memory_space<hbm>> -> memref<1000000x32xf32, #tpu.memory_space<hbm>>
      tpu.wait_indirect_dma semaphore(%arg10 : memref<!tpu.dma_semaphore, #tpu.memory_space<semaphore_mem>>) src(%dma_wait3A_180 : memref<1000000x32xf32, #tpu.memory_space<hbm>>) dst(%dma_wait3A_175 : memref<128x32xf32, #tpu.memory_space<vmem>>)
      %mul3A_181 = arith.constant 2 : i32
      %mul3A_182 = arith.muli %mul3A_181, %scan3A_147 : i32
      %add3A_183 = arith.constant 1 : i32
      %add3A_184 = arith.addi %mul3A_182, %add3A_183 : i32
      %parallel_loop3A_185 = arith.constant 0 : i32
      %parallel_loop3A_186 = arith.constant 32 : i32
      %parallel_loop3A_187 = arith.constant 1 : i32
      scf.for %parallel_loop3A_304 = %parallel_loop3A_185 to %parallel_loop3A_186 step %parallel_loop3A_187  : i32 {
        %parallel_loop3A_305 = arith.constant 16 : i32
        %parallel_loop3A_306 = arith.muli %parallel_loop3A_304, %parallel_loop3A_305 : i32
        %parallel_loop3A_307 = vector.broadcast %parallel_loop3A_306 : i32 to vector<16xi32>
        %parallel_loop3A_308 = arith.addi %parallel_loop3A_307, %iota3A : vector<16xi32>
        %parallel_loop3A_309 = vector.broadcast %add3A_184 : i32 to vector<16xi32>
        %parallel_loop3A_310 = tpu.vector_load_idx %arg5[%parallel_loop3A_308, %parallel_loop3A_309] : memref<512x50xi32, #tpu.memory_space<vmem>>[vector<16xi32>, vector<16xi32>], vector<16xi32>,
        %parallel_loop3A_311 = arith.constant 16 : i32
        %parallel_loop3A_312 = arith.muli %parallel_loop3A_304, %parallel_loop3A_311 : i32
        %parallel_loop3A_313 = arith.index_cast %parallel_loop3A_312 : i32 to index
        %parallel_loop3A_314 = tpu.vector_load %arg6[%parallel_loop3A_313] {strides = array<i32>} : memref<512xi32, #tpu.memory_space<vmem>>, vector<16xi32>,
        tpu.vector_store %arg6[%parallel_loop3A_313], %parallel_loop3A_310 {strides = array<i32>} : memref<512xi32, #tpu.memory_space<vmem>>, vector<16xi32>,
      } {sc.loop_unroll_factor = 4 : i64, sc.parallel_access}
      %dma_start3A_188 = arith.constant 0 : i32
      %dma_start3A_189 = arith.constant 0 : i32
      %dma_start3A_190 = tpu.memref_slice %arg8[%dma_start3A_188, %dma_start3A_189] : memref<512x32xf32, #tpu.memory_space<vmem>> -> memref<128x32xf32, #tpu.memory_space<vmem>>
      %dma_start3A_191 = arith.constant 0 : i32
      %dma_start3A_192 = tpu.memref_slice %arg6[%dma_start3A_191] : memref<512xi32, #tpu.memory_space<vmem>> -> memref<128xi32, #tpu.memory_space<vmem>>
      %dma_start3A_193 = arith.constant 0 : i32
      %dma_start3A_194 = arith.constant 0 : i32
      %dma_start3A_195 = tpu.memref_slice %arg2[%dma_start3A_193, %dma_start3A_194] : memref<1000000x32xf32, #tpu.memory_space<hbm>> -> memref<1000000x32xf32, #tpu.memory_space<hbm>>
      tpu.enqueue_indirect_dma source(%dma_start3A_195 : memref<1000000x32xf32, #tpu.memory_space<hbm>>) target(%dma_start3A_190 : memref<128x32xf32, #tpu.memory_space<vmem>>) offsets(%dma_start3A_192 : memref<128xi32, #tpu.memory_space<vmem>>) semaphore(%arg11 : memref<!tpu.dma_semaphore, #tpu.memory_space<semaphore_mem>>)
      %dma_start3A_196 = arith.constant 128 : i32
      %dma_start3A_197 = arith.constant 0 : i32
      %dma_start3A_198 = tpu.memref_slice %arg8[%dma_start3A_196, %dma_start3A_197] : memref<512x32xf32, #tpu.memory_space<vmem>> -> memref<128x32xf32, #tpu.memory_space<vmem>>
      %dma_start3A_199 = arith.constant 128 : i32
      %dma_start3A_200 = tpu.memref_slice %arg6[%dma_start3A_199] : memref<512xi32, #tpu.memory_space<vmem>> -> memref<128xi32, #tpu.memory_space<vmem>>
      %dma_start3A_201 = arith.constant 0 : i32
      %dma_start3A_202 = arith.constant 0 : i32
      %dma_start3A_203 = tpu.memref_slice %arg2[%dma_start3A_201, %dma_start3A_202] : memref<1000000x32xf32, #tpu.memory_space<hbm>> -> memref<1000000x32xf32, #tpu.memory_space<hbm>>
      tpu.enqueue_indirect_dma source(%dma_start3A_203 : memref<1000000x32xf32, #tpu.memory_space<hbm>>) target(%dma_start3A_198 : memref<128x32xf32, #tpu.memory_space<vmem>>) offsets(%dma_start3A_200 : memref<128xi32, #tpu.memory_space<vmem>>) semaphore(%arg11 : memref<!tpu.dma_semaphore, #tpu.memory_space<semaphore_mem>>)
      %dma_start3A_204 = arith.constant 256 : i32
      %dma_start3A_205 = arith.constant 0 : i32
      %dma_start3A_206 = tpu.memref_slice %arg8[%dma_start3A_204, %dma_start3A_205] : memref<512x32xf32, #tpu.memory_space<vmem>> -> memref<128x32xf32, #tpu.memory_space<vmem>>
      %dma_start3A_207 = arith.constant 256 : i32
      %dma_start3A_208 = tpu.memref_slice %arg6[%dma_start3A_207] : memref<512xi32, #tpu.memory_space<vmem>> -> memref<128xi32, #tpu.memory_space<vmem>>
      %dma_start3A_209 = arith.constant 0 : i32
      %dma_start3A_210 = arith.constant 0 : i32
      %dma_start3A_211 = tpu.memref_slice %arg2[%dma_start3A_209, %dma_start3A_210] : memref<1000000x32xf32, #tpu.memory_space<hbm>> -> memref<1000000x32xf32, #tpu.memory_space<hbm>>
      tpu.enqueue_indirect_dma source(%dma_start3A_211 : memref<1000000x32xf32, #tpu.memory_space<hbm>>) target(%dma_start3A_206 : memref<128x32xf32, #tpu.memory_space<vmem>>) offsets(%dma_start3A_208 : memref<128xi32, #tpu.memory_space<vmem>>) semaphore(%arg11 : memref<!tpu.dma_semaphore, #tpu.memory_space<semaphore_mem>>)
      %dma_start3A_212 = arith.constant 384 : i32
      %dma_start3A_213 = arith.constant 0 : i32
      %dma_start3A_214 = tpu.memref_slice %arg8[%dma_start3A_212, %dma_start3A_213] : memref<512x32xf32, #tpu.memory_space<vmem>> -> memref<128x32xf32, #tpu.memory_space<vmem>>
      %dma_start3A_215 = arith.constant 384 : i32
      %dma_start3A_216 = tpu.memref_slice %arg6[%dma_start3A_215] : memref<512xi32, #tpu.memory_space<vmem>> -> memref<128xi32, #tpu.memory_space<vmem>>
      %dma_start3A_217 = arith.constant 0 : i32
      %dma_start3A_218 = arith.constant 0 : i32
      %dma_start3A_219 = tpu.memref_slice %arg2[%dma_start3A_217, %dma_start3A_218] : memref<1000000x32xf32, #tpu.memory_space<hbm>> -> memref<1000000x32xf32, #tpu.memory_space<hbm>>
      tpu.enqueue_indirect_dma source(%dma_start3A_219 : memref<1000000x32xf32, #tpu.memory_space<hbm>>) target(%dma_start3A_214 : memref<128x32xf32, #tpu.memory_space<vmem>>) offsets(%dma_start3A_216 : memref<128xi32, #tpu.memory_space<vmem>>) semaphore(%arg11 : memref<!tpu.dma_semaphore, #tpu.memory_space<semaphore_mem>>)
      %mul3A_220 = arith.constant 2 : i32
      %mul3A_221 = arith.muli %mul3A_220, %scan3A_147 : i32
      %parallel_loop3A_222 = arith.constant 0 : i32
      %parallel_loop3A_223 = arith.constant 32 : i32
      %parallel_loop3A_224 = arith.constant 1 : i32
      scf.for %parallel_loop3A_304 = %parallel_loop3A_222 to %parallel_loop3A_223 step %parallel_loop3A_224  : i32 {
        %parallel_loop3A_305 = arith.constant 16 : i32
        %parallel_loop3A_306 = arith.muli %parallel_loop3A_304, %parallel_loop3A_305 : i32
        %parallel_loop3A_307 = vector.broadcast %parallel_loop3A_306 : i32 to vector<16xi32>
        %parallel_loop3A_308 = arith.addi %parallel_loop3A_307, %iota3A : vector<16xi32>
        %parallel_loop3A_309 = tpu.vector_load_idx %arg7[%parallel_loop3A_308, %iota3A] : memref<512x32xf32, #tpu.memory_space<vmem>>[vector<16xi32>, vector<16xi32>], vector<16xf32>,
        tpu.vector_store_idx %arg9[%iota3A, %parallel_loop3A_308], %parallel_loop3A_309 : memref<32x512xf32, #tpu.memory_space<vmem>>[vector<16xi32>, vector<16xi32>], vector<16xf32>,
        %parallel_loop3A_310 = arith.constant 1 : i32
        %parallel_loop3A_311 = vector.broadcast %parallel_loop3A_310 : i32 to vector<16xi32>
        %parallel_loop3A_312 = arith.addi %iota3A, %parallel_loop3A_311 : vector<16xi32>
        %parallel_loop3A_313 = arith.constant 31 : i32
        %parallel_loop3A_314 = vector.broadcast %parallel_loop3A_313 : i32 to vector<16xi32>
        %parallel_loop3A_315 = arith.andi %parallel_loop3A_312, %parallel_loop3A_314 : vector<16xi32>
        %parallel_loop3A_316 = tpu.vector_load_idx %arg7[%parallel_loop3A_308, %parallel_loop3A_315] : memref<512x32xf32, #tpu.memory_space<vmem>>[vector<16xi32>, vector<16xi32>], vector<16xf32>,
        tpu.vector_store_idx %arg9[%parallel_loop3A_315, %parallel_loop3A_308], %parallel_loop3A_316 : memref<32x512xf32, #tpu.memory_space<vmem>>[vector<16xi32>, vector<16xi32>], vector<16xf32>,
        %parallel_loop3A_317 = arith.constant 1 : i32
        %parallel_loop3A_318 = vector.broadcast %parallel_loop3A_317 : i32 to vector<16xi32>
        %parallel_loop3A_319 = arith.addi %parallel_loop3A_315, %parallel_loop3A_318 : vector<16xi32>
        %parallel_loop3A_320 = arith.constant 31 : i32
        %parallel_loop3A_321 = vector.broadcast %parallel_loop3A_320 : i32 to vector<16xi32>
        %parallel_loop3A_322 = arith.andi %parallel_loop3A_319, %parallel_loop3A_321 : vector<16xi32>
        %parallel_loop3A_323 = tpu.vector_load_idx %arg7[%parallel_loop3A_308, %parallel_loop3A_322] : memref<512x32xf32, #tpu.memory_space<vmem>>[vector<16xi32>, vector<16xi32>], vector<16xf32>,
        tpu.vector_store_idx %arg9[%parallel_loop3A_322, %parallel_loop3A_308], %parallel_loop3A_323 : memref<32x512xf32, #tpu.memory_space<vmem>>[vector<16xi32>, vector<16xi32>], vector<16xf32>,
        %parallel_loop3A_324 = arith.constant 1 : i32
        %parallel_loop3A_325 = vector.broadcast %parallel_loop3A_324 : i32 to vector<16xi32>
        %parallel_loop3A_326 = arith.addi %parallel_loop3A_322, %parallel_loop3A_325 : vector<16xi32>
        %parallel_loop3A_327 = arith.constant 31 : i32
        %parallel_loop3A_328 = vector.broadcast %parallel_loop3A_327 : i32 to vector<16xi32>
        %parallel_loop3A_329 = arith.andi %parallel_loop3A_326, %parallel_loop3A_328 : vector<16xi32>
        %parallel_loop3A_330 = tpu.vector_load_idx %arg7[%parallel_loop3A_308, %parallel_loop3A_329] : memref<512x32xf32, #tpu.memory_space<vmem>>[vector<16xi32>, vector<16xi32>], vector<16xf32>,
        tpu.vector_store_idx %arg9[%parallel_loop3A_329, %parallel_loop3A_308], %parallel_loop3A_330 : memref<32x512xf32, #tpu.memory_space<vmem>>[vector<16xi32>, vector<16xi32>], vector<16xf32>,
        %parallel_loop3A_331 = arith.constant 1 : i32
        %parallel_loop3A_332 = vector.broadcast %parallel_loop3A_331 : i32 to vector<16xi32>
        %parallel_loop3A_333 = arith.addi %parallel_loop3A_329, %parallel_loop3A_332 : vector<16xi32>
        %parallel_loop3A_334 = arith.constant 31 : i32
        %parallel_loop3A_335 = vector.broadcast %parallel_loop3A_334 : i32 to vector<16xi32>
        %parallel_loop3A_336 = arith.andi %parallel_loop3A_333, %parallel_loop3A_335 : vector<16xi32>
        %parallel_loop3A_337 = tpu.vector_load_idx %arg7[%parallel_loop3A_308, %parallel_loop3A_336] : memref<512x32xf32, #tpu.memory_space<vmem>>[vector<16xi32>, vector<16xi32>], vector<16xf32>,
        tpu.vector_store_idx %arg9[%parallel_loop3A_336, %parallel_loop3A_308], %parallel_loop3A_337 : memref<32x512xf32, #tpu.memory_space<vmem>>[vector<16xi32>, vector<16xi32>], vector<16xf32>,
        %parallel_loop3A_338 = arith.constant 1 : i32
        %parallel_loop3A_339 = vector.broadcast %parallel_loop3A_338 : i32 to vector<16xi32>
        %parallel_loop3A_340 = arith.addi %parallel_loop3A_336, %parallel_loop3A_339 : vector<16xi32>
        %parallel_loop3A_341 = arith.constant 31 : i32
        %parallel_loop3A_342 = vector.broadcast %parallel_loop3A_341 : i32 to vector<16xi32>
        %parallel_loop3A_343 = arith.andi %parallel_loop3A_340, %parallel_loop3A_342 : vector<16xi32>
        %parallel_loop3A_344 = tpu.vector_load_idx %arg7[%parallel_loop3A_308, %parallel_loop3A_343] : memref<512x32xf32, #tpu.memory_space<vmem>>[vector<16xi32>, vector<16xi32>], vector<16xf32>,
        tpu.vector_store_idx %arg9[%parallel_loop3A_343, %parallel_loop3A_308], %parallel_loop3A_344 : memref<32x512xf32, #tpu.memory_space<vmem>>[vector<16xi32>, vector<16xi32>], vector<16xf32>,
        %parallel_loop3A_345 = arith.constant 1 : i32
        %parallel_loop3A_346 = vector.broadcast %parallel_loop3A_345 : i32 to vector<16xi32>
        %parallel_loop3A_347 = arith.addi %parallel_loop3A_343, %parallel_loop3A_346 : vector<16xi32>
        %parallel_loop3A_348 = arith.constant 31 : i32
        %parallel_loop3A_349 = vector.broadcast %parallel_loop3A_348 : i32 to vector<16xi32>
        %parallel_loop3A_350 = arith.andi %parallel_loop3A_347, %parallel_loop3A_349 : vector<16xi32>
        %parallel_loop3A_351 = tpu.vector_load_idx %arg7[%parallel_loop3A_308, %parallel_loop3A_350] : memref<512x32xf32, #tpu.memory_space<vmem>>[vector<16xi32>, vector<16xi32>], vector<16xf32>,
        tpu.vector_store_idx %arg9[%parallel_loop3A_350, %parallel_loop3A_308], %parallel_loop3A_351 : memref<32x512xf32, #tpu.memory_space<vmem>>[vector<16xi32>, vector<16xi32>], vector<16xf32>,
        %parallel_loop3A_352 = arith.constant 1 : i32
        %parallel_loop3A_353 = vector.broadcast %parallel_loop3A_352 : i32 to vector<16xi32>
        %parallel_loop3A_354 = arith.addi %parallel_loop3A_350, %parallel_loop3A_353 : vector<16xi32>
        %parallel_loop3A_355 = arith.constant 31 : i32
        %parallel_loop3A_356 = vector.broadcast %parallel_loop3A_355 : i32 to vector<16xi32>
        %parallel_loop3A_357 = arith.andi %parallel_loop3A_354, %parallel_loop3A_356 : vector<16xi32>
        %parallel_loop3A_358 = tpu.vector_load_idx %arg7[%parallel_loop3A_308, %parallel_loop3A_357] : memref<512x32xf32, #tpu.memory_space<vmem>>[vector<16xi32>, vector<16xi32>], vector<16xf32>,
        tpu.vector_store_idx %arg9[%parallel_loop3A_357, %parallel_loop3A_308], %parallel_loop3A_358 : memref<32x512xf32, #tpu.memory_space<vmem>>[vector<16xi32>, vector<16xi32>], vector<16xf32>,
        %parallel_loop3A_359 = arith.constant 1 : i32
        %parallel_loop3A_360 = vector.broadcast %parallel_loop3A_359 : i32 to vector<16xi32>
        %parallel_loop3A_361 = arith.addi %parallel_loop3A_357, %parallel_loop3A_360 : vector<16xi32>
        %parallel_loop3A_362 = arith.constant 31 : i32
        %parallel_loop3A_363 = vector.broadcast %parallel_loop3A_362 : i32 to vector<16xi32>
        %parallel_loop3A_364 = arith.andi %parallel_loop3A_361, %parallel_loop3A_363 : vector<16xi32>
        %parallel_loop3A_365 = tpu.vector_load_idx %arg7[%parallel_loop3A_308, %parallel_loop3A_364] : memref<512x32xf32, #tpu.memory_space<vmem>>[vector<16xi32>, vector<16xi32>], vector<16xf32>,
        tpu.vector_store_idx %arg9[%parallel_loop3A_364, %parallel_loop3A_308], %parallel_loop3A_365 : memref<32x512xf32, #tpu.memory_space<vmem>>[vector<16xi32>, vector<16xi32>], vector<16xf32>,
        %parallel_loop3A_366 = arith.constant 1 : i32
        %parallel_loop3A_367 = vector.broadcast %parallel_loop3A_366 : i32 to vector<16xi32>
        %parallel_loop3A_368 = arith.addi %parallel_loop3A_364, %parallel_loop3A_367 : vector<16xi32>
        %parallel_loop3A_369 = arith.constant 31 : i32
        %parallel_loop3A_370 = vector.broadcast %parallel_loop3A_369 : i32 to vector<16xi32>
        %parallel_loop3A_371 = arith.andi %parallel_loop3A_368, %parallel_loop3A_370 : vector<16xi32>
        %parallel_loop3A_372 = tpu.vector_load_idx %arg7[%parallel_loop3A_308, %parallel_loop3A_371] : memref<512x32xf32, #tpu.memory_space<vmem>>[vector<16xi32>, vector<16xi32>], vector<16xf32>,
        tpu.vector_store_idx %arg9[%parallel_loop3A_371, %parallel_loop3A_308], %parallel_loop3A_372 : memref<32x512xf32, #tpu.memory_space<vmem>>[vector<16xi32>, vector<16xi32>], vector<16xf32>,
        %parallel_loop3A_373 = arith.constant 1 : i32
        %parallel_loop3A_374 = vector.broadcast %parallel_loop3A_373 : i32 to vector<16xi32>
        %parallel_loop3A_375 = arith.addi %parallel_loop3A_371, %parallel_loop3A_374 : vector<16xi32>
        %parallel_loop3A_376 = arith.constant 31 : i32
        %parallel_loop3A_377 = vector.broadcast %parallel_loop3A_376 : i32 to vector<16xi32>
        %parallel_loop3A_378 = arith.andi %parallel_loop3A_375, %parallel_loop3A_377 : vector<16xi32>
        %parallel_loop3A_379 = tpu.vector_load_idx %arg7[%parallel_loop3A_308, %parallel_loop3A_378] : memref<512x32xf32, #tpu.memory_space<vmem>>[vector<16xi32>, vector<16xi32>], vector<16xf32>,
        tpu.vector_store_idx %arg9[%parallel_loop3A_378, %parallel_loop3A_308], %parallel_loop3A_379 : memref<32x512xf32, #tpu.memory_space<vmem>>[vector<16xi32>, vector<16xi32>], vector<16xf32>,
        %parallel_loop3A_380 = arith.constant 1 : i32
        %parallel_loop3A_381 = vector.broadcast %parallel_loop3A_380 : i32 to vector<16xi32>
        %parallel_loop3A_382 = arith.addi %parallel_loop3A_378, %parallel_loop3A_381 : vector<16xi32>
        %parallel_loop3A_383 = arith.constant 31 : i32
        %parallel_loop3A_384 = vector.broadcast %parallel_loop3A_383 : i32 to vector<16xi32>
        %parallel_loop3A_385 = arith.andi %parallel_loop3A_382, %parallel_loop3A_384 : vector<16xi32>
        %parallel_loop3A_386 = tpu.vector_load_idx %arg7[%parallel_loop3A_308, %parallel_loop3A_385] : memref<512x32xf32, #tpu.memory_space<vmem>>[vector<16xi32>, vector<16xi32>], vector<16xf32>,
        tpu.vector_store_idx %arg9[%parallel_loop3A_385, %parallel_loop3A_308], %parallel_loop3A_386 : memref<32x512xf32, #tpu.memory_space<vmem>>[vector<16xi32>, vector<16xi32>], vector<16xf32>,
        %parallel_loop3A_387 = arith.constant 1 : i32
        %parallel_loop3A_388 = vector.broadcast %parallel_loop3A_387 : i32 to vector<16xi32>
        %parallel_loop3A_389 = arith.addi %parallel_loop3A_385, %parallel_loop3A_388 : vector<16xi32>
        %parallel_loop3A_390 = arith.constant 31 : i32
        %parallel_loop3A_391 = vector.broadcast %parallel_loop3A_390 : i32 to vector<16xi32>
        %parallel_loop3A_392 = arith.andi %parallel_loop3A_389, %parallel_loop3A_391 : vector<16xi32>
        %parallel_loop3A_393 = tpu.vector_load_idx %arg7[%parallel_loop3A_308, %parallel_loop3A_392] : memref<512x32xf32, #tpu.memory_space<vmem>>[vector<16xi32>, vector<16xi32>], vector<16xf32>,
        tpu.vector_store_idx %arg9[%parallel_loop3A_392, %parallel_loop3A_308], %parallel_loop3A_393 : memref<32x512xf32, #tpu.memory_space<vmem>>[vector<16xi32>, vector<16xi32>], vector<16xf32>,
        %parallel_loop3A_394 = arith.constant 1 : i32
        %parallel_loop3A_395 = vector.broadcast %parallel_loop3A_394 : i32 to vector<16xi32>
        %parallel_loop3A_396 = arith.addi %parallel_loop3A_392, %parallel_loop3A_395 : vector<16xi32>
        %parallel_loop3A_397 = arith.constant 31 : i32
        %parallel_loop3A_398 = vector.broadcast %parallel_loop3A_397 : i32 to vector<16xi32>
        %parallel_loop3A_399 = arith.andi %parallel_loop3A_396, %parallel_loop3A_398 : vector<16xi32>
        %parallel_loop3A_400 = tpu.vector_load_idx %arg7[%parallel_loop3A_308, %parallel_loop3A_399] : memref<512x32xf32, #tpu.memory_space<vmem>>[vector<16xi32>, vector<16xi32>], vector<16xf32>,
        tpu.vector_store_idx %arg9[%parallel_loop3A_399, %parallel_loop3A_308], %parallel_loop3A_400 : memref<32x512xf32, #tpu.memory_space<vmem>>[vector<16xi32>, vector<16xi32>], vector<16xf32>,
        %parallel_loop3A_401 = arith.constant 1 : i32
        %parallel_loop3A_402 = vector.broadcast %parallel_loop3A_401 : i32 to vector<16xi32>
        %parallel_loop3A_403 = arith.addi %parallel_loop3A_399, %parallel_loop3A_402 : vector<16xi32>
        %parallel_loop3A_404 = arith.constant 31 : i32
        %parallel_loop3A_405 = vector.broadcast %parallel_loop3A_404 : i32 to vector<16xi32>
        %parallel_loop3A_406 = arith.andi %parallel_loop3A_403, %parallel_loop3A_405 : vector<16xi32>
        %parallel_loop3A_407 = tpu.vector_load_idx %arg7[%parallel_loop3A_308, %parallel_loop3A_406] : memref<512x32xf32, #tpu.memory_space<vmem>>[vector<16xi32>, vector<16xi32>], vector<16xf32>,
        tpu.vector_store_idx %arg9[%parallel_loop3A_406, %parallel_loop3A_308], %parallel_loop3A_407 : memref<32x512xf32, #tpu.memory_space<vmem>>[vector<16xi32>, vector<16xi32>], vector<16xf32>,
        %parallel_loop3A_408 = arith.constant 1 : i32
        %parallel_loop3A_409 = vector.broadcast %parallel_loop3A_408 : i32 to vector<16xi32>
        %parallel_loop3A_410 = arith.addi %parallel_loop3A_406, %parallel_loop3A_409 : vector<16xi32>
        %parallel_loop3A_411 = arith.constant 31 : i32
        %parallel_loop3A_412 = vector.broadcast %parallel_loop3A_411 : i32 to vector<16xi32>
        %parallel_loop3A_413 = arith.andi %parallel_loop3A_410, %parallel_loop3A_412 : vector<16xi32>
        %parallel_loop3A_414 = tpu.vector_load_idx %arg7[%parallel_loop3A_308, %parallel_loop3A_413] : memref<512x32xf32, #tpu.memory_space<vmem>>[vector<16xi32>, vector<16xi32>], vector<16xf32>,
        tpu.vector_store_idx %arg9[%parallel_loop3A_413, %parallel_loop3A_308], %parallel_loop3A_414 : memref<32x512xf32, #tpu.memory_space<vmem>>[vector<16xi32>, vector<16xi32>], vector<16xf32>,
        %parallel_loop3A_415 = arith.constant 1 : i32
        %parallel_loop3A_416 = vector.broadcast %parallel_loop3A_415 : i32 to vector<16xi32>
        %parallel_loop3A_417 = arith.addi %parallel_loop3A_413, %parallel_loop3A_416 : vector<16xi32>
        %parallel_loop3A_418 = arith.constant 31 : i32
        %parallel_loop3A_419 = vector.broadcast %parallel_loop3A_418 : i32 to vector<16xi32>
        %parallel_loop3A_420 = arith.andi %parallel_loop3A_417, %parallel_loop3A_419 : vector<16xi32>
        %parallel_loop3A_421 = tpu.vector_load_idx %arg7[%parallel_loop3A_308, %parallel_loop3A_420] : memref<512x32xf32, #tpu.memory_space<vmem>>[vector<16xi32>, vector<16xi32>], vector<16xf32>,
        tpu.vector_store_idx %arg9[%parallel_loop3A_420, %parallel_loop3A_308], %parallel_loop3A_421 : memref<32x512xf32, #tpu.memory_space<vmem>>[vector<16xi32>, vector<16xi32>], vector<16xf32>,
        %parallel_loop3A_422 = arith.constant 1 : i32
        %parallel_loop3A_423 = vector.broadcast %parallel_loop3A_422 : i32 to vector<16xi32>
        %parallel_loop3A_424 = arith.addi %parallel_loop3A_420, %parallel_loop3A_423 : vector<16xi32>
        %parallel_loop3A_425 = arith.constant 31 : i32
        %parallel_loop3A_426 = vector.broadcast %parallel_loop3A_425 : i32 to vector<16xi32>
        %parallel_loop3A_427 = arith.andi %parallel_loop3A_424, %parallel_loop3A_426 : vector<16xi32>
        %parallel_loop3A_428 = tpu.vector_load_idx %arg7[%parallel_loop3A_308, %parallel_loop3A_427] : memref<512x32xf32, #tpu.memory_space<vmem>>[vector<16xi32>, vector<16xi32>], vector<16xf32>,
        tpu.vector_store_idx %arg9[%parallel_loop3A_427, %parallel_loop3A_308], %parallel_loop3A_428 : memref<32x512xf32, #tpu.memory_space<vmem>>[vector<16xi32>, vector<16xi32>], vector<16xf32>,
        %parallel_loop3A_429 = arith.constant 1 : i32
        %parallel_loop3A_430 = vector.broadcast %parallel_loop3A_429 : i32 to vector<16xi32>
        %parallel_loop3A_431 = arith.addi %parallel_loop3A_427, %parallel_loop3A_430 : vector<16xi32>
        %parallel_loop3A_432 = arith.constant 31 : i32
        %parallel_loop3A_433 = vector.broadcast %parallel_loop3A_432 : i32 to vector<16xi32>
        %parallel_loop3A_434 = arith.andi %parallel_loop3A_431, %parallel_loop3A_433 : vector<16xi32>
        %parallel_loop3A_435 = tpu.vector_load_idx %arg7[%parallel_loop3A_308, %parallel_loop3A_434] : memref<512x32xf32, #tpu.memory_space<vmem>>[vector<16xi32>, vector<16xi32>], vector<16xf32>,
        tpu.vector_store_idx %arg9[%parallel_loop3A_434, %parallel_loop3A_308], %parallel_loop3A_435 : memref<32x512xf32, #tpu.memory_space<vmem>>[vector<16xi32>, vector<16xi32>], vector<16xf32>,
        %parallel_loop3A_436 = arith.constant 1 : i32
        %parallel_loop3A_437 = vector.broadcast %parallel_loop3A_436 : i32 to vector<16xi32>
        %parallel_loop3A_438 = arith.addi %parallel_loop3A_434, %parallel_loop3A_437 : vector<16xi32>
        %parallel_loop3A_439 = arith.constant 31 : i32
        %parallel_loop3A_440 = vector.broadcast %parallel_loop3A_439 : i32 to vector<16xi32>
        %parallel_loop3A_441 = arith.andi %parallel_loop3A_438, %parallel_loop3A_440 : vector<16xi32>
        %parallel_loop3A_442 = tpu.vector_load_idx %arg7[%parallel_loop3A_308, %parallel_loop3A_441] : memref<512x32xf32, #tpu.memory_space<vmem>>[vector<16xi32>, vector<16xi32>], vector<16xf32>,
        tpu.vector_store_idx %arg9[%parallel_loop3A_441, %parallel_loop3A_308], %parallel_loop3A_442 : memref<32x512xf32, #tpu.memory_space<vmem>>[vector<16xi32>, vector<16xi32>], vector<16xf32>,
        %parallel_loop3A_443 = arith.constant 1 : i32
        %parallel_loop3A_444 = vector.broadcast %parallel_loop3A_443 : i32 to vector<16xi32>
        %parallel_loop3A_445 = arith.addi %parallel_loop3A_441, %parallel_loop3A_444 : vector<16xi32>
        %parallel_loop3A_446 = arith.constant 31 : i32
        %parallel_loop3A_447 = vector.broadcast %parallel_loop3A_446 : i32 to vector<16xi32>
        %parallel_loop3A_448 = arith.andi %parallel_loop3A_445, %parallel_loop3A_447 : vector<16xi32>
        %parallel_loop3A_449 = tpu.vector_load_idx %arg7[%parallel_loop3A_308, %parallel_loop3A_448] : memref<512x32xf32, #tpu.memory_space<vmem>>[vector<16xi32>, vector<16xi32>], vector<16xf32>,
        tpu.vector_store_idx %arg9[%parallel_loop3A_448, %parallel_loop3A_308], %parallel_loop3A_449 : memref<32x512xf32, #tpu.memory_space<vmem>>[vector<16xi32>, vector<16xi32>], vector<16xf32>,
        %parallel_loop3A_450 = arith.constant 1 : i32
        %parallel_loop3A_451 = vector.broadcast %parallel_loop3A_450 : i32 to vector<16xi32>
        %parallel_loop3A_452 = arith.addi %parallel_loop3A_448, %parallel_loop3A_451 : vector<16xi32>
        %parallel_loop3A_453 = arith.constant 31 : i32
        %parallel_loop3A_454 = vector.broadcast %parallel_loop3A_453 : i32 to vector<16xi32>
        %parallel_loop3A_455 = arith.andi %parallel_loop3A_452, %parallel_loop3A_454 : vector<16xi32>
        %parallel_loop3A_456 = tpu.vector_load_idx %arg7[%parallel_loop3A_308, %parallel_loop3A_455] : memref<512x32xf32, #tpu.memory_space<vmem>>[vector<16xi32>, vector<16xi32>], vector<16xf32>,
        tpu.vector_store_idx %arg9[%parallel_loop3A_455, %parallel_loop3A_308], %parallel_loop3A_456 : memref<32x512xf32, #tpu.memory_space<vmem>>[vector<16xi32>, vector<16xi32>], vector<16xf32>,
        %parallel_loop3A_457 = arith.constant 1 : i32
        %parallel_loop3A_458 = vector.broadcast %parallel_loop3A_457 : i32 to vector<16xi32>
        %parallel_loop3A_459 = arith.addi %parallel_loop3A_455, %parallel_loop3A_458 : vector<16xi32>
        %parallel_loop3A_460 = arith.constant 31 : i32
        %parallel_loop3A_461 = vector.broadcast %parallel_loop3A_460 : i32 to vector<16xi32>
        %parallel_loop3A_462 = arith.andi %parallel_loop3A_459, %parallel_loop3A_461 : vector<16xi32>
        %parallel_loop3A_463 = tpu.vector_load_idx %arg7[%parallel_loop3A_308, %parallel_loop3A_462] : memref<512x32xf32, #tpu.memory_space<vmem>>[vector<16xi32>, vector<16xi32>], vector<16xf32>,
        tpu.vector_store_idx %arg9[%parallel_loop3A_462, %parallel_loop3A_308], %parallel_loop3A_463 : memref<32x512xf32, #tpu.memory_space<vmem>>[vector<16xi32>, vector<16xi32>], vector<16xf32>,
        %parallel_loop3A_464 = arith.constant 1 : i32
        %parallel_loop3A_465 = vector.broadcast %parallel_loop3A_464 : i32 to vector<16xi32>
        %parallel_loop3A_466 = arith.addi %parallel_loop3A_462, %parallel_loop3A_465 : vector<16xi32>
        %parallel_loop3A_467 = arith.constant 31 : i32
        %parallel_loop3A_468 = vector.broadcast %parallel_loop3A_467 : i32 to vector<16xi32>
        %parallel_loop3A_469 = arith.andi %parallel_loop3A_466, %parallel_loop3A_468 : vector<16xi32>
        %parallel_loop3A_470 = tpu.vector_load_idx %arg7[%parallel_loop3A_308, %parallel_loop3A_469] : memref<512x32xf32, #tpu.memory_space<vmem>>[vector<16xi32>, vector<16xi32>], vector<16xf32>,
        tpu.vector_store_idx %arg9[%parallel_loop3A_469, %parallel_loop3A_308], %parallel_loop3A_470 : memref<32x512xf32, #tpu.memory_space<vmem>>[vector<16xi32>, vector<16xi32>], vector<16xf32>,
        %parallel_loop3A_471 = arith.constant 1 : i32
        %parallel_loop3A_472 = vector.broadcast %parallel_loop3A_471 : i32 to vector<16xi32>
        %parallel_loop3A_473 = arith.addi %parallel_loop3A_469, %parallel_loop3A_472 : vector<16xi32>
        %parallel_loop3A_474 = arith.constant 31 : i32
        %parallel_loop3A_475 = vector.broadcast %parallel_loop3A_474 : i32 to vector<16xi32>
        %parallel_loop3A_476 = arith.andi %parallel_loop3A_473, %parallel_loop3A_475 : vector<16xi32>
        %parallel_loop3A_477 = tpu.vector_load_idx %arg7[%parallel_loop3A_308, %parallel_loop3A_476] : memref<512x32xf32, #tpu.memory_space<vmem>>[vector<16xi32>, vector<16xi32>], vector<16xf32>,
        tpu.vector_store_idx %arg9[%parallel_loop3A_476, %parallel_loop3A_308], %parallel_loop3A_477 : memref<32x512xf32, #tpu.memory_space<vmem>>[vector<16xi32>, vector<16xi32>], vector<16xf32>,
        %parallel_loop3A_478 = arith.constant 1 : i32
        %parallel_loop3A_479 = vector.broadcast %parallel_loop3A_478 : i32 to vector<16xi32>
        %parallel_loop3A_480 = arith.addi %parallel_loop3A_476, %parallel_loop3A_479 : vector<16xi32>
        %parallel_loop3A_481 = arith.constant 31 : i32
        %parallel_loop3A_482 = vector.broadcast %parallel_loop3A_481 : i32 to vector<16xi32>
        %parallel_loop3A_483 = arith.andi %parallel_loop3A_480, %parallel_loop3A_482 : vector<16xi32>
        %parallel_loop3A_484 = tpu.vector_load_idx %arg7[%parallel_loop3A_308, %parallel_loop3A_483] : memref<512x32xf32, #tpu.memory_space<vmem>>[vector<16xi32>, vector<16xi32>], vector<16xf32>,
        tpu.vector_store_idx %arg9[%parallel_loop3A_483, %parallel_loop3A_308], %parallel_loop3A_484 : memref<32x512xf32, #tpu.memory_space<vmem>>[vector<16xi32>, vector<16xi32>], vector<16xf32>,
        %parallel_loop3A_485 = arith.constant 1 : i32
        %parallel_loop3A_486 = vector.broadcast %parallel_loop3A_485 : i32 to vector<16xi32>
        %parallel_loop3A_487 = arith.addi %parallel_loop3A_483, %parallel_loop3A_486 : vector<16xi32>
        %parallel_loop3A_488 = arith.constant 31 : i32
        %parallel_loop3A_489 = vector.broadcast %parallel_loop3A_488 : i32 to vector<16xi32>
        %parallel_loop3A_490 = arith.andi %parallel_loop3A_487, %parallel_loop3A_489 : vector<16xi32>
        %parallel_loop3A_491 = tpu.vector_load_idx %arg7[%parallel_loop3A_308, %parallel_loop3A_490] : memref<512x32xf32, #tpu.memory_space<vmem>>[vector<16xi32>, vector<16xi32>], vector<16xf32>,
        tpu.vector_store_idx %arg9[%parallel_loop3A_490, %parallel_loop3A_308], %parallel_loop3A_491 : memref<32x512xf32, #tpu.memory_space<vmem>>[vector<16xi32>, vector<16xi32>], vector<16xf32>,
        %parallel_loop3A_492 = arith.constant 1 : i32
        %parallel_loop3A_493 = vector.broadcast %parallel_loop3A_492 : i32 to vector<16xi32>
        %parallel_loop3A_494 = arith.addi %parallel_loop3A_490, %parallel_loop3A_493 : vector<16xi32>
        %parallel_loop3A_495 = arith.constant 31 : i32
        %parallel_loop3A_496 = vector.broadcast %parallel_loop3A_495 : i32 to vector<16xi32>
        %parallel_loop3A_497 = arith.andi %parallel_loop3A_494, %parallel_loop3A_496 : vector<16xi32>
        %parallel_loop3A_498 = tpu.vector_load_idx %arg7[%parallel_loop3A_308, %parallel_loop3A_497] : memref<512x32xf32, #tpu.memory_space<vmem>>[vector<16xi32>, vector<16xi32>], vector<16xf32>,
        tpu.vector_store_idx %arg9[%parallel_loop3A_497, %parallel_loop3A_308], %parallel_loop3A_498 : memref<32x512xf32, #tpu.memory_space<vmem>>[vector<16xi32>, vector<16xi32>], vector<16xf32>,
        %parallel_loop3A_499 = arith.constant 1 : i32
        %parallel_loop3A_500 = vector.broadcast %parallel_loop3A_499 : i32 to vector<16xi32>
        %parallel_loop3A_501 = arith.addi %parallel_loop3A_497, %parallel_loop3A_500 : vector<16xi32>
        %parallel_loop3A_502 = arith.constant 31 : i32
        %parallel_loop3A_503 = vector.broadcast %parallel_loop3A_502 : i32 to vector<16xi32>
        %parallel_loop3A_504 = arith.andi %parallel_loop3A_501, %parallel_loop3A_503 : vector<16xi32>
        %parallel_loop3A_505 = tpu.vector_load_idx %arg7[%parallel_loop3A_308, %parallel_loop3A_504] : memref<512x32xf32, #tpu.memory_space<vmem>>[vector<16xi32>, vector<16xi32>], vector<16xf32>,
        tpu.vector_store_idx %arg9[%parallel_loop3A_504, %parallel_loop3A_308], %parallel_loop3A_505 : memref<32x512xf32, #tpu.memory_space<vmem>>[vector<16xi32>, vector<16xi32>], vector<16xf32>,
        %parallel_loop3A_506 = arith.constant 1 : i32
        %parallel_loop3A_507 = vector.broadcast %parallel_loop3A_506 : i32 to vector<16xi32>
        %parallel_loop3A_508 = arith.addi %parallel_loop3A_504, %parallel_loop3A_507 : vector<16xi32>
        %parallel_loop3A_509 = arith.constant 31 : i32
        %parallel_loop3A_510 = vector.broadcast %parallel_loop3A_509 : i32 to vector<16xi32>
        %parallel_loop3A_511 = arith.andi %parallel_loop3A_508, %parallel_loop3A_510 : vector<16xi32>
        %parallel_loop3A_512 = tpu.vector_load_idx %arg7[%parallel_loop3A_308, %parallel_loop3A_511] : memref<512x32xf32, #tpu.memory_space<vmem>>[vector<16xi32>, vector<16xi32>], vector<16xf32>,
        tpu.vector_store_idx %arg9[%parallel_loop3A_511, %parallel_loop3A_308], %parallel_loop3A_512 : memref<32x512xf32, #tpu.memory_space<vmem>>[vector<16xi32>, vector<16xi32>], vector<16xf32>,
        %parallel_loop3A_513 = arith.constant 1 : i32
        %parallel_loop3A_514 = vector.broadcast %parallel_loop3A_513 : i32 to vector<16xi32>
        %parallel_loop3A_515 = arith.addi %parallel_loop3A_511, %parallel_loop3A_514 : vector<16xi32>
        %parallel_loop3A_516 = arith.constant 31 : i32
        %parallel_loop3A_517 = vector.broadcast %parallel_loop3A_516 : i32 to vector<16xi32>
        %parallel_loop3A_518 = arith.andi %parallel_loop3A_515, %parallel_loop3A_517 : vector<16xi32>
        %parallel_loop3A_519 = tpu.vector_load_idx %arg7[%parallel_loop3A_308, %parallel_loop3A_518] : memref<512x32xf32, #tpu.memory_space<vmem>>[vector<16xi32>, vector<16xi32>], vector<16xf32>,
        tpu.vector_store_idx %arg9[%parallel_loop3A_518, %parallel_loop3A_308], %parallel_loop3A_519 : memref<32x512xf32, #tpu.memory_space<vmem>>[vector<16xi32>, vector<16xi32>], vector<16xf32>,
        %parallel_loop3A_520 = arith.constant 1 : i32
        %parallel_loop3A_521 = vector.broadcast %parallel_loop3A_520 : i32 to vector<16xi32>
        %parallel_loop3A_522 = arith.addi %parallel_loop3A_518, %parallel_loop3A_521 : vector<16xi32>
        %parallel_loop3A_523 = arith.constant 31 : i32
        %parallel_loop3A_524 = vector.broadcast %parallel_loop3A_523 : i32 to vector<16xi32>
        %parallel_loop3A_525 = arith.andi %parallel_loop3A_522, %parallel_loop3A_524 : vector<16xi32>
        %parallel_loop3A_526 = tpu.vector_load_idx %arg7[%parallel_loop3A_308, %parallel_loop3A_525] : memref<512x32xf32, #tpu.memory_space<vmem>>[vector<16xi32>, vector<16xi32>], vector<16xf32>,
        tpu.vector_store_idx %arg9[%parallel_loop3A_525, %parallel_loop3A_308], %parallel_loop3A_526 : memref<32x512xf32, #tpu.memory_space<vmem>>[vector<16xi32>, vector<16xi32>], vector<16xf32>,
        %parallel_loop3A_527 = arith.constant 1 : i32
        %parallel_loop3A_528 = vector.broadcast %parallel_loop3A_527 : i32 to vector<16xi32>
        %parallel_loop3A_529 = arith.addi %parallel_loop3A_525, %parallel_loop3A_528 : vector<16xi32>
        %parallel_loop3A_530 = arith.constant 31 : i32
        %parallel_loop3A_531 = vector.broadcast %parallel_loop3A_530 : i32 to vector<16xi32>
        %parallel_loop3A_532 = arith.andi %parallel_loop3A_529, %parallel_loop3A_531 : vector<16xi32>
      } {sc.loop_unroll_factor = 4 : i64, sc.parallel_access}
      "tpu.region"() ({
        %run_scoped3A_304 = tpu.sem_alloc : memref<!tpu.dma_semaphore, #tpu.memory_space<semaphore_mem>>
        %dma_start3A_305 = arith.constant 0 : i32
        %dma_start3A_306 = tpu.memref_slice %arg4[%mul3A_221, %dma_start3A_305, %mul3A_2] : memref<50x32x16384xf32, #tpu.memory_space<hbm>> -> memref<1x32x512xf32, #tpu.memory_space<hbm>>
        %dma_start3A_307 = tpu.memref_squeeze %dma_start3A_306 : memref<1x32x512xf32, #tpu.memory_space<hbm>> -> memref<32x512xf32, #tpu.memory_space<hbm>>
        %dma_start3A_308 = arith.constant 0 : i32
        %dma_start3A_309 = tpu.memref_slice %arg4[%mul3A_221, %dma_start3A_308, %mul3A_2] : memref<50x32x16384xf32, #tpu.memory_space<hbm>> -> memref<1x32x512xf32, #tpu.memory_space<hbm>>
        %dma_start3A_310 = tpu.memref_squeeze %dma_start3A_309 : memref<1x32x512xf32, #tpu.memory_space<hbm>> -> memref<32x512xf32, #tpu.memory_space<hbm>>
        tpu.enqueue_dma source(%arg9 : memref<32x512xf32, #tpu.memory_space<vmem>>) target(%dma_start3A_310 : memref<32x512xf32, #tpu.memory_space<hbm>>) target_semaphore(%run_scoped3A_304 : memref<!tpu.dma_semaphore, #tpu.memory_space<semaphore_mem>>)
        %dma_wait3A_311 = arith.constant 0 : i32
        %dma_wait3A_312 = tpu.memref_slice %arg4[%mul3A_221, %dma_wait3A_311, %mul3A_2] : memref<50x32x16384xf32, #tpu.memory_space<hbm>> -> memref<1x32x512xf32, #tpu.memory_space<hbm>>
        %dma_wait3A_313 = tpu.memref_squeeze %dma_wait3A_312 : memref<1x32x512xf32, #tpu.memory_space<hbm>> -> memref<32x512xf32, #tpu.memory_space<hbm>>
        %dma_wait3A_314 = arith.constant 0 : i32
        %dma_wait3A_315 = tpu.memref_slice %arg4[%mul3A_221, %dma_wait3A_314, %mul3A_2] : memref<50x32x16384xf32, #tpu.memory_space<hbm>> -> memref<1x32x512xf32, #tpu.memory_space<hbm>>
        %dma_wait3A_316 = tpu.memref_squeeze %dma_wait3A_315 : memref<1x32x512xf32, #tpu.memory_space<hbm>> -> memref<32x512xf32, #tpu.memory_space<hbm>>
        tpu.wait_dma2 semaphore(%run_scoped3A_304 : memref<!tpu.dma_semaphore, #tpu.memory_space<semaphore_mem>>) src(%arg9 : memref<32x512xf32, #tpu.memory_space<vmem>>) dst(%dma_wait3A_316 : memref<32x512xf32, #tpu.memory_space<hbm>>)
        tpu.yield
      }) : () -> ()
      %dma_wait3A_225 = arith.constant 0 : i32
      %dma_wait3A_226 = arith.constant 0 : i32
      %dma_wait3A_227 = tpu.memref_slice %arg8[%dma_wait3A_225, %dma_wait3A_226] : memref<512x32xf32, #tpu.memory_space<vmem>> -> memref<128x32xf32, #tpu.memory_space<vmem>>
      %dma_wait3A_228 = arith.constant 0 : i32
      %dma_wait3A_229 = tpu.memref_slice %arg6[%dma_wait3A_228] : memref<512xi32, #tpu.memory_space<vmem>> -> memref<128xi32, #tpu.memory_space<vmem>>
      %dma_wait3A_230 = arith.constant 0 : i32
      %dma_wait3A_231 = arith.constant 0 : i32
      %dma_wait3A_232 = tpu.memref_slice %arg2[%dma_wait3A_230, %dma_wait3A_231] : memref<1000000x32xf32, #tpu.memory_space<hbm>> -> memref<1000000x32xf32, #tpu.memory_space<hbm>>
      tpu.wait_indirect_dma semaphore(%arg11 : memref<!tpu.dma_semaphore, #tpu.memory_space<semaphore_mem>>) src(%dma_wait3A_232 : memref<1000000x32xf32, #tpu.memory_space<hbm>>) dst(%dma_wait3A_227 : memref<128x32xf32, #tpu.memory_space<vmem>>)
      %dma_wait3A_233 = arith.constant 128 : i32
      %dma_wait3A_234 = arith.constant 0 : i32
      %dma_wait3A_235 = tpu.memref_slice %arg8[%dma_wait3A_233, %dma_wait3A_234] : memref<512x32xf32, #tpu.memory_space<vmem>> -> memref<128x32xf32, #tpu.memory_space<vmem>>
      %dma_wait3A_236 = arith.constant 128 : i32
      %dma_wait3A_237 = tpu.memref_slice %arg6[%dma_wait3A_236] : memref<512xi32, #tpu.memory_space<vmem>> -> memref<128xi32, #tpu.memory_space<vmem>>
      %dma_wait3A_238 = arith.constant 0 : i32
      %dma_wait3A_239 = arith.constant 0 : i32
      %dma_wait3A_240 = tpu.memref_slice %arg2[%dma_wait3A_238, %dma_wait3A_239] : memref<1000000x32xf32, #tpu.memory_space<hbm>> -> memref<1000000x32xf32, #tpu.memory_space<hbm>>
      tpu.wait_indirect_dma semaphore(%arg11 : memref<!tpu.dma_semaphore, #tpu.memory_space<semaphore_mem>>) src(%dma_wait3A_240 : memref<1000000x32xf32, #tpu.memory_space<hbm>>) dst(%dma_wait3A_235 : memref<128x32xf32, #tpu.memory_space<vmem>>)
      %dma_wait3A_241 = arith.constant 256 : i32
      %dma_wait3A_242 = arith.constant 0 : i32
      %dma_wait3A_243 = tpu.memref_slice %arg8[%dma_wait3A_241, %dma_wait3A_242] : memref<512x32xf32, #tpu.memory_space<vmem>> -> memref<128x32xf32, #tpu.memory_space<vmem>>
      %dma_wait3A_244 = arith.constant 256 : i32
      %dma_wait3A_245 = tpu.memref_slice %arg6[%dma_wait3A_244] : memref<512xi32, #tpu.memory_space<vmem>> -> memref<128xi32, #tpu.memory_space<vmem>>
      %dma_wait3A_246 = arith.constant 0 : i32
      %dma_wait3A_247 = arith.constant 0 : i32
      %dma_wait3A_248 = tpu.memref_slice %arg2[%dma_wait3A_246, %dma_wait3A_247] : memref<1000000x32xf32, #tpu.memory_space<hbm>> -> memref<1000000x32xf32, #tpu.memory_space<hbm>>
      tpu.wait_indirect_dma semaphore(%arg11 : memref<!tpu.dma_semaphore, #tpu.memory_space<semaphore_mem>>) src(%dma_wait3A_248 : memref<1000000x32xf32, #tpu.memory_space<hbm>>) dst(%dma_wait3A_243 : memref<128x32xf32, #tpu.memory_space<vmem>>)
      %dma_wait3A_249 = arith.constant 384 : i32
      %dma_wait3A_250 = arith.constant 0 : i32
      %dma_wait3A_251 = tpu.memref_slice %arg8[%dma_wait3A_249, %dma_wait3A_250] : memref<512x32xf32, #tpu.memory_space<vmem>> -> memref<128x32xf32, #tpu.memory_space<vmem>>
      %dma_wait3A_252 = arith.constant 384 : i32
      %dma_wait3A_253 = tpu.memref_slice %arg6[%dma_wait3A_252] : memref<512xi32, #tpu.memory_space<vmem>> -> memref<128xi32, #tpu.memory_space<vmem>>
      %dma_wait3A_254 = arith.constant 0 : i32
      %dma_wait3A_255 = arith.constant 0 : i32
      %dma_wait3A_256 = tpu.memref_slice %arg2[%dma_wait3A_254, %dma_wait3A_255] : memref<1000000x32xf32, #tpu.memory_space<hbm>> -> memref<1000000x32xf32, #tpu.memory_space<hbm>>
      tpu.wait_indirect_dma semaphore(%arg11 : memref<!tpu.dma_semaphore, #tpu.memory_space<semaphore_mem>>) src(%dma_wait3A_256 : memref<1000000x32xf32, #tpu.memory_space<hbm>>) dst(%dma_wait3A_251 : memref<128x32xf32, #tpu.memory_space<vmem>>)
      %mul3A_257 = arith.constant 2 : i32
      %mul3A_258 = arith.muli %mul3A_257, %scan3A_147 : i32
      %add3A_259 = arith.constant 2 : i32
      %add3A_260 = arith.addi %mul3A_258, %add3A_259 : i32
      %parallel_loop3A_261 = arith.constant 0 : i32
      %parallel_loop3A_262 = arith.constant 32 : i32
      %parallel_loop3A_263 = arith.constant 1 : i32
      scf.for %parallel_loop3A_304 = %parallel_loop3A_261 to %parallel_loop3A_262 step %parallel_loop3A_263  : i32 {
        %parallel_loop3A_305 = arith.constant 16 : i32
        %parallel_loop3A_306 = arith.muli %parallel_loop3A_304, %parallel_loop3A_305 : i32
        %parallel_loop3A_307 = vector.broadcast %parallel_loop3A_306 : i32 to vector<16xi32>
        %parallel_loop3A_308 = arith.addi %parallel_loop3A_307, %iota3A : vector<16xi32>
        %parallel_loop3A_309 = vector.broadcast %add3A_260 : i32 to vector<16xi32>
        %parallel_loop3A_310 = tpu.vector_load_idx %arg5[%parallel_loop3A_308, %parallel_loop3A_309] : memref<512x50xi32, #tpu.memory_space<vmem>>[vector<16xi32>, vector<16xi32>], vector<16xi32>,
        %parallel_loop3A_311 = arith.constant 16 : i32
        %parallel_loop3A_312 = arith.muli %parallel_loop3A_304, %parallel_loop3A_311 : i32
        %parallel_loop3A_313 = arith.index_cast %parallel_loop3A_312 : i32 to index
        %parallel_loop3A_314 = tpu.vector_load %arg6[%parallel_loop3A_313] {strides = array<i32>} : memref<512xi32, #tpu.memory_space<vmem>>, vector<16xi32>,
        tpu.vector_store %arg6[%parallel_loop3A_313], %parallel_loop3A_310 {strides = array<i32>} : memref<512xi32, #tpu.memory_space<vmem>>, vector<16xi32>,
      } {sc.loop_unroll_factor = 4 : i64, sc.parallel_access}
      %dma_start3A_264 = arith.constant 0 : i32
      %dma_start3A_265 = arith.constant 0 : i32
      %dma_start3A_266 = tpu.memref_slice %arg7[%dma_start3A_264, %dma_start3A_265] : memref<512x32xf32, #tpu.memory_space<vmem>> -> memref<128x32xf32, #tpu.memory_space<vmem>>
      %dma_start3A_267 = arith.constant 0 : i32
      %dma_start3A_268 = tpu.memref_slice %arg6[%dma_start3A_267] : memref<512xi32, #tpu.memory_space<vmem>> -> memref<128xi32, #tpu.memory_space<vmem>>
      %dma_start3A_269 = arith.constant 0 : i32
      %dma_start3A_270 = arith.constant 0 : i32
      %dma_start3A_271 = tpu.memref_slice %arg2[%dma_start3A_269, %dma_start3A_270] : memref<1000000x32xf32, #tpu.memory_space<hbm>> -> memref<1000000x32xf32, #tpu.memory_space<hbm>>
      tpu.enqueue_indirect_dma source(%dma_start3A_271 : memref<1000000x32xf32, #tpu.memory_space<hbm>>) target(%dma_start3A_266 : memref<128x32xf32, #tpu.memory_space<vmem>>) offsets(%dma_start3A_268 : memref<128xi32, #tpu.memory_space<vmem>>) semaphore(%arg10 : memref<!tpu.dma_semaphore, #tpu.memory_space<semaphore_mem>>)
      %dma_start3A_272 = arith.constant 128 : i32
      %dma_start3A_273 = arith.constant 0 : i32
      %dma_start3A_274 = tpu.memref_slice %arg7[%dma_start3A_272, %dma_start3A_273] : memref<512x32xf32, #tpu.memory_space<vmem>> -> memref<128x32xf32, #tpu.memory_space<vmem>>
      %dma_start3A_275 = arith.constant 128 : i32
      %dma_start3A_276 = tpu.memref_slice %arg6[%dma_start3A_275] : memref<512xi32, #tpu.memory_space<vmem>> -> memref<128xi32, #tpu.memory_space<vmem>>
      %dma_start3A_277 = arith.constant 0 : i32
      %dma_start3A_278 = arith.constant 0 : i32
      %dma_start3A_279 = tpu.memref_slice %arg2[%dma_start3A_277, %dma_start3A_278] : memref<1000000x32xf32, #tpu.memory_space<hbm>> -> memref<1000000x32xf32, #tpu.memory_space<hbm>>
      tpu.enqueue_indirect_dma source(%dma_start3A_279 : memref<1000000x32xf32, #tpu.memory_space<hbm>>) target(%dma_start3A_274 : memref<128x32xf32, #tpu.memory_space<vmem>>) offsets(%dma_start3A_276 : memref<128xi32, #tpu.memory_space<vmem>>) semaphore(%arg10 : memref<!tpu.dma_semaphore, #tpu.memory_space<semaphore_mem>>)
      %dma_start3A_280 = arith.constant 256 : i32
      %dma_start3A_281 = arith.constant 0 : i32
      %dma_start3A_282 = tpu.memref_slice %arg7[%dma_start3A_280, %dma_start3A_281] : memref<512x32xf32, #tpu.memory_space<vmem>> -> memref<128x32xf32, #tpu.memory_space<vmem>>
      %dma_start3A_283 = arith.constant 256 : i32
      %dma_start3A_284 = tpu.memref_slice %arg6[%dma_start3A_283] : memref<512xi32, #tpu.memory_space<vmem>> -> memref<128xi32, #tpu.memory_space<vmem>>
      %dma_start3A_285 = arith.constant 0 : i32
      %dma_start3A_286 = arith.constant 0 : i32
      %dma_start3A_287 = tpu.memref_slice %arg2[%dma_start3A_285, %dma_start3A_286] : memref<1000000x32xf32, #tpu.memory_space<hbm>> -> memref<1000000x32xf32, #tpu.memory_space<hbm>>
      tpu.enqueue_indirect_dma source(%dma_start3A_287 : memref<1000000x32xf32, #tpu.memory_space<hbm>>) target(%dma_start3A_282 : memref<128x32xf32, #tpu.memory_space<vmem>>) offsets(%dma_start3A_284 : memref<128xi32, #tpu.memory_space<vmem>>) semaphore(%arg10 : memref<!tpu.dma_semaphore, #tpu.memory_space<semaphore_mem>>)
      %dma_start3A_288 = arith.constant 384 : i32
      %dma_start3A_289 = arith.constant 0 : i32
      %dma_start3A_290 = tpu.memref_slice %arg7[%dma_start3A_288, %dma_start3A_289] : memref<512x32xf32, #tpu.memory_space<vmem>> -> memref<128x32xf32, #tpu.memory_space<vmem>>
      %dma_start3A_291 = arith.constant 384 : i32
      %dma_start3A_292 = tpu.memref_slice %arg6[%dma_start3A_291] : memref<512xi32, #tpu.memory_space<vmem>> -> memref<128xi32, #tpu.memory_space<vmem>>
      %dma_start3A_293 = arith.constant 0 : i32
      %dma_start3A_294 = arith.constant 0 : i32
      %dma_start3A_295 = tpu.memref_slice %arg2[%dma_start3A_293, %dma_start3A_294] : memref<1000000x32xf32, #tpu.memory_space<hbm>> -> memref<1000000x32xf32, #tpu.memory_space<hbm>>
      tpu.enqueue_indirect_dma source(%dma_start3A_295 : memref<1000000x32xf32, #tpu.memory_space<hbm>>) target(%dma_start3A_290 : memref<128x32xf32, #tpu.memory_space<vmem>>) offsets(%dma_start3A_292 : memref<128xi32, #tpu.memory_space<vmem>>) semaphore(%arg10 : memref<!tpu.dma_semaphore, #tpu.memory_space<semaphore_mem>>)
      %mul3A_296 = arith.constant 2 : i32
      %mul3A_297 = arith.muli %mul3A_296, %scan3A_147 : i32
      %add3A_298 = arith.constant 1 : i32
      %add3A_299 = arith.addi %mul3A_297, %add3A_298 : i32
      %parallel_loop3A_300 = arith.constant 0 : i32
      %parallel_loop3A_301 = arith.constant 32 : i32
      %parallel_loop3A_302 = arith.constant 1 : i32
      scf.for %parallel_loop3A_304 = %parallel_loop3A_300 to %parallel_loop3A_301 step %parallel_loop3A_302  : i32 {
        %parallel_loop3A_305 = arith.constant 16 : i32
        %parallel_loop3A_306 = arith.muli %parallel_loop3A_304, %parallel_loop3A_305 : i32
        %parallel_loop3A_307 = vector.broadcast %parallel_loop3A_306 : i32 to vector<16xi32>
        %parallel_loop3A_308 = arith.addi %parallel_loop3A_307, %iota3A : vector<16xi32>
        %parallel_loop3A_309 = tpu.vector_load_idx %arg8[%parallel_loop3A_308, %iota3A] : memref<512x32xf32, #tpu.memory_space<vmem>>[vector<16xi32>, vector<16xi32>], vector<16xf32>,
        tpu.vector_store_idx %arg9[%iota3A, %parallel_loop3A_308], %parallel_loop3A_309 : memref<32x512xf32, #tpu.memory_space<vmem>>[vector<16xi32>, vector<16xi32>], vector<16xf32>,
        %parallel_loop3A_310 = arith.constant 1 : i32
        %parallel_loop3A_311 = vector.broadcast %parallel_loop3A_310 : i32 to vector<16xi32>
        %parallel_loop3A_312 = arith.addi %iota3A, %parallel_loop3A_311 : vector<16xi32>
        %parallel_loop3A_313 = arith.constant 31 : i32
        %parallel_loop3A_314 = vector.broadcast %parallel_loop3A_313 : i32 to vector<16xi32>
        %parallel_loop3A_315 = arith.andi %parallel_loop3A_312, %parallel_loop3A_314 : vector<16xi32>
        %parallel_loop3A_316 = tpu.vector_load_idx %arg8[%parallel_loop3A_308, %parallel_loop3A_315] : memref<512x32xf32, #tpu.memory_space<vmem>>[vector<16xi32>, vector<16xi32>], vector<16xf32>,
        tpu.vector_store_idx %arg9[%parallel_loop3A_315, %parallel_loop3A_308], %parallel_loop3A_316 : memref<32x512xf32, #tpu.memory_space<vmem>>[vector<16xi32>, vector<16xi32>], vector<16xf32>,
        %parallel_loop3A_317 = arith.constant 1 : i32
        %parallel_loop3A_318 = vector.broadcast %parallel_loop3A_317 : i32 to vector<16xi32>
        %parallel_loop3A_319 = arith.addi %parallel_loop3A_315, %parallel_loop3A_318 : vector<16xi32>
        %parallel_loop3A_320 = arith.constant 31 : i32
        %parallel_loop3A_321 = vector.broadcast %parallel_loop3A_320 : i32 to vector<16xi32>
        %parallel_loop3A_322 = arith.andi %parallel_loop3A_319, %parallel_loop3A_321 : vector<16xi32>
        %parallel_loop3A_323 = tpu.vector_load_idx %arg8[%parallel_loop3A_308, %parallel_loop3A_322] : memref<512x32xf32, #tpu.memory_space<vmem>>[vector<16xi32>, vector<16xi32>], vector<16xf32>,
        tpu.vector_store_idx %arg9[%parallel_loop3A_322, %parallel_loop3A_308], %parallel_loop3A_323 : memref<32x512xf32, #tpu.memory_space<vmem>>[vector<16xi32>, vector<16xi32>], vector<16xf32>,
        %parallel_loop3A_324 = arith.constant 1 : i32
        %parallel_loop3A_325 = vector.broadcast %parallel_loop3A_324 : i32 to vector<16xi32>
        %parallel_loop3A_326 = arith.addi %parallel_loop3A_322, %parallel_loop3A_325 : vector<16xi32>
        %parallel_loop3A_327 = arith.constant 31 : i32
        %parallel_loop3A_328 = vector.broadcast %parallel_loop3A_327 : i32 to vector<16xi32>
        %parallel_loop3A_329 = arith.andi %parallel_loop3A_326, %parallel_loop3A_328 : vector<16xi32>
        %parallel_loop3A_330 = tpu.vector_load_idx %arg8[%parallel_loop3A_308, %parallel_loop3A_329] : memref<512x32xf32, #tpu.memory_space<vmem>>[vector<16xi32>, vector<16xi32>], vector<16xf32>,
        tpu.vector_store_idx %arg9[%parallel_loop3A_329, %parallel_loop3A_308], %parallel_loop3A_330 : memref<32x512xf32, #tpu.memory_space<vmem>>[vector<16xi32>, vector<16xi32>], vector<16xf32>,
        %parallel_loop3A_331 = arith.constant 1 : i32
        %parallel_loop3A_332 = vector.broadcast %parallel_loop3A_331 : i32 to vector<16xi32>
        %parallel_loop3A_333 = arith.addi %parallel_loop3A_329, %parallel_loop3A_332 : vector<16xi32>
        %parallel_loop3A_334 = arith.constant 31 : i32
        %parallel_loop3A_335 = vector.broadcast %parallel_loop3A_334 : i32 to vector<16xi32>
        %parallel_loop3A_336 = arith.andi %parallel_loop3A_333, %parallel_loop3A_335 : vector<16xi32>
        %parallel_loop3A_337 = tpu.vector_load_idx %arg8[%parallel_loop3A_308, %parallel_loop3A_336] : memref<512x32xf32, #tpu.memory_space<vmem>>[vector<16xi32>, vector<16xi32>], vector<16xf32>,
        tpu.vector_store_idx %arg9[%parallel_loop3A_336, %parallel_loop3A_308], %parallel_loop3A_337 : memref<32x512xf32, #tpu.memory_space<vmem>>[vector<16xi32>, vector<16xi32>], vector<16xf32>,
        %parallel_loop3A_338 = arith.constant 1 : i32
        %parallel_loop3A_339 = vector.broadcast %parallel_loop3A_338 : i32 to vector<16xi32>
        %parallel_loop3A_340 = arith.addi %parallel_loop3A_336, %parallel_loop3A_339 : vector<16xi32>
        %parallel_loop3A_341 = arith.constant 31 : i32
        %parallel_loop3A_342 = vector.broadcast %parallel_loop3A_341 : i32 to vector<16xi32>
        %parallel_loop3A_343 = arith.andi %parallel_loop3A_340, %parallel_loop3A_342 : vector<16xi32>
        %parallel_loop3A_344 = tpu.vector_load_idx %arg8[%parallel_loop3A_308, %parallel_loop3A_343] : memref<512x32xf32, #tpu.memory_space<vmem>>[vector<16xi32>, vector<16xi32>], vector<16xf32>,
        tpu.vector_store_idx %arg9[%parallel_loop3A_343, %parallel_loop3A_308], %parallel_loop3A_344 : memref<32x512xf32, #tpu.memory_space<vmem>>[vector<16xi32>, vector<16xi32>], vector<16xf32>,
        %parallel_loop3A_345 = arith.constant 1 : i32
        %parallel_loop3A_346 = vector.broadcast %parallel_loop3A_345 : i32 to vector<16xi32>
        %parallel_loop3A_347 = arith.addi %parallel_loop3A_343, %parallel_loop3A_346 : vector<16xi32>
        %parallel_loop3A_348 = arith.constant 31 : i32
        %parallel_loop3A_349 = vector.broadcast %parallel_loop3A_348 : i32 to vector<16xi32>
        %parallel_loop3A_350 = arith.andi %parallel_loop3A_347, %parallel_loop3A_349 : vector<16xi32>
        %parallel_loop3A_351 = tpu.vector_load_idx %arg8[%parallel_loop3A_308, %parallel_loop3A_350] : memref<512x32xf32, #tpu.memory_space<vmem>>[vector<16xi32>, vector<16xi32>], vector<16xf32>,
        tpu.vector_store_idx %arg9[%parallel_loop3A_350, %parallel_loop3A_308], %parallel_loop3A_351 : memref<32x512xf32, #tpu.memory_space<vmem>>[vector<16xi32>, vector<16xi32>], vector<16xf32>,
        %parallel_loop3A_352 = arith.constant 1 : i32
        %parallel_loop3A_353 = vector.broadcast %parallel_loop3A_352 : i32 to vector<16xi32>
        %parallel_loop3A_354 = arith.addi %parallel_loop3A_350, %parallel_loop3A_353 : vector<16xi32>
        %parallel_loop3A_355 = arith.constant 31 : i32
        %parallel_loop3A_356 = vector.broadcast %parallel_loop3A_355 : i32 to vector<16xi32>
        %parallel_loop3A_357 = arith.andi %parallel_loop3A_354, %parallel_loop3A_356 : vector<16xi32>
        %parallel_loop3A_358 = tpu.vector_load_idx %arg8[%parallel_loop3A_308, %parallel_loop3A_357] : memref<512x32xf32, #tpu.memory_space<vmem>>[vector<16xi32>, vector<16xi32>], vector<16xf32>,
        tpu.vector_store_idx %arg9[%parallel_loop3A_357, %parallel_loop3A_308], %parallel_loop3A_358 : memref<32x512xf32, #tpu.memory_space<vmem>>[vector<16xi32>, vector<16xi32>], vector<16xf32>,
        %parallel_loop3A_359 = arith.constant 1 : i32
        %parallel_loop3A_360 = vector.broadcast %parallel_loop3A_359 : i32 to vector<16xi32>
        %parallel_loop3A_361 = arith.addi %parallel_loop3A_357, %parallel_loop3A_360 : vector<16xi32>
        %parallel_loop3A_362 = arith.constant 31 : i32
        %parallel_loop3A_363 = vector.broadcast %parallel_loop3A_362 : i32 to vector<16xi32>
        %parallel_loop3A_364 = arith.andi %parallel_loop3A_361, %parallel_loop3A_363 : vector<16xi32>
        %parallel_loop3A_365 = tpu.vector_load_idx %arg8[%parallel_loop3A_308, %parallel_loop3A_364] : memref<512x32xf32, #tpu.memory_space<vmem>>[vector<16xi32>, vector<16xi32>], vector<16xf32>,
        tpu.vector_store_idx %arg9[%parallel_loop3A_364, %parallel_loop3A_308], %parallel_loop3A_365 : memref<32x512xf32, #tpu.memory_space<vmem>>[vector<16xi32>, vector<16xi32>], vector<16xf32>,
        %parallel_loop3A_366 = arith.constant 1 : i32
        %parallel_loop3A_367 = vector.broadcast %parallel_loop3A_366 : i32 to vector<16xi32>
        %parallel_loop3A_368 = arith.addi %parallel_loop3A_364, %parallel_loop3A_367 : vector<16xi32>
        %parallel_loop3A_369 = arith.constant 31 : i32
        %parallel_loop3A_370 = vector.broadcast %parallel_loop3A_369 : i32 to vector<16xi32>
        %parallel_loop3A_371 = arith.andi %parallel_loop3A_368, %parallel_loop3A_370 : vector<16xi32>
        %parallel_loop3A_372 = tpu.vector_load_idx %arg8[%parallel_loop3A_308, %parallel_loop3A_371] : memref<512x32xf32, #tpu.memory_space<vmem>>[vector<16xi32>, vector<16xi32>], vector<16xf32>,
        tpu.vector_store_idx %arg9[%parallel_loop3A_371, %parallel_loop3A_308], %parallel_loop3A_372 : memref<32x512xf32, #tpu.memory_space<vmem>>[vector<16xi32>, vector<16xi32>], vector<16xf32>,
        %parallel_loop3A_373 = arith.constant 1 : i32
        %parallel_loop3A_374 = vector.broadcast %parallel_loop3A_373 : i32 to vector<16xi32>
        %parallel_loop3A_375 = arith.addi %parallel_loop3A_371, %parallel_loop3A_374 : vector<16xi32>
        %parallel_loop3A_376 = arith.constant 31 : i32
        %parallel_loop3A_377 = vector.broadcast %parallel_loop3A_376 : i32 to vector<16xi32>
        %parallel_loop3A_378 = arith.andi %parallel_loop3A_375, %parallel_loop3A_377 : vector<16xi32>
        %parallel_loop3A_379 = tpu.vector_load_idx %arg8[%parallel_loop3A_308, %parallel_loop3A_378] : memref<512x32xf32, #tpu.memory_space<vmem>>[vector<16xi32>, vector<16xi32>], vector<16xf32>,
        tpu.vector_store_idx %arg9[%parallel_loop3A_378, %parallel_loop3A_308], %parallel_loop3A_379 : memref<32x512xf32, #tpu.memory_space<vmem>>[vector<16xi32>, vector<16xi32>], vector<16xf32>,
        %parallel_loop3A_380 = arith.constant 1 : i32
        %parallel_loop3A_381 = vector.broadcast %parallel_loop3A_380 : i32 to vector<16xi32>
        %parallel_loop3A_382 = arith.addi %parallel_loop3A_378, %parallel_loop3A_381 : vector<16xi32>
        %parallel_loop3A_383 = arith.constant 31 : i32
        %parallel_loop3A_384 = vector.broadcast %parallel_loop3A_383 : i32 to vector<16xi32>
        %parallel_loop3A_385 = arith.andi %parallel_loop3A_382, %parallel_loop3A_384 : vector<16xi32>
        %parallel_loop3A_386 = tpu.vector_load_idx %arg8[%parallel_loop3A_308, %parallel_loop3A_385] : memref<512x32xf32, #tpu.memory_space<vmem>>[vector<16xi32>, vector<16xi32>], vector<16xf32>,
        tpu.vector_store_idx %arg9[%parallel_loop3A_385, %parallel_loop3A_308], %parallel_loop3A_386 : memref<32x512xf32, #tpu.memory_space<vmem>>[vector<16xi32>, vector<16xi32>], vector<16xf32>,
        %parallel_loop3A_387 = arith.constant 1 : i32
        %parallel_loop3A_388 = vector.broadcast %parallel_loop3A_387 : i32 to vector<16xi32>
        %parallel_loop3A_389 = arith.addi %parallel_loop3A_385, %parallel_loop3A_388 : vector<16xi32>
        %parallel_loop3A_390 = arith.constant 31 : i32
        %parallel_loop3A_391 = vector.broadcast %parallel_loop3A_390 : i32 to vector<16xi32>
        %parallel_loop3A_392 = arith.andi %parallel_loop3A_389, %parallel_loop3A_391 : vector<16xi32>
        %parallel_loop3A_393 = tpu.vector_load_idx %arg8[%parallel_loop3A_308, %parallel_loop3A_392] : memref<512x32xf32, #tpu.memory_space<vmem>>[vector<16xi32>, vector<16xi32>], vector<16xf32>,
        tpu.vector_store_idx %arg9[%parallel_loop3A_392, %parallel_loop3A_308], %parallel_loop3A_393 : memref<32x512xf32, #tpu.memory_space<vmem>>[vector<16xi32>, vector<16xi32>], vector<16xf32>,
        %parallel_loop3A_394 = arith.constant 1 : i32
        %parallel_loop3A_395 = vector.broadcast %parallel_loop3A_394 : i32 to vector<16xi32>
        %parallel_loop3A_396 = arith.addi %parallel_loop3A_392, %parallel_loop3A_395 : vector<16xi32>
        %parallel_loop3A_397 = arith.constant 31 : i32
        %parallel_loop3A_398 = vector.broadcast %parallel_loop3A_397 : i32 to vector<16xi32>
        %parallel_loop3A_399 = arith.andi %parallel_loop3A_396, %parallel_loop3A_398 : vector<16xi32>
        %parallel_loop3A_400 = tpu.vector_load_idx %arg8[%parallel_loop3A_308, %parallel_loop3A_399] : memref<512x32xf32, #tpu.memory_space<vmem>>[vector<16xi32>, vector<16xi32>], vector<16xf32>,
        tpu.vector_store_idx %arg9[%parallel_loop3A_399, %parallel_loop3A_308], %parallel_loop3A_400 : memref<32x512xf32, #tpu.memory_space<vmem>>[vector<16xi32>, vector<16xi32>], vector<16xf32>,
        %parallel_loop3A_401 = arith.constant 1 : i32
        %parallel_loop3A_402 = vector.broadcast %parallel_loop3A_401 : i32 to vector<16xi32>
        %parallel_loop3A_403 = arith.addi %parallel_loop3A_399, %parallel_loop3A_402 : vector<16xi32>
        %parallel_loop3A_404 = arith.constant 31 : i32
        %parallel_loop3A_405 = vector.broadcast %parallel_loop3A_404 : i32 to vector<16xi32>
        %parallel_loop3A_406 = arith.andi %parallel_loop3A_403, %parallel_loop3A_405 : vector<16xi32>
        %parallel_loop3A_407 = tpu.vector_load_idx %arg8[%parallel_loop3A_308, %parallel_loop3A_406] : memref<512x32xf32, #tpu.memory_space<vmem>>[vector<16xi32>, vector<16xi32>], vector<16xf32>,
        tpu.vector_store_idx %arg9[%parallel_loop3A_406, %parallel_loop3A_308], %parallel_loop3A_407 : memref<32x512xf32, #tpu.memory_space<vmem>>[vector<16xi32>, vector<16xi32>], vector<16xf32>,
        %parallel_loop3A_408 = arith.constant 1 : i32
        %parallel_loop3A_409 = vector.broadcast %parallel_loop3A_408 : i32 to vector<16xi32>
        %parallel_loop3A_410 = arith.addi %parallel_loop3A_406, %parallel_loop3A_409 : vector<16xi32>
        %parallel_loop3A_411 = arith.constant 31 : i32
        %parallel_loop3A_412 = vector.broadcast %parallel_loop3A_411 : i32 to vector<16xi32>
        %parallel_loop3A_413 = arith.andi %parallel_loop3A_410, %parallel_loop3A_412 : vector<16xi32>
        %parallel_loop3A_414 = tpu.vector_load_idx %arg8[%parallel_loop3A_308, %parallel_loop3A_413] : memref<512x32xf32, #tpu.memory_space<vmem>>[vector<16xi32>, vector<16xi32>], vector<16xf32>,
        tpu.vector_store_idx %arg9[%parallel_loop3A_413, %parallel_loop3A_308], %parallel_loop3A_414 : memref<32x512xf32, #tpu.memory_space<vmem>>[vector<16xi32>, vector<16xi32>], vector<16xf32>,
        %parallel_loop3A_415 = arith.constant 1 : i32
        %parallel_loop3A_416 = vector.broadcast %parallel_loop3A_415 : i32 to vector<16xi32>
        %parallel_loop3A_417 = arith.addi %parallel_loop3A_413, %parallel_loop3A_416 : vector<16xi32>
        %parallel_loop3A_418 = arith.constant 31 : i32
        %parallel_loop3A_419 = vector.broadcast %parallel_loop3A_418 : i32 to vector<16xi32>
        %parallel_loop3A_420 = arith.andi %parallel_loop3A_417, %parallel_loop3A_419 : vector<16xi32>
        %parallel_loop3A_421 = tpu.vector_load_idx %arg8[%parallel_loop3A_308, %parallel_loop3A_420] : memref<512x32xf32, #tpu.memory_space<vmem>>[vector<16xi32>, vector<16xi32>], vector<16xf32>,
        tpu.vector_store_idx %arg9[%parallel_loop3A_420, %parallel_loop3A_308], %parallel_loop3A_421 : memref<32x512xf32, #tpu.memory_space<vmem>>[vector<16xi32>, vector<16xi32>], vector<16xf32>,
        %parallel_loop3A_422 = arith.constant 1 : i32
        %parallel_loop3A_423 = vector.broadcast %parallel_loop3A_422 : i32 to vector<16xi32>
        %parallel_loop3A_424 = arith.addi %parallel_loop3A_420, %parallel_loop3A_423 : vector<16xi32>
        %parallel_loop3A_425 = arith.constant 31 : i32
        %parallel_loop3A_426 = vector.broadcast %parallel_loop3A_425 : i32 to vector<16xi32>
        %parallel_loop3A_427 = arith.andi %parallel_loop3A_424, %parallel_loop3A_426 : vector<16xi32>
        %parallel_loop3A_428 = tpu.vector_load_idx %arg8[%parallel_loop3A_308, %parallel_loop3A_427] : memref<512x32xf32, #tpu.memory_space<vmem>>[vector<16xi32>, vector<16xi32>], vector<16xf32>,
        tpu.vector_store_idx %arg9[%parallel_loop3A_427, %parallel_loop3A_308], %parallel_loop3A_428 : memref<32x512xf32, #tpu.memory_space<vmem>>[vector<16xi32>, vector<16xi32>], vector<16xf32>,
        %parallel_loop3A_429 = arith.constant 1 : i32
        %parallel_loop3A_430 = vector.broadcast %parallel_loop3A_429 : i32 to vector<16xi32>
        %parallel_loop3A_431 = arith.addi %parallel_loop3A_427, %parallel_loop3A_430 : vector<16xi32>
        %parallel_loop3A_432 = arith.constant 31 : i32
        %parallel_loop3A_433 = vector.broadcast %parallel_loop3A_432 : i32 to vector<16xi32>
        %parallel_loop3A_434 = arith.andi %parallel_loop3A_431, %parallel_loop3A_433 : vector<16xi32>
        %parallel_loop3A_435 = tpu.vector_load_idx %arg8[%parallel_loop3A_308, %parallel_loop3A_434] : memref<512x32xf32, #tpu.memory_space<vmem>>[vector<16xi32>, vector<16xi32>], vector<16xf32>,
        tpu.vector_store_idx %arg9[%parallel_loop3A_434, %parallel_loop3A_308], %parallel_loop3A_435 : memref<32x512xf32, #tpu.memory_space<vmem>>[vector<16xi32>, vector<16xi32>], vector<16xf32>,
        %parallel_loop3A_436 = arith.constant 1 : i32
        %parallel_loop3A_437 = vector.broadcast %parallel_loop3A_436 : i32 to vector<16xi32>
        %parallel_loop3A_438 = arith.addi %parallel_loop3A_434, %parallel_loop3A_437 : vector<16xi32>
        %parallel_loop3A_439 = arith.constant 31 : i32
        %parallel_loop3A_440 = vector.broadcast %parallel_loop3A_439 : i32 to vector<16xi32>
        %parallel_loop3A_441 = arith.andi %parallel_loop3A_438, %parallel_loop3A_440 : vector<16xi32>
        %parallel_loop3A_442 = tpu.vector_load_idx %arg8[%parallel_loop3A_308, %parallel_loop3A_441] : memref<512x32xf32, #tpu.memory_space<vmem>>[vector<16xi32>, vector<16xi32>], vector<16xf32>,
        tpu.vector_store_idx %arg9[%parallel_loop3A_441, %parallel_loop3A_308], %parallel_loop3A_442 : memref<32x512xf32, #tpu.memory_space<vmem>>[vector<16xi32>, vector<16xi32>], vector<16xf32>,
        %parallel_loop3A_443 = arith.constant 1 : i32
        %parallel_loop3A_444 = vector.broadcast %parallel_loop3A_443 : i32 to vector<16xi32>
        %parallel_loop3A_445 = arith.addi %parallel_loop3A_441, %parallel_loop3A_444 : vector<16xi32>
        %parallel_loop3A_446 = arith.constant 31 : i32
        %parallel_loop3A_447 = vector.broadcast %parallel_loop3A_446 : i32 to vector<16xi32>
        %parallel_loop3A_448 = arith.andi %parallel_loop3A_445, %parallel_loop3A_447 : vector<16xi32>
        %parallel_loop3A_449 = tpu.vector_load_idx %arg8[%parallel_loop3A_308, %parallel_loop3A_448] : memref<512x32xf32, #tpu.memory_space<vmem>>[vector<16xi32>, vector<16xi32>], vector<16xf32>,
        tpu.vector_store_idx %arg9[%parallel_loop3A_448, %parallel_loop3A_308], %parallel_loop3A_449 : memref<32x512xf32, #tpu.memory_space<vmem>>[vector<16xi32>, vector<16xi32>], vector<16xf32>,
        %parallel_loop3A_450 = arith.constant 1 : i32
        %parallel_loop3A_451 = vector.broadcast %parallel_loop3A_450 : i32 to vector<16xi32>
        %parallel_loop3A_452 = arith.addi %parallel_loop3A_448, %parallel_loop3A_451 : vector<16xi32>
        %parallel_loop3A_453 = arith.constant 31 : i32
        %parallel_loop3A_454 = vector.broadcast %parallel_loop3A_453 : i32 to vector<16xi32>
        %parallel_loop3A_455 = arith.andi %parallel_loop3A_452, %parallel_loop3A_454 : vector<16xi32>
        %parallel_loop3A_456 = tpu.vector_load_idx %arg8[%parallel_loop3A_308, %parallel_loop3A_455] : memref<512x32xf32, #tpu.memory_space<vmem>>[vector<16xi32>, vector<16xi32>], vector<16xf32>,
        tpu.vector_store_idx %arg9[%parallel_loop3A_455, %parallel_loop3A_308], %parallel_loop3A_456 : memref<32x512xf32, #tpu.memory_space<vmem>>[vector<16xi32>, vector<16xi32>], vector<16xf32>,
        %parallel_loop3A_457 = arith.constant 1 : i32
        %parallel_loop3A_458 = vector.broadcast %parallel_loop3A_457 : i32 to vector<16xi32>
        %parallel_loop3A_459 = arith.addi %parallel_loop3A_455, %parallel_loop3A_458 : vector<16xi32>
        %parallel_loop3A_460 = arith.constant 31 : i32
        %parallel_loop3A_461 = vector.broadcast %parallel_loop3A_460 : i32 to vector<16xi32>
        %parallel_loop3A_462 = arith.andi %parallel_loop3A_459, %parallel_loop3A_461 : vector<16xi32>
        %parallel_loop3A_463 = tpu.vector_load_idx %arg8[%parallel_loop3A_308, %parallel_loop3A_462] : memref<512x32xf32, #tpu.memory_space<vmem>>[vector<16xi32>, vector<16xi32>], vector<16xf32>,
        tpu.vector_store_idx %arg9[%parallel_loop3A_462, %parallel_loop3A_308], %parallel_loop3A_463 : memref<32x512xf32, #tpu.memory_space<vmem>>[vector<16xi32>, vector<16xi32>], vector<16xf32>,
        %parallel_loop3A_464 = arith.constant 1 : i32
        %parallel_loop3A_465 = vector.broadcast %parallel_loop3A_464 : i32 to vector<16xi32>
        %parallel_loop3A_466 = arith.addi %parallel_loop3A_462, %parallel_loop3A_465 : vector<16xi32>
        %parallel_loop3A_467 = arith.constant 31 : i32
        %parallel_loop3A_468 = vector.broadcast %parallel_loop3A_467 : i32 to vector<16xi32>
        %parallel_loop3A_469 = arith.andi %parallel_loop3A_466, %parallel_loop3A_468 : vector<16xi32>
        %parallel_loop3A_470 = tpu.vector_load_idx %arg8[%parallel_loop3A_308, %parallel_loop3A_469] : memref<512x32xf32, #tpu.memory_space<vmem>>[vector<16xi32>, vector<16xi32>], vector<16xf32>,
        tpu.vector_store_idx %arg9[%parallel_loop3A_469, %parallel_loop3A_308], %parallel_loop3A_470 : memref<32x512xf32, #tpu.memory_space<vmem>>[vector<16xi32>, vector<16xi32>], vector<16xf32>,
        %parallel_loop3A_471 = arith.constant 1 : i32
        %parallel_loop3A_472 = vector.broadcast %parallel_loop3A_471 : i32 to vector<16xi32>
        %parallel_loop3A_473 = arith.addi %parallel_loop3A_469, %parallel_loop3A_472 : vector<16xi32>
        %parallel_loop3A_474 = arith.constant 31 : i32
        %parallel_loop3A_475 = vector.broadcast %parallel_loop3A_474 : i32 to vector<16xi32>
        %parallel_loop3A_476 = arith.andi %parallel_loop3A_473, %parallel_loop3A_475 : vector<16xi32>
        %parallel_loop3A_477 = tpu.vector_load_idx %arg8[%parallel_loop3A_308, %parallel_loop3A_476] : memref<512x32xf32, #tpu.memory_space<vmem>>[vector<16xi32>, vector<16xi32>], vector<16xf32>,
        tpu.vector_store_idx %arg9[%parallel_loop3A_476, %parallel_loop3A_308], %parallel_loop3A_477 : memref<32x512xf32, #tpu.memory_space<vmem>>[vector<16xi32>, vector<16xi32>], vector<16xf32>,
        %parallel_loop3A_478 = arith.constant 1 : i32
        %parallel_loop3A_479 = vector.broadcast %parallel_loop3A_478 : i32 to vector<16xi32>
        %parallel_loop3A_480 = arith.addi %parallel_loop3A_476, %parallel_loop3A_479 : vector<16xi32>
        %parallel_loop3A_481 = arith.constant 31 : i32
        %parallel_loop3A_482 = vector.broadcast %parallel_loop3A_481 : i32 to vector<16xi32>
        %parallel_loop3A_483 = arith.andi %parallel_loop3A_480, %parallel_loop3A_482 : vector<16xi32>
        %parallel_loop3A_484 = tpu.vector_load_idx %arg8[%parallel_loop3A_308, %parallel_loop3A_483] : memref<512x32xf32, #tpu.memory_space<vmem>>[vector<16xi32>, vector<16xi32>], vector<16xf32>,
        tpu.vector_store_idx %arg9[%parallel_loop3A_483, %parallel_loop3A_308], %parallel_loop3A_484 : memref<32x512xf32, #tpu.memory_space<vmem>>[vector<16xi32>, vector<16xi32>], vector<16xf32>,
        %parallel_loop3A_485 = arith.constant 1 : i32
        %parallel_loop3A_486 = vector.broadcast %parallel_loop3A_485 : i32 to vector<16xi32>
        %parallel_loop3A_487 = arith.addi %parallel_loop3A_483, %parallel_loop3A_486 : vector<16xi32>
        %parallel_loop3A_488 = arith.constant 31 : i32
        %parallel_loop3A_489 = vector.broadcast %parallel_loop3A_488 : i32 to vector<16xi32>
        %parallel_loop3A_490 = arith.andi %parallel_loop3A_487, %parallel_loop3A_489 : vector<16xi32>
        %parallel_loop3A_491 = tpu.vector_load_idx %arg8[%parallel_loop3A_308, %parallel_loop3A_490] : memref<512x32xf32, #tpu.memory_space<vmem>>[vector<16xi32>, vector<16xi32>], vector<16xf32>,
        tpu.vector_store_idx %arg9[%parallel_loop3A_490, %parallel_loop3A_308], %parallel_loop3A_491 : memref<32x512xf32, #tpu.memory_space<vmem>>[vector<16xi32>, vector<16xi32>], vector<16xf32>,
        %parallel_loop3A_492 = arith.constant 1 : i32
        %parallel_loop3A_493 = vector.broadcast %parallel_loop3A_492 : i32 to vector<16xi32>
        %parallel_loop3A_494 = arith.addi %parallel_loop3A_490, %parallel_loop3A_493 : vector<16xi32>
        %parallel_loop3A_495 = arith.constant 31 : i32
        %parallel_loop3A_496 = vector.broadcast %parallel_loop3A_495 : i32 to vector<16xi32>
        %parallel_loop3A_497 = arith.andi %parallel_loop3A_494, %parallel_loop3A_496 : vector<16xi32>
        %parallel_loop3A_498 = tpu.vector_load_idx %arg8[%parallel_loop3A_308, %parallel_loop3A_497] : memref<512x32xf32, #tpu.memory_space<vmem>>[vector<16xi32>, vector<16xi32>], vector<16xf32>,
        tpu.vector_store_idx %arg9[%parallel_loop3A_497, %parallel_loop3A_308], %parallel_loop3A_498 : memref<32x512xf32, #tpu.memory_space<vmem>>[vector<16xi32>, vector<16xi32>], vector<16xf32>,
        %parallel_loop3A_499 = arith.constant 1 : i32
        %parallel_loop3A_500 = vector.broadcast %parallel_loop3A_499 : i32 to vector<16xi32>
        %parallel_loop3A_501 = arith.addi %parallel_loop3A_497, %parallel_loop3A_500 : vector<16xi32>
        %parallel_loop3A_502 = arith.constant 31 : i32
        %parallel_loop3A_503 = vector.broadcast %parallel_loop3A_502 : i32 to vector<16xi32>
        %parallel_loop3A_504 = arith.andi %parallel_loop3A_501, %parallel_loop3A_503 : vector<16xi32>
        %parallel_loop3A_505 = tpu.vector_load_idx %arg8[%parallel_loop3A_308, %parallel_loop3A_504] : memref<512x32xf32, #tpu.memory_space<vmem>>[vector<16xi32>, vector<16xi32>], vector<16xf32>,
        tpu.vector_store_idx %arg9[%parallel_loop3A_504, %parallel_loop3A_308], %parallel_loop3A_505 : memref<32x512xf32, #tpu.memory_space<vmem>>[vector<16xi32>, vector<16xi32>], vector<16xf32>,
        %parallel_loop3A_506 = arith.constant 1 : i32
        %parallel_loop3A_507 = vector.broadcast %parallel_loop3A_506 : i32 to vector<16xi32>
        %parallel_loop3A_508 = arith.addi %parallel_loop3A_504, %parallel_loop3A_507 : vector<16xi32>
        %parallel_loop3A_509 = arith.constant 31 : i32
        %parallel_loop3A_510 = vector.broadcast %parallel_loop3A_509 : i32 to vector<16xi32>
        %parallel_loop3A_511 = arith.andi %parallel_loop3A_508, %parallel_loop3A_510 : vector<16xi32>
        %parallel_loop3A_512 = tpu.vector_load_idx %arg8[%parallel_loop3A_308, %parallel_loop3A_511] : memref<512x32xf32, #tpu.memory_space<vmem>>[vector<16xi32>, vector<16xi32>], vector<16xf32>,
        tpu.vector_store_idx %arg9[%parallel_loop3A_511, %parallel_loop3A_308], %parallel_loop3A_512 : memref<32x512xf32, #tpu.memory_space<vmem>>[vector<16xi32>, vector<16xi32>], vector<16xf32>,
        %parallel_loop3A_513 = arith.constant 1 : i32
        %parallel_loop3A_514 = vector.broadcast %parallel_loop3A_513 : i32 to vector<16xi32>
        %parallel_loop3A_515 = arith.addi %parallel_loop3A_511, %parallel_loop3A_514 : vector<16xi32>
        %parallel_loop3A_516 = arith.constant 31 : i32
        %parallel_loop3A_517 = vector.broadcast %parallel_loop3A_516 : i32 to vector<16xi32>
        %parallel_loop3A_518 = arith.andi %parallel_loop3A_515, %parallel_loop3A_517 : vector<16xi32>
        %parallel_loop3A_519 = tpu.vector_load_idx %arg8[%parallel_loop3A_308, %parallel_loop3A_518] : memref<512x32xf32, #tpu.memory_space<vmem>>[vector<16xi32>, vector<16xi32>], vector<16xf32>,
        tpu.vector_store_idx %arg9[%parallel_loop3A_518, %parallel_loop3A_308], %parallel_loop3A_519 : memref<32x512xf32, #tpu.memory_space<vmem>>[vector<16xi32>, vector<16xi32>], vector<16xf32>,
        %parallel_loop3A_520 = arith.constant 1 : i32
        %parallel_loop3A_521 = vector.broadcast %parallel_loop3A_520 : i32 to vector<16xi32>
        %parallel_loop3A_522 = arith.addi %parallel_loop3A_518, %parallel_loop3A_521 : vector<16xi32>
        %parallel_loop3A_523 = arith.constant 31 : i32
        %parallel_loop3A_524 = vector.broadcast %parallel_loop3A_523 : i32 to vector<16xi32>
        %parallel_loop3A_525 = arith.andi %parallel_loop3A_522, %parallel_loop3A_524 : vector<16xi32>
        %parallel_loop3A_526 = tpu.vector_load_idx %arg8[%parallel_loop3A_308, %parallel_loop3A_525] : memref<512x32xf32, #tpu.memory_space<vmem>>[vector<16xi32>, vector<16xi32>], vector<16xf32>,
        tpu.vector_store_idx %arg9[%parallel_loop3A_525, %parallel_loop3A_308], %parallel_loop3A_526 : memref<32x512xf32, #tpu.memory_space<vmem>>[vector<16xi32>, vector<16xi32>], vector<16xf32>,
        %parallel_loop3A_527 = arith.constant 1 : i32
        %parallel_loop3A_528 = vector.broadcast %parallel_loop3A_527 : i32 to vector<16xi32>
        %parallel_loop3A_529 = arith.addi %parallel_loop3A_525, %parallel_loop3A_528 : vector<16xi32>
        %parallel_loop3A_530 = arith.constant 31 : i32
        %parallel_loop3A_531 = vector.broadcast %parallel_loop3A_530 : i32 to vector<16xi32>
        %parallel_loop3A_532 = arith.andi %parallel_loop3A_529, %parallel_loop3A_531 : vector<16xi32>
      } {sc.loop_unroll_factor = 4 : i64, sc.parallel_access}
      "tpu.region"() ({
        %run_scoped3A_304 = tpu.sem_alloc : memref<!tpu.dma_semaphore, #tpu.memory_space<semaphore_mem>>
        %dma_start3A_305 = arith.constant 0 : i32
        %dma_start3A_306 = tpu.memref_slice %arg4[%add3A_299, %dma_start3A_305, %mul3A_2] : memref<50x32x16384xf32, #tpu.memory_space<hbm>> -> memref<1x32x512xf32, #tpu.memory_space<hbm>>
        %dma_start3A_307 = tpu.memref_squeeze %dma_start3A_306 : memref<1x32x512xf32, #tpu.memory_space<hbm>> -> memref<32x512xf32, #tpu.memory_space<hbm>>
        %dma_start3A_308 = arith.constant 0 : i32
        %dma_start3A_309 = tpu.memref_slice %arg4[%add3A_299, %dma_start3A_308, %mul3A_2] : memref<50x32x16384xf32, #tpu.memory_space<hbm>> -> memref<1x32x512xf32, #tpu.memory_space<hbm>>
        %dma_start3A_310 = tpu.memref_squeeze %dma_start3A_309 : memref<1x32x512xf32, #tpu.memory_space<hbm>> -> memref<32x512xf32, #tpu.memory_space<hbm>>
        tpu.enqueue_dma source(%arg9 : memref<32x512xf32, #tpu.memory_space<vmem>>) target(%dma_start3A_310 : memref<32x512xf32, #tpu.memory_space<hbm>>) target_semaphore(%run_scoped3A_304 : memref<!tpu.dma_semaphore, #tpu.memory_space<semaphore_mem>>)
        %dma_wait3A_311 = arith.constant 0 : i32
        %dma_wait3A_312 = tpu.memref_slice %arg4[%add3A_299, %dma_wait3A_311, %mul3A_2] : memref<50x32x16384xf32, #tpu.memory_space<hbm>> -> memref<1x32x512xf32, #tpu.memory_space<hbm>>
        %dma_wait3A_313 = tpu.memref_squeeze %dma_wait3A_312 : memref<1x32x512xf32, #tpu.memory_space<hbm>> -> memref<32x512xf32, #tpu.memory_space<hbm>>
        %dma_wait3A_314 = arith.constant 0 : i32
        %dma_wait3A_315 = tpu.memref_slice %arg4[%add3A_299, %dma_wait3A_314, %mul3A_2] : memref<50x32x16384xf32, #tpu.memory_space<hbm>> -> memref<1x32x512xf32, #tpu.memory_space<hbm>>
        %dma_wait3A_316 = tpu.memref_squeeze %dma_wait3A_315 : memref<1x32x512xf32, #tpu.memory_space<hbm>> -> memref<32x512xf32, #tpu.memory_space<hbm>>
        tpu.wait_dma2 semaphore(%run_scoped3A_304 : memref<!tpu.dma_semaphore, #tpu.memory_space<semaphore_mem>>) src(%arg9 : memref<32x512xf32, #tpu.memory_space<vmem>>) dst(%dma_wait3A_316 : memref<32x512xf32, #tpu.memory_space<hbm>>)
        tpu.yield
      }) : () -> ()
      %scan3A_303 = arith.constant 0 : i32
      scf.yield %scan3A_303 : i32
    }
    %scan3A_41 = arith.constant 24 : i32
    %dma_wait3A = arith.constant 0 : i32
    %dma_wait3A_42 = arith.constant 0 : i32
    %dma_wait3A_43 = tpu.memref_slice %arg7[%dma_wait3A, %dma_wait3A_42] : memref<512x32xf32, #tpu.memory_space<vmem>> -> memref<128x32xf32, #tpu.memory_space<vmem>>
    %dma_wait3A_44 = arith.constant 0 : i32
    %dma_wait3A_45 = tpu.memref_slice %arg6[%dma_wait3A_44] : memref<512xi32, #tpu.memory_space<vmem>> -> memref<128xi32, #tpu.memory_space<vmem>>
    %dma_wait3A_46 = arith.constant 0 : i32
    %dma_wait3A_47 = arith.constant 0 : i32
    %dma_wait3A_48 = tpu.memref_slice %arg2[%dma_wait3A_46, %dma_wait3A_47] : memref<1000000x32xf32, #tpu.memory_space<hbm>> -> memref<1000000x32xf32, #tpu.memory_space<hbm>>
    tpu.wait_indirect_dma semaphore(%arg10 : memref<!tpu.dma_semaphore, #tpu.memory_space<semaphore_mem>>) src(%dma_wait3A_48 : memref<1000000x32xf32, #tpu.memory_space<hbm>>) dst(%dma_wait3A_43 : memref<128x32xf32, #tpu.memory_space<vmem>>)
    %dma_wait3A_49 = arith.constant 128 : i32
    %dma_wait3A_50 = arith.constant 0 : i32
    %dma_wait3A_51 = tpu.memref_slice %arg7[%dma_wait3A_49, %dma_wait3A_50] : memref<512x32xf32, #tpu.memory_space<vmem>> -> memref<128x32xf32, #tpu.memory_space<vmem>>
    %dma_wait3A_52 = arith.constant 128 : i32
    %dma_wait3A_53 = tpu.memref_slice %arg6[%dma_wait3A_52] : memref<512xi32, #tpu.memory_space<vmem>> -> memref<128xi32, #tpu.memory_space<vmem>>
    %dma_wait3A_54 = arith.constant 0 : i32
    %dma_wait3A_55 = arith.constant 0 : i32
    %dma_wait3A_56 = tpu.memref_slice %arg2[%dma_wait3A_54, %dma_wait3A_55] : memref<1000000x32xf32, #tpu.memory_space<hbm>> -> memref<1000000x32xf32, #tpu.memory_space<hbm>>
    tpu.wait_indirect_dma semaphore(%arg10 : memref<!tpu.dma_semaphore, #tpu.memory_space<semaphore_mem>>) src(%dma_wait3A_56 : memref<1000000x32xf32, #tpu.memory_space<hbm>>) dst(%dma_wait3A_51 : memref<128x32xf32, #tpu.memory_space<vmem>>)
    %dma_wait3A_57 = arith.constant 256 : i32
    %dma_wait3A_58 = arith.constant 0 : i32
    %dma_wait3A_59 = tpu.memref_slice %arg7[%dma_wait3A_57, %dma_wait3A_58] : memref<512x32xf32, #tpu.memory_space<vmem>> -> memref<128x32xf32, #tpu.memory_space<vmem>>
    %dma_wait3A_60 = arith.constant 256 : i32
    %dma_wait3A_61 = tpu.memref_slice %arg6[%dma_wait3A_60] : memref<512xi32, #tpu.memory_space<vmem>> -> memref<128xi32, #tpu.memory_space<vmem>>
    %dma_wait3A_62 = arith.constant 0 : i32
    %dma_wait3A_63 = arith.constant 0 : i32
    %dma_wait3A_64 = tpu.memref_slice %arg2[%dma_wait3A_62, %dma_wait3A_63] : memref<1000000x32xf32, #tpu.memory_space<hbm>> -> memref<1000000x32xf32, #tpu.memory_space<hbm>>
    tpu.wait_indirect_dma semaphore(%arg10 : memref<!tpu.dma_semaphore, #tpu.memory_space<semaphore_mem>>) src(%dma_wait3A_64 : memref<1000000x32xf32, #tpu.memory_space<hbm>>) dst(%dma_wait3A_59 : memref<128x32xf32, #tpu.memory_space<vmem>>)
    %dma_wait3A_65 = arith.constant 384 : i32
    %dma_wait3A_66 = arith.constant 0 : i32
    %dma_wait3A_67 = tpu.memref_slice %arg7[%dma_wait3A_65, %dma_wait3A_66] : memref<512x32xf32, #tpu.memory_space<vmem>> -> memref<128x32xf32, #tpu.memory_space<vmem>>
    %dma_wait3A_68 = arith.constant 384 : i32
    %dma_wait3A_69 = tpu.memref_slice %arg6[%dma_wait3A_68] : memref<512xi32, #tpu.memory_space<vmem>> -> memref<128xi32, #tpu.memory_space<vmem>>
    %dma_wait3A_70 = arith.constant 0 : i32
    %dma_wait3A_71 = arith.constant 0 : i32
    %dma_wait3A_72 = tpu.memref_slice %arg2[%dma_wait3A_70, %dma_wait3A_71] : memref<1000000x32xf32, #tpu.memory_space<hbm>> -> memref<1000000x32xf32, #tpu.memory_space<hbm>>
    tpu.wait_indirect_dma semaphore(%arg10 : memref<!tpu.dma_semaphore, #tpu.memory_space<semaphore_mem>>) src(%dma_wait3A_72 : memref<1000000x32xf32, #tpu.memory_space<hbm>>) dst(%dma_wait3A_67 : memref<128x32xf32, #tpu.memory_space<vmem>>)
    %parallel_loop3A_73 = arith.constant 0 : i32
    %parallel_loop3A_74 = arith.constant 32 : i32
    %parallel_loop3A_75 = arith.constant 1 : i32
    scf.for %parallel_loop3A_147 = %parallel_loop3A_73 to %parallel_loop3A_74 step %parallel_loop3A_75  : i32 {
      %parallel_loop3A_148 = arith.constant 16 : i32
      %parallel_loop3A_149 = arith.muli %parallel_loop3A_147, %parallel_loop3A_148 : i32
      %parallel_loop3A_150 = vector.broadcast %parallel_loop3A_149 : i32 to vector<16xi32>
      %parallel_loop3A_151 = arith.addi %parallel_loop3A_150, %iota3A : vector<16xi32>
      %parallel_loop3A_152 = arith.constant 49 : i32
      %parallel_loop3A_153 = vector.broadcast %parallel_loop3A_152 : i32 to vector<16xi32>
      %parallel_loop3A_154 = tpu.vector_load_idx %arg5[%parallel_loop3A_151, %parallel_loop3A_153] : memref<512x50xi32, #tpu.memory_space<vmem>>[vector<16xi32>, vector<16xi32>], vector<16xi32>,
      %parallel_loop3A_155 = arith.constant 16 : i32
      %parallel_loop3A_156 = arith.muli %parallel_loop3A_147, %parallel_loop3A_155 : i32
      %parallel_loop3A_157 = arith.index_cast %parallel_loop3A_156 : i32 to index
      %parallel_loop3A_158 = tpu.vector_load %arg6[%parallel_loop3A_157] {strides = array<i32>} : memref<512xi32, #tpu.memory_space<vmem>>, vector<16xi32>,
      tpu.vector_store %arg6[%parallel_loop3A_157], %parallel_loop3A_154 {strides = array<i32>} : memref<512xi32, #tpu.memory_space<vmem>>, vector<16xi32>,
    } {sc.loop_unroll_factor = 4 : i64, sc.parallel_access}
    %dma_start3A_76 = arith.constant 0 : i32
    %dma_start3A_77 = arith.constant 0 : i32
    %dma_start3A_78 = tpu.memref_slice %arg8[%dma_start3A_76, %dma_start3A_77] : memref<512x32xf32, #tpu.memory_space<vmem>> -> memref<128x32xf32, #tpu.memory_space<vmem>>
    %dma_start3A_79 = arith.constant 0 : i32
    %dma_start3A_80 = tpu.memref_slice %arg6[%dma_start3A_79] : memref<512xi32, #tpu.memory_space<vmem>> -> memref<128xi32, #tpu.memory_space<vmem>>
    %dma_start3A_81 = arith.constant 0 : i32
    %dma_start3A_82 = arith.constant 0 : i32
    %dma_start3A_83 = tpu.memref_slice %arg2[%dma_start3A_81, %dma_start3A_82] : memref<1000000x32xf32, #tpu.memory_space<hbm>> -> memref<1000000x32xf32, #tpu.memory_space<hbm>>
    tpu.enqueue_indirect_dma source(%dma_start3A_83 : memref<1000000x32xf32, #tpu.memory_space<hbm>>) target(%dma_start3A_78 : memref<128x32xf32, #tpu.memory_space<vmem>>) offsets(%dma_start3A_80 : memref<128xi32, #tpu.memory_space<vmem>>) semaphore(%arg11 : memref<!tpu.dma_semaphore, #tpu.memory_space<semaphore_mem>>)
    %dma_start3A_84 = arith.constant 128 : i32
    %dma_start3A_85 = arith.constant 0 : i32
    %dma_start3A_86 = tpu.memref_slice %arg8[%dma_start3A_84, %dma_start3A_85] : memref<512x32xf32, #tpu.memory_space<vmem>> -> memref<128x32xf32, #tpu.memory_space<vmem>>
    %dma_start3A_87 = arith.constant 128 : i32
    %dma_start3A_88 = tpu.memref_slice %arg6[%dma_start3A_87] : memref<512xi32, #tpu.memory_space<vmem>> -> memref<128xi32, #tpu.memory_space<vmem>>
    %dma_start3A_89 = arith.constant 0 : i32
    %dma_start3A_90 = arith.constant 0 : i32
    %dma_start3A_91 = tpu.memref_slice %arg2[%dma_start3A_89, %dma_start3A_90] : memref<1000000x32xf32, #tpu.memory_space<hbm>> -> memref<1000000x32xf32, #tpu.memory_space<hbm>>
    tpu.enqueue_indirect_dma source(%dma_start3A_91 : memref<1000000x32xf32, #tpu.memory_space<hbm>>) target(%dma_start3A_86 : memref<128x32xf32, #tpu.memory_space<vmem>>) offsets(%dma_start3A_88 : memref<128xi32, #tpu.memory_space<vmem>>) semaphore(%arg11 : memref<!tpu.dma_semaphore, #tpu.memory_space<semaphore_mem>>)
    %dma_start3A_92 = arith.constant 256 : i32
    %dma_start3A_93 = arith.constant 0 : i32
    %dma_start3A_94 = tpu.memref_slice %arg8[%dma_start3A_92, %dma_start3A_93] : memref<512x32xf32, #tpu.memory_space<vmem>> -> memref<128x32xf32, #tpu.memory_space<vmem>>
    %dma_start3A_95 = arith.constant 256 : i32
    %dma_start3A_96 = tpu.memref_slice %arg6[%dma_start3A_95] : memref<512xi32, #tpu.memory_space<vmem>> -> memref<128xi32, #tpu.memory_space<vmem>>
    %dma_start3A_97 = arith.constant 0 : i32
    %dma_start3A_98 = arith.constant 0 : i32
    %dma_start3A_99 = tpu.memref_slice %arg2[%dma_start3A_97, %dma_start3A_98] : memref<1000000x32xf32, #tpu.memory_space<hbm>> -> memref<1000000x32xf32, #tpu.memory_space<hbm>>
    tpu.enqueue_indirect_dma source(%dma_start3A_99 : memref<1000000x32xf32, #tpu.memory_space<hbm>>) target(%dma_start3A_94 : memref<128x32xf32, #tpu.memory_space<vmem>>) offsets(%dma_start3A_96 : memref<128xi32, #tpu.memory_space<vmem>>) semaphore(%arg11 : memref<!tpu.dma_semaphore, #tpu.memory_space<semaphore_mem>>)
    %dma_start3A_100 = arith.constant 384 : i32
    %dma_start3A_101 = arith.constant 0 : i32
    %dma_start3A_102 = tpu.memref_slice %arg8[%dma_start3A_100, %dma_start3A_101] : memref<512x32xf32, #tpu.memory_space<vmem>> -> memref<128x32xf32, #tpu.memory_space<vmem>>
    %dma_start3A_103 = arith.constant 384 : i32
    %dma_start3A_104 = tpu.memref_slice %arg6[%dma_start3A_103] : memref<512xi32, #tpu.memory_space<vmem>> -> memref<128xi32, #tpu.memory_space<vmem>>
    %dma_start3A_105 = arith.constant 0 : i32
    %dma_start3A_106 = arith.constant 0 : i32
    %dma_start3A_107 = tpu.memref_slice %arg2[%dma_start3A_105, %dma_start3A_106] : memref<1000000x32xf32, #tpu.memory_space<hbm>> -> memref<1000000x32xf32, #tpu.memory_space<hbm>>
    tpu.enqueue_indirect_dma source(%dma_start3A_107 : memref<1000000x32xf32, #tpu.memory_space<hbm>>) target(%dma_start3A_102 : memref<128x32xf32, #tpu.memory_space<vmem>>) offsets(%dma_start3A_104 : memref<128xi32, #tpu.memory_space<vmem>>) semaphore(%arg11 : memref<!tpu.dma_semaphore, #tpu.memory_space<semaphore_mem>>)
    %parallel_loop3A_108 = arith.constant 0 : i32
    %parallel_loop3A_109 = arith.constant 32 : i32
    %parallel_loop3A_110 = arith.constant 1 : i32
    scf.for %parallel_loop3A_147 = %parallel_loop3A_108 to %parallel_loop3A_109 step %parallel_loop3A_110  : i32 {
      %parallel_loop3A_148 = arith.constant 16 : i32
      %parallel_loop3A_149 = arith.muli %parallel_loop3A_147, %parallel_loop3A_148 : i32
      %parallel_loop3A_150 = vector.broadcast %parallel_loop3A_149 : i32 to vector<16xi32>
      %parallel_loop3A_151 = arith.addi %parallel_loop3A_150, %iota3A : vector<16xi32>
      %parallel_loop3A_152 = tpu.vector_load_idx %arg7[%parallel_loop3A_151, %iota3A] : memref<512x32xf32, #tpu.memory_space<vmem>>[vector<16xi32>, vector<16xi32>], vector<16xf32>,
      tpu.vector_store_idx %arg9[%iota3A, %parallel_loop3A_151], %parallel_loop3A_152 : memref<32x512xf32, #tpu.memory_space<vmem>>[vector<16xi32>, vector<16xi32>], vector<16xf32>,
      %parallel_loop3A_153 = arith.constant 1 : i32
      %parallel_loop3A_154 = vector.broadcast %parallel_loop3A_153 : i32 to vector<16xi32>
      %parallel_loop3A_155 = arith.addi %iota3A, %parallel_loop3A_154 : vector<16xi32>
      %parallel_loop3A_156 = arith.constant 31 : i32
      %parallel_loop3A_157 = vector.broadcast %parallel_loop3A_156 : i32 to vector<16xi32>
      %parallel_loop3A_158 = arith.andi %parallel_loop3A_155, %parallel_loop3A_157 : vector<16xi32>
      %parallel_loop3A_159 = tpu.vector_load_idx %arg7[%parallel_loop3A_151, %parallel_loop3A_158] : memref<512x32xf32, #tpu.memory_space<vmem>>[vector<16xi32>, vector<16xi32>], vector<16xf32>,
      tpu.vector_store_idx %arg9[%parallel_loop3A_158, %parallel_loop3A_151], %parallel_loop3A_159 : memref<32x512xf32, #tpu.memory_space<vmem>>[vector<16xi32>, vector<16xi32>], vector<16xf32>,
      %parallel_loop3A_160 = arith.constant 1 : i32
      %parallel_loop3A_161 = vector.broadcast %parallel_loop3A_160 : i32 to vector<16xi32>
      %parallel_loop3A_162 = arith.addi %parallel_loop3A_158, %parallel_loop3A_161 : vector<16xi32>
      %parallel_loop3A_163 = arith.constant 31 : i32
      %parallel_loop3A_164 = vector.broadcast %parallel_loop3A_163 : i32 to vector<16xi32>
      %parallel_loop3A_165 = arith.andi %parallel_loop3A_162, %parallel_loop3A_164 : vector<16xi32>
      %parallel_loop3A_166 = tpu.vector_load_idx %arg7[%parallel_loop3A_151, %parallel_loop3A_165] : memref<512x32xf32, #tpu.memory_space<vmem>>[vector<16xi32>, vector<16xi32>], vector<16xf32>,
      tpu.vector_store_idx %arg9[%parallel_loop3A_165, %parallel_loop3A_151], %parallel_loop3A_166 : memref<32x512xf32, #tpu.memory_space<vmem>>[vector<16xi32>, vector<16xi32>], vector<16xf32>,
      %parallel_loop3A_167 = arith.constant 1 : i32
      %parallel_loop3A_168 = vector.broadcast %parallel_loop3A_167 : i32 to vector<16xi32>
      %parallel_loop3A_169 = arith.addi %parallel_loop3A_165, %parallel_loop3A_168 : vector<16xi32>
      %parallel_loop3A_170 = arith.constant 31 : i32
      %parallel_loop3A_171 = vector.broadcast %parallel_loop3A_170 : i32 to vector<16xi32>
      %parallel_loop3A_172 = arith.andi %parallel_loop3A_169, %parallel_loop3A_171 : vector<16xi32>
      %parallel_loop3A_173 = tpu.vector_load_idx %arg7[%parallel_loop3A_151, %parallel_loop3A_172] : memref<512x32xf32, #tpu.memory_space<vmem>>[vector<16xi32>, vector<16xi32>], vector<16xf32>,
      tpu.vector_store_idx %arg9[%parallel_loop3A_172, %parallel_loop3A_151], %parallel_loop3A_173 : memref<32x512xf32, #tpu.memory_space<vmem>>[vector<16xi32>, vector<16xi32>], vector<16xf32>,
      %parallel_loop3A_174 = arith.constant 1 : i32
      %parallel_loop3A_175 = vector.broadcast %parallel_loop3A_174 : i32 to vector<16xi32>
      %parallel_loop3A_176 = arith.addi %parallel_loop3A_172, %parallel_loop3A_175 : vector<16xi32>
      %parallel_loop3A_177 = arith.constant 31 : i32
      %parallel_loop3A_178 = vector.broadcast %parallel_loop3A_177 : i32 to vector<16xi32>
      %parallel_loop3A_179 = arith.andi %parallel_loop3A_176, %parallel_loop3A_178 : vector<16xi32>
      %parallel_loop3A_180 = tpu.vector_load_idx %arg7[%parallel_loop3A_151, %parallel_loop3A_179] : memref<512x32xf32, #tpu.memory_space<vmem>>[vector<16xi32>, vector<16xi32>], vector<16xf32>,
      tpu.vector_store_idx %arg9[%parallel_loop3A_179, %parallel_loop3A_151], %parallel_loop3A_180 : memref<32x512xf32, #tpu.memory_space<vmem>>[vector<16xi32>, vector<16xi32>], vector<16xf32>,
      %parallel_loop3A_181 = arith.constant 1 : i32
      %parallel_loop3A_182 = vector.broadcast %parallel_loop3A_181 : i32 to vector<16xi32>
      %parallel_loop3A_183 = arith.addi %parallel_loop3A_179, %parallel_loop3A_182 : vector<16xi32>
      %parallel_loop3A_184 = arith.constant 31 : i32
      %parallel_loop3A_185 = vector.broadcast %parallel_loop3A_184 : i32 to vector<16xi32>
      %parallel_loop3A_186 = arith.andi %parallel_loop3A_183, %parallel_loop3A_185 : vector<16xi32>
      %parallel_loop3A_187 = tpu.vector_load_idx %arg7[%parallel_loop3A_151, %parallel_loop3A_186] : memref<512x32xf32, #tpu.memory_space<vmem>>[vector<16xi32>, vector<16xi32>], vector<16xf32>,
      tpu.vector_store_idx %arg9[%parallel_loop3A_186, %parallel_loop3A_151], %parallel_loop3A_187 : memref<32x512xf32, #tpu.memory_space<vmem>>[vector<16xi32>, vector<16xi32>], vector<16xf32>,
      %parallel_loop3A_188 = arith.constant 1 : i32
      %parallel_loop3A_189 = vector.broadcast %parallel_loop3A_188 : i32 to vector<16xi32>
      %parallel_loop3A_190 = arith.addi %parallel_loop3A_186, %parallel_loop3A_189 : vector<16xi32>
      %parallel_loop3A_191 = arith.constant 31 : i32
      %parallel_loop3A_192 = vector.broadcast %parallel_loop3A_191 : i32 to vector<16xi32>
      %parallel_loop3A_193 = arith.andi %parallel_loop3A_190, %parallel_loop3A_192 : vector<16xi32>
      %parallel_loop3A_194 = tpu.vector_load_idx %arg7[%parallel_loop3A_151, %parallel_loop3A_193] : memref<512x32xf32, #tpu.memory_space<vmem>>[vector<16xi32>, vector<16xi32>], vector<16xf32>,
      tpu.vector_store_idx %arg9[%parallel_loop3A_193, %parallel_loop3A_151], %parallel_loop3A_194 : memref<32x512xf32, #tpu.memory_space<vmem>>[vector<16xi32>, vector<16xi32>], vector<16xf32>,
      %parallel_loop3A_195 = arith.constant 1 : i32
      %parallel_loop3A_196 = vector.broadcast %parallel_loop3A_195 : i32 to vector<16xi32>
      %parallel_loop3A_197 = arith.addi %parallel_loop3A_193, %parallel_loop3A_196 : vector<16xi32>
      %parallel_loop3A_198 = arith.constant 31 : i32
      %parallel_loop3A_199 = vector.broadcast %parallel_loop3A_198 : i32 to vector<16xi32>
      %parallel_loop3A_200 = arith.andi %parallel_loop3A_197, %parallel_loop3A_199 : vector<16xi32>
      %parallel_loop3A_201 = tpu.vector_load_idx %arg7[%parallel_loop3A_151, %parallel_loop3A_200] : memref<512x32xf32, #tpu.memory_space<vmem>>[vector<16xi32>, vector<16xi32>], vector<16xf32>,
      tpu.vector_store_idx %arg9[%parallel_loop3A_200, %parallel_loop3A_151], %parallel_loop3A_201 : memref<32x512xf32, #tpu.memory_space<vmem>>[vector<16xi32>, vector<16xi32>], vector<16xf32>,
      %parallel_loop3A_202 = arith.constant 1 : i32
      %parallel_loop3A_203 = vector.broadcast %parallel_loop3A_202 : i32 to vector<16xi32>
      %parallel_loop3A_204 = arith.addi %parallel_loop3A_200, %parallel_loop3A_203 : vector<16xi32>
      %parallel_loop3A_205 = arith.constant 31 : i32
      %parallel_loop3A_206 = vector.broadcast %parallel_loop3A_205 : i32 to vector<16xi32>
      %parallel_loop3A_207 = arith.andi %parallel_loop3A_204, %parallel_loop3A_206 : vector<16xi32>
      %parallel_loop3A_208 = tpu.vector_load_idx %arg7[%parallel_loop3A_151, %parallel_loop3A_207] : memref<512x32xf32, #tpu.memory_space<vmem>>[vector<16xi32>, vector<16xi32>], vector<16xf32>,
      tpu.vector_store_idx %arg9[%parallel_loop3A_207, %parallel_loop3A_151], %parallel_loop3A_208 : memref<32x512xf32, #tpu.memory_space<vmem>>[vector<16xi32>, vector<16xi32>], vector<16xf32>,
      %parallel_loop3A_209 = arith.constant 1 : i32
      %parallel_loop3A_210 = vector.broadcast %parallel_loop3A_209 : i32 to vector<16xi32>
      %parallel_loop3A_211 = arith.addi %parallel_loop3A_207, %parallel_loop3A_210 : vector<16xi32>
      %parallel_loop3A_212 = arith.constant 31 : i32
      %parallel_loop3A_213 = vector.broadcast %parallel_loop3A_212 : i32 to vector<16xi32>
      %parallel_loop3A_214 = arith.andi %parallel_loop3A_211, %parallel_loop3A_213 : vector<16xi32>
      %parallel_loop3A_215 = tpu.vector_load_idx %arg7[%parallel_loop3A_151, %parallel_loop3A_214] : memref<512x32xf32, #tpu.memory_space<vmem>>[vector<16xi32>, vector<16xi32>], vector<16xf32>,
      tpu.vector_store_idx %arg9[%parallel_loop3A_214, %parallel_loop3A_151], %parallel_loop3A_215 : memref<32x512xf32, #tpu.memory_space<vmem>>[vector<16xi32>, vector<16xi32>], vector<16xf32>,
      %parallel_loop3A_216 = arith.constant 1 : i32
      %parallel_loop3A_217 = vector.broadcast %parallel_loop3A_216 : i32 to vector<16xi32>
      %parallel_loop3A_218 = arith.addi %parallel_loop3A_214, %parallel_loop3A_217 : vector<16xi32>
      %parallel_loop3A_219 = arith.constant 31 : i32
      %parallel_loop3A_220 = vector.broadcast %parallel_loop3A_219 : i32 to vector<16xi32>
      %parallel_loop3A_221 = arith.andi %parallel_loop3A_218, %parallel_loop3A_220 : vector<16xi32>
      %parallel_loop3A_222 = tpu.vector_load_idx %arg7[%parallel_loop3A_151, %parallel_loop3A_221] : memref<512x32xf32, #tpu.memory_space<vmem>>[vector<16xi32>, vector<16xi32>], vector<16xf32>,
      tpu.vector_store_idx %arg9[%parallel_loop3A_221, %parallel_loop3A_151], %parallel_loop3A_222 : memref<32x512xf32, #tpu.memory_space<vmem>>[vector<16xi32>, vector<16xi32>], vector<16xf32>,
      %parallel_loop3A_223 = arith.constant 1 : i32
      %parallel_loop3A_224 = vector.broadcast %parallel_loop3A_223 : i32 to vector<16xi32>
      %parallel_loop3A_225 = arith.addi %parallel_loop3A_221, %parallel_loop3A_224 : vector<16xi32>
      %parallel_loop3A_226 = arith.constant 31 : i32
      %parallel_loop3A_227 = vector.broadcast %parallel_loop3A_226 : i32 to vector<16xi32>
      %parallel_loop3A_228 = arith.andi %parallel_loop3A_225, %parallel_loop3A_227 : vector<16xi32>
      %parallel_loop3A_229 = tpu.vector_load_idx %arg7[%parallel_loop3A_151, %parallel_loop3A_228] : memref<512x32xf32, #tpu.memory_space<vmem>>[vector<16xi32>, vector<16xi32>], vector<16xf32>,
      tpu.vector_store_idx %arg9[%parallel_loop3A_228, %parallel_loop3A_151], %parallel_loop3A_229 : memref<32x512xf32, #tpu.memory_space<vmem>>[vector<16xi32>, vector<16xi32>], vector<16xf32>,
      %parallel_loop3A_230 = arith.constant 1 : i32
      %parallel_loop3A_231 = vector.broadcast %parallel_loop3A_230 : i32 to vector<16xi32>
      %parallel_loop3A_232 = arith.addi %parallel_loop3A_228, %parallel_loop3A_231 : vector<16xi32>
      %parallel_loop3A_233 = arith.constant 31 : i32
      %parallel_loop3A_234 = vector.broadcast %parallel_loop3A_233 : i32 to vector<16xi32>
      %parallel_loop3A_235 = arith.andi %parallel_loop3A_232, %parallel_loop3A_234 : vector<16xi32>
      %parallel_loop3A_236 = tpu.vector_load_idx %arg7[%parallel_loop3A_151, %parallel_loop3A_235] : memref<512x32xf32, #tpu.memory_space<vmem>>[vector<16xi32>, vector<16xi32>], vector<16xf32>,
      tpu.vector_store_idx %arg9[%parallel_loop3A_235, %parallel_loop3A_151], %parallel_loop3A_236 : memref<32x512xf32, #tpu.memory_space<vmem>>[vector<16xi32>, vector<16xi32>], vector<16xf32>,
      %parallel_loop3A_237 = arith.constant 1 : i32
      %parallel_loop3A_238 = vector.broadcast %parallel_loop3A_237 : i32 to vector<16xi32>
      %parallel_loop3A_239 = arith.addi %parallel_loop3A_235, %parallel_loop3A_238 : vector<16xi32>
      %parallel_loop3A_240 = arith.constant 31 : i32
      %parallel_loop3A_241 = vector.broadcast %parallel_loop3A_240 : i32 to vector<16xi32>
      %parallel_loop3A_242 = arith.andi %parallel_loop3A_239, %parallel_loop3A_241 : vector<16xi32>
      %parallel_loop3A_243 = tpu.vector_load_idx %arg7[%parallel_loop3A_151, %parallel_loop3A_242] : memref<512x32xf32, #tpu.memory_space<vmem>>[vector<16xi32>, vector<16xi32>], vector<16xf32>,
      tpu.vector_store_idx %arg9[%parallel_loop3A_242, %parallel_loop3A_151], %parallel_loop3A_243 : memref<32x512xf32, #tpu.memory_space<vmem>>[vector<16xi32>, vector<16xi32>], vector<16xf32>,
      %parallel_loop3A_244 = arith.constant 1 : i32
      %parallel_loop3A_245 = vector.broadcast %parallel_loop3A_244 : i32 to vector<16xi32>
      %parallel_loop3A_246 = arith.addi %parallel_loop3A_242, %parallel_loop3A_245 : vector<16xi32>
      %parallel_loop3A_247 = arith.constant 31 : i32
      %parallel_loop3A_248 = vector.broadcast %parallel_loop3A_247 : i32 to vector<16xi32>
      %parallel_loop3A_249 = arith.andi %parallel_loop3A_246, %parallel_loop3A_248 : vector<16xi32>
      %parallel_loop3A_250 = tpu.vector_load_idx %arg7[%parallel_loop3A_151, %parallel_loop3A_249] : memref<512x32xf32, #tpu.memory_space<vmem>>[vector<16xi32>, vector<16xi32>], vector<16xf32>,
      tpu.vector_store_idx %arg9[%parallel_loop3A_249, %parallel_loop3A_151], %parallel_loop3A_250 : memref<32x512xf32, #tpu.memory_space<vmem>>[vector<16xi32>, vector<16xi32>], vector<16xf32>,
      %parallel_loop3A_251 = arith.constant 1 : i32
      %parallel_loop3A_252 = vector.broadcast %parallel_loop3A_251 : i32 to vector<16xi32>
      %parallel_loop3A_253 = arith.addi %parallel_loop3A_249, %parallel_loop3A_252 : vector<16xi32>
      %parallel_loop3A_254 = arith.constant 31 : i32
      %parallel_loop3A_255 = vector.broadcast %parallel_loop3A_254 : i32 to vector<16xi32>
      %parallel_loop3A_256 = arith.andi %parallel_loop3A_253, %parallel_loop3A_255 : vector<16xi32>
      %parallel_loop3A_257 = tpu.vector_load_idx %arg7[%parallel_loop3A_151, %parallel_loop3A_256] : memref<512x32xf32, #tpu.memory_space<vmem>>[vector<16xi32>, vector<16xi32>], vector<16xf32>,
      tpu.vector_store_idx %arg9[%parallel_loop3A_256, %parallel_loop3A_151], %parallel_loop3A_257 : memref<32x512xf32, #tpu.memory_space<vmem>>[vector<16xi32>, vector<16xi32>], vector<16xf32>,
      %parallel_loop3A_258 = arith.constant 1 : i32
      %parallel_loop3A_259 = vector.broadcast %parallel_loop3A_258 : i32 to vector<16xi32>
      %parallel_loop3A_260 = arith.addi %parallel_loop3A_256, %parallel_loop3A_259 : vector<16xi32>
      %parallel_loop3A_261 = arith.constant 31 : i32
      %parallel_loop3A_262 = vector.broadcast %parallel_loop3A_261 : i32 to vector<16xi32>
      %parallel_loop3A_263 = arith.andi %parallel_loop3A_260, %parallel_loop3A_262 : vector<16xi32>
      %parallel_loop3A_264 = tpu.vector_load_idx %arg7[%parallel_loop3A_151, %parallel_loop3A_263] : memref<512x32xf32, #tpu.memory_space<vmem>>[vector<16xi32>, vector<16xi32>], vector<16xf32>,
      tpu.vector_store_idx %arg9[%parallel_loop3A_263, %parallel_loop3A_151], %parallel_loop3A_264 : memref<32x512xf32, #tpu.memory_space<vmem>>[vector<16xi32>, vector<16xi32>], vector<16xf32>,
      %parallel_loop3A_265 = arith.constant 1 : i32
      %parallel_loop3A_266 = vector.broadcast %parallel_loop3A_265 : i32 to vector<16xi32>
      %parallel_loop3A_267 = arith.addi %parallel_loop3A_263, %parallel_loop3A_266 : vector<16xi32>
      %parallel_loop3A_268 = arith.constant 31 : i32
      %parallel_loop3A_269 = vector.broadcast %parallel_loop3A_268 : i32 to vector<16xi32>
      %parallel_loop3A_270 = arith.andi %parallel_loop3A_267, %parallel_loop3A_269 : vector<16xi32>
      %parallel_loop3A_271 = tpu.vector_load_idx %arg7[%parallel_loop3A_151, %parallel_loop3A_270] : memref<512x32xf32, #tpu.memory_space<vmem>>[vector<16xi32>, vector<16xi32>], vector<16xf32>,
      tpu.vector_store_idx %arg9[%parallel_loop3A_270, %parallel_loop3A_151], %parallel_loop3A_271 : memref<32x512xf32, #tpu.memory_space<vmem>>[vector<16xi32>, vector<16xi32>], vector<16xf32>,
      %parallel_loop3A_272 = arith.constant 1 : i32
      %parallel_loop3A_273 = vector.broadcast %parallel_loop3A_272 : i32 to vector<16xi32>
      %parallel_loop3A_274 = arith.addi %parallel_loop3A_270, %parallel_loop3A_273 : vector<16xi32>
      %parallel_loop3A_275 = arith.constant 31 : i32
      %parallel_loop3A_276 = vector.broadcast %parallel_loop3A_275 : i32 to vector<16xi32>
      %parallel_loop3A_277 = arith.andi %parallel_loop3A_274, %parallel_loop3A_276 : vector<16xi32>
      %parallel_loop3A_278 = tpu.vector_load_idx %arg7[%parallel_loop3A_151, %parallel_loop3A_277] : memref<512x32xf32, #tpu.memory_space<vmem>>[vector<16xi32>, vector<16xi32>], vector<16xf32>,
      tpu.vector_store_idx %arg9[%parallel_loop3A_277, %parallel_loop3A_151], %parallel_loop3A_278 : memref<32x512xf32, #tpu.memory_space<vmem>>[vector<16xi32>, vector<16xi32>], vector<16xf32>,
      %parallel_loop3A_279 = arith.constant 1 : i32
      %parallel_loop3A_280 = vector.broadcast %parallel_loop3A_279 : i32 to vector<16xi32>
      %parallel_loop3A_281 = arith.addi %parallel_loop3A_277, %parallel_loop3A_280 : vector<16xi32>
      %parallel_loop3A_282 = arith.constant 31 : i32
      %parallel_loop3A_283 = vector.broadcast %parallel_loop3A_282 : i32 to vector<16xi32>
      %parallel_loop3A_284 = arith.andi %parallel_loop3A_281, %parallel_loop3A_283 : vector<16xi32>
      %parallel_loop3A_285 = tpu.vector_load_idx %arg7[%parallel_loop3A_151, %parallel_loop3A_284] : memref<512x32xf32, #tpu.memory_space<vmem>>[vector<16xi32>, vector<16xi32>], vector<16xf32>,
      tpu.vector_store_idx %arg9[%parallel_loop3A_284, %parallel_loop3A_151], %parallel_loop3A_285 : memref<32x512xf32, #tpu.memory_space<vmem>>[vector<16xi32>, vector<16xi32>], vector<16xf32>,
      %parallel_loop3A_286 = arith.constant 1 : i32
      %parallel_loop3A_287 = vector.broadcast %parallel_loop3A_286 : i32 to vector<16xi32>
      %parallel_loop3A_288 = arith.addi %parallel_loop3A_284, %parallel_loop3A_287 : vector<16xi32>
      %parallel_loop3A_289 = arith.constant 31 : i32
      %parallel_loop3A_290 = vector.broadcast %parallel_loop3A_289 : i32 to vector<16xi32>
      %parallel_loop3A_291 = arith.andi %parallel_loop3A_288, %parallel_loop3A_290 : vector<16xi32>
      %parallel_loop3A_292 = tpu.vector_load_idx %arg7[%parallel_loop3A_151, %parallel_loop3A_291] : memref<512x32xf32, #tpu.memory_space<vmem>>[vector<16xi32>, vector<16xi32>], vector<16xf32>,
      tpu.vector_store_idx %arg9[%parallel_loop3A_291, %parallel_loop3A_151], %parallel_loop3A_292 : memref<32x512xf32, #tpu.memory_space<vmem>>[vector<16xi32>, vector<16xi32>], vector<16xf32>,
      %parallel_loop3A_293 = arith.constant 1 : i32
      %parallel_loop3A_294 = vector.broadcast %parallel_loop3A_293 : i32 to vector<16xi32>
      %parallel_loop3A_295 = arith.addi %parallel_loop3A_291, %parallel_loop3A_294 : vector<16xi32>
      %parallel_loop3A_296 = arith.constant 31 : i32
      %parallel_loop3A_297 = vector.broadcast %parallel_loop3A_296 : i32 to vector<16xi32>
      %parallel_loop3A_298 = arith.andi %parallel_loop3A_295, %parallel_loop3A_297 : vector<16xi32>
      %parallel_loop3A_299 = tpu.vector_load_idx %arg7[%parallel_loop3A_151, %parallel_loop3A_298] : memref<512x32xf32, #tpu.memory_space<vmem>>[vector<16xi32>, vector<16xi32>], vector<16xf32>,
      tpu.vector_store_idx %arg9[%parallel_loop3A_298, %parallel_loop3A_151], %parallel_loop3A_299 : memref<32x512xf32, #tpu.memory_space<vmem>>[vector<16xi32>, vector<16xi32>], vector<16xf32>,
      %parallel_loop3A_300 = arith.constant 1 : i32
      %parallel_loop3A_301 = vector.broadcast %parallel_loop3A_300 : i32 to vector<16xi32>
      %parallel_loop3A_302 = arith.addi %parallel_loop3A_298, %parallel_loop3A_301 : vector<16xi32>
      %parallel_loop3A_303 = arith.constant 31 : i32
      %parallel_loop3A_304 = vector.broadcast %parallel_loop3A_303 : i32 to vector<16xi32>
      %parallel_loop3A_305 = arith.andi %parallel_loop3A_302, %parallel_loop3A_304 : vector<16xi32>
      %parallel_loop3A_306 = tpu.vector_load_idx %arg7[%parallel_loop3A_151, %parallel_loop3A_305] : memref<512x32xf32, #tpu.memory_space<vmem>>[vector<16xi32>, vector<16xi32>], vector<16xf32>,
      tpu.vector_store_idx %arg9[%parallel_loop3A_305, %parallel_loop3A_151], %parallel_loop3A_306 : memref<32x512xf32, #tpu.memory_space<vmem>>[vector<16xi32>, vector<16xi32>], vector<16xf32>,
      %parallel_loop3A_307 = arith.constant 1 : i32
      %parallel_loop3A_308 = vector.broadcast %parallel_loop3A_307 : i32 to vector<16xi32>
      %parallel_loop3A_309 = arith.addi %parallel_loop3A_305, %parallel_loop3A_308 : vector<16xi32>
      %parallel_loop3A_310 = arith.constant 31 : i32
      %parallel_loop3A_311 = vector.broadcast %parallel_loop3A_310 : i32 to vector<16xi32>
      %parallel_loop3A_312 = arith.andi %parallel_loop3A_309, %parallel_loop3A_311 : vector<16xi32>
      %parallel_loop3A_313 = tpu.vector_load_idx %arg7[%parallel_loop3A_151, %parallel_loop3A_312] : memref<512x32xf32, #tpu.memory_space<vmem>>[vector<16xi32>, vector<16xi32>], vector<16xf32>,
      tpu.vector_store_idx %arg9[%parallel_loop3A_312, %parallel_loop3A_151], %parallel_loop3A_313 : memref<32x512xf32, #tpu.memory_space<vmem>>[vector<16xi32>, vector<16xi32>], vector<16xf32>,
      %parallel_loop3A_314 = arith.constant 1 : i32
      %parallel_loop3A_315 = vector.broadcast %parallel_loop3A_314 : i32 to vector<16xi32>
      %parallel_loop3A_316 = arith.addi %parallel_loop3A_312, %parallel_loop3A_315 : vector<16xi32>
      %parallel_loop3A_317 = arith.constant 31 : i32
      %parallel_loop3A_318 = vector.broadcast %parallel_loop3A_317 : i32 to vector<16xi32>
      %parallel_loop3A_319 = arith.andi %parallel_loop3A_316, %parallel_loop3A_318 : vector<16xi32>
      %parallel_loop3A_320 = tpu.vector_load_idx %arg7[%parallel_loop3A_151, %parallel_loop3A_319] : memref<512x32xf32, #tpu.memory_space<vmem>>[vector<16xi32>, vector<16xi32>], vector<16xf32>,
      tpu.vector_store_idx %arg9[%parallel_loop3A_319, %parallel_loop3A_151], %parallel_loop3A_320 : memref<32x512xf32, #tpu.memory_space<vmem>>[vector<16xi32>, vector<16xi32>], vector<16xf32>,
      %parallel_loop3A_321 = arith.constant 1 : i32
      %parallel_loop3A_322 = vector.broadcast %parallel_loop3A_321 : i32 to vector<16xi32>
      %parallel_loop3A_323 = arith.addi %parallel_loop3A_319, %parallel_loop3A_322 : vector<16xi32>
      %parallel_loop3A_324 = arith.constant 31 : i32
      %parallel_loop3A_325 = vector.broadcast %parallel_loop3A_324 : i32 to vector<16xi32>
      %parallel_loop3A_326 = arith.andi %parallel_loop3A_323, %parallel_loop3A_325 : vector<16xi32>
      %parallel_loop3A_327 = tpu.vector_load_idx %arg7[%parallel_loop3A_151, %parallel_loop3A_326] : memref<512x32xf32, #tpu.memory_space<vmem>>[vector<16xi32>, vector<16xi32>], vector<16xf32>,
      tpu.vector_store_idx %arg9[%parallel_loop3A_326, %parallel_loop3A_151], %parallel_loop3A_327 : memref<32x512xf32, #tpu.memory_space<vmem>>[vector<16xi32>, vector<16xi32>], vector<16xf32>,
      %parallel_loop3A_328 = arith.constant 1 : i32
      %parallel_loop3A_329 = vector.broadcast %parallel_loop3A_328 : i32 to vector<16xi32>
      %parallel_loop3A_330 = arith.addi %parallel_loop3A_326, %parallel_loop3A_329 : vector<16xi32>
      %parallel_loop3A_331 = arith.constant 31 : i32
      %parallel_loop3A_332 = vector.broadcast %parallel_loop3A_331 : i32 to vector<16xi32>
      %parallel_loop3A_333 = arith.andi %parallel_loop3A_330, %parallel_loop3A_332 : vector<16xi32>
      %parallel_loop3A_334 = tpu.vector_load_idx %arg7[%parallel_loop3A_151, %parallel_loop3A_333] : memref<512x32xf32, #tpu.memory_space<vmem>>[vector<16xi32>, vector<16xi32>], vector<16xf32>,
      tpu.vector_store_idx %arg9[%parallel_loop3A_333, %parallel_loop3A_151], %parallel_loop3A_334 : memref<32x512xf32, #tpu.memory_space<vmem>>[vector<16xi32>, vector<16xi32>], vector<16xf32>,
      %parallel_loop3A_335 = arith.constant 1 : i32
      %parallel_loop3A_336 = vector.broadcast %parallel_loop3A_335 : i32 to vector<16xi32>
      %parallel_loop3A_337 = arith.addi %parallel_loop3A_333, %parallel_loop3A_336 : vector<16xi32>
      %parallel_loop3A_338 = arith.constant 31 : i32
      %parallel_loop3A_339 = vector.broadcast %parallel_loop3A_338 : i32 to vector<16xi32>
      %parallel_loop3A_340 = arith.andi %parallel_loop3A_337, %parallel_loop3A_339 : vector<16xi32>
      %parallel_loop3A_341 = tpu.vector_load_idx %arg7[%parallel_loop3A_151, %parallel_loop3A_340] : memref<512x32xf32, #tpu.memory_space<vmem>>[vector<16xi32>, vector<16xi32>], vector<16xf32>,
      tpu.vector_store_idx %arg9[%parallel_loop3A_340, %parallel_loop3A_151], %parallel_loop3A_341 : memref<32x512xf32, #tpu.memory_space<vmem>>[vector<16xi32>, vector<16xi32>], vector<16xf32>,
      %parallel_loop3A_342 = arith.constant 1 : i32
      %parallel_loop3A_343 = vector.broadcast %parallel_loop3A_342 : i32 to vector<16xi32>
      %parallel_loop3A_344 = arith.addi %parallel_loop3A_340, %parallel_loop3A_343 : vector<16xi32>
      %parallel_loop3A_345 = arith.constant 31 : i32
      %parallel_loop3A_346 = vector.broadcast %parallel_loop3A_345 : i32 to vector<16xi32>
      %parallel_loop3A_347 = arith.andi %parallel_loop3A_344, %parallel_loop3A_346 : vector<16xi32>
      %parallel_loop3A_348 = tpu.vector_load_idx %arg7[%parallel_loop3A_151, %parallel_loop3A_347] : memref<512x32xf32, #tpu.memory_space<vmem>>[vector<16xi32>, vector<16xi32>], vector<16xf32>,
      tpu.vector_store_idx %arg9[%parallel_loop3A_347, %parallel_loop3A_151], %parallel_loop3A_348 : memref<32x512xf32, #tpu.memory_space<vmem>>[vector<16xi32>, vector<16xi32>], vector<16xf32>,
      %parallel_loop3A_349 = arith.constant 1 : i32
      %parallel_loop3A_350 = vector.broadcast %parallel_loop3A_349 : i32 to vector<16xi32>
      %parallel_loop3A_351 = arith.addi %parallel_loop3A_347, %parallel_loop3A_350 : vector<16xi32>
      %parallel_loop3A_352 = arith.constant 31 : i32
      %parallel_loop3A_353 = vector.broadcast %parallel_loop3A_352 : i32 to vector<16xi32>
      %parallel_loop3A_354 = arith.andi %parallel_loop3A_351, %parallel_loop3A_353 : vector<16xi32>
      %parallel_loop3A_355 = tpu.vector_load_idx %arg7[%parallel_loop3A_151, %parallel_loop3A_354] : memref<512x32xf32, #tpu.memory_space<vmem>>[vector<16xi32>, vector<16xi32>], vector<16xf32>,
      tpu.vector_store_idx %arg9[%parallel_loop3A_354, %parallel_loop3A_151], %parallel_loop3A_355 : memref<32x512xf32, #tpu.memory_space<vmem>>[vector<16xi32>, vector<16xi32>], vector<16xf32>,
      %parallel_loop3A_356 = arith.constant 1 : i32
      %parallel_loop3A_357 = vector.broadcast %parallel_loop3A_356 : i32 to vector<16xi32>
      %parallel_loop3A_358 = arith.addi %parallel_loop3A_354, %parallel_loop3A_357 : vector<16xi32>
      %parallel_loop3A_359 = arith.constant 31 : i32
      %parallel_loop3A_360 = vector.broadcast %parallel_loop3A_359 : i32 to vector<16xi32>
      %parallel_loop3A_361 = arith.andi %parallel_loop3A_358, %parallel_loop3A_360 : vector<16xi32>
      %parallel_loop3A_362 = tpu.vector_load_idx %arg7[%parallel_loop3A_151, %parallel_loop3A_361] : memref<512x32xf32, #tpu.memory_space<vmem>>[vector<16xi32>, vector<16xi32>], vector<16xf32>,
      tpu.vector_store_idx %arg9[%parallel_loop3A_361, %parallel_loop3A_151], %parallel_loop3A_362 : memref<32x512xf32, #tpu.memory_space<vmem>>[vector<16xi32>, vector<16xi32>], vector<16xf32>,
      %parallel_loop3A_363 = arith.constant 1 : i32
      %parallel_loop3A_364 = vector.broadcast %parallel_loop3A_363 : i32 to vector<16xi32>
      %parallel_loop3A_365 = arith.addi %parallel_loop3A_361, %parallel_loop3A_364 : vector<16xi32>
      %parallel_loop3A_366 = arith.constant 31 : i32
      %parallel_loop3A_367 = vector.broadcast %parallel_loop3A_366 : i32 to vector<16xi32>
      %parallel_loop3A_368 = arith.andi %parallel_loop3A_365, %parallel_loop3A_367 : vector<16xi32>
      %parallel_loop3A_369 = tpu.vector_load_idx %arg7[%parallel_loop3A_151, %parallel_loop3A_368] : memref<512x32xf32, #tpu.memory_space<vmem>>[vector<16xi32>, vector<16xi32>], vector<16xf32>,
      tpu.vector_store_idx %arg9[%parallel_loop3A_368, %parallel_loop3A_151], %parallel_loop3A_369 : memref<32x512xf32, #tpu.memory_space<vmem>>[vector<16xi32>, vector<16xi32>], vector<16xf32>,
      %parallel_loop3A_370 = arith.constant 1 : i32
      %parallel_loop3A_371 = vector.broadcast %parallel_loop3A_370 : i32 to vector<16xi32>
      %parallel_loop3A_372 = arith.addi %parallel_loop3A_368, %parallel_loop3A_371 : vector<16xi32>
      %parallel_loop3A_373 = arith.constant 31 : i32
      %parallel_loop3A_374 = vector.broadcast %parallel_loop3A_373 : i32 to vector<16xi32>
      %parallel_loop3A_375 = arith.andi %parallel_loop3A_372, %parallel_loop3A_374 : vector<16xi32>
    } {sc.loop_unroll_factor = 4 : i64, sc.parallel_access}
    %run_scoped3A = arith.constant 48 : i32
    "tpu.region"() ({
      %run_scoped3A_147 = tpu.sem_alloc : memref<!tpu.dma_semaphore, #tpu.memory_space<semaphore_mem>>
      %dma_start3A_148 = arith.constant 0 : i32
      %dma_start3A_149 = tpu.memref_slice %arg4[%run_scoped3A, %dma_start3A_148, %mul3A_2] : memref<50x32x16384xf32, #tpu.memory_space<hbm>> -> memref<1x32x512xf32, #tpu.memory_space<hbm>>
      %dma_start3A_150 = tpu.memref_squeeze %dma_start3A_149 : memref<1x32x512xf32, #tpu.memory_space<hbm>> -> memref<32x512xf32, #tpu.memory_space<hbm>>
      %dma_start3A_151 = arith.constant 0 : i32
      %dma_start3A_152 = tpu.memref_slice %arg4[%run_scoped3A, %dma_start3A_151, %mul3A_2] : memref<50x32x16384xf32, #tpu.memory_space<hbm>> -> memref<1x32x512xf32, #tpu.memory_space<hbm>>
      %dma_start3A_153 = tpu.memref_squeeze %dma_start3A_152 : memref<1x32x512xf32, #tpu.memory_space<hbm>> -> memref<32x512xf32, #tpu.memory_space<hbm>>
      tpu.enqueue_dma source(%arg9 : memref<32x512xf32, #tpu.memory_space<vmem>>) target(%dma_start3A_153 : memref<32x512xf32, #tpu.memory_space<hbm>>) target_semaphore(%run_scoped3A_147 : memref<!tpu.dma_semaphore, #tpu.memory_space<semaphore_mem>>)
      %dma_wait3A_154 = arith.constant 0 : i32
      %dma_wait3A_155 = tpu.memref_slice %arg4[%run_scoped3A, %dma_wait3A_154, %mul3A_2] : memref<50x32x16384xf32, #tpu.memory_space<hbm>> -> memref<1x32x512xf32, #tpu.memory_space<hbm>>
      %dma_wait3A_156 = tpu.memref_squeeze %dma_wait3A_155 : memref<1x32x512xf32, #tpu.memory_space<hbm>> -> memref<32x512xf32, #tpu.memory_space<hbm>>
      %dma_wait3A_157 = arith.constant 0 : i32
      %dma_wait3A_158 = tpu.memref_slice %arg4[%run_scoped3A, %dma_wait3A_157, %mul3A_2] : memref<50x32x16384xf32, #tpu.memory_space<hbm>> -> memref<1x32x512xf32, #tpu.memory_space<hbm>>
      %dma_wait3A_159 = tpu.memref_squeeze %dma_wait3A_158 : memref<1x32x512xf32, #tpu.memory_space<hbm>> -> memref<32x512xf32, #tpu.memory_space<hbm>>
      tpu.wait_dma2 semaphore(%run_scoped3A_147 : memref<!tpu.dma_semaphore, #tpu.memory_space<semaphore_mem>>) src(%arg9 : memref<32x512xf32, #tpu.memory_space<vmem>>) dst(%dma_wait3A_159 : memref<32x512xf32, #tpu.memory_space<hbm>>)
      tpu.yield
    }) : () -> ()
    %dma_wait3A_111 = arith.constant 0 : i32
    %dma_wait3A_112 = arith.constant 0 : i32
    %dma_wait3A_113 = tpu.memref_slice %arg8[%dma_wait3A_111, %dma_wait3A_112] : memref<512x32xf32, #tpu.memory_space<vmem>> -> memref<128x32xf32, #tpu.memory_space<vmem>>
    %dma_wait3A_114 = arith.constant 0 : i32
    %dma_wait3A_115 = tpu.memref_slice %arg6[%dma_wait3A_114] : memref<512xi32, #tpu.memory_space<vmem>> -> memref<128xi32, #tpu.memory_space<vmem>>
    %dma_wait3A_116 = arith.constant 0 : i32
    %dma_wait3A_117 = arith.constant 0 : i32
    %dma_wait3A_118 = tpu.memref_slice %arg2[%dma_wait3A_116, %dma_wait3A_117] : memref<1000000x32xf32, #tpu.memory_space<hbm>> -> memref<1000000x32xf32, #tpu.memory_space<hbm>>
    tpu.wait_indirect_dma semaphore(%arg11 : memref<!tpu.dma_semaphore, #tpu.memory_space<semaphore_mem>>) src(%dma_wait3A_118 : memref<1000000x32xf32, #tpu.memory_space<hbm>>) dst(%dma_wait3A_113 : memref<128x32xf32, #tpu.memory_space<vmem>>)
    %dma_wait3A_119 = arith.constant 128 : i32
    %dma_wait3A_120 = arith.constant 0 : i32
    %dma_wait3A_121 = tpu.memref_slice %arg8[%dma_wait3A_119, %dma_wait3A_120] : memref<512x32xf32, #tpu.memory_space<vmem>> -> memref<128x32xf32, #tpu.memory_space<vmem>>
    %dma_wait3A_122 = arith.constant 128 : i32
    %dma_wait3A_123 = tpu.memref_slice %arg6[%dma_wait3A_122] : memref<512xi32, #tpu.memory_space<vmem>> -> memref<128xi32, #tpu.memory_space<vmem>>
    %dma_wait3A_124 = arith.constant 0 : i32
    %dma_wait3A_125 = arith.constant 0 : i32
    %dma_wait3A_126 = tpu.memref_slice %arg2[%dma_wait3A_124, %dma_wait3A_125] : memref<1000000x32xf32, #tpu.memory_space<hbm>> -> memref<1000000x32xf32, #tpu.memory_space<hbm>>
    tpu.wait_indirect_dma semaphore(%arg11 : memref<!tpu.dma_semaphore, #tpu.memory_space<semaphore_mem>>) src(%dma_wait3A_126 : memref<1000000x32xf32, #tpu.memory_space<hbm>>) dst(%dma_wait3A_121 : memref<128x32xf32, #tpu.memory_space<vmem>>)
    %dma_wait3A_127 = arith.constant 256 : i32
    %dma_wait3A_128 = arith.constant 0 : i32
    %dma_wait3A_129 = tpu.memref_slice %arg8[%dma_wait3A_127, %dma_wait3A_128] : memref<512x32xf32, #tpu.memory_space<vmem>> -> memref<128x32xf32, #tpu.memory_space<vmem>>
    %dma_wait3A_130 = arith.constant 256 : i32
    %dma_wait3A_131 = tpu.memref_slice %arg6[%dma_wait3A_130] : memref<512xi32, #tpu.memory_space<vmem>> -> memref<128xi32, #tpu.memory_space<vmem>>
    %dma_wait3A_132 = arith.constant 0 : i32
    %dma_wait3A_133 = arith.constant 0 : i32
    %dma_wait3A_134 = tpu.memref_slice %arg2[%dma_wait3A_132, %dma_wait3A_133] : memref<1000000x32xf32, #tpu.memory_space<hbm>> -> memref<1000000x32xf32, #tpu.memory_space<hbm>>
    tpu.wait_indirect_dma semaphore(%arg11 : memref<!tpu.dma_semaphore, #tpu.memory_space<semaphore_mem>>) src(%dma_wait3A_134 : memref<1000000x32xf32, #tpu.memory_space<hbm>>) dst(%dma_wait3A_129 : memref<128x32xf32, #tpu.memory_space<vmem>>)
    %dma_wait3A_135 = arith.constant 384 : i32
    %dma_wait3A_136 = arith.constant 0 : i32
    %dma_wait3A_137 = tpu.memref_slice %arg8[%dma_wait3A_135, %dma_wait3A_136] : memref<512x32xf32, #tpu.memory_space<vmem>> -> memref<128x32xf32, #tpu.memory_space<vmem>>
    %dma_wait3A_138 = arith.constant 384 : i32
    %dma_wait3A_139 = tpu.memref_slice %arg6[%dma_wait3A_138] : memref<512xi32, #tpu.memory_space<vmem>> -> memref<128xi32, #tpu.memory_space<vmem>>
    %dma_wait3A_140 = arith.constant 0 : i32
    %dma_wait3A_141 = arith.constant 0 : i32
    %dma_wait3A_142 = tpu.memref_slice %arg2[%dma_wait3A_140, %dma_wait3A_141] : memref<1000000x32xf32, #tpu.memory_space<hbm>> -> memref<1000000x32xf32, #tpu.memory_space<hbm>>
    tpu.wait_indirect_dma semaphore(%arg11 : memref<!tpu.dma_semaphore, #tpu.memory_space<semaphore_mem>>) src(%dma_wait3A_142 : memref<1000000x32xf32, #tpu.memory_space<hbm>>) dst(%dma_wait3A_137 : memref<128x32xf32, #tpu.memory_space<vmem>>)
    %parallel_loop3A_143 = arith.constant 0 : i32
    %parallel_loop3A_144 = arith.constant 32 : i32
    %parallel_loop3A_145 = arith.constant 1 : i32
    scf.for %parallel_loop3A_147 = %parallel_loop3A_143 to %parallel_loop3A_144 step %parallel_loop3A_145  : i32 {
      %parallel_loop3A_148 = arith.constant 16 : i32
      %parallel_loop3A_149 = arith.muli %parallel_loop3A_147, %parallel_loop3A_148 : i32
      %parallel_loop3A_150 = vector.broadcast %parallel_loop3A_149 : i32 to vector<16xi32>
      %parallel_loop3A_151 = arith.addi %parallel_loop3A_150, %iota3A : vector<16xi32>
      %parallel_loop3A_152 = tpu.vector_load_idx %arg8[%parallel_loop3A_151, %iota3A] : memref<512x32xf32, #tpu.memory_space<vmem>>[vector<16xi32>, vector<16xi32>], vector<16xf32>,
      tpu.vector_store_idx %arg9[%iota3A, %parallel_loop3A_151], %parallel_loop3A_152 : memref<32x512xf32, #tpu.memory_space<vmem>>[vector<16xi32>, vector<16xi32>], vector<16xf32>,
      %parallel_loop3A_153 = arith.constant 1 : i32
      %parallel_loop3A_154 = vector.broadcast %parallel_loop3A_153 : i32 to vector<16xi32>
      %parallel_loop3A_155 = arith.addi %iota3A, %parallel_loop3A_154 : vector<16xi32>
      %parallel_loop3A_156 = arith.constant 31 : i32
      %parallel_loop3A_157 = vector.broadcast %parallel_loop3A_156 : i32 to vector<16xi32>
      %parallel_loop3A_158 = arith.andi %parallel_loop3A_155, %parallel_loop3A_157 : vector<16xi32>
      %parallel_loop3A_159 = tpu.vector_load_idx %arg8[%parallel_loop3A_151, %parallel_loop3A_158] : memref<512x32xf32, #tpu.memory_space<vmem>>[vector<16xi32>, vector<16xi32>], vector<16xf32>,
      tpu.vector_store_idx %arg9[%parallel_loop3A_158, %parallel_loop3A_151], %parallel_loop3A_159 : memref<32x512xf32, #tpu.memory_space<vmem>>[vector<16xi32>, vector<16xi32>], vector<16xf32>,
      %parallel_loop3A_160 = arith.constant 1 : i32
      %parallel_loop3A_161 = vector.broadcast %parallel_loop3A_160 : i32 to vector<16xi32>
      %parallel_loop3A_162 = arith.addi %parallel_loop3A_158, %parallel_loop3A_161 : vector<16xi32>
      %parallel_loop3A_163 = arith.constant 31 : i32
      %parallel_loop3A_164 = vector.broadcast %parallel_loop3A_163 : i32 to vector<16xi32>
      %parallel_loop3A_165 = arith.andi %parallel_loop3A_162, %parallel_loop3A_164 : vector<16xi32>
      %parallel_loop3A_166 = tpu.vector_load_idx %arg8[%parallel_loop3A_151, %parallel_loop3A_165] : memref<512x32xf32, #tpu.memory_space<vmem>>[vector<16xi32>, vector<16xi32>], vector<16xf32>,
      tpu.vector_store_idx %arg9[%parallel_loop3A_165, %parallel_loop3A_151], %parallel_loop3A_166 : memref<32x512xf32, #tpu.memory_space<vmem>>[vector<16xi32>, vector<16xi32>], vector<16xf32>,
      %parallel_loop3A_167 = arith.constant 1 : i32
      %parallel_loop3A_168 = vector.broadcast %parallel_loop3A_167 : i32 to vector<16xi32>
      %parallel_loop3A_169 = arith.addi %parallel_loop3A_165, %parallel_loop3A_168 : vector<16xi32>
      %parallel_loop3A_170 = arith.constant 31 : i32
      %parallel_loop3A_171 = vector.broadcast %parallel_loop3A_170 : i32 to vector<16xi32>
      %parallel_loop3A_172 = arith.andi %parallel_loop3A_169, %parallel_loop3A_171 : vector<16xi32>
      %parallel_loop3A_173 = tpu.vector_load_idx %arg8[%parallel_loop3A_151, %parallel_loop3A_172] : memref<512x32xf32, #tpu.memory_space<vmem>>[vector<16xi32>, vector<16xi32>], vector<16xf32>,
      tpu.vector_store_idx %arg9[%parallel_loop3A_172, %parallel_loop3A_151], %parallel_loop3A_173 : memref<32x512xf32, #tpu.memory_space<vmem>>[vector<16xi32>, vector<16xi32>], vector<16xf32>,
      %parallel_loop3A_174 = arith.constant 1 : i32
      %parallel_loop3A_175 = vector.broadcast %parallel_loop3A_174 : i32 to vector<16xi32>
      %parallel_loop3A_176 = arith.addi %parallel_loop3A_172, %parallel_loop3A_175 : vector<16xi32>
      %parallel_loop3A_177 = arith.constant 31 : i32
      %parallel_loop3A_178 = vector.broadcast %parallel_loop3A_177 : i32 to vector<16xi32>
      %parallel_loop3A_179 = arith.andi %parallel_loop3A_176, %parallel_loop3A_178 : vector<16xi32>
      %parallel_loop3A_180 = tpu.vector_load_idx %arg8[%parallel_loop3A_151, %parallel_loop3A_179] : memref<512x32xf32, #tpu.memory_space<vmem>>[vector<16xi32>, vector<16xi32>], vector<16xf32>,
      tpu.vector_store_idx %arg9[%parallel_loop3A_179, %parallel_loop3A_151], %parallel_loop3A_180 : memref<32x512xf32, #tpu.memory_space<vmem>>[vector<16xi32>, vector<16xi32>], vector<16xf32>,
      %parallel_loop3A_181 = arith.constant 1 : i32
      %parallel_loop3A_182 = vector.broadcast %parallel_loop3A_181 : i32 to vector<16xi32>
      %parallel_loop3A_183 = arith.addi %parallel_loop3A_179, %parallel_loop3A_182 : vector<16xi32>
      %parallel_loop3A_184 = arith.constant 31 : i32
      %parallel_loop3A_185 = vector.broadcast %parallel_loop3A_184 : i32 to vector<16xi32>
      %parallel_loop3A_186 = arith.andi %parallel_loop3A_183, %parallel_loop3A_185 : vector<16xi32>
      %parallel_loop3A_187 = tpu.vector_load_idx %arg8[%parallel_loop3A_151, %parallel_loop3A_186] : memref<512x32xf32, #tpu.memory_space<vmem>>[vector<16xi32>, vector<16xi32>], vector<16xf32>,
      tpu.vector_store_idx %arg9[%parallel_loop3A_186, %parallel_loop3A_151], %parallel_loop3A_187 : memref<32x512xf32, #tpu.memory_space<vmem>>[vector<16xi32>, vector<16xi32>], vector<16xf32>,
      %parallel_loop3A_188 = arith.constant 1 : i32
      %parallel_loop3A_189 = vector.broadcast %parallel_loop3A_188 : i32 to vector<16xi32>
      %parallel_loop3A_190 = arith.addi %parallel_loop3A_186, %parallel_loop3A_189 : vector<16xi32>
      %parallel_loop3A_191 = arith.constant 31 : i32
      %parallel_loop3A_192 = vector.broadcast %parallel_loop3A_191 : i32 to vector<16xi32>
      %parallel_loop3A_193 = arith.andi %parallel_loop3A_190, %parallel_loop3A_192 : vector<16xi32>
      %parallel_loop3A_194 = tpu.vector_load_idx %arg8[%parallel_loop3A_151, %parallel_loop3A_193] : memref<512x32xf32, #tpu.memory_space<vmem>>[vector<16xi32>, vector<16xi32>], vector<16xf32>,
      tpu.vector_store_idx %arg9[%parallel_loop3A_193, %parallel_loop3A_151], %parallel_loop3A_194 : memref<32x512xf32, #tpu.memory_space<vmem>>[vector<16xi32>, vector<16xi32>], vector<16xf32>,
      %parallel_loop3A_195 = arith.constant 1 : i32
      %parallel_loop3A_196 = vector.broadcast %parallel_loop3A_195 : i32 to vector<16xi32>
      %parallel_loop3A_197 = arith.addi %parallel_loop3A_193, %parallel_loop3A_196 : vector<16xi32>
      %parallel_loop3A_198 = arith.constant 31 : i32
      %parallel_loop3A_199 = vector.broadcast %parallel_loop3A_198 : i32 to vector<16xi32>
      %parallel_loop3A_200 = arith.andi %parallel_loop3A_197, %parallel_loop3A_199 : vector<16xi32>
      %parallel_loop3A_201 = tpu.vector_load_idx %arg8[%parallel_loop3A_151, %parallel_loop3A_200] : memref<512x32xf32, #tpu.memory_space<vmem>>[vector<16xi32>, vector<16xi32>], vector<16xf32>,
      tpu.vector_store_idx %arg9[%parallel_loop3A_200, %parallel_loop3A_151], %parallel_loop3A_201 : memref<32x512xf32, #tpu.memory_space<vmem>>[vector<16xi32>, vector<16xi32>], vector<16xf32>,
      %parallel_loop3A_202 = arith.constant 1 : i32
      %parallel_loop3A_203 = vector.broadcast %parallel_loop3A_202 : i32 to vector<16xi32>
      %parallel_loop3A_204 = arith.addi %parallel_loop3A_200, %parallel_loop3A_203 : vector<16xi32>
      %parallel_loop3A_205 = arith.constant 31 : i32
      %parallel_loop3A_206 = vector.broadcast %parallel_loop3A_205 : i32 to vector<16xi32>
      %parallel_loop3A_207 = arith.andi %parallel_loop3A_204, %parallel_loop3A_206 : vector<16xi32>
      %parallel_loop3A_208 = tpu.vector_load_idx %arg8[%parallel_loop3A_151, %parallel_loop3A_207] : memref<512x32xf32, #tpu.memory_space<vmem>>[vector<16xi32>, vector<16xi32>], vector<16xf32>,
      tpu.vector_store_idx %arg9[%parallel_loop3A_207, %parallel_loop3A_151], %parallel_loop3A_208 : memref<32x512xf32, #tpu.memory_space<vmem>>[vector<16xi32>, vector<16xi32>], vector<16xf32>,
      %parallel_loop3A_209 = arith.constant 1 : i32
      %parallel_loop3A_210 = vector.broadcast %parallel_loop3A_209 : i32 to vector<16xi32>
      %parallel_loop3A_211 = arith.addi %parallel_loop3A_207, %parallel_loop3A_210 : vector<16xi32>
      %parallel_loop3A_212 = arith.constant 31 : i32
      %parallel_loop3A_213 = vector.broadcast %parallel_loop3A_212 : i32 to vector<16xi32>
      %parallel_loop3A_214 = arith.andi %parallel_loop3A_211, %parallel_loop3A_213 : vector<16xi32>
      %parallel_loop3A_215 = tpu.vector_load_idx %arg8[%parallel_loop3A_151, %parallel_loop3A_214] : memref<512x32xf32, #tpu.memory_space<vmem>>[vector<16xi32>, vector<16xi32>], vector<16xf32>,
      tpu.vector_store_idx %arg9[%parallel_loop3A_214, %parallel_loop3A_151], %parallel_loop3A_215 : memref<32x512xf32, #tpu.memory_space<vmem>>[vector<16xi32>, vector<16xi32>], vector<16xf32>,
      %parallel_loop3A_216 = arith.constant 1 : i32
      %parallel_loop3A_217 = vector.broadcast %parallel_loop3A_216 : i32 to vector<16xi32>
      %parallel_loop3A_218 = arith.addi %parallel_loop3A_214, %parallel_loop3A_217 : vector<16xi32>
      %parallel_loop3A_219 = arith.constant 31 : i32
      %parallel_loop3A_220 = vector.broadcast %parallel_loop3A_219 : i32 to vector<16xi32>
      %parallel_loop3A_221 = arith.andi %parallel_loop3A_218, %parallel_loop3A_220 : vector<16xi32>
      %parallel_loop3A_222 = tpu.vector_load_idx %arg8[%parallel_loop3A_151, %parallel_loop3A_221] : memref<512x32xf32, #tpu.memory_space<vmem>>[vector<16xi32>, vector<16xi32>], vector<16xf32>,
      tpu.vector_store_idx %arg9[%parallel_loop3A_221, %parallel_loop3A_151], %parallel_loop3A_222 : memref<32x512xf32, #tpu.memory_space<vmem>>[vector<16xi32>, vector<16xi32>], vector<16xf32>,
      %parallel_loop3A_223 = arith.constant 1 : i32
      %parallel_loop3A_224 = vector.broadcast %parallel_loop3A_223 : i32 to vector<16xi32>
      %parallel_loop3A_225 = arith.addi %parallel_loop3A_221, %parallel_loop3A_224 : vector<16xi32>
      %parallel_loop3A_226 = arith.constant 31 : i32
      %parallel_loop3A_227 = vector.broadcast %parallel_loop3A_226 : i32 to vector<16xi32>
      %parallel_loop3A_228 = arith.andi %parallel_loop3A_225, %parallel_loop3A_227 : vector<16xi32>
      %parallel_loop3A_229 = tpu.vector_load_idx %arg8[%parallel_loop3A_151, %parallel_loop3A_228] : memref<512x32xf32, #tpu.memory_space<vmem>>[vector<16xi32>, vector<16xi32>], vector<16xf32>,
      tpu.vector_store_idx %arg9[%parallel_loop3A_228, %parallel_loop3A_151], %parallel_loop3A_229 : memref<32x512xf32, #tpu.memory_space<vmem>>[vector<16xi32>, vector<16xi32>], vector<16xf32>,
      %parallel_loop3A_230 = arith.constant 1 : i32
      %parallel_loop3A_231 = vector.broadcast %parallel_loop3A_230 : i32 to vector<16xi32>
      %parallel_loop3A_232 = arith.addi %parallel_loop3A_228, %parallel_loop3A_231 : vector<16xi32>
      %parallel_loop3A_233 = arith.constant 31 : i32
      %parallel_loop3A_234 = vector.broadcast %parallel_loop3A_233 : i32 to vector<16xi32>
      %parallel_loop3A_235 = arith.andi %parallel_loop3A_232, %parallel_loop3A_234 : vector<16xi32>
      %parallel_loop3A_236 = tpu.vector_load_idx %arg8[%parallel_loop3A_151, %parallel_loop3A_235] : memref<512x32xf32, #tpu.memory_space<vmem>>[vector<16xi32>, vector<16xi32>], vector<16xf32>,
      tpu.vector_store_idx %arg9[%parallel_loop3A_235, %parallel_loop3A_151], %parallel_loop3A_236 : memref<32x512xf32, #tpu.memory_space<vmem>>[vector<16xi32>, vector<16xi32>], vector<16xf32>,
      %parallel_loop3A_237 = arith.constant 1 : i32
      %parallel_loop3A_238 = vector.broadcast %parallel_loop3A_237 : i32 to vector<16xi32>
      %parallel_loop3A_239 = arith.addi %parallel_loop3A_235, %parallel_loop3A_238 : vector<16xi32>
      %parallel_loop3A_240 = arith.constant 31 : i32
      %parallel_loop3A_241 = vector.broadcast %parallel_loop3A_240 : i32 to vector<16xi32>
      %parallel_loop3A_242 = arith.andi %parallel_loop3A_239, %parallel_loop3A_241 : vector<16xi32>
      %parallel_loop3A_243 = tpu.vector_load_idx %arg8[%parallel_loop3A_151, %parallel_loop3A_242] : memref<512x32xf32, #tpu.memory_space<vmem>>[vector<16xi32>, vector<16xi32>], vector<16xf32>,
      tpu.vector_store_idx %arg9[%parallel_loop3A_242, %parallel_loop3A_151], %parallel_loop3A_243 : memref<32x512xf32, #tpu.memory_space<vmem>>[vector<16xi32>, vector<16xi32>], vector<16xf32>,
      %parallel_loop3A_244 = arith.constant 1 : i32
      %parallel_loop3A_245 = vector.broadcast %parallel_loop3A_244 : i32 to vector<16xi32>
      %parallel_loop3A_246 = arith.addi %parallel_loop3A_242, %parallel_loop3A_245 : vector<16xi32>
      %parallel_loop3A_247 = arith.constant 31 : i32
      %parallel_loop3A_248 = vector.broadcast %parallel_loop3A_247 : i32 to vector<16xi32>
      %parallel_loop3A_249 = arith.andi %parallel_loop3A_246, %parallel_loop3A_248 : vector<16xi32>
      %parallel_loop3A_250 = tpu.vector_load_idx %arg8[%parallel_loop3A_151, %parallel_loop3A_249] : memref<512x32xf32, #tpu.memory_space<vmem>>[vector<16xi32>, vector<16xi32>], vector<16xf32>,
      tpu.vector_store_idx %arg9[%parallel_loop3A_249, %parallel_loop3A_151], %parallel_loop3A_250 : memref<32x512xf32, #tpu.memory_space<vmem>>[vector<16xi32>, vector<16xi32>], vector<16xf32>,
      %parallel_loop3A_251 = arith.constant 1 : i32
      %parallel_loop3A_252 = vector.broadcast %parallel_loop3A_251 : i32 to vector<16xi32>
      %parallel_loop3A_253 = arith.addi %parallel_loop3A_249, %parallel_loop3A_252 : vector<16xi32>
      %parallel_loop3A_254 = arith.constant 31 : i32
      %parallel_loop3A_255 = vector.broadcast %parallel_loop3A_254 : i32 to vector<16xi32>
      %parallel_loop3A_256 = arith.andi %parallel_loop3A_253, %parallel_loop3A_255 : vector<16xi32>
      %parallel_loop3A_257 = tpu.vector_load_idx %arg8[%parallel_loop3A_151, %parallel_loop3A_256] : memref<512x32xf32, #tpu.memory_space<vmem>>[vector<16xi32>, vector<16xi32>], vector<16xf32>,
      tpu.vector_store_idx %arg9[%parallel_loop3A_256, %parallel_loop3A_151], %parallel_loop3A_257 : memref<32x512xf32, #tpu.memory_space<vmem>>[vector<16xi32>, vector<16xi32>], vector<16xf32>,
      %parallel_loop3A_258 = arith.constant 1 : i32
      %parallel_loop3A_259 = vector.broadcast %parallel_loop3A_258 : i32 to vector<16xi32>
      %parallel_loop3A_260 = arith.addi %parallel_loop3A_256, %parallel_loop3A_259 : vector<16xi32>
      %parallel_loop3A_261 = arith.constant 31 : i32
      %parallel_loop3A_262 = vector.broadcast %parallel_loop3A_261 : i32 to vector<16xi32>
      %parallel_loop3A_263 = arith.andi %parallel_loop3A_260, %parallel_loop3A_262 : vector<16xi32>
      %parallel_loop3A_264 = tpu.vector_load_idx %arg8[%parallel_loop3A_151, %parallel_loop3A_263] : memref<512x32xf32, #tpu.memory_space<vmem>>[vector<16xi32>, vector<16xi32>], vector<16xf32>,
      tpu.vector_store_idx %arg9[%parallel_loop3A_263, %parallel_loop3A_151], %parallel_loop3A_264 : memref<32x512xf32, #tpu.memory_space<vmem>>[vector<16xi32>, vector<16xi32>], vector<16xf32>,
      %parallel_loop3A_265 = arith.constant 1 : i32
      %parallel_loop3A_266 = vector.broadcast %parallel_loop3A_265 : i32 to vector<16xi32>
      %parallel_loop3A_267 = arith.addi %parallel_loop3A_263, %parallel_loop3A_266 : vector<16xi32>
      %parallel_loop3A_268 = arith.constant 31 : i32
      %parallel_loop3A_269 = vector.broadcast %parallel_loop3A_268 : i32 to vector<16xi32>
      %parallel_loop3A_270 = arith.andi %parallel_loop3A_267, %parallel_loop3A_269 : vector<16xi32>
      %parallel_loop3A_271 = tpu.vector_load_idx %arg8[%parallel_loop3A_151, %parallel_loop3A_270] : memref<512x32xf32, #tpu.memory_space<vmem>>[vector<16xi32>, vector<16xi32>], vector<16xf32>,
      tpu.vector_store_idx %arg9[%parallel_loop3A_270, %parallel_loop3A_151], %parallel_loop3A_271 : memref<32x512xf32, #tpu.memory_space<vmem>>[vector<16xi32>, vector<16xi32>], vector<16xf32>,
      %parallel_loop3A_272 = arith.constant 1 : i32
      %parallel_loop3A_273 = vector.broadcast %parallel_loop3A_272 : i32 to vector<16xi32>
      %parallel_loop3A_274 = arith.addi %parallel_loop3A_270, %parallel_loop3A_273 : vector<16xi32>
      %parallel_loop3A_275 = arith.constant 31 : i32
      %parallel_loop3A_276 = vector.broadcast %parallel_loop3A_275 : i32 to vector<16xi32>
      %parallel_loop3A_277 = arith.andi %parallel_loop3A_274, %parallel_loop3A_276 : vector<16xi32>
      %parallel_loop3A_278 = tpu.vector_load_idx %arg8[%parallel_loop3A_151, %parallel_loop3A_277] : memref<512x32xf32, #tpu.memory_space<vmem>>[vector<16xi32>, vector<16xi32>], vector<16xf32>,
      tpu.vector_store_idx %arg9[%parallel_loop3A_277, %parallel_loop3A_151], %parallel_loop3A_278 : memref<32x512xf32, #tpu.memory_space<vmem>>[vector<16xi32>, vector<16xi32>], vector<16xf32>,
      %parallel_loop3A_279 = arith.constant 1 : i32
      %parallel_loop3A_280 = vector.broadcast %parallel_loop3A_279 : i32 to vector<16xi32>
      %parallel_loop3A_281 = arith.addi %parallel_loop3A_277, %parallel_loop3A_280 : vector<16xi32>
      %parallel_loop3A_282 = arith.constant 31 : i32
      %parallel_loop3A_283 = vector.broadcast %parallel_loop3A_282 : i32 to vector<16xi32>
      %parallel_loop3A_284 = arith.andi %parallel_loop3A_281, %parallel_loop3A_283 : vector<16xi32>
      %parallel_loop3A_285 = tpu.vector_load_idx %arg8[%parallel_loop3A_151, %parallel_loop3A_284] : memref<512x32xf32, #tpu.memory_space<vmem>>[vector<16xi32>, vector<16xi32>], vector<16xf32>,
      tpu.vector_store_idx %arg9[%parallel_loop3A_284, %parallel_loop3A_151], %parallel_loop3A_285 : memref<32x512xf32, #tpu.memory_space<vmem>>[vector<16xi32>, vector<16xi32>], vector<16xf32>,
      %parallel_loop3A_286 = arith.constant 1 : i32
      %parallel_loop3A_287 = vector.broadcast %parallel_loop3A_286 : i32 to vector<16xi32>
      %parallel_loop3A_288 = arith.addi %parallel_loop3A_284, %parallel_loop3A_287 : vector<16xi32>
      %parallel_loop3A_289 = arith.constant 31 : i32
      %parallel_loop3A_290 = vector.broadcast %parallel_loop3A_289 : i32 to vector<16xi32>
      %parallel_loop3A_291 = arith.andi %parallel_loop3A_288, %parallel_loop3A_290 : vector<16xi32>
      %parallel_loop3A_292 = tpu.vector_load_idx %arg8[%parallel_loop3A_151, %parallel_loop3A_291] : memref<512x32xf32, #tpu.memory_space<vmem>>[vector<16xi32>, vector<16xi32>], vector<16xf32>,
      tpu.vector_store_idx %arg9[%parallel_loop3A_291, %parallel_loop3A_151], %parallel_loop3A_292 : memref<32x512xf32, #tpu.memory_space<vmem>>[vector<16xi32>, vector<16xi32>], vector<16xf32>,
      %parallel_loop3A_293 = arith.constant 1 : i32
      %parallel_loop3A_294 = vector.broadcast %parallel_loop3A_293 : i32 to vector<16xi32>
      %parallel_loop3A_295 = arith.addi %parallel_loop3A_291, %parallel_loop3A_294 : vector<16xi32>
      %parallel_loop3A_296 = arith.constant 31 : i32
      %parallel_loop3A_297 = vector.broadcast %parallel_loop3A_296 : i32 to vector<16xi32>
      %parallel_loop3A_298 = arith.andi %parallel_loop3A_295, %parallel_loop3A_297 : vector<16xi32>
      %parallel_loop3A_299 = tpu.vector_load_idx %arg8[%parallel_loop3A_151, %parallel_loop3A_298] : memref<512x32xf32, #tpu.memory_space<vmem>>[vector<16xi32>, vector<16xi32>], vector<16xf32>,
      tpu.vector_store_idx %arg9[%parallel_loop3A_298, %parallel_loop3A_151], %parallel_loop3A_299 : memref<32x512xf32, #tpu.memory_space<vmem>>[vector<16xi32>, vector<16xi32>], vector<16xf32>,
      %parallel_loop3A_300 = arith.constant 1 : i32
      %parallel_loop3A_301 = vector.broadcast %parallel_loop3A_300 : i32 to vector<16xi32>
      %parallel_loop3A_302 = arith.addi %parallel_loop3A_298, %parallel_loop3A_301 : vector<16xi32>
      %parallel_loop3A_303 = arith.constant 31 : i32
      %parallel_loop3A_304 = vector.broadcast %parallel_loop3A_303 : i32 to vector<16xi32>
      %parallel_loop3A_305 = arith.andi %parallel_loop3A_302, %parallel_loop3A_304 : vector<16xi32>
      %parallel_loop3A_306 = tpu.vector_load_idx %arg8[%parallel_loop3A_151, %parallel_loop3A_305] : memref<512x32xf32, #tpu.memory_space<vmem>>[vector<16xi32>, vector<16xi32>], vector<16xf32>,
      tpu.vector_store_idx %arg9[%parallel_loop3A_305, %parallel_loop3A_151], %parallel_loop3A_306 : memref<32x512xf32, #tpu.memory_space<vmem>>[vector<16xi32>, vector<16xi32>], vector<16xf32>,
      %parallel_loop3A_307 = arith.constant 1 : i32
      %parallel_loop3A_308 = vector.broadcast %parallel_loop3A_307 : i32 to vector<16xi32>
      %parallel_loop3A_309 = arith.addi %parallel_loop3A_305, %parallel_loop3A_308 : vector<16xi32>
      %parallel_loop3A_310 = arith.constant 31 : i32
      %parallel_loop3A_311 = vector.broadcast %parallel_loop3A_310 : i32 to vector<16xi32>
      %parallel_loop3A_312 = arith.andi %parallel_loop3A_309, %parallel_loop3A_311 : vector<16xi32>
      %parallel_loop3A_313 = tpu.vector_load_idx %arg8[%parallel_loop3A_151, %parallel_loop3A_312] : memref<512x32xf32, #tpu.memory_space<vmem>>[vector<16xi32>, vector<16xi32>], vector<16xf32>,
      tpu.vector_store_idx %arg9[%parallel_loop3A_312, %parallel_loop3A_151], %parallel_loop3A_313 : memref<32x512xf32, #tpu.memory_space<vmem>>[vector<16xi32>, vector<16xi32>], vector<16xf32>,
      %parallel_loop3A_314 = arith.constant 1 : i32
      %parallel_loop3A_315 = vector.broadcast %parallel_loop3A_314 : i32 to vector<16xi32>
      %parallel_loop3A_316 = arith.addi %parallel_loop3A_312, %parallel_loop3A_315 : vector<16xi32>
      %parallel_loop3A_317 = arith.constant 31 : i32
      %parallel_loop3A_318 = vector.broadcast %parallel_loop3A_317 : i32 to vector<16xi32>
      %parallel_loop3A_319 = arith.andi %parallel_loop3A_316, %parallel_loop3A_318 : vector<16xi32>
      %parallel_loop3A_320 = tpu.vector_load_idx %arg8[%parallel_loop3A_151, %parallel_loop3A_319] : memref<512x32xf32, #tpu.memory_space<vmem>>[vector<16xi32>, vector<16xi32>], vector<16xf32>,
      tpu.vector_store_idx %arg9[%parallel_loop3A_319, %parallel_loop3A_151], %parallel_loop3A_320 : memref<32x512xf32, #tpu.memory_space<vmem>>[vector<16xi32>, vector<16xi32>], vector<16xf32>,
      %parallel_loop3A_321 = arith.constant 1 : i32
      %parallel_loop3A_322 = vector.broadcast %parallel_loop3A_321 : i32 to vector<16xi32>
      %parallel_loop3A_323 = arith.addi %parallel_loop3A_319, %parallel_loop3A_322 : vector<16xi32>
      %parallel_loop3A_324 = arith.constant 31 : i32
      %parallel_loop3A_325 = vector.broadcast %parallel_loop3A_324 : i32 to vector<16xi32>
      %parallel_loop3A_326 = arith.andi %parallel_loop3A_323, %parallel_loop3A_325 : vector<16xi32>
      %parallel_loop3A_327 = tpu.vector_load_idx %arg8[%parallel_loop3A_151, %parallel_loop3A_326] : memref<512x32xf32, #tpu.memory_space<vmem>>[vector<16xi32>, vector<16xi32>], vector<16xf32>,
      tpu.vector_store_idx %arg9[%parallel_loop3A_326, %parallel_loop3A_151], %parallel_loop3A_327 : memref<32x512xf32, #tpu.memory_space<vmem>>[vector<16xi32>, vector<16xi32>], vector<16xf32>,
      %parallel_loop3A_328 = arith.constant 1 : i32
      %parallel_loop3A_329 = vector.broadcast %parallel_loop3A_328 : i32 to vector<16xi32>
      %parallel_loop3A_330 = arith.addi %parallel_loop3A_326, %parallel_loop3A_329 : vector<16xi32>
      %parallel_loop3A_331 = arith.constant 31 : i32
      %parallel_loop3A_332 = vector.broadcast %parallel_loop3A_331 : i32 to vector<16xi32>
      %parallel_loop3A_333 = arith.andi %parallel_loop3A_330, %parallel_loop3A_332 : vector<16xi32>
      %parallel_loop3A_334 = tpu.vector_load_idx %arg8[%parallel_loop3A_151, %parallel_loop3A_333] : memref<512x32xf32, #tpu.memory_space<vmem>>[vector<16xi32>, vector<16xi32>], vector<16xf32>,
      tpu.vector_store_idx %arg9[%parallel_loop3A_333, %parallel_loop3A_151], %parallel_loop3A_334 : memref<32x512xf32, #tpu.memory_space<vmem>>[vector<16xi32>, vector<16xi32>], vector<16xf32>,
      %parallel_loop3A_335 = arith.constant 1 : i32
      %parallel_loop3A_336 = vector.broadcast %parallel_loop3A_335 : i32 to vector<16xi32>
      %parallel_loop3A_337 = arith.addi %parallel_loop3A_333, %parallel_loop3A_336 : vector<16xi32>
      %parallel_loop3A_338 = arith.constant 31 : i32
      %parallel_loop3A_339 = vector.broadcast %parallel_loop3A_338 : i32 to vector<16xi32>
      %parallel_loop3A_340 = arith.andi %parallel_loop3A_337, %parallel_loop3A_339 : vector<16xi32>
      %parallel_loop3A_341 = tpu.vector_load_idx %arg8[%parallel_loop3A_151, %parallel_loop3A_340] : memref<512x32xf32, #tpu.memory_space<vmem>>[vector<16xi32>, vector<16xi32>], vector<16xf32>,
      tpu.vector_store_idx %arg9[%parallel_loop3A_340, %parallel_loop3A_151], %parallel_loop3A_341 : memref<32x512xf32, #tpu.memory_space<vmem>>[vector<16xi32>, vector<16xi32>], vector<16xf32>,
      %parallel_loop3A_342 = arith.constant 1 : i32
      %parallel_loop3A_343 = vector.broadcast %parallel_loop3A_342 : i32 to vector<16xi32>
      %parallel_loop3A_344 = arith.addi %parallel_loop3A_340, %parallel_loop3A_343 : vector<16xi32>
      %parallel_loop3A_345 = arith.constant 31 : i32
      %parallel_loop3A_346 = vector.broadcast %parallel_loop3A_345 : i32 to vector<16xi32>
      %parallel_loop3A_347 = arith.andi %parallel_loop3A_344, %parallel_loop3A_346 : vector<16xi32>
      %parallel_loop3A_348 = tpu.vector_load_idx %arg8[%parallel_loop3A_151, %parallel_loop3A_347] : memref<512x32xf32, #tpu.memory_space<vmem>>[vector<16xi32>, vector<16xi32>], vector<16xf32>,
      tpu.vector_store_idx %arg9[%parallel_loop3A_347, %parallel_loop3A_151], %parallel_loop3A_348 : memref<32x512xf32, #tpu.memory_space<vmem>>[vector<16xi32>, vector<16xi32>], vector<16xf32>,
      %parallel_loop3A_349 = arith.constant 1 : i32
      %parallel_loop3A_350 = vector.broadcast %parallel_loop3A_349 : i32 to vector<16xi32>
      %parallel_loop3A_351 = arith.addi %parallel_loop3A_347, %parallel_loop3A_350 : vector<16xi32>
      %parallel_loop3A_352 = arith.constant 31 : i32
      %parallel_loop3A_353 = vector.broadcast %parallel_loop3A_352 : i32 to vector<16xi32>
      %parallel_loop3A_354 = arith.andi %parallel_loop3A_351, %parallel_loop3A_353 : vector<16xi32>
      %parallel_loop3A_355 = tpu.vector_load_idx %arg8[%parallel_loop3A_151, %parallel_loop3A_354] : memref<512x32xf32, #tpu.memory_space<vmem>>[vector<16xi32>, vector<16xi32>], vector<16xf32>,
      tpu.vector_store_idx %arg9[%parallel_loop3A_354, %parallel_loop3A_151], %parallel_loop3A_355 : memref<32x512xf32, #tpu.memory_space<vmem>>[vector<16xi32>, vector<16xi32>], vector<16xf32>,
      %parallel_loop3A_356 = arith.constant 1 : i32
      %parallel_loop3A_357 = vector.broadcast %parallel_loop3A_356 : i32 to vector<16xi32>
      %parallel_loop3A_358 = arith.addi %parallel_loop3A_354, %parallel_loop3A_357 : vector<16xi32>
      %parallel_loop3A_359 = arith.constant 31 : i32
      %parallel_loop3A_360 = vector.broadcast %parallel_loop3A_359 : i32 to vector<16xi32>
      %parallel_loop3A_361 = arith.andi %parallel_loop3A_358, %parallel_loop3A_360 : vector<16xi32>
      %parallel_loop3A_362 = tpu.vector_load_idx %arg8[%parallel_loop3A_151, %parallel_loop3A_361] : memref<512x32xf32, #tpu.memory_space<vmem>>[vector<16xi32>, vector<16xi32>], vector<16xf32>,
      tpu.vector_store_idx %arg9[%parallel_loop3A_361, %parallel_loop3A_151], %parallel_loop3A_362 : memref<32x512xf32, #tpu.memory_space<vmem>>[vector<16xi32>, vector<16xi32>], vector<16xf32>,
      %parallel_loop3A_363 = arith.constant 1 : i32
      %parallel_loop3A_364 = vector.broadcast %parallel_loop3A_363 : i32 to vector<16xi32>
      %parallel_loop3A_365 = arith.addi %parallel_loop3A_361, %parallel_loop3A_364 : vector<16xi32>
      %parallel_loop3A_366 = arith.constant 31 : i32
      %parallel_loop3A_367 = vector.broadcast %parallel_loop3A_366 : i32 to vector<16xi32>
      %parallel_loop3A_368 = arith.andi %parallel_loop3A_365, %parallel_loop3A_367 : vector<16xi32>
      %parallel_loop3A_369 = tpu.vector_load_idx %arg8[%parallel_loop3A_151, %parallel_loop3A_368] : memref<512x32xf32, #tpu.memory_space<vmem>>[vector<16xi32>, vector<16xi32>], vector<16xf32>,
      tpu.vector_store_idx %arg9[%parallel_loop3A_368, %parallel_loop3A_151], %parallel_loop3A_369 : memref<32x512xf32, #tpu.memory_space<vmem>>[vector<16xi32>, vector<16xi32>], vector<16xf32>,
      %parallel_loop3A_370 = arith.constant 1 : i32
      %parallel_loop3A_371 = vector.broadcast %parallel_loop3A_370 : i32 to vector<16xi32>
      %parallel_loop3A_372 = arith.addi %parallel_loop3A_368, %parallel_loop3A_371 : vector<16xi32>
      %parallel_loop3A_373 = arith.constant 31 : i32
      %parallel_loop3A_374 = vector.broadcast %parallel_loop3A_373 : i32 to vector<16xi32>
      %parallel_loop3A_375 = arith.andi %parallel_loop3A_372, %parallel_loop3A_374 : vector<16xi32>
    } {sc.loop_unroll_factor = 4 : i64, sc.parallel_access}
    %run_scoped3A_146 = arith.constant 49 : i32
    "tpu.region"() ({
      %run_scoped3A_147 = tpu.sem_alloc : memref<!tpu.dma_semaphore, #tpu.memory_space<semaphore_mem>>
      %dma_start3A_148 = arith.constant 0 : i32
      %dma_start3A_149 = tpu.memref_slice %arg4[%run_scoped3A_146, %dma_start3A_148, %mul3A_2] : memref<50x32x16384xf32, #tpu.memory_space<hbm>> -> memref<1x32x512xf32, #tpu.memory_space<hbm>>
      %dma_start3A_150 = tpu.memref_squeeze %dma_start3A_149 : memref<1x32x512xf32, #tpu.memory_space<hbm>> -> memref<32x512xf32, #tpu.memory_space<hbm>>
      %dma_start3A_151 = arith.constant 0 : i32
      %dma_start3A_152 = tpu.memref_slice %arg4[%run_scoped3A_146, %dma_start3A_151, %mul3A_2] : memref<50x32x16384xf32, #tpu.memory_space<hbm>> -> memref<1x32x512xf32, #tpu.memory_space<hbm>>
      %dma_start3A_153 = tpu.memref_squeeze %dma_start3A_152 : memref<1x32x512xf32, #tpu.memory_space<hbm>> -> memref<32x512xf32, #tpu.memory_space<hbm>>
      tpu.enqueue_dma source(%arg9 : memref<32x512xf32, #tpu.memory_space<vmem>>) target(%dma_start3A_153 : memref<32x512xf32, #tpu.memory_space<hbm>>) target_semaphore(%run_scoped3A_147 : memref<!tpu.dma_semaphore, #tpu.memory_space<semaphore_mem>>)
      %dma_wait3A_154 = arith.constant 0 : i32
      %dma_wait3A_155 = tpu.memref_slice %arg4[%run_scoped3A_146, %dma_wait3A_154, %mul3A_2] : memref<50x32x16384xf32, #tpu.memory_space<hbm>> -> memref<1x32x512xf32, #tpu.memory_space<hbm>>
      %dma_wait3A_156 = tpu.memref_squeeze %dma_wait3A_155 : memref<1x32x512xf32, #tpu.memory_space<hbm>> -> memref<32x512xf32, #tpu.memory_space<hbm>>
      %dma_wait3A_157 = arith.constant 0 : i32
      %dma_wait3A_158 = tpu.memref_slice %arg4[%run_scoped3A_146, %dma_wait3A_157, %mul3A_2] : memref<50x32x16384xf32, #tpu.memory_space<hbm>> -> memref<1x32x512xf32, #tpu.memory_space<hbm>>
      %dma_wait3A_159 = tpu.memref_squeeze %dma_wait3A_158 : memref<1x32x512xf32, #tpu.memory_space<hbm>> -> memref<32x512xf32, #tpu.memory_space<hbm>>
      tpu.wait_dma2 semaphore(%run_scoped3A_147 : memref<!tpu.dma_semaphore, #tpu.memory_space<semaphore_mem>>) src(%arg9 : memref<32x512xf32, #tpu.memory_space<vmem>>) dst(%dma_wait3A_159 : memref<32x512xf32, #tpu.memory_space<hbm>>)
      tpu.yield
    }) : () -> ()
    return
  }
}

</mosaic_0001>

<sc_bundles>
// kernel: kernel.3.cloned.1.call-start
scs
__scs_entry_jumppad:
0x0: {  	(pc) =	sbr.rel $0x88, $3  }
0x1: {  	(tag) =	ssettag $0x0;
	lr =	simm.s32 $0x1  }
0x2: {  	[smem:$0x3F9F] =	sst lr;
	_ =	strace $0xD0000000  }
0x3: {  	_ = 	snop  }
0x4: {  	_ = 	snop  }
0x5: {  	_ = 	snop  }
0x6: {  	_ = 	snop  }
0x7: {  	_ = 	snop  }
__scs_overlays_trampoline_lowered:
0x8: {  	[smem:$0x3FAE] =	sst s0  }
0x9: {  	[smem:$0x3FAF] =	sst s1  }
0xa: {  	[smem:$0x3FB0] =	sst s2  }
0xb: {  	[smem:$0x3FB1] =	sst s3  }
0xc: {  	[smem:$0x3FB2] =	sst s4  }
0xd: {  	[smem:$0x3FB3] =	sst s5  }
0xe: {  	[smem:$0x3FB4] =	sst s6  }
0xf: {  	[smem:$0x3FB5] =	sst s7  }
0x10: {  	[smem:$0x3FB6] =	sst s8  }
0x11: {  	[smem:$0x3FB7] =	sst s9;
	s0 =	simm.s32 @!p0 $0x0  }
0x12: {  	s1 =	sld [smem:$0x3F9D];
	s0 =	simm.s32 @p0 $0x1  }
0x13: {  	[smem:$0x3FB8] =	sst s0;
	s0 =	simm.s32 @!p1 $0x0  }
0x14: {  	s2 =	sld [smem:$0x3F9C];
	s0 =	simm.s32 @p1 $0x1  }
0x15: {  	[smem:$0x3FB9] =	sst s0;
	s0 =	simm.s32 @!p2 $0x0  }
0x16: {  	s3 =	sld [smem:$0x3FDB];
	s0 =	simm.s32 @p2 $0x1  }
0x17: {  	s4 =	simm.s32 $0x1BF5;
	[smem:$0x3FBB] =	sst s0  }
0x18: {  	s0 =	sld [smem:$0x3F9E];
	_ =	swait.ge [sflag:s4], $0x0  }
0x19: {  	s7 =	sld [smem:$0x3F9F]  }
0x1a: {  	s8 =	sadd.s32 $0xFFFFE003, lr  }
0x1b: {  	s9 =	sadd.s32 $0xFFFFFEF7, lr;
	s5 =	simm.s32 $0xFFFFFFFF;
	p2 =	slt.u32 s8, $0xFFFFF086  }
0x1c: {  	p1 =	slt.u32 s9, $0xF7A;
	s5 =	simm.s32 @!p2 $0x0  }
0x1d: {  	s5 =	simm.s32 @p1 $0x1;
	p0 =	seq.s32 s7, s2  }
0x1e: {  	s7 =	smul.u32 @!p0 $0xF7A, s2;
	p2 =	seq.s32 @!p0 s5, $0x0  }
0x1f: {  	s9 =	smul.u32 $0xF7A, s1;
	s8 =	simm.s32 @!p0 $0x1BF5;
	p2 =	por !p2, p0  }
0x20: {  	[sflag:s8] =	ssyncset.s32 @!p0 $0xFFFFF086;
	s6 =	sadd.s32 @!p0 s3, s7;
	s7 =	simm.s32 @!p0 $0x108  }
0x21: {  	s3 =	sadd.s32 s3, s9;
	s6 =	sadd.s32 @!p0 $0x88, s6;
	s7 =	simm.s32 @p2 $0x1082  }
0x22: {  	[simem:s7], [sflag:s8] =	dma.local @!p0 [hbm:s6], $0xF7A  }
0x23: {  	s9 =	sor.u32 $0xD0000000, s2;
	s6 =	simm.s32 $0x108;
	_ =	swait.ge @!p0 [sflag:s8], $0x0  }
0x24: {  	s3 =	sadd.s32 $0x88, s3;
	s6 =	simm.s32 @!p1 $0x1082;
	[sflag:s4] =	ssyncset.s32 $0xFFFFF086  }
0x25: {  	[simem:s6], [sflag:s4] =	dma.local [hbm:s3], $0xF7A  }
0x26: {  	[smem:$0x3F9F] =	sst s1;
	(tag) =	ssettag s2;
	_ =	strace s9  }
0x27: {  	s1 =	sld [smem:$0x3FAF]  }
0x28: {  	s2 =	sld [smem:$0x3FB0]  }
0x29: {  	s4 =	sld [smem:$0x3FB2]  }
0x2a: {  	p0 =	seq.s32 s5, $0x0;
	s5 =	sld [smem:$0x3FB3]  }
0x2b: {  	s6 =	sld [smem:$0x3FB4]  }
0x2c: {  	s7 =	sld [smem:$0x3FB5]  }
0x2d: {  	s3 =	simm.s32 $0x108;
	s8 =	sld [smem:$0x3FB6]  }
0x2e: {  	s3 =	simm.s32 @!p0 $0x1082;
	s9 =	sld [smem:$0x3FB7]  }
0x2f: {  	lr =	sadd.s32 s0, s3;
	s0 =	sld [smem:$0x3FAE]  }
0x30: {  	s3 =	sld [smem:$0x3FB1]  }
0x31: {  	[smem:$0x3FBA] =	sst s10  }
0x32: {  	s10 =	sld [smem:$0x3FB8];
	_ =	sdelay $0x3  }
0x33: {  	p0 =	seq.s32 s10, $0x1;
	s10 =	sld [smem:$0x3FBA];
	_ =	sdelay $0x3  }
0x34: {  	[smem:$0x3FBA] =	sst s10  }
0x35: {  	s10 =	sld [smem:$0x3FB9];
	_ =	sdelay $0x3  }
0x36: {  	p1 =	seq.s32 s10, $0x1;
	s10 =	sld [smem:$0x3FBA];
	_ =	sdelay $0x3  }
0x37: {  	[smem:$0x3FBA] =	sst s10  }
0x38: {  	s10 =	sld [smem:$0x3FBB]  }
0x39: {  	_ = 	snop;
	(pc) =	sbr.ind lr, $3  }
0x3a: {  	_ = 	snop  }
0x3b: {  	_ = 	snop  }
0x3c: {  	p2 =	seq.s32 s10, $0x1;
	s10 =	sld [smem:$0x3FBA]  }
0x3d: {  	_ =	shalt  }
0x3e: {  	_ =	shalt  }
0x3f: {  	_ =	shalt  }
0x40: {  	_ =	shalt  }
0x41: {  	_ =	shalt  }
0x42: {  	_ =	shalt  }
0x43: {  	_ =	shalt  }
0x44: {  	_ =	shalt  }
0x45: {  	_ =	shalt  }
0x46: {  	_ =	shalt  }
0x47: {  	_ =	shalt  }
0x48: {  	_ =	shalt  }
0x49: {  	_ =	shalt  }
0x4a: {  	_ =	shalt  }
0x4b: {  	_ =	shalt  }
0x4c: {  	_ =	shalt  }
0x4d: {  	_ =	shalt  }
0x4e: {  	_ =	shalt  }
0x4f: {  	_ =	shalt  }
0x50: {  	_ =	shalt  }
0x51: {  	_ =	shalt  }
0x52: {  	_ =	shalt  }
0x53: {  	_ =	shalt  }
0x54: {  	_ =	shalt  }
0x55: {  	_ =	shalt  }
0x56: {  	_ =	shalt  }
0x57: {  	_ =	shalt  }
0x58: {  	_ =	shalt  }
0x59: {  	_ =	shalt  }
0x5a: {  	_ =	shalt  }
0x5b: {  	_ =	shalt  }
0x5c: {  	_ =	shalt  }
0x5d: {  	_ =	shalt  }
0x5e: {  	_ =	shalt  }
0x5f: {  	_ =	shalt  }
0x60: {  	_ =	shalt  }
0x61: {  	_ =	shalt  }
0x62: {  	_ =	shalt  }
0x63: {  	_ =	shalt  }
0x64: {  	_ =	shalt  }
0x65: {  	_ =	shalt  }
0x66: {  	_ =	shalt  }
0x67: {  	_ =	shalt  }
0x68: {  	_ =	shalt  }
0x69: {  	_ =	shalt  }
0x6a: {  	_ =	shalt  }
0x6b: {  	_ =	shalt  }
0x6c: {  	_ =	shalt  }
0x6d: {  	_ =	shalt  }
0x6e: {  	_ =	shalt  }
0x6f: {  	_ =	shalt  }
0x70: {  	_ =	shalt  }
0x71: {  	_ =	shalt  }
0x72: {  	_ =	shalt  }
0x73: {  	_ =	shalt  }
0x74: {  	_ =	shalt  }
0x75: {  	_ =	shalt  }
0x76: {  	_ =	shalt  }
0x77: {  	_ =	shalt  }
0x78: {  	_ =	shalt  }
0x79: {  	_ =	shalt  }
0x7a: {  	_ =	shalt  }
0x7b: {  	_ =	shalt  }
0x7c: {  	_ =	shalt  }
0x7d: {  	_ =	shalt  }
0x7e: {  	_ =	shalt  }
0x7f: {  	_ =	shalt  }
0x80: {  	_ =	shalt  }
0x81: {  	_ =	shalt  }
0x82: {  	_ =	shalt  }
0x83: {  	_ =	shalt  }
0x84: {  	_ =	shalt  }
0x85: {  	_ =	shalt  }
0x86: {  	_ =	shalt  }
0x87: {  	_ =	shalt  }
.Lfunc_end0:
.L_simem_size_0:
called_computation_lowered:
.L_overlay_start_0:
0x88: {  	s2 =	sld [smem:$0x3FD9]  }
0x89: {  	s3 =	sld [smem:$0x3FFE];
	_ =	sdelay $0x1  }
0x8a: {  	s1 =	srdreg.scid  }
0x8b: {  	s0 =	sand.u32 $0x1, s1  }
0x8c: {  	s17 =	sshll.u32 s0, $0xA;
	s2 =	sadd.s32 s3, s2  }
0x8d: {  	s2 =	sadd.s32 s2, s17  }
0x8e: {  	[smem:$0x3FC6] =	sst s2  }
0x8f: {  	_ = 	snop  }
0x90: {  	s2 =	sld [smem:$0x3FD0];
	(tm) =	ssettm $0x1  }
0x91: {  	s18 =	sld [smem:$0x3FFB];
	_ =	sdelay $0x3  }
0x92: {  	_ =	strace s18  }
0x93: {  	s3 =	sld [smem:$0x3FFC];
	_ =	sdelay $0x3  }
0x94: {  	_ =	strace s3  }
0x95: {  	s3 =	sld [smem:$0x3FFD];
	_ =	sdelay $0x3  }
0x96: {  	_ =	strace s3  }
0x97: {  	_ =	strace $0x8FFFFFFF  }
0x98: {  	s19 =	sld [smem:$0x3FDB];
	_ =	sdelay $0x1  }
0x99: {  	s4 =	simm.s32 $_scs_section_size  }
0x9a: {  	s5 =	simm.s32 $_size__tile_overlayer_lowered;
	s6 =	simm.s32 $_tile_overlayer_lowered  }
0x9b: {  	s22 =	simm.s32 $0x1BFF;
	s21 =	sshll.u32 s6, $0x1;
	s3 =	sadd.s32 s4, s19  }
0x9c: {  	s7 =	simm.s32 $0x0;
	s20 =	sshll.u32 s5, $0x1;
	s5 =	sadd.s32 s21, s3  }
0x9d: {  	[timem:s7], [sflag:s22] =	dma.local [hbm:s5], s20  }
0x9e: {  	_ =	swait.ge [sflag:s22], s20  }
0x9f: {  	s4 =	ssub.s32 $0x0, s20;
	[sflag:s22] =	ssyncset.done $0x0  }
0xa0: {  	[sflag:s22] =	ssyncadd.s32 s4;
	_ =	sdelay $0x1  }
0xa1: {  	s23 =	simm.s32 $0x1B8B  }
0xa2: {  	_ =	swait.ge [sflag:s23], $0x1  }
0xa3: {  	[sflag:s23] =	ssyncset.done $0x0  }
0xa4: {  	s25 =	simm.s32 $0x1B8E;
	s24 =	sld [smem:$0x3FFE];
	[sflag:s23] =	ssyncadd.s32 $0xFFFFFFFF  }
0xa5: {  	s26 =	simm.s32 $execute0_lowered;
	[smem:$0x3FD2] =	sst s25  }
0xa6: {  	s5 =	sshll.u32 s26, $0x1;
	_ =	strace $0x80000046;
	[dreg:$0x1] =	wrdreg $0xFFFFFFFF  }
0xa7: {  	s28 =	simm.s32 $_size_execute0_lowered;
	s3 =	sadd.s32 s3, s5;
	[dreg:$0x0] =	wrdreg $0x0  }
0xa8: {  	s5 =	sshll.u32 s28, $0x1;
	[dreg:$0x2] =	wrdreg s3  }
0xa9: {  	[dreg:$0x3] =	wrdreg s5  }
0xaa: {  	[dreg:$0x4] =	wrdreg $0xC0  }
0xab: {  	_ =	task [dreg:s7], $0x5FFFF  }
0xac: {  	[dreg:$0x1] =	wrdreg $0xFFFFFFFF  }
0xad: {  	[dreg:$0x0] =	wrdreg $0x60  }
0xae: {  	[dreg:$0x2] =	wrdreg s24  }
0xaf: {  	[dreg:$0x3] =	wrdreg s2  }
0xb0: {  	[dreg:$0x4] =	wrdreg $0x9  }
0xb1: {  	_ =	task.clear_ibuf [dreg:s7], $0x5FFFF;
	_ =	strace $0x90000046  }
0xb2: {  	s29 =	simm.s32 $0x9;
	_ =	strace $0x80000048  }
0xb3: {  	_ =	swait.ge [sflag:s29], $0x1  }
0xb4: {  	[sflag:s29] =	ssyncadd.s32 $0xFFFFFFFF  }
0xb5: {  	_ =	strace $0x90000048  }
0xb6: {  	_ =	sfence  }
0xb7: {  	s30 =	sld [smem:$0x0];
	_ =	sdelay $0x2  }
0xb8: {  	s31 =	sshll.u32 s1, $0xD;
	s1 =	sshrl.u32 s1, $0x2  }
0xb9: {  	s3 =	sand.u32 $0x4000, s31;
	s1 =	sadd.s32 s1, s30  }
0xba: {  	s0 =	sor.u32 s3, s0;
	s1 =	sshll.u32 s1, $0x11  }
0xbb: {  	s0 =	sor.u32 s1, s0  }
0xbc: {  	s0 =	sadd.s32 $0x8F2B, s0  }
0xbd: {  	[sflag:s0] =	ssyncadd.remote.s32 $0x1  }
0xbe: {  	_ =	sfence.sel $0xFFFF  }
0xbf: {  	[dreg:$0x0] =	wrdreg $0xFFFFFFFF;
	(pc) =	sbr.abs _section_cstart, $3  }
0xc0: {  	[dreg:$0x1] =	wrdreg $0xFFFFFFFF  }
0xc1: {  	_ =	task.clear_ibuf [dreg:s7], $0x2FFFF;
	_ =	strace $0x9FFFFFFF  }
0xc2: {  	(tm) =	ssettm $0x7FFFFFFF  }
0xc3: {  	_ =	shalt  }
tec
execute0_lowered:
.L_overlay_start_1:
0x0: {  	(tag) =	ssettag $0x1  }
0x1: {  	v0 =	vimm.s32 $0x14131211;
	v1 =	vimm.s32 $0x18171615  }
0x2: {  	v48 =	vimm.s32 $0x1C1B1A19;
	v49 =	vimm.s32 $0x1F1E1D;
	v2 =	vimm.s32 $0x15141312  }
0x3: {  	v51 =	vimm.s32 $0x19181716;
	v52 =	vimm.s32 $0x1D1C1B1A;
	v3 =	vimm.s32 $0x1001F1E  }
0x4: {  	vm0 =	vcmask $0x1F10;
	v4 =	vimm.s32 $0x16151413;
	v5 =	vimm.s32 $0x1A191817  }
0x5: {  	v53 =	vimm.s32 $0x1E1D1C1B;
	v54 =	vimm.s32 $0x201001F;
	v9 =	vimm.s32 $0x3020100  }
0x6: {  	v55 =	vimm.s32 $0x1F1E1D1C;
	v56 =	vimm.s32 $0x17161514;
	v10 =	vimm.s32 $0x1B1A1918  }
0x7: {  	v57 =	vimm.s32 $0x4030201;
	v13 =	vimm.s32 $0x5040302;
	v14 =	vimm.s32 $0x6050403  }
0x8: {  	v23 =	vimm.s32 $0x32107654;
	vm12 =	vcmask $0x2F10;
	vm1 =	vcmask $0x3F30  }
0x9: {  	vm13 =	vcmask $0x300;
	v25 =	vimm.s32 $0x3207;
	v26 =	vimm.s32 $0x3407  }
0xa: {  	v27 =	vimm.s32 $0x3607;
	v28 =	vimm.s32 $0x3807;
	v29 =	vimm.s32 $0x3A07  }
0xb: {  	v30 =	vimm.s32 $0x3C07;
	v31 =	vimm.s32 $0x3E07;
	v32 =	vimm.s32 $0x7  }
0xc: {  	v33 =	vimm.s32 $0x207;
	v34 =	vimm.s32 $0x407;
	v35 =	vimm.s32 $0x607  }
0xd: {  	v36 =	vimm.s32 $0x807;
	v37 =	vimm.s32 $0xA07;
	v38 =	vimm.s32 $0xC07  }
0xe: {  	v39 =	vimm.s32 $0xE07;
	v40 =	vimm.s32 $0x1007;
	v41 =	vimm.s32 $0x1207  }
0xf: {  	v42 =	vimm.s32 $0x1407;
	v43 =	vimm.s32 $0x1607;
	v44 =	vimm.s32 $0x1807  }
0x10: {  	v45 =	vimm.s32 $0x1A07;
	v46 =	vimm.s32 $0x1C07;
	vm14 =	vcmask $0x704  }
0x11: {  	vm15 =	vcmask $0xB08;
	vm4 =	vcmask $0xF0C;
	vm5 =	vcmask $0x1310  }
0x12: {  	vm6 =	vcmask $0x1714;
	vm7 =	vcmask $0x1B18;
	vm8 =	vcmask $0x1F1C  }
0x13: {  	vm9 =	vcmask $0x2320;
	vm10 =	vcmask $0x2724;
	vm11 =	vcmask $0x2B28  }
0x14: {  	v0 =	vunpack.c.0.s8.s32 v0;
	v6 =	vunpack.c.0.s8.s32 v1;
	v7 =	vunpack.c.0.s8.s32 v48  }
0x15: {  	v15 =	vunpack.c.0.s8.s32 v49;
	v50 =	vunpack.c.0.s8.s32 v2;
	v8 =	vunpack.c.0.s8.s32 v51  }
0x16: {  	v12 =	vunpack.c.0.s8.s32 v52;
	v16 =	vunpack.c.0.s8.s32 v3;
	v4 =	vunpack.c.0.s8.s32 v4  }
0x17: {  	v17 =	vunpack.c.0.s8.s32 v5;
	v18 =	vunpack.c.0.s8.s32 v53;
	v19 =	vunpack.c.0.s8.s32 v54  }
0x18: {  	v9 =	vunpack.c.0.s8.s32 v9;
	v20 =	vunpack.c.0.s8.s32 v55;
	v11 =	vunpack.c.0.s8.s32 v56  }
0x19: {  	v21 =	vunpack.c.0.s8.s32 v10;
	v10 =	vunpack.c.0.s8.s32 v57;
	v22 =	vunpack.c.0.s8.s32 v13  }
0x1a: {  	v24 =	vunpack.c.0.s8.s32 v14;
	v23 =	vunpack.c.l.s4.s8 v23;
	v25 =	vsel vm13, $0x1400, v25  }
0x1b: {  	v26 =	vsel vm13, $0x1600, v26;
	v27 =	vsel vm13, $0x1800, v27;
	v28 =	vsel vm13, $0x1A00, v28  }
0x1c: {  	v29 =	vsel vm13, $0x1C00, v29;
	v30 =	vsel vm13, $0x1E00, v30;
	v31 =	vsel vm13, $0x2000, v31  }
0x1d: {  	v32 =	vsel vm13, $0x2200, v32;
	v33 =	vsel vm13, $0x2400, v33;
	v34 =	vsel vm13, $0x2600, v34  }
0x1e: {  	v35 =	vsel vm13, $0x2800, v35;
	v36 =	vsel vm13, $0x2A00, v36;
	v37 =	vsel vm13, $0x2C00, v37  }
0x1f: {  	v38 =	vsel vm13, $0x2E00, v38;
	v39 =	vsel vm13, $0x3000, v39;
	v40 =	vsel vm13, $0x3200, v40  }
0x20: {  	v41 =	vsel vm13, $0x3400, v41;
	v42 =	vsel vm13, $0x3600, v42;
	v43 =	vsel vm13, $0x3800, v43  }
0x21: {  	v44 =	vsel vm13, $0x3A00, v44;
	v45 =	vsel vm13, $0x3C00, v45;
	v46 =	vsel vm13, $0x3E00, v46  }
0x22: {  	v56 =	vimm.s32 $0x98765432;
	v25 =	vsel vm14, $0x1601, v25;
	v26 =	vsel vm14, $0x1801, v26  }
0x23: {  	v27 =	vsel vm14, $0x1A01, v27;
	v28 =	vsel vm14, $0x1C01, v28;
	v29 =	vsel vm14, $0x1E01, v29  }
0x24: {  	v30 =	vsel vm14, $0x2001, v30;
	v31 =	vsel vm14, $0x2201, v31;
	v32 =	vsel vm14, $0x2401, v32  }
0x25: {  	v33 =	vsel vm14, $0x2601, v33;
	v34 =	vsel vm14, $0x2801, v34;
	v35 =	vsel vm14, $0x2A01, v35  }
0x26: {  	v36 =	vsel vm14, $0x2C01, v36;
	v37 =	vsel vm14, $0x2E01, v37;
	v38 =	vsel vm14, $0x3001, v38  }
0x27: {  	v39 =	vsel vm14, $0x3201, v39;
	v40 =	vsel vm14, $0x3401, v40;
	v41 =	vsel vm14, $0x3601, v41  }
0x28: {  	v42 =	vsel vm14, $0x3801, v42;
	v43 =	vsel vm14, $0x3A01, v43;
	v44 =	vsel vm14, $0x3C01, v44  }
0x29: {  	v45 =	vsel vm14, $0x3E01, v45;
	v46 =	vsel vm14, $0x1, v46;
	v3 =	vsel vm0, v6, v0  }
0x2a: {  	v2 =	vsel vm0, v15, v7;
	v0 =	vsel vm0, v8, v50;
	v1 =	vsel vm0, v16, v12  }
0x2b: {  	v4 =	vsel vm0, v17, v4;
	v5 =	vsel vm0, v19, v18;
	v9 =	vsel vm0, v9, v20  }
0x2c: {  	v11 =	vsel vm0, v21, v11;
	v13 =	vsel vm0, v10, v15;
	v14 =	vsel vm0, v7, v6  }
0x2d: {  	v10 =	vsel vm0, v22, v16;
	v12 =	vsel vm0, v12, v8;
	v7 =	vsel vm0, v24, v19  }
0x2e: {  	v22 =	vunpack.c.0.s8.s32 v23;
	v23 =	vimm.s32 $0x43218765;
	v8 =	vsel vm0, v18, v17  }
0x2f: {  	v6 =	vsel vm0, v20, v21;
	v21 =	vimm.s32 $0x54329876;
	v24 =	vimm.s32 $0x3007  }
0x30: {  	v25 =	vsel vm15, $0x1802, v25;
	v26 =	vsel vm15, $0x1A02, v26;
	v27 =	vsel vm15, $0x1C02, v27  }
0x31: {  	v28 =	vsel vm15, $0x1E02, v28;
	v29 =	vsel vm15, $0x2002, v29;
	v30 =	vsel vm15, $0x2202, v30  }
0x32: {  	v31 =	vsel vm15, $0x2402, v31;
	v32 =	vsel vm15, $0x2602, v32;
	v33 =	vsel vm15, $0x2802, v33  }
0x33: {  	v34 =	vsel vm15, $0x2A02, v34;
	v35 =	vsel vm15, $0x2C02, v35;
	v36 =	vsel vm15, $0x2E02, v36  }
0x34: {  	v37 =	vsel vm15, $0x3002, v37;
	v38 =	vsel vm15, $0x3202, v38;
	v39 =	vsel vm15, $0x3402, v39  }
0x35: {  	v40 =	vsel vm15, $0x3602, v40;
	v41 =	vsel vm15, $0x3802, v41;
	v42 =	vsel vm15, $0x3A02, v42  }
0x36: {  	v43 =	vsel vm15, $0x3C02, v43;
	v44 =	vsel vm15, $0x3E02, v44;
	v45 =	vsel vm15, $0x2, v45  }
0x37: {  	v46 =	vsel vm15, $0x202, v46;
	v17 =	vunpack.c.l.s4.s8 v23;
	v21 =	vunpack.c.l.s4.s8 v21  }
0x38: {  	v23 =	vimm.s32 $0xE0D0C0B;
	v24 =	vsel vm13, $0x1200, v24;
	v25 =	vsel vm4, $0x1A03, v25  }
0x39: {  	v26 =	vsel vm4, $0x1C03, v26;
	v27 =	vsel vm4, $0x1E03, v27;
	v28 =	vsel vm4, $0x2003, v28  }
0x3a: {  	v29 =	vsel vm4, $0x2203, v29;
	v30 =	vsel vm4, $0x2403, v30;
	v31 =	vsel vm4, $0x2603, v31  }
0x3b: {  	v32 =	vsel vm4, $0x2803, v32;
	v33 =	vsel vm4, $0x2A03, v33;
	v34 =	vsel vm4, $0x2C03, v34  }
0x3c: {  	v35 =	vsel vm4, $0x2E03, v35;
	v36 =	vsel vm4, $0x3003, v36;
	v37 =	vsel vm4, $0x3203, v37  }
0x3d: {  	v38 =	vsel vm4, $0x3403, v38;
	v39 =	vsel vm4, $0x3603, v39;
	v40 =	vsel vm4, $0x3803, v40  }
0x3e: {  	v41 =	vsel vm4, $0x3A03, v41;
	v42 =	vsel vm4, $0x3C03, v42;
	v43 =	vsel vm4, $0x3E03, v43  }
0x3f: {  	v44 =	vsel vm4, $0x3, v44;
	v45 =	vsel vm4, $0x203, v45;
	v46 =	vsel vm4, $0x403, v46  }
0x40: {  	v9 =	vcombine.low v11, v9;
	v10 =	vcombine.low v12, v10;
	v11 =	vunpack.c.l.s4.s8 v56  }
0x41: {  	v7 =	vcombine.low v8, v7;
	v18 =	vand.u32 $0xF, v22;
	v22 =	vimm.s32 $0xB0A0908  }
0x42: {  	v23 =	vunpack.c.0.s8.s32 v23;
	v24 =	vsel vm14, $0x1401, v24;
	v25 =	vsel vm5, $0x1C04, v25  }
0x43: {  	v26 =	vsel vm5, $0x1E04, v26;
	v27 =	vsel vm5, $0x2004, v27;
	v28 =	vsel vm5, $0x2204, v28  }
0x44: {  	v29 =	vsel vm5, $0x2404, v29;
	v30 =	vsel vm5, $0x2604, v30;
	v31 =	vsel vm5, $0x2804, v31  }
0x45: {  	v32 =	vsel vm5, $0x2A04, v32;
	v33 =	vsel vm5, $0x2C04, v33;
	v34 =	vsel vm5, $0x2E04, v34  }
0x46: {  	v35 =	vsel vm5, $0x3004, v35;
	v36 =	vsel vm5, $0x3204, v36;
	v37 =	vsel vm5, $0x3404, v37  }
0x47: {  	v38 =	vsel vm5, $0x3604, v38;
	v39 =	vsel vm5, $0x3804, v39;
	v40 =	vsel vm5, $0x3A04, v40  }
0x48: {  	v41 =	vsel vm5, $0x3C04, v41;
	v42 =	vsel vm5, $0x3E04, v42;
	v43 =	vsel vm5, $0x4, v43  }
0x49: {  	v44 =	vsel vm5, $0x204, v44;
	v45 =	vsel vm5, $0x404, v45;
	v46 =	vsel vm5, $0x604, v46  }
0x4a: {  	v17 =	vunpack.c.0.s8.s32 v17;
	v18 =	vsel vm12, v18, v20;
	v20 =	vunpack.c.0.s8.s32 v22  }
0x4b: {  	v22 =	vimm.s32 $0x6543A987;
	v21 =	vunpack.c.0.s8.s32 v21;
	v24 =	vsel vm15, $0x1602, v24  }
0x4c: {  	v25 =	vsel vm6, $0x1E05, v25;
	v26 =	vsel vm6, $0x2005, v26;
	v27 =	vsel vm6, $0x2205, v27  }
0x4d: {  	v28 =	vsel vm6, $0x2405, v28;
	v29 =	vsel vm6, $0x2605, v29;
	v30 =	vsel vm6, $0x2805, v30  }
0x4e: {  	v31 =	vsel vm6, $0x2A05, v31;
	v32 =	vsel vm6, $0x2C05, v32;
	v33 =	vsel vm6, $0x2E05, v33  }
0x4f: {  	v34 =	vsel vm6, $0x3005, v34;
	v35 =	vsel vm6, $0x3205, v35;
	v36 =	vsel vm6, $0x3405, v36  }
0x50: {  	v37 =	vsel vm6, $0x3605, v37;
	v38 =	vsel vm6, $0x3805, v38;
	v39 =	vsel vm6, $0x3A05, v39  }
0x51: {  	v40 =	vsel vm6, $0x3C05, v40;
	v41 =	vsel vm6, $0x3E05, v41;
	v42 =	vsel vm6, $0x5, v42  }
0x52: {  	v43 =	vsel vm6, $0x205, v43;
	v44 =	vsel vm6, $0x405, v44;
	v45 =	vsel vm6, $0x605, v45  }
0x53: {  	v46 =	vsel vm6, $0x805, v46;
	v22 =	vunpack.c.l.s4.s8 v22;
	v24 =	vsel vm4, $0x1803, v24  }
0x54: {  	v25 =	vsel vm7, $0x2006, v25;
	v26 =	vsel vm7, $0x2206, v26;
	v27 =	vsel vm7, $0x2406, v27  }
0x55: {  	v30 =	vsel vm7, $0x2A06, v30;
	v31 =	vsel vm7, $0x2C06, v31;
	v32 =	vsel vm7, $0x2E06, v32  }
0x56: {  	v33 =	vsel vm7, $0x3006, v33;
	v34 =	vsel vm7, $0x3206, v34;
	v35 =	vsel vm7, $0x3406, v35  }
0x57: {  	v36 =	vsel vm7, $0x3606, v36;
	v37 =	vsel vm7, $0x3806, v37;
	v38 =	vsel vm7, $0x3A06, v38  }
0x58: {  	v39 =	vsel vm7, $0x3C06, v39;
	v40 =	vsel vm7, $0x3E06, v40;
	v41 =	vsel vm7, $0x6, v41  }
0x59: {  	v42 =	vsel vm7, $0x206, v42;
	v43 =	vsel vm7, $0x406, v43;
	v44 =	vsel vm7, $0x606, v44  }
0x5a: {  	v45 =	vsel vm7, $0x806, v45;
	v46 =	vsel vm7, $0xA06, v46;
	v17 =	vand.u32 $0xF, v17  }
0x5b: {  	v21 =	vand.u32 $0xF, v21;
	v47 =	vsel vm1, v20, v18;
	v18 =	vimm.s32 $0x2407  }
0x5c: {  	v20 =	vimm.s32 $0x2807;
	v24 =	vsel vm5, $0x1A04, v24;
	v25 =	vsel vm8, $0x2207, v25  }
0x5d: {  	v26 =	vsel vm8, $0x2407, v26;
	v27 =	vsel vm8, $0x2607, v27;
	v30 =	vsel vm8, $0x2C07, v30  }
0x5e: {  	v31 =	vsel vm8, $0x2E07, v31;
	v32 =	vsel vm8, $0x3007, v32;
	v33 =	vsel vm8, $0x3207, v33  }
0x5f: {  	v34 =	vsel vm8, $0x3407, v34;
	v35 =	vsel vm8, $0x3607, v35;
	v36 =	vsel vm8, $0x3807, v36  }
0x60: {  	v37 =	vsel vm8, $0x3A07, v37;
	v38 =	vsel vm8, $0x3C07, v38;
	v39 =	vsel vm8, $0x3E07, v39  }
0x61: {  	v40 =	vsel vm8, $0x7, v40;
	v41 =	vsel vm8, $0x207, v41;
	v42 =	vsel vm8, $0x407, v42  }
0x62: {  	v43 =	vsel vm8, $0x607, v43;
	v44 =	vsel vm8, $0x807, v44;
	v45 =	vsel vm8, $0xA07, v45  }
0x63: {  	v46 =	vsel vm8, $0xC07, v46;
	v15 =	vsel vm12, v17, v15;
	v17 =	vimm.s32 $0xC0B0A09  }
0x64: {  	v22 =	vunpack.c.0.s8.s32 v22;
	v16 =	vsel vm12, v21, v16;
	v21 =	vimm.s32 $0xD0C0B0A  }
0x65: {  	v18 =	vsel vm13, $0x600, v18;
	v20 =	vsel vm13, $0xA00, v20;
	v24 =	vsel vm6, $0x1C05, v24  }
0x66: {  	v25 =	vsel vm9, $0x2400, v25;
	v26 =	vsel vm9, $0x2600, v26;
	v27 =	vsel vm9, $0x2800, v27  }
0x67: {  	v30 =	vsel vm9, $0x2E00, v30;
	v31 =	vsel vm9, $0x3000, v31;
	v32 =	vsel vm9, $0x3200, v32  }
0x68: {  	v33 =	vsel vm9, $0x3400, v33;
	v34 =	vsel vm9, $0x3600, v34;
	v35 =	vsel vm9, $0x3800, v35  }
0x69: {  	v36 =	vsel vm9, $0x3A00, v36;
	v37 =	vsel vm9, $0x3C00, v37;
	v38 =	vsel vm9, $0x3E00, v38  }
0x6a: {  	v39 =	vsel vm9, $0x0, v39;
	v40 =	vsel vm9, $0x200, v40;
	v41 =	vsel vm9, $0x400, v41  }
0x6b: {  	v42 =	vsel vm9, $0x600, v42;
	v43 =	vsel vm9, $0x800, v43;
	v44 =	vsel vm9, $0xA00, v44  }
0x6c: {  	v45 =	vsel vm9, $0xC00, v45;
	v46 =	vsel vm9, $0xE00, v46;
	v17 =	vunpack.c.0.s8.s32 v17  }
0x6d: {  	v21 =	vunpack.c.0.s8.s32 v21;
	v18 =	vsel vm14, $0x801, v18;
	v20 =	vsel vm14, $0xC01, v20  }
0x6e: {  	v24 =	vsel vm7, $0x1E06, v24;
	v25 =	vsel vm10, $0x2601, v25;
	v26 =	vsel vm10, $0x2801, v26  }
0x6f: {  	v27 =	vsel vm10, $0x2A01, v27;
	v30 =	vsel vm10, $0x3001, v30;
	v31 =	vsel vm10, $0x3201, v31  }
0x70: {  	v32 =	vsel vm10, $0x3401, v32;
	v33 =	vsel vm10, $0x3601, v33;
	v34 =	vsel vm10, $0x3801, v34  }
0x71: {  	v35 =	vsel vm10, $0x3A01, v35;
	v36 =	vsel vm10, $0x3C01, v36;
	v37 =	vsel vm10, $0x3E01, v37  }
0x72: {  	v38 =	vsel vm10, $0x1, v38;
	v39 =	vsel vm10, $0x201, v39;
	v40 =	vsel vm10, $0x401, v40  }
0x73: {  	v41 =	vsel vm10, $0x601, v41;
	v42 =	vsel vm10, $0x801, v42;
	v43 =	vsel vm10, $0xA01, v43  }
0x74: {  	v44 =	vsel vm10, $0xC01, v44;
	v45 =	vsel vm10, $0xE01, v45;
	v46 =	vsel vm10, $0x1001, v46  }
0x75: {  	v22 =	vand.u32 $0xF, v22;
	v18 =	vsel vm15, $0xA02, v18;
	v20 =	vsel vm15, $0xE02, v20  }
0x76: {  	v24 =	vsel vm8, $0x2007, v24;
	v25 =	vsel vm11, $0x2802, v25;
	v26 =	vsel vm11, $0x2A02, v26  }
0x77: {  	v27 =	vsel vm11, $0x2C02, v27;
	v30 =	vsel vm11, $0x3202, v30;
	v31 =	vsel vm11, $0x3402, v31  }
0x78: {  	v32 =	vsel vm11, $0x3602, v32;
	v33 =	vsel vm11, $0x3802, v33;
	v34 =	vsel vm11, $0x3A02, v34  }
0x79: {  	v35 =	vsel vm11, $0x3C02, v35;
	v36 =	vsel vm11, $0x3E02, v36;
	v37 =	vsel vm11, $0x2, v37  }
0x7a: {  	v38 =	vsel vm11, $0x202, v38;
	v39 =	vsel vm11, $0x402, v39;
	v40 =	vsel vm11, $0x602, v40  }
0x7b: {  	v41 =	vsel vm11, $0x802, v41;
	v42 =	vsel vm11, $0xA02, v42;
	v43 =	vsel vm11, $0xC02, v43  }
0x7c: {  	v44 =	vsel vm11, $0xE02, v44;
	v45 =	vsel vm11, $0x1002, v45;
	v46 =	vsel vm11, $0x1202, v46  }
0x7d: {  	v19 =	vsel vm12, v22, v19;
	v48 =	vsel vm1, v17, v15;
	v49 =	vsel vm1, v21, v16  }
0x7e: {  	v15 =	vimm.s32 $0x1E07;
	v16 =	vimm.s32 $0x2007;
	v17 =	vimm.s32 $0x2207  }
0x7f: {  	v21 =	vimm.s32 $0x2A07;
	v22 =	vimm.s32 $0x2C07;
	v18 =	vsel vm4, $0xC03, v18  }
0x80: {  	v20 =	vsel vm4, $0x1003, v20;
	v24 =	vsel vm9, $0x2200, v24;
	vm12 =	vcmask $0x2F2C  }
0x81: {  	v52 =	vsel vm1, v23, v19;
	v15 =	vsel vm13, $0x0, v15;
	v16 =	vsel vm13, $0x200, v16  }
0x82: {  	v17 =	vsel vm13, $0x400, v17;
	v19 =	vimm.s32 $0x2607;
	v21 =	vsel vm13, $0xC00, v21  }
0x83: {  	v22 =	vsel vm13, $0xE00, v22;
	v23 =	vimm.s32 $0x2E07;
	v18 =	vsel vm5, $0xE04, v18  }
0x84: {  	v20 =	vsel vm5, $0x1204, v20;
	v24 =	vsel vm10, $0x2401, v24;
	v25 =	vsel vm12, $0x2A03, v25  }
0x85: {  	v26 =	vsel vm12, $0x2C03, v26;
	v27 =	vsel vm12, $0x2E03, v27;
	v30 =	vsel vm12, $0x3403, v30  }
0x86: {  	v31 =	vsel vm12, $0x3603, v31;
	v32 =	vsel vm12, $0x3803, v32;
	v33 =	vsel vm12, $0x3A03, v33  }
0x87: {  	v34 =	vsel vm12, $0x3C03, v34;
	v35 =	vsel vm12, $0x3E03, v35;
	v36 =	vsel vm12, $0x3, v36  }
0x88: {  	v37 =	vsel vm12, $0x203, v37;
	v38 =	vsel vm12, $0x403, v38;
	v39 =	vsel vm12, $0x603, v39  }
0x89: {  	v40 =	vsel vm12, $0x803, v40;
	v41 =	vsel vm12, $0xA03, v41;
	v42 =	vsel vm12, $0xC03, v42  }
0x8a: {  	v43 =	vsel vm12, $0xE03, v43;
	v44 =	vsel vm12, $0x1003, v44;
	v45 =	vsel vm12, $0x1203, v45  }
0x8b: {  	v46 =	vsel vm12, $0x1403, v46;
	v19 =	vsel vm13, $0x800, v19;
	v23 =	vsel vm13, $0x1000, v23  }
0x8c: {  	v15 =	vsel vm14, $0x201, v15;
	v16 =	vsel vm14, $0x401, v16;
	v17 =	vsel vm14, $0x601, v17  }
0x8d: {  	v21 =	vsel vm14, $0xE01, v21;
	v22 =	vsel vm14, $0x1001, v22;
	v18 =	vsel vm6, $0x1005, v18  }
0x8e: {  	v20 =	vsel vm6, $0x1405, v20;
	v24 =	vsel vm11, $0x2602, v24;
	vm13 =	vcmask $0x3330  }
0x8f: {  	v19 =	vsel vm14, $0xA01, v19;
	v23 =	vsel vm14, $0x1201, v23;
	v15 =	vsel vm15, $0x402, v15  }
0x90: {  	v16 =	vsel vm15, $0x602, v16;
	v17 =	vsel vm15, $0x802, v17;
	v21 =	vsel vm15, $0x1002, v21  }
0x91: {  	v22 =	vsel vm15, $0x1202, v22;
	v18 =	vsel vm7, $0x1206, v18;
	v20 =	vsel vm7, $0x1606, v20  }
0x92: {  	v24 =	vsel vm12, $0x2803, v24;
	v25 =	vsel vm13, $0x2C04, v25;
	v26 =	vsel vm13, $0x2E04, v26  }
0x93: {  	v27 =	vsel vm13, $0x3004, v27;
	v30 =	vsel vm13, $0x3604, v30;
	v31 =	vsel vm13, $0x3804, v31  }
0x94: {  	v32 =	vsel vm13, $0x3A04, v32;
	v33 =	vsel vm13, $0x3C04, v33;
	v34 =	vsel vm13, $0x3E04, v34  }
0x95: {  	v35 =	vsel vm13, $0x4, v35;
	v36 =	vsel vm13, $0x204, v36;
	v37 =	vsel vm13, $0x404, v37  }
0x96: {  	v38 =	vsel vm13, $0x604, v38;
	v39 =	vsel vm13, $0x804, v39;
	v40 =	vsel vm13, $0xA04, v40  }
0x97: {  	v41 =	vsel vm13, $0xC04, v41;
	v42 =	vsel vm13, $0xE04, v42;
	v43 =	vsel vm13, $0x1004, v43  }
0x98: {  	v44 =	vsel vm13, $0x1204, v44;
	v45 =	vsel vm13, $0x1404, v45;
	v46 =	vsel vm13, $0x1604, v46  }
0x99: {  	vm14 =	vcmask $0x3734;
	v19 =	vsel vm15, $0xC02, v19;
	v23 =	vsel vm15, $0x1402, v23  }
0x9a: {  	v15 =	vsel vm4, $0x603, v15;
	v16 =	vsel vm4, $0x803, v16;
	v21 =	vsel vm4, $0x1203, v21  }
0x9b: {  	v22 =	vsel vm4, $0x1403, v22;
	v18 =	vsel vm8, $0x1407, v18;
	v24 =	vsel vm13, $0x2A04, v24  }
0x9c: {  	v25 =	vsel vm14, $0x2E05, v25;
	v26 =	vsel vm14, $0x3005, v26;
	v31 =	vsel vm14, $0x3A05, v31  }
0x9d: {  	v34 =	vsel vm14, $0x5, v34;
	v36 =	vsel vm14, $0x405, v36;
	v38 =	vsel vm14, $0x805, v38  }
0x9e: {  	v40 =	vsel vm14, $0xC05, v40;
	v41 =	vsel vm14, $0xE05, v41;
	v58 =	vsel vm14, $0x1005, v42  }
0x9f: {  	v43 =	vsel vm14, $0x1205, v43;
	vm15 =	vcmask $0x3B38;
	v19 =	vsel vm4, $0xE03, v19  }
0xa0: {  	v23 =	vsel vm4, $0x1603, v23;
	v15 =	vsel vm5, $0x804, v15;
	v16 =	vsel vm5, $0xA04, v16  }
0xa1: {  	v21 =	vsel vm5, $0x1404, v21;
	v22 =	vsel vm5, $0x1604, v22;
	v24 =	vsel vm14, $0x2C05, v24  }
0xa2: {  	v42 =	vsel vm15, $0x3206, v26;
	v19 =	vsel vm5, $0x1004, v19;
	v23 =	vsel vm5, $0x1804, v23  }
0xa3: {  	v15 =	vsel vm6, $0xA05, v15;
	v16 =	vsel vm6, $0xC05, v16;
	v21 =	vsel vm6, $0x1605, v21  }
0xa4: {  	v22 =	vsel vm6, $0x1805, v22;
	v19 =	vsel vm6, $0x1205, v19;
	v23 =	vsel vm6, $0x1A05, v23  }
0xa5: {  	v15 =	vsel vm7, $0xC06, v15;
	v16 =	vsel vm7, $0xE06, v16;
	v21 =	vsel vm7, $0x1806, v21  }
0xa6: {  	v22 =	vsel vm7, $0x1A06, v22;
	v19 =	vsel vm7, $0x1406, v19;
	v23 =	vsel vm7, $0x1C06, v23  }
0xa7: {  	v15 =	vsel vm8, $0xE07, v15;
	v16 =	vsel vm8, $0x1007, v16;
	v21 =	vsel vm8, $0x1A07, v21  }
0xa8: {  	v22 =	vsel vm8, $0x1C07, v22;
	v19 =	vsel vm8, $0x1607, v19;
	v23 =	vsel vm8, $0x1E07, v23  }
0xa9: {  	v15 =	vsel vm9, $0x1000, v15;
	v16 =	vsel vm9, $0x1200, v16;
	v21 =	vsel vm9, $0x1C00, v21  }
0xaa: {  	v22 =	vsel vm9, $0x1E00, v22;
	v19 =	vsel vm9, $0x1800, v19;
	v23 =	vsel vm9, $0x2000, v23  }
0xab: {  	v15 =	vsel vm10, $0x1201, v15;
	v16 =	vsel vm10, $0x1401, v16;
	v21 =	vsel vm10, $0x1E01, v21  }
0xac: {  	v22 =	vsel vm10, $0x2001, v22;
	v19 =	vsel vm10, $0x1A01, v19;
	v23 =	vsel vm10, $0x2201, v23  }
0xad: {  	v15 =	vsel vm11, $0x1402, v15;
	v16 =	vsel vm11, $0x1602, v16;
	v23 =	vsel vm11, $0x2402, v23  }
0xae: {  	v21 =	vsel vm11, $0x2002, v21;
	v22 =	vsel vm11, $0x2202, v22;
	v23 =	vsel vm12, $0x2603, v23  }
0xaf: {  	v19 =	vsel vm11, $0x1C02, v19;
	v16 =	vsel vm12, $0x1803, v16;
	v23 =	vsel vm13, $0x2804, v23  }
0xb0: {  	v21 =	vsel vm12, $0x2203, v21;
	v22 =	vsel vm12, $0x2403, v22;
	v23 =	vsel vm14, $0x2A05, v23  }
0xb1: {  	v50 =	vsel vm15, $0x2C06, v23;
	v23 =	vsel vm15, $0x2E06, v24;
	v24 =	vsel vm15, $0x3006, v25  }
0xb2: {  	v19 =	vsel vm12, $0x1E03, v19;
	v21 =	vsel vm13, $0x2404, v21;
	v25 =	vsel vm15, $0x206, v34;
	[tilespmem:$0x1FC00] =	vst v24  }
0xb3: {  	v16 =	vsel vm13, $0x1A04, v16;
	v21 =	vsel vm14, $0x2605, v21;
	v24 =	vsel vm15, $0x3C06, v31;
	[tilespmem:$0x1FC20] =	vst v25  }
0xb4: {  	v22 =	vsel vm13, $0x2604, v22;
	v21 =	vsel vm15, $0x2806, v21;
	v25 =	vsel vm15, $0x606, v36;
	[tilespmem:$0x1FC10] =	vst v24  }
0xb5: {  	v19 =	vsel vm13, $0x2004, v19;
	v22 =	vsel vm14, $0x2805, v22;
	v31 =	vmovc v21;
	v21 =	vsel vm15, $0xA06, v38;
	[tilespmem:$0x1FC30] =	vst v25  }
0xb6: {  	v19 =	vsel vm14, $0x2205, v19;
	v22 =	vsel vm15, $0x2A06, v22;
	[tilespmem:$0x1FC40] =	vst v21;
	v21 =	vsel vm15, $0xE06, v40  }
0xb7: {  	v19 =	vsel vm15, $0x2406, v19;
	v26 =	vmovc v22;
	v22 =	vlaneseq.u32;
	[tilespmem:$0x1FC50] =	vst v21;
	v21 =	vsel vm15, $0x1006, v41  }
0xb8: {  	v15 =	vsel vm12, $0x1603, v15;
	v16 =	vsel vm14, $0x1C05, v16;
	v41 =	vmovc v19;
	v19 =	vadd.s32 $0x3, v22;
	[tilespmem:$0x1FC60] =	vst v21  }
0xb9: {  	v15 =	vsel vm13, $0x1804, v15;
	v16 =	vsel vm15, $0x1E06, v16;
	v25 =	vmovc v23;
	v23 =	vsel vm15, $0x1206, v58;
	[tilespmem:$0x1FCA0] =	vst v19  }
0xba: {  	v44 =	vsel vm14, $0x1405, v44;
	v15 =	vsel vm14, $0x1A05, v15;
	v24 =	vmovc v16;
	v16 =	vsel vm15, $0x1406, v43;
	[tilespmem:$0x1FC70] =	vst v23  }
0xbb: {  	s0 =	rddreg [dreg:$0x0];
	s1 =	simm.s32 $0x0;
	v35 =	vsel vm14, $0x205, v35;
	v39 =	vsel vm14, $0xA05, v39;
	[tilespmem:$0x1FC80] =	vst v16;
	v16 =	vsel vm15, $0x1606, v44  }
0xbc: {  	[smem:$0x7FF] =	sst s1;
	v54 =	vsel vm14, $0x1605, v45;
	v45 =	vsel vm15, $0x1C06, v15;
	v19 =	vadd.s32 $0x9, v22;
	[tilespmem:$0x1FC90] =	vst v16  }
0xbd: {  	s2 =	rddreg [dreg:$0x1];
	v15 =	vmovc v49;
	v49 =	vsel vm15, $0x406, v35;
	v35 =	vsel vm15, $0xC06, v39;
	v39 =	vcombine.low v14, v13;
	_ =	strace $0x80000047;
	[tilespmem:$0x1FCB0] =	vst v19  }
0xbe: {  	v17 =	vsel vm4, $0xA03, v17;
	v20 =	vsel vm8, $0x1807, v20;
	v18 =	vsel vm9, $0x1600, v18;
	[tilespmem:$0x1FCD0] =	vst v9  }
0xbf: {  	v27 =	vsel vm14, $0x3205, v27;
	v17 =	vsel vm5, $0xC04, v17;
	v18 =	vsel vm10, $0x1801, v18;
	[tilespmem:$0x1FCE0] =	vst v39  }
0xc0: {  	v17 =	vsel vm6, $0xE05, v17;
	v18 =	vsel vm11, $0x1A02, v18;
	v58 =	vadd.s32 $0xB, v22;
	[tilespmem:$0x1FCF0] =	vst v10  }
0xc1: {  	v30 =	vsel vm14, $0x3805, v30;
	v17 =	vsel vm7, $0x1006, v17;
	v18 =	vsel vm12, $0x1C03, v18;
	[tilespmem:$0x1FD00] =	vst v58  }
0xc2: {  	v32 =	vsel vm14, $0x3C05, v32;
	v17 =	vsel vm8, $0x1207, v17;
	v18 =	vsel vm13, $0x1E04, v18;
	v36 =	vmovc v47;
	[tilespmem:$0x1FD10] =	vst v7  }
0xc3: {  	v33 =	vsel vm14, $0x3E05, v33;
	v17 =	vsel vm9, $0x1400, v17;
	v18 =	vsel vm14, $0x2005, v18;
	v38 =	vmovc v48;
	[tilespmem:$0x1FD50] =	vst v36  }
0xc4: {  	v51 =	vsel vm14, $0x605, v37;
	v17 =	vsel vm10, $0x1601, v17;
	v18 =	vsel vm15, $0x2206, v18;
	[tilespmem:$0x1FD60] =	vst v38  }
0xc5: {  	v32 =	vsel vm15, $0x3E06, v32;
	v59 =	vsel vm15, $0x806, v51;
	v17 =	vsel vm11, $0x1802, v17;
	[tilespmem:$0x1FD70] =	vst v15  }
0xc6: {  	v62 =	vsel vm15, $0x1806, v54;
	v54 =	vimm.s32 $0x87654321;
	v17 =	vsel vm12, $0x1A03, v17;
	[tilespmem:$0x1FD90] =	vst v32  }
0xc7: {  	v46 =	vsel vm14, $0x1805, v46;
	v55 =	vunpack.c.l.s4.s8 v54;
	v17 =	vsel vm13, $0x1C04, v17;
	v44 =	vmovc v18;
	v18 =	vmovc v59;
	[tilespmem:$0x1FDA0] =	vst v49  }
0xc8: {  	v20 =	vsel vm9, $0x1A00, v20;
	v60 =	vsel vm15, $0x3406, v27;
	v17 =	vsel vm14, $0x1E05, v17;
	[tilespmem:$0x1FDB0] =	vst v18  }
0xc9: {  	v27 =	vsel vm15, $0x6, v33;
	v17 =	vsel vm15, $0x2006, v17;
	v14 =	vunpack.c.0.s8.s32 v55;
	[tilespmem:$0x1FDC0] =	vst v35  }
0xca: {  	v20 =	vsel vm10, $0x1C01, v20;
	v43 =	vmovc v17;
	v17 =	vmul.u32 $0x38, v22;
	v59 =	vsel vm15, $0x1A06, v46;
	[tilespmem:$0x1FDD0] =	vst v62  }
0xcb: {  	v33 =	vcombine.low v3, v2;
	v20 =	vsel vm11, $0x1E02, v20;
	v12 =	vand.u32 $0xF, v14;
	[tilespmem:$0x1FDE0] =	vst v59  }
0xcc: {  	v28 =	vsel vm7, $0x2606, v28;
	v20 =	vsel vm12, $0x2003, v20;
	v56 =	vcombine.low v2, v12;
	[tilespmem:$0x1FDF0] =	vst v17  }
0xcd: {  	v61 =	vsel vm15, $0x3A06, v30;
	v30 =	vmovc v52;
	v52 =	vmovc v27;
	v27 =	vcombine.low v0, v1;
	v20 =	vsel vm13, $0x2204, v20;
	[tilespmem:$0x1FE00] =	vst v33  }
0xce: {  	v29 =	vsel vm7, $0x2806, v29;
	v28 =	vsel vm8, $0x2807, v28;
	v20 =	vsel vm14, $0x2405, v20;
	[tilespmem:$0x1FE10] =	vst v56  }
0xcf: {  	v29 =	vsel vm8, $0x2A07, v29;
	v28 =	vsel vm9, $0x2A00, v28;
	v20 =	vsel vm15, $0x2606, v20;
	[tilespmem:$0x1FE30] =	vst v27  }
0xd0: {  	v29 =	vsel vm9, $0x2C00, v29;
	v28 =	vsel vm10, $0x2C01, v28;
	[tilespmem:$0x1FE70] =	vst v20  }
0xd1: {  	v29 =	vsel vm10, $0x2E01, v29;
	v28 =	vsel vm11, $0x2E02, v28;
	[tilespmem:$0x1FE80] =	vst v43  }
0xd2: {  	v29 =	vsel vm11, $0x3002, v29;
	v28 =	vsel vm12, $0x3003, v28;
	[tilespmem:$0x1FE90] =	vst v42  }
0xd3: {  	v29 =	vsel vm12, $0x3203, v29;
	v28 =	vsel vm13, $0x3204, v28;
	[tilespmem:$0x1FEA0] =	vst v44  }
0xd4: {  	v29 =	vsel vm13, $0x3404, v29;
	v28 =	vsel vm14, $0x3405, v28;
	[tilespmem:$0x1FEB0] =	vst v60  }
0xd5: {  	v29 =	vsel vm14, $0x3605, v29;
	v28 =	vsel vm15, $0x3606, v28;
	[tilespmem:$0x1FEC0] =	vst v31  }
0xd6: {  	v29 =	vsel vm15, $0x3806, v29;
	[tilespmem:$0x1FED0] =	vst v28  }
0xd7: {  	[tilespmem:$0x1FEE0] =	vst v29  }
0xd8: {  	[tilespmem:$0x1FEF0] =	vst v45  }
0xd9: {  	[tilespmem:$0x1FF00] =	vst v24  }
0xda: {  	[tilespmem:$0x1FF10] =	vst v26  }
0xdb: {  	[tilespmem:$0x1FF20] =	vst v41  }
0xdc: {  	[tilespmem:$0x1FF30] =	vst v50  }
0xdd: {  	v47 =	vadd.s32 $0x8, v22;
	[tilespmem:$0x1FF40] =	vst v61  }
0xde: {  	v63 =	vadd.s32 $0x7, v22;
	[tilespmem:$0x1FF50] =	vst v47  }
0xdf: {  	v51 =	vadd.s32 $0x6, v22;
	[tilespmem:$0x1FF60] =	vst v63  }
0xe0: {  	v57 =	vadd.s32 $0x5, v22;
	[tilespmem:$0x1FF70] =	vst v51  }
0xe1: {  	v53 =	vadd.s32 $0x4, v22;
	[tilespmem:$0x1FF80] =	vst v57  }
0xe2: {  	v48 =	vadd.s32 $0x2, v22;
	[tilespmem:$0x1FF90] =	vst v53  }
0xe3: {  	v37 =	vadd.s32 $0x1, v22;
	[tilespmem:$0x1FFA0] =	vst v48  }
0xe4: {  	s3 =	srdreg.scid;
	[tilespmem:$0x1FFB0] =	vst v37  }
0xe5: {  	s5 =	stileid.u32;
	s10 =	simm.s32 $0x3;
	s11 =	simm.s32 $0x80;
	v21 =	vadd.s32 $0xF, v22;
	[tilespmem:$0x1FFC0] =	vst v25  }
0xe6: {  	s12 =	simm.s32 $0x7000;
	s13 =	simm.s32 $0x7200;
	s14 =	simm.s32 $0x7080;
	[tilespmem:$0x1FFD0] =	vst v21  }
0xe7: {  	s16 =	simm.s32 $0x7100;
	s18 =	simm.s32 $0x7180;
	s21 =	simm.s32 $0xB200;
	v19 =	vadd.s32 $0xA, v22;
	[tilespmem:$0x1FFF0] =	vst v52  }
0xe8: {  	s22 =	simm.s32 $0xC200;
	s28 =	simm.s32 $0x4000;
	s4 =	sand.u32 $0x1, s3;
	v34 =	vimm.s32 $0x76543210;
	v58 =	vadd.s32 $0xC, v22;
	[tilespmem:$0x1FCC0] =	vst v19  }
0xe9: {  	s20 =	simm.s32 $0x1;
	s5 =	sshll.u32 s5, $0xA;
	s6 =	sshll.u32 s4, $0x9;
	v9 =	vunpack.c.l.s4.s8 v34;
	v34 =	vimm.s32 $0xA9876543;
	v39 =	vunpack.c.0.s8.s32 v11;
	v16 =	vmovc v30;
	[tilespmem:$0x1FD30] =	vst v58  }
0xea: {  	s29 =	simm.s32 $0x2;
	s7 =	ssub.s32 $0x2, s4;
	s4 =	sor.u32 s6, s5;
	v8 =	vunpack.c.l.s4.s8 v34;
	v34 =	vadd.s32 $0xD, v22;
	[tilespmem:$0x1FD80] =	vst v16  }
0xeb: {  	s31 =	simm.s32 $0x0;
	s3 =	sadd.s32 $0x600, s0;
	s8 =	smul.u32 $0x7, s4;
	v30 =	vcombine.low v4, v5;
	v13 =	vand.u32 $0xF, v39;
	v39 =	vadd.s32 $0xE, v22;
	[tilespmem:$0x1FE20] =	vst v34  }
0xec: {  	s23 =	sshrl.u32 s7, $0x1;
	s5 =	sadd.s32 $0xF42A00, s0;
	s9 =	sshrl.u32 s4, $0x3;
	v9 =	vunpack.c.0.s8.s32 v9;
	v14 =	vunpack.c.0.s8.s32 v8;
	[tilespmem:$0x1FD40] =	vst v39  }
0xed: {  	s24 =	ssub.s32 s7, s23;
	s25 =	sadd.s32 s9, s3;
	s2 =	sadd.s32 s2, s8;
	v22 =	vor.u32 $0x10, v22;
	v55 =	vcombine.low v1, v13;
	[tilespmem:$0x1FE50] =	vst v30  }
0xee: {  	s23 =	simm.s32 $0xD200;
	s26 =	sadd.s32 $0x300000, s25;
	[dreg:$0x3] =	wrdreg s2;
	[tilespmem:$0x1FFE0] =	vst v22;
	v6 =	vcombine.low v6, v9;
	v54 =	vand.u32 $0xF, v14  }
0xef: {  	s0 =	smax.u32 s24, $0x1;
	s30 =	sadd.s32 $0x310000, s25;
	[dreg:$0x4] =	wrdreg s26;
	[tilespmem:$0x1FE40] =	vst v55;
	v58 =	vcombine.low v5, v54  }
0xf0: {  	s24 =	simm.s32 $0xE200;
	s25 =	simm.s32 $0xF200;
	[dreg:$0x5] =	wrdreg s30;
	[tilespmem:$0x1FD20] =	vst v6  }
0xf1: {  	v40 =	vmov v45;
	v46 =	vmov v20;
	[dreg:$0x6] =	wrdreg s0;
	s26 =	simm.s32 $0x200;
	s2 =	simm.s32 $0x0;
	[tilespmem:$0x1FE60] =	vst v58  }
.LBB2_1:
0xf2: {  	s0 =	simm.s32 $0x10  }
0xf3: {  	s30 =	simm.s32 $0x20;
	v1 =	vmov s0  }
0xf4: {  	v0 =	vmov s1;
	s6 =	simm.s32 $0x30;
	s7 =	simm.s32 $0x50;
	v2 =	vmov s30;
	v1 =	vmul.u32 $0x38, v1  }
0xf5: {  	s9 =	simm.s32 $0x70;
	s19 =	simm.s32 $0xA0;
	v3 =	vmov s6;
	v0 =	vmul.u32 $0x38, v0;
	v5 =	vmov s7  }
0xf6: {  	s6 =	simm.s32 $0x40;
	v7 =	vmov s9;
	v8 =	vmov s19;
	v1 =	vbroadcast v1, $0x0  }
0xf7: {  	[dreg:$0x7] =	wrdreg s2;
	v2 =	vmul.u32 $0x38, v2;
	v3 =	vmul.u32 $0x38, v3;
	v4 =	vmov s6  }
0xf8: {  	s2 =	rddreg [dreg:$0x3];
	s30 =	simm.s32 $0xB0;
	v5 =	vmul.u32 $0x38, v5;
	v0 =	vbroadcast v0, $0x0;
	v1 =	vadd.s32 v17, v1  }
0xf9: {  	[tilespmem:s1], [sflag:$0x3] =	stream.linear.gather [hbm4b:s2+s1], $0x7000, $0x38;
	v7 =	vmul.u32 $0x38, v7;
	v10 =	vmov s30;
	v2 =	vbroadcast v2, $0x0;
	[tilespmem:$0x13200] =	vst v63  }
0xfa: {  	s8 =	simm.s32 $0x60;
	_ =	swait.ge [sflag:s10], $0x7000;
	v4 =	vmul.u32 $0x38, v4;
	v3 =	vbroadcast v3, $0x0;
	v0 =	vadd.s32 v17, v0  }
0xfb: {  	[sflag:s10] =	ssyncset.done $0x0;
	v5 =	vbroadcast v5, $0x0;
	v6 =	vadd.s32 v17, v2;
	v2 =	vmov s8  }
0xfc: {  	v14 =	vmul.u32 $0x38, v10;
	[sflag:s10] =	ssyncadd.s32 $0xFFFF9000;
	v3 =	vadd.s32 v17, v3;
	v2 =	vmul.u32 $0x38, v2  }
0xfd: {  	s15 =	simm.s32 $0x80;
	s17 =	simm.s32 $0x90;
	v7 =	vbroadcast v7, $0x0;
	v4 =	vbroadcast v4, $0x0;
	v12 =	vadd.s32 v17, v5;
	v11 =	vld.idx.msk [tilespmem:v1+s1+$0x0], $0xffff  }
0xfe: {  	v5 =	vmov s15;
	v2 =	vbroadcast v2, $0x0;
	v1 =	vmov s17  }
0xff: {  	v13 =	vmul.u32 $0x38, v5;
	v5 =	vadd.s32 v17, v4;
	v0 =	vld.idx.msk [tilespmem:v0+s1+$0x0], $0xffff;
	v9 =	vmul.u32 $0x38, v1  }
0x100: {  	v8 =	vmul.u32 $0x38, v8;
	v2 =	vadd.s32 v17, v2;
	v1 =	vld.idx.msk [tilespmem:v6+s1+$0x0], $0xffff  }
0x101: {  	s0 =	simm.s32 $0x7020;
	v3 =	vld.idx.msk [tilespmem:v3+s1+$0x0], $0xffff;
	v6 =	vadd.s32 v17, v7;
	v7 =	vbroadcast v14, $0x0;
	v10 =	vbroadcast v9, $0x0  }
0x102: {  	s7 =	simm.s32 $0xC0;
	s2 =	simm.s32 $0x7060;
	s6 =	simm.s32 $0x8;
	v4 =	vld.idx.msk [tilespmem:v12+s1+$0x0], $0xffff;
	v9 =	vbroadcast v8, $0x0;
	v8 =	vbroadcast v13, $0x0;
	[tilespmem:s0+$0xFFFFFFF0] =	vst v11  }
.LBB2_2:
0x103: {  	s8 =	sadd.s32 $0x10, s7;
	s6 =	sadd.s32 $0x4, s6  }
0x104: {  	v11 =	vmov s7;
	s9 =	sadd.s32 $0x20, s7;
	s30 =	sadd.s32 $0x30, s7;
	v12 =	vadd.s32 v17, v10;
	v9 =	vadd.s32 v17, v9;
	[tilespmem:s0+$0xFFFFFFE0] =	vst v0;
	v0 =	vld.idx.msk [tilespmem:v5+s1+$0x0], $0xffff;
	p0 =	slt.u32 s6, $0x1C  }
.Ltmp0:
0x105: {  	v10 =	vmov s8;
	v13 =	vmov s9;
	v5 =	vadd.s32 v17, v8;
	[tilespmem:s0+$0x0] =	vst v1;
	v1 =	vld.idx.msk [tilespmem:v2+s1+$0x0], $0xffff;
	v2 =	vmovc v9;
	(pc) =	sbr.rel @p0 .LBB2_2-.Ltmp0, $4  }
0x106: {  	v8 =	vmul.u32 $0x38, v10;
	v9 =	vmul.u32 $0x38, v13;
	v10 =	vmov s30;
	[tilespmem:s0+$0x10] =	vst v3;
	v3 =	vld.idx.msk [tilespmem:v6+s1+$0x0], $0xffff;
	s0 =	smov.u32 s2  }
0x107: {  	v11 =	vmul.u32 $0x38, v11;
	v6 =	vadd.s32 v17, v7;
	v13 =	vmul.u32 $0x38, v10  }
0x108: {  	v10 =	vbroadcast v8, $0x0;
	v9 =	vbroadcast v9, $0x0  }
0x109: {  	s7 =	sadd.s32 $0x40, s7;
	s2 =	sadd.s32 $0x40, s2;
	v8 =	vbroadcast v11, $0x0;
	v7 =	vbroadcast v13, $0x0;
	[tilespmem:s0+$0xFFFFFFF0] =	vst v4;
	v4 =	vld.idx.msk [tilespmem:v12+s1+$0x0], $0xffff  }
0x10a: {  	_ =	sdelay $0x1  }
0x10b: {  	v10 =	vadd.s32 v17, v10  }
0x10c: {  	v9 =	vadd.s32 v17, v9  }
0x10d: {  	v5 =	vld.idx.msk [tilespmem:v5+s1+$0x0], $0xffff;
	v8 =	vadd.s32 v17, v8  }
0x10e: {  	[tilespmem:s0+$0xFFFFFFE0] =	vst v0;
	v49 =	vld.idx.msk [tilespmem:v2+s1+$0x0], $0xffff;
	v54 =	vadd.s32 v17, v7  }
0x10f: {  	[tilespmem:s0+$0x0] =	vst v1;
	v55 =	vld.idx.msk [tilespmem:v6+s1+$0x0], $0xffff  }
0x110: {  	[tilespmem:s0+$0x10] =	vst v3;
	v56 =	vld.idx.msk [tilespmem:v10+s1+$0x0], $0xffff  }
0x111: {  	[tilespmem:s2+$0xFFFFFFF0] =	vst v4;
	v59 =	vld.idx.msk [tilespmem:v9+s1+$0x0], $0xffff  }
0x112: {  	[tilespmem:s2+$0xFFFFFFE0] =	vst v5;
	v58 =	vld.idx.msk [tilespmem:v8+s1+$0x0], $0xffff  }
0x113: {  	[tilespmem:s2+$0x0] =	vst v49;
	v62 =	vld.idx.msk [tilespmem:v54+s1+$0x0], $0xffff  }
0x114: {  	s15 =	sadd.s32 $0x40, s2;
	[tilespmem:s2+$0x10] =	vst v55  }
0x115: {  	[tilespmem:s15+$0xFFFFFFF0] =	vst v56  }
0x116: {  	[tilespmem:s15+$0x0] =	vst v59  }
0x117: {  	[tilespmem:s15+$0xFFFFFFE0] =	vst v58  }
0x118: {  	[tilespmem:s15+$0x10] =	vst v62  }
0x119: {  	[tilespmem:s13], [sflag:$0x1] =	stream.indirect.gather [hbm4b:s5+s11], $0x20, s12, s11, $0xb8;
	v39 =	vld [tilespmem:$0x1FC10]  }
0x11a: {  	s17 =	simm.s32 $0x8200;
	v20 =	vld [tilespmem:$0x1FC00]  }
0x11b: {  	v45 =	vld [tilespmem:$0x1FCA0];
	[tilespmem:s17], [sflag:$0x1] =	stream.indirect.gather [hbm4b:s5+s11], $0x20, s14, s11, $0xb8  }
0x11c: {  	s19 =	simm.s32 $0x9200;
	v55 =	vld [tilespmem:$0x1FCB0]  }
0x11d: {  	v56 =	vld [tilespmem:$0x1FCC0];
	[tilespmem:s19], [sflag:$0x1] =	stream.indirect.gather [hbm4b:s5+s11], $0x20, s16, s11, $0xb8  }
0x11e: {  	s30 =	simm.s32 $0xA200;
	s0 =	simm.s32 $0x0;
	v62 =	vld [tilespmem:$0x1FD00]  }
0x11f: {  	v23 =	vmovc v61;
	v61 =	vmov v53;
	v19 =	vmov v42;
	v54 =	vmov v57;
	v53 =	vld [tilespmem:$0x1FD30];
	[tilespmem:s30], [sflag:$0x1] =	stream.indirect.gather [hbm4b:s5+s11], $0x20, s18, s11, $0xb8  }
.LBB2_4:
0x120: {  	_ =	swait.ge [sflag:s20], $0x1000;
	s2 =	simm.s32 $0x10  }
0x121: {  	s6 =	simm.s32 $0x20;
	v0 =	vmov s31;
	s7 =	simm.s32 $0x30;
	[sflag:s20] =	ssyncset.done $0x0  }
0x122: {  	s19 =	simm.s32 $0x50;
	s8 =	simm.s32 $0x60;
	v1 =	vmov s2;
	v2 =	vmov s6;
	v3 =	vmov s7;
	[sflag:s20] =	ssyncadd.s32 $0xFFFFF000  }
0x123: {  	s9 =	simm.s32 $0x70;
	s2 =	sshllo.u32 s0, $0x1;
	v5 =	vmul.u32 $0x38, v0;
	v6 =	vmov s19;
	v1 =	vmul.u32 $0x38, v1;
	_ =	swait.ge [sflag:s20], $0x1000  }
0x124: {  	v7 =	vmov s8;
	v8 =	vmov s9;
	v4 =	vmov s2;
	[sflag:s20] =	ssyncset.done $0x0  }
0x125: {  	v2 =	vmul.u32 $0x38, v2;
	v0 =	vand.u32 $0x3F, v4;
	v1 =	vbroadcast v1, $0x0;
	[sflag:s20] =	ssyncadd.s32 $0xFFFFF000  }
0x126: {  	v3 =	vmul.u32 $0x38, v3;
	v6 =	vmul.u32 $0x38, v6;
	v0 =	vadd.s32 v17, v0;
	_ =	swait.ge [sflag:s20], $0x1000  }
0x127: {  	s17 =	simm.s32 $0x40;
	v7 =	vmul.u32 $0x38, v7;
	v4 =	vbroadcast v5, $0x0;
	v1 =	vadd.s32 v1, v0;
	[sflag:s20] =	ssyncset.done $0x0  }
0x128: {  	v8 =	vmul.u32 $0x38, v8;
	v5 =	vmov s17;
	v2 =	vbroadcast v2, $0x0;
	[sflag:s20] =	ssyncadd.s32 $0xFFFFF000  }
0x129: {  	s8 =	simm.s32 $0xA0;
	v3 =	vbroadcast v3, $0x0;
	v5 =	vmul.u32 $0x38, v5;
	v4 =	vadd.s32 v4, v0;
	_ =	swait.ge [sflag:s20], $0x1000  }
0x12a: {  	v10 =	vmov s8;
	v6 =	vbroadcast v6, $0x0;
	v2 =	vadd.s32 v2, v0;
	[sflag:s20] =	ssyncset.done $0x0  }
0x12b: {  	s17 =	simm.s32 $0x90;
	v9 =	vadd.s32 v3, v0;
	v3 =	vbroadcast v7, $0x0;
	v5 =	vbroadcast v5, $0x0;
	[sflag:s20] =	ssyncadd.s32 $0xFFFFF000  }
0x12c: {  	s15 =	simm.s32 $0x80;
	v7 =	vbroadcast v8, $0x0;
	v13 =	vadd.s32 v6, v0;
	v8 =	vmov s17;
	v12 =	vld.idx.msk [tilespmem:v1+s1+$0x0], $0xffff  }
0x12d: {  	s19 =	simm.s32 $0xB0;
	v10 =	vmul.u32 $0x38, v10;
	v6 =	vmov s15;
	v8 =	vmul.u32 $0x38, v8  }
0x12e: {  	v14 =	vmul.u32 $0x38, v6;
	v6 =	vadd.s32 v5, v0;
	v1 =	vld.idx.msk [tilespmem:v4+s1+$0x0], $0xffff;
	v4 =	vmov s19  }
0x12f: {  	v3 =	vadd.s32 v3, v0;
	v2 =	vld.idx.msk [tilespmem:v2+s1+$0x0], $0xffff;
	v15 =	vmul.u32 $0x38, v4  }
0x130: {  	s30 =	simm.s32 $0xC0;
	s7 =	simm.s32 $0x7020;
	v10 =	vbroadcast v10, $0x0;
	v7 =	vadd.s32 v7, v0;
	v11 =	vbroadcast v8, $0x0;
	v4 =	vld.idx.msk [tilespmem:v9+s1+$0x0], $0xffff  }
0x131: {  	s6 =	sshll.u32 s0, $0x1;
	s9 =	simm.s32 $0x8;
	s8 =	simm.s32 $0x7060;
	v5 =	vld.idx.msk [tilespmem:v13+s1+$0x0], $0xffff;
	v9 =	vbroadcast v14, $0x0;
	v8 =	vbroadcast v15, $0x0;
	[tilespmem:s7+$0xFFFFFFF0] =	vst v12  }
.LBB2_5:
0x132: {  	s15 =	sadd.s32 $0x10, s30;
	s9 =	sadd.s32 $0x4, s9  }
0x133: {  	v12 =	vmov s30;
	s17 =	sadd.s32 $0x20, s30;
	s19 =	sadd.s32 $0x30, s30;
	v13 =	vadd.s32 v11, v0;
	v10 =	vadd.s32 v10, v0;
	[tilespmem:s7+$0xFFFFFFE0] =	vst v1;
	v1 =	vld.idx.msk [tilespmem:v6+s1+$0x0], $0xffff;
	p0 =	slt.u32 s9, $0x1C  }
.Ltmp1:
0x134: {  	v11 =	vmov s15;
	v14 =	vmov s17;
	v6 =	vadd.s32 v9, v0;
	[tilespmem:s7+$0x0] =	vst v2;
	v2 =	vld.idx.msk [tilespmem:v3+s1+$0x0], $0xffff;
	v3 =	vmovc v10;
	(pc) =	sbr.rel @p0 .LBB2_5-.Ltmp1, $4  }
0x135: {  	v9 =	vmul.u32 $0x38, v11;
	v10 =	vmul.u32 $0x38, v14;
	v11 =	vmov s19;
	[tilespmem:s7+$0x10] =	vst v4;
	v4 =	vld.idx.msk [tilespmem:v7+s1+$0x0], $0xffff;
	s7 =	smov.u32 s8  }
0x136: {  	v12 =	vmul.u32 $0x38, v12;
	v7 =	vadd.s32 v8, v0;
	v14 =	vmul.u32 $0x38, v11  }
0x137: {  	v11 =	vbroadcast v9, $0x0;
	v10 =	vbroadcast v10, $0x0  }
0x138: {  	s30 =	sadd.s32 $0x40, s30;
	s8 =	sadd.s32 $0x40, s8;
	v9 =	vbroadcast v12, $0x0;
	v8 =	vbroadcast v14, $0x0;
	[tilespmem:s7+$0xFFFFFFF0] =	vst v5;
	v5 =	vld.idx.msk [tilespmem:v13+s1+$0x0], $0xffff  }
0x139: {  	_ =	sdelay $0x1  }
0x13a: {  	v11 =	vadd.s32 v11, v0  }
0x13b: {  	v10 =	vadd.s32 v10, v0  }
0x13c: {  	v6 =	vld.idx.msk [tilespmem:v6+s1+$0x0], $0xffff;
	v9 =	vadd.s32 v9, v0  }
0x13d: {  	[tilespmem:s7+$0xFFFFFFE0] =	vst v1;
	v1 =	vld.idx.msk [tilespmem:v3+s1+$0x0], $0xffff;
	v0 =	vadd.s32 v8, v0  }
0x13e: {  	[tilespmem:s7+$0x0] =	vst v2;
	v2 =	vld.idx.msk [tilespmem:v7+s1+$0x0], $0xffff  }
0x13f: {  	[tilespmem:s7+$0x10] =	vst v4;
	v3 =	vld.idx.msk [tilespmem:v11+s1+$0x0], $0xffff  }
0x140: {  	[tilespmem:s8+$0xFFFFFFF0] =	vst v5;
	v5 =	vld.idx.msk [tilespmem:v10+s1+$0x0], $0xffff  }
0x141: {  	[tilespmem:s8+$0xFFFFFFE0] =	vst v6;
	v4 =	vld.idx.msk [tilespmem:v9+s1+$0x0], $0xffff  }
0x142: {  	[tilespmem:s8+$0x0] =	vst v1;
	v0 =	vld.idx.msk [tilespmem:v0+s1+$0x0], $0xffff  }
0x143: {  	s9 =	sadd.s32 $0x40, s8;
	[tilespmem:s8+$0x10] =	vst v2  }
0x144: {  	[tilespmem:s9+$0xFFFFFFF0] =	vst v3  }
0x145: {  	[tilespmem:s9+$0x0] =	vst v5  }
0x146: {  	[tilespmem:s9+$0xFFFFFFE0] =	vst v4  }
0x147: {  	s15 =	simm.s32 $0x0;
	s17 =	simm.s32 $0x10;
	v12 =	vlaneseq.u32;
	[tilespmem:s9+$0x10] =	vst v0  }
0x148: {  	v0 =	vor.u32 s15, v12;
	[tilespmem:s21], [sflag:$0x2] =	stream.indirect.gather [hbm4b:s5+s11], $0x20, s12, s11, $0xb8;
	[tilespmem:$0x13200] =	vst v63  }
0x149: {  	v1 =	vor.u32 s17, v12;
	v7 =	vshll.u32 v0, $0x5  }
0x14a: {  	v3 =	vshll.u32 v1, $0x5;
	v4 =	vor.u32 v12, v7;
	[tilespmem:s22], [sflag:$0x2] =	stream.indirect.gather [hbm4b:s5+s11], $0x20, s14, s11, $0xb8;
	[tilespmem:$0x13200] =	vst v63  }
0x14b: {  	s19 =	simm.s32 $0x20;
	s30 =	simm.s32 $0x30;
	v8 =	vor.u32 v12, v3  }
0x14c: {  	v9 =	vor.u32 s19, v12;
	[tilespmem:s23], [sflag:$0x2] =	stream.indirect.gather [hbm4b:s5+s11], $0x20, s16, s11, $0xb8;
	[tilespmem:$0x13200] =	vst v63  }
0x14d: {  	v10 =	vor.u32 s30, v12;
	v5 =	vshll.u32 v9, $0x5  }
0x14e: {  	v2 =	vshll.u32 v10, $0x5;
	v11 =	vor.u32 v12, v5;
	v6 =	vand.u32 $0x1C8, v0;
	[tilespmem:s24], [sflag:$0x2] =	stream.indirect.gather [hbm4b:s5+s11], $0x20, s18, s11, $0xb8;
	[tilespmem:$0x13200] =	vst v63  }
0x14f: {  	v0 =	vand.u32 $0x1D8, v1;
	v12 =	vor.u32 v12, v2;
	v14 =	vor.u32 v40, v6;
	v13 =	vld.idx.msk [tilespmem:v4+s13+$0x0], $0xffff  }
0x150: {  	v15 =	vor.u32 v37, v7;
	v16 =	vor.u32 v40, v0;
	v8 =	vld.idx.msk [tilespmem:v8+s13+$0x0], $0xffff  }
0x151: {  	v17 =	vor.u32 v37, v3  }
0x152: {  	v4 =	vand.u32 $0x1E8, v9  }
0x153: {  	v1 =	vand.u32 $0x1F8, v10;
	v35 =	vld.idx.msk [tilespmem:v11+s13+$0x0], $0xffff;
	v10 =	vor.u32 v40, v4  }
0x154: {  	v18 =	vor.u32 v37, v5;
	v11 =	vld.idx.msk [tilespmem:v12+s13+$0x0], $0xffff;
	v12 =	vor.u32 v40, v1;
	[tilespmem:v14+s25+$0x0] =	vst.idx.msk $0xffff, v13  }
0x155: {  	v13 =	vor.u32 v37, v2;
	[tilespmem:v16+s25+$0x0] =	vst.idx.msk $0xffff, v8;
	v8 =	vor.u32 v24, v6;
	v14 =	vld.idx.msk [tilespmem:v15+s13+$0x0], $0xffff  }
0x156: {  	v16 =	vor.u32 v48, v7;
	v15 =	vld.idx.msk [tilespmem:v17+s13+$0x0], $0xffff;
	v17 =	vor.u32 v24, v0  }
0x157: {  	v9 =	vor.u32 v48, v3  }
0x158: {  	[tilespmem:v10+s25+$0x0] =	vst.idx.msk $0xffff, v35  }
0x159: {  	[tilespmem:v12+s25+$0x0] =	vst.idx.msk $0xffff, v11;
	v11 =	vor.u32 v24, v4;
	v10 =	vld.idx.msk [tilespmem:v18+s13+$0x0], $0xffff  }
0x15a: {  	v18 =	vor.u32 v48, v5;
	v12 =	vld.idx.msk [tilespmem:v13+s13+$0x0], $0xffff;
	v13 =	vor.u32 v24, v1;
	[tilespmem:v8+s25+$0x0] =	vst.idx.msk $0xffff, v14  }
0x15b: {  	v8 =	vor.u32 v48, v2;
	[tilespmem:v17+s25+$0x0] =	vst.idx.msk $0xffff, v15;
	v15 =	vor.u32 v43, v6;
	v14 =	vld.idx.msk [tilespmem:v16+s13+$0x0], $0xffff  }
0x15c: {  	v17 =	vor.u32 v43, v0;
	v49 =	vld.idx.msk [tilespmem:v9+s13+$0x0], $0xffff;
	v16 =	vor.u32 v45, v7  }
0x15d: {  	v9 =	vor.u32 v45, v3  }
0x15e: {  	[tilespmem:v11+s25+$0x0] =	vst.idx.msk $0xffff, v10  }
0x15f: {  	v11 =	vor.u32 v43, v4;
	v10 =	vld.idx.msk [tilespmem:v18+s13+$0x0], $0xffff;
	[tilespmem:v13+s25+$0x0] =	vst.idx.msk $0xffff, v12  }
0x160: {  	v12 =	vor.u32 v43, v1;
	v13 =	vor.u32 v45, v5;
	v8 =	vld.idx.msk [tilespmem:v8+s13+$0x0], $0xffff;
	[tilespmem:v15+s25+$0x0] =	vst.idx.msk $0xffff, v14  }
0x161: {  	v14 =	vor.u32 v45, v2;
	[tilespmem:v17+s25+$0x0] =	vst.idx.msk $0xffff, v49;
	v15 =	vld.idx.msk [tilespmem:v16+s13+$0x0], $0xffff;
	v16 =	vor.u32 v44, v6  }
0x162: {  	v18 =	vor.u32 v44, v0;
	v17 =	vor.u32 v61, v7;
	v35 =	vld.idx.msk [tilespmem:v9+s13+$0x0], $0xffff  }
0x163: {  	v9 =	vor.u32 v61, v3  }
0x164: {  	[tilespmem:v11+s25+$0x0] =	vst.idx.msk $0xffff, v10  }
0x165: {  	v10 =	vor.u32 v44, v4;
	v42 =	vld.idx.msk [tilespmem:v13+s13+$0x0], $0xffff;
	[tilespmem:v12+s25+$0x0] =	vst.idx.msk $0xffff, v8  }
0x166: {  	v13 =	vor.u32 v61, v5;
	v12 =	vor.u32 v44, v1;
	v11 =	vld.idx.msk [tilespmem:v14+s13+$0x0], $0xffff;
	[tilespmem:v16+s25+$0x0] =	vst.idx.msk $0xffff, v15  }
0x167: {  	v14 =	vor.u32 v61, v2;
	[tilespmem:v18+s25+$0x0] =	vst.idx.msk $0xffff, v35;
	v16 =	vor.u32 v41, v6;
	v15 =	vld.idx.msk [tilespmem:v17+s13+$0x0], $0xffff  }
0x168: {  	v18 =	vor.u32 v41, v0;
	v9 =	vld.idx.msk [tilespmem:v9+s13+$0x0], $0xffff;
	v17 =	vor.u32 v54, v7  }
0x169: {  	v8 =	vor.u32 v54, v3  }
0x16a: {  	[tilespmem:v10+s25+$0x0] =	vst.idx.msk $0xffff, v42  }
0x16b: {  	v10 =	vld.idx.msk [tilespmem:v13+s13+$0x0], $0xffff;
	[tilespmem:v12+s25+$0x0] =	vst.idx.msk $0xffff, v11;
	v11 =	vor.u32 v41, v4  }
0x16c: {  	v13 =	vor.u32 v41, v1;
	v12 =	vld.idx.msk [tilespmem:v14+s13+$0x0], $0xffff;
	v14 =	vor.u32 v54, v5;
	[tilespmem:v16+s25+$0x0] =	vst.idx.msk $0xffff, v15  }
0x16d: {  	v15 =	vor.u32 v54, v2;
	[tilespmem:v18+s25+$0x0] =	vst.idx.msk $0xffff, v9;
	v9 =	vor.u32 v46, v6;
	v16 =	vld.idx.msk [tilespmem:v17+s13+$0x0], $0xffff  }
0x16e: {  	v18 =	vor.u32 v46, v0;
	v35 =	vld.idx.msk [tilespmem:v8+s13+$0x0], $0xffff;
	v17 =	vor.u32 v51, v7  }
0x16f: {  	v8 =	vor.u32 v51, v3  }
0x170: {  	[tilespmem:v11+s25+$0x0] =	vst.idx.msk $0xffff, v10  }
0x171: {  	v11 =	vor.u32 v46, v4;
	[tilespmem:v13+s25+$0x0] =	vst.idx.msk $0xffff, v12;
	v10 =	vld.idx.msk [tilespmem:v14+s13+$0x0], $0xffff  }
0x172: {  	v13 =	vor.u32 v46, v1;
	v14 =	vor.u32 v51, v5;
	v12 =	vld.idx.msk [tilespmem:v15+s13+$0x0], $0xffff;
	[tilespmem:v9+s25+$0x0] =	vst.idx.msk $0xffff, v16  }
0x173: {  	v9 =	vor.u32 v51, v2;
	[tilespmem:v18+s25+$0x0] =	vst.idx.msk $0xffff, v35;
	v16 =	vor.u32 v31, v6;
	v15 =	vld.idx.msk [tilespmem:v17+s13+$0x0], $0xffff  }
0x174: {  	v18 =	vor.u32 v31, v0;
	v35 =	vld.idx.msk [tilespmem:v8+s13+$0x0], $0xffff;
	v17 =	vor.u32 v63, v7  }
0x175: {  	v8 =	vor.u32 v63, v3  }
0x176: {  	[tilespmem:v11+s25+$0x0] =	vst.idx.msk $0xffff, v10  }
0x177: {  	v11 =	vor.u32 v31, v4;
	[tilespmem:v13+s25+$0x0] =	vst.idx.msk $0xffff, v12;
	v10 =	vld.idx.msk [tilespmem:v14+s13+$0x0], $0xffff  }
0x178: {  	v12 =	vor.u32 v31, v1;
	v13 =	vor.u32 v63, v5;
	v9 =	vld.idx.msk [tilespmem:v9+s13+$0x0], $0xffff;
	[tilespmem:v16+s25+$0x0] =	vst.idx.msk $0xffff, v15  }
0x179: {  	v14 =	vor.u32 v63, v2;
	[tilespmem:v18+s25+$0x0] =	vst.idx.msk $0xffff, v35;
	v16 =	vor.u32 v26, v6;
	v15 =	vld.idx.msk [tilespmem:v17+s13+$0x0], $0xffff  }
0x17a: {  	v18 =	vor.u32 v26, v0;
	v35 =	vld.idx.msk [tilespmem:v8+s13+$0x0], $0xffff;
	v17 =	vor.u32 v47, v7  }
0x17b: {  	v8 =	vor.u32 v47, v3  }
0x17c: {  	[tilespmem:v11+s25+$0x0] =	vst.idx.msk $0xffff, v10  }
0x17d: {  	v10 =	vor.u32 v26, v4;
	[tilespmem:v12+s25+$0x0] =	vst.idx.msk $0xffff, v9;
	v9 =	vld.idx.msk [tilespmem:v13+s13+$0x0], $0xffff  }
0x17e: {  	v12 =	vor.u32 v26, v1;
	v13 =	vor.u32 v47, v5;
	v11 =	vld.idx.msk [tilespmem:v14+s13+$0x0], $0xffff;
	[tilespmem:v16+s25+$0x0] =	vst.idx.msk $0xffff, v15  }
0x17f: {  	v14 =	vor.u32 v47, v2;
	[tilespmem:v18+s25+$0x0] =	vst.idx.msk $0xffff, v35;
	v16 =	vor.u32 v50, v6;
	v15 =	vld.idx.msk [tilespmem:v17+s13+$0x0], $0xffff  }
0x180: {  	v18 =	vor.u32 v50, v0;
	v35 =	vld.idx.msk [tilespmem:v8+s13+$0x0], $0xffff;
	v17 =	vor.u32 v55, v7  }
0x181: {  	v8 =	vor.u32 v55, v3  }
0x182: {  	[tilespmem:v10+s25+$0x0] =	vst.idx.msk $0xffff, v9  }
0x183: {  	v10 =	vor.u32 v50, v4;
	[tilespmem:v12+s25+$0x0] =	vst.idx.msk $0xffff, v11;
	v9 =	vld.idx.msk [tilespmem:v13+s13+$0x0], $0xffff  }
0x184: {  	v12 =	vor.u32 v55, v5;
	v13 =	vor.u32 v50, v1;
	v11 =	vld.idx.msk [tilespmem:v14+s13+$0x0], $0xffff;
	[tilespmem:v16+s25+$0x0] =	vst.idx.msk $0xffff, v15  }
0x185: {  	v14 =	vor.u32 v55, v2;
	[tilespmem:v18+s25+$0x0] =	vst.idx.msk $0xffff, v35;
	v16 =	vor.u32 v25, v6;
	v15 =	vld.idx.msk [tilespmem:v17+s13+$0x0], $0xffff  }
0x186: {  	v18 =	vor.u32 v25, v0;
	v54 =	vld.idx.msk [tilespmem:v8+s13+$0x0], $0xffff;
	v17 =	vor.u32 v56, v7  }
0x187: {  	v8 =	vor.u32 v56, v3  }
0x188: {  	[tilespmem:v10+s25+$0x0] =	vst.idx.msk $0xffff, v9  }
0x189: {  	v10 =	vor.u32 v25, v4;
	v57 =	vld.idx.msk [tilespmem:v12+s13+$0x0], $0xffff;
	[tilespmem:v13+s25+$0x0] =	vst.idx.msk $0xffff, v11  }
0x18a: {  	v12 =	vor.u32 v56, v5;
	v13 =	vor.u32 v25, v1;
	v11 =	vld.idx.msk [tilespmem:v14+s13+$0x0], $0xffff;
	[tilespmem:v16+s25+$0x0] =	vst.idx.msk $0xffff, v15  }
0x18b: {  	v14 =	vor.u32 v56, v2;
	[tilespmem:v18+s25+$0x0] =	vst.idx.msk $0xffff, v54;
	v16 =	vor.u32 v20, v6;
	v15 =	vld.idx.msk [tilespmem:v17+s13+$0x0], $0xffff  }
0x18c: {  	v18 =	vor.u32 v20, v0;
	v9 =	vld.idx.msk [tilespmem:v8+s13+$0x0], $0xffff;
	v17 =	vor.u32 v62, v7  }
0x18d: {  	v8 =	vor.u32 v62, v3  }
0x18e: {  	[tilespmem:v10+s25+$0x0] =	vst.idx.msk $0xffff, v57  }
0x18f: {  	v35 =	vld.idx.msk [tilespmem:v12+s13+$0x0], $0xffff;
	[tilespmem:v13+s25+$0x0] =	vst.idx.msk $0xffff, v11;
	v11 =	vor.u32 v20, v4  }
0x190: {  	v13 =	vor.u32 v62, v5;
	v12 =	vld.idx.msk [tilespmem:v14+s13+$0x0], $0xffff;
	v14 =	vor.u32 v20, v1;
	[tilespmem:v16+s25+$0x0] =	vst.idx.msk $0xffff, v15  }
0x191: {  	v15 =	vor.u32 v62, v2;
	[tilespmem:v18+s25+$0x0] =	vst.idx.msk $0xffff, v9;
	v9 =	vor.u32 v19, v6;
	v16 =	vld.idx.msk [tilespmem:v17+s13+$0x0], $0xffff  }
0x192: {  	v18 =	vor.u32 v19, v0;
	v10 =	vld.idx.msk [tilespmem:v8+s13+$0x0], $0xffff;
	v17 =	vor.u32 v53, v7  }
0x193: {  	v8 =	vor.u32 v53, v3  }
0x194: {  	[tilespmem:v11+s25+$0x0] =	vst.idx.msk $0xffff, v35  }
0x195: {  	v35 =	vld.idx.msk [tilespmem:v13+s13+$0x0], $0xffff;
	[tilespmem:v14+s25+$0x0] =	vst.idx.msk $0xffff, v12;
	v12 =	vor.u32 v19, v4  }
0x196: {  	v13 =	vld.idx.msk [tilespmem:v15+s13+$0x0], $0xffff;
	v15 =	vor.u32 v19, v1;
	[tilespmem:v9+s25+$0x0] =	vst.idx.msk $0xffff, v16  }
0x197: {  	[tilespmem:v18+s25+$0x0] =	vst.idx.msk $0xffff, v10;
	v10 =	vor.u32 v60, v6;
	v16 =	vld.idx.msk [tilespmem:v17+s13+$0x0], $0xffff  }
0x198: {  	v18 =	vor.u32 v60, v0;
	v11 =	vld.idx.msk [tilespmem:v8+s13+$0x0], $0xffff;
	_ =	sdelay $0x1  }
0x199: {  	[tilespmem:v12+s25+$0x0] =	vst.idx.msk $0xffff, v35  }
0x19a: {  	v14 =	vor.u32 v53, v5;
	[tilespmem:v15+s25+$0x0] =	vst.idx.msk $0xffff, v13  }
0x19b: {  	v9 =	vor.u32 v53, v2;
	[tilespmem:v10+s25+$0x0] =	vst.idx.msk $0xffff, v16  }
0x19c: {  	v17 =	vor.u32 v34, v7;
	[tilespmem:v18+s25+$0x0] =	vst.idx.msk $0xffff, v11  }
0x19d: {  	v8 =	vor.u32 v34, v3;
	v35 =	vld [tilespmem:$0x1FD40];
	_ =	sdelay $0x1  }
0x19e: {  	v58 =	vld.idx.msk [tilespmem:v14+s13+$0x0], $0xffff;
	v13 =	vor.u32 v60, v4  }
0x19f: {  	v14 =	vor.u32 v34, v5;
	v15 =	vor.u32 v60, v1;
	v9 =	vld.idx.msk [tilespmem:v9+s13+$0x0], $0xffff  }
0x1a0: {  	v10 =	vor.u32 v34, v2;
	v11 =	vor.u32 v28, v6;
	v16 =	vld.idx.msk [tilespmem:v17+s13+$0x0], $0xffff  }
0x1a1: {  	v18 =	vor.u32 v28, v0;
	v12 =	vld.idx.msk [tilespmem:v8+s13+$0x0], $0xffff;
	v17 =	vor.u32 v35, v7  }
0x1a2: {  	v8 =	vor.u32 v35, v3  }
0x1a3: {  	[tilespmem:v13+s25+$0x0] =	vst.idx.msk $0xffff, v58  }
0x1a4: {  	v42 =	vld.idx.msk [tilespmem:v14+s13+$0x0], $0xffff;
	[tilespmem:v15+s25+$0x0] =	vst.idx.msk $0xffff, v9;
	v9 =	vor.u32 v28, v4  }
0x1a5: {  	v15 =	vor.u32 v28, v1;
	v10 =	vld.idx.msk [tilespmem:v10+s13+$0x0], $0xffff;
	v14 =	vor.u32 v35, v5;
	[tilespmem:v11+s25+$0x0] =	vst.idx.msk $0xffff, v16  }
0x1a6: {  	v11 =	vor.u32 v35, v2;
	[tilespmem:v18+s25+$0x0] =	vst.idx.msk $0xffff, v12;
	v12 =	vor.u32 v29, v6;
	v16 =	vld.idx.msk [tilespmem:v17+s13+$0x0], $0xffff  }
0x1a7: {  	v18 =	vor.u32 v29, v0;
	v13 =	vld.idx.msk [tilespmem:v8+s13+$0x0], $0xffff;
	v17 =	vor.u32 v21, v7  }
0x1a8: {  	v8 =	vor.u32 v21, v3  }
0x1a9: {  	[tilespmem:v9+s25+$0x0] =	vst.idx.msk $0xffff, v42  }
0x1aa: {  	[tilespmem:v15+s25+$0x0] =	vst.idx.msk $0xffff, v10;
	v10 =	vor.u32 v29, v4;
	v59 =	vld.idx.msk [tilespmem:v14+s13+$0x0], $0xffff  }
0x1ab: {  	v15 =	vor.u32 v29, v1;
	v11 =	vld.idx.msk [tilespmem:v11+s13+$0x0], $0xffff;
	v14 =	vor.u32 v21, v5;
	[tilespmem:v12+s25+$0x0] =	vst.idx.msk $0xffff, v16  }
0x1ac: {  	v12 =	vor.u32 v21, v2;
	[tilespmem:v18+s25+$0x0] =	vst.idx.msk $0xffff, v13;
	v13 =	vor.u32 v23, v6;
	v16 =	vld.idx.msk [tilespmem:v17+s13+$0x0], $0xffff  }
0x1ad: {  	v18 =	vor.u32 v23, v0;
	v9 =	vld.idx.msk [tilespmem:v8+s13+$0x0], $0xffff;
	v17 =	vor.u32 v22, v7  }
0x1ae: {  	v8 =	vor.u32 v22, v3  }
0x1af: {  	[tilespmem:v10+s25+$0x0] =	vst.idx.msk $0xffff, v59  }
0x1b0: {  	[tilespmem:v15+s25+$0x0] =	vst.idx.msk $0xffff, v11;
	v11 =	vor.u32 v23, v4;
	v35 =	vld.idx.msk [tilespmem:v14+s13+$0x0], $0xffff  }
0x1b1: {  	v15 =	vor.u32 v23, v1;
	v14 =	vor.u32 v22, v5;
	v12 =	vld.idx.msk [tilespmem:v12+s13+$0x0], $0xffff;
	[tilespmem:v13+s25+$0x0] =	vst.idx.msk $0xffff, v16  }
0x1b2: {  	v13 =	vor.u32 v22, v2;
	[tilespmem:v18+s25+$0x0] =	vst.idx.msk $0xffff, v9;
	v9 =	vor.u32 v39, v6;
	v16 =	vld.idx.msk [tilespmem:v17+s13+$0x0], $0xffff  }
0x1b3: {  	v18 =	vor.u32 v39, v0;
	v10 =	vld.idx.msk [tilespmem:v8+s13+$0x0], $0xffff;
	v17 =	vor.u32 v33, v7  }
0x1b4: {  	v8 =	vor.u32 v33, v3  }
0x1b5: {  	[tilespmem:v11+s25+$0x0] =	vst.idx.msk $0xffff, v35  }
0x1b6: {  	v11 =	vld.idx.msk [tilespmem:v14+s13+$0x0], $0xffff;
	[tilespmem:v15+s25+$0x0] =	vst.idx.msk $0xffff, v12;
	v12 =	vor.u32 v39, v4  }
0x1b7: {  	v14 =	vor.u32 v33, v5;
	v15 =	vor.u32 v39, v1;
	v60 =	vld.idx.msk [tilespmem:v13+s13+$0x0], $0xffff;
	[tilespmem:v9+s25+$0x0] =	vst.idx.msk $0xffff, v16  }
0x1b8: {  	v16 =	vor.u32 v33, v2;
	[tilespmem:v18+s25+$0x0] =	vst.idx.msk $0xffff, v10;
	v18 =	vor.u32 v32, v6;
	v9 =	vld.idx.msk [tilespmem:v17+s13+$0x0], $0xffff  }
0x1b9: {  	v40 =	vmovc v45;
	v43 =	vmov v21;
	v62 =	vor.u32 v32, v0;
	v13 =	vor.u32 v27, v7;
	v8 =	vld.idx.msk [tilespmem:v8+s13+$0x0], $0xffff  }
0x1ba: {  	v49 =	vmovc v48;
	v44 =	vmovc v22;
	v41 =	vmov v34;
	v46 =	vmov v37;
	v37 =	vmov v33  }
0x1bb: {  	v54 =	vmov v47;
	v57 =	vor.u32 v52, v6;
	v59 =	vor.u32 v27, v3;
	[tilespmem:v12+s25+$0x0] =	vst.idx.msk $0xffff, v11  }
0x1bc: {  	v17 =	vor.u32 v32, v1;
	v12 =	vor.u32 v27, v5;
	v10 =	vld.idx.msk [tilespmem:v14+s13+$0x0], $0xffff;
	[tilespmem:v15+s25+$0x0] =	vst.idx.msk $0xffff, v60  }
0x1bd: {  	v14 =	vor.u32 v32, v4;
	v15 =	vor.u32 v30, v7;
	v11 =	vld.idx.msk [tilespmem:v16+s13+$0x0], $0xffff;
	[tilespmem:v18+s25+$0x0] =	vst.idx.msk $0xffff, v9  }
0x1be: {  	s7 =	simm.s32 $0x0;
	s8 =	simm.s32 $0x70;
	v52 =	vmov v51;
	v18 =	vor.u32 v27, v2;
	[tilespmem:v62+s25+$0x0] =	vst.idx.msk $0xffff, v8;
	v8 =	vmov v63;
	v16 =	vld.idx.msk [tilespmem:v13+s13+$0x0], $0xffff  }
.LBB2_7:
0x1bf: {  	_ = 	snop  }
0x1c0: {  	v36 =	vld [tilespmem:$0x1FFF0]  }
0x1c1: {  	v9 =	vld.idx.msk [tilespmem:v59+s13+$0x0], $0xffff  }
0x1c2: {  	v62 =	vld [tilespmem:$0x1FC20]  }
0x1c3: {  	v35 =	vld [tilespmem:$0x1FEF0];
	[tilespmem:v14+s25+$0x0] =	vst.idx.msk $0xffff, v10  }
0x1c4: {  	v28 =	vlaneseq.u32;
	[tilespmem:v57+s25+$0x0] =	vst.idx.msk $0xffff, v16;
	v16 =	vld [tilespmem:$0x1FE50]  }
0x1c5: {  	s15 =	sadd.s32 $0xFFFFFFE0, s8;
	v19 =	vor.u32 s8, v28;
	v25 =	vld.idx.msk [tilespmem:v12+s13+$0x0], $0xffff  }
0x1c6: {  	s9 =	sadd.s32 $0xFFFFFFD0, s8;
	v29 =	vor.u32 v30, v2;
	v23 =	vor.u32 s15, v28;
	v13 =	vshll.u32 v19, $0x5;
	v30 =	vld.idx.msk [tilespmem:v15+s13+$0x0], $0xffff  }
0x1c7: {  	v22 =	vor.u32 s9, v28;
	v24 =	vor.u32 v28, v13;
	[tilespmem:v17+s25+$0x0] =	vst.idx.msk $0xffff, v11;
	v11 =	vshll.u32 v23, $0x5;
	v15 =	vld [tilespmem:$0x1FE50]  }
0x1c8: {  	v14 =	vshll.u32 v22, $0x5;
	v26 =	vor.u32 v28, v11;
	v12 =	vld [tilespmem:$0x1FE30]  }
0x1c9: {  	s30 =	sadd.s32 $0xFFFFFFF0, s8;
	v21 =	vor.u32 v36, v1;
	v17 =	vor.u32 v28, v14;
	v18 =	vld.idx.msk [tilespmem:v18+s13+$0x0], $0xffff  }
0x1ca: {  	v63 =	vld [tilespmem:$0x1FCD0];
	v50 =	vor.u32 s30, v28;
	v32 =	vor.u32 v36, v0  }
0x1cb: {  	v10 =	vand.u32 $0x1D8, v23;
	v20 =	vor.u32 v36, v4;
	v34 =	vor.u32 v16, v3  }
0x1cc: {  	v24 =	vld.idx.msk [tilespmem:v24+s13+$0x0], $0xffff;
	v33 =	vor.u32 v15, v5;
	v15 =	vand.u32 $0x1F8, v19;
	v19 =	vor.u32 v62, v6  }
0x1cd: {  	v42 =	vor.u32 v35, v10;
	v27 =	vor.u32 v12, v11;
	v12 =	vshll.u32 v50, $0x5;
	v38 =	vld.idx.msk [tilespmem:v26+s13+$0x0], $0xffff  }
0x1ce: {  	v51 =	vld.idx.msk [tilespmem:v17+s13+$0x0], $0xffff;
	[tilespmem:v21+s25+$0x0] =	vst.idx.msk $0xffff, v18;
	v28 =	vor.u32 v28, v12  }
0x1cf: {  	v31 =	vor.u32 v63, v7;
	[tilespmem:v32+s25+$0x0] =	vst.idx.msk $0xffff, v9;
	v9 =	vld [tilespmem:$0x1FDA0]  }
0x1d0: {  	[tilespmem:v20+s25+$0x0] =	vst.idx.msk $0xffff, v25;
	v60 =	vor.u32 v35, v15;
	v23 =	vld.idx.msk [tilespmem:v29+s13+$0x0], $0xffff  }
0x1d1: {  	[tilespmem:v19+s25+$0x0] =	vst.idx.msk $0xffff, v30;
	v19 =	vld.idx.msk [tilespmem:v34+s13+$0x0], $0xffff  }
0x1d2: {  	v16 =	vand.u32 $0x1C8, v22;
	v29 =	vor.u32 v46, v11;
	[tilespmem:v42+s25+$0x0] =	vst.idx.msk $0xffff, v38;
	v42 =	vld [tilespmem:$0x1FF00]  }
0x1d3: {  	v39 =	vor.u32 v46, v13;
	v20 =	vor.u32 v35, v16;
	v17 =	vand.u32 $0x1E8, v50;
	v28 =	vld.idx.msk [tilespmem:v28+s13+$0x0], $0xffff  }
0x1d4: {  	v18 =	vor.u32 v46, v14;
	v35 =	vor.u32 v35, v17;
	v22 =	vld.idx.msk [tilespmem:v31+s13+$0x0], $0xffff  }
0x1d5: {  	v45 =	vor.u32 v9, v6;
	[tilespmem:v60+s25+$0x0] =	vst.idx.msk $0xffff, v24;
	v60 =	vld [tilespmem:$0x1FCE0]  }
0x1d6: {  	v57 =	vor.u32 v36, v16;
	v36 =	vld [tilespmem:$0x1FF80]  }
0x1d7: {  	v32 =	vor.u32 v46, v12;
	v24 =	vor.u32 v62, v1;
	v29 =	vld.idx.msk [tilespmem:v29+s13+$0x0], $0xffff  }
0x1d8: {  	v47 =	vor.u32 v63, v2;
	[tilespmem:v20+s25+$0x0] =	vst.idx.msk $0xffff, v51;
	v20 =	vld.idx.msk [tilespmem:v39+s13+$0x0], $0xffff  }
0x1d9: {  	v30 =	vld.idx.msk [tilespmem:v18+s13+$0x0], $0xffff;
	[tilespmem:v35+s25+$0x0] =	vst.idx.msk $0xffff, v28  }
0x1da: {  	v48 =	vor.u32 v42, v15;
	v50 =	vor.u32 v60, v7;
	[tilespmem:v45+s25+$0x0] =	vst.idx.msk $0xffff, v22;
	v45 =	vld [tilespmem:$0x1FE80]  }
0x1db: {  	v51 =	vor.u32 v49, v13;
	v39 =	vor.u32 v42, v10;
	v18 =	vld.idx.msk [tilespmem:v33+s13+$0x0], $0xffff  }
0x1dc: {  	v31 =	vor.u32 v42, v16;
	[tilespmem:v24+s25+$0x0] =	vst.idx.msk $0xffff, v23;
	v32 =	vld.idx.msk [tilespmem:v32+s13+$0x0], $0xffff  }
0x1dd: {  	v28 =	vor.u32 v49, v11;
	v24 =	vld.idx.msk [tilespmem:v47+s13+$0x0], $0xffff  }
0x1de: {  	v58 =	vor.u32 v62, v0;
	v38 =	vor.u32 v49, v14;
	v33 =	vor.u32 v42, v17;
	v42 =	vld [tilespmem:$0x1FCF0]  }
0x1df: {  	v22 =	vor.u32 v63, v3;
	[tilespmem:v48+s25+$0x0] =	vst.idx.msk $0xffff, v20;
	v20 =	vld.idx.msk [tilespmem:v50+s13+$0x0], $0xffff  }
0x1e0: {  	v25 =	vor.u32 v9, v1;
	v23 =	vor.u32 v49, v12;
	[tilespmem:v39+s25+$0x0] =	vst.idx.msk $0xffff, v29;
	v26 =	vld.idx.msk [tilespmem:v51+s13+$0x0], $0xffff  }
0x1e1: {  	[tilespmem:v31+s25+$0x0] =	vst.idx.msk $0xffff, v30;
	v51 =	vld [tilespmem:$0x1FC30];
	v30 =	vor.u32 v60, v2;
	v29 =	vor.u32 v45, v15  }
0x1e2: {  	v28 =	vld.idx.msk [tilespmem:v28+s13+$0x0], $0xffff;
	v50 =	vor.u32 v40, v13  }
0x1e3: {  	[tilespmem:v58+s25+$0x0] =	vst.idx.msk $0xffff, v19;
	v31 =	vld.idx.msk [tilespmem:v38+s13+$0x0], $0xffff  }
0x1e4: {  	[tilespmem:v33+s25+$0x0] =	vst.idx.msk $0xffff, v32;
	v22 =	vld.idx.msk [tilespmem:v22+s13+$0x0], $0xffff  }
0x1e5: {  	v58 =	vor.u32 v45, v10;
	[tilespmem:v25+s25+$0x0] =	vst.idx.msk $0xffff, v24;
	v23 =	vld.idx.msk [tilespmem:v23+s13+$0x0], $0xffff  }
0x1e6: {  	v59 =	vmov v27;
	v27 =	vor.u32 v51, v6;
	v24 =	vld.idx.msk [tilespmem:v30+s13+$0x0], $0xffff;
	[tilespmem:v29+s25+$0x0] =	vst.idx.msk $0xffff, v26  }
0x1e7: {  	v32 =	vor.u32 v40, v11;
	v33 =	vor.u32 v45, v17;
	v29 =	vld.idx.msk [tilespmem:v50+s13+$0x0], $0xffff  }
0x1e8: {  	v48 =	vor.u32 v45, v16;
	v47 =	vor.u32 v42, v7;
	v50 =	vld [tilespmem:$0x1FDB0]  }
0x1e9: {  	v25 =	vor.u32 v40, v12;
	v38 =	vld [tilespmem:$0x1FEA0]  }
0x1ea: {  	v21 =	vor.u32 v9, v0;
	v19 =	vor.u32 v40, v14;
	[tilespmem:v58+s25+$0x0] =	vst.idx.msk $0xffff, v28;
	v58 =	vld [tilespmem:$0x1FD10]  }
0x1eb: {  	v39 =	vld [tilespmem:$0x1FF20];
	[tilespmem:v27+s25+$0x0] =	vst.idx.msk $0xffff, v20;
	v20 =	vor.u32 v60, v3  }
0x1ec: {  	v32 =	vld.idx.msk [tilespmem:v32+s13+$0x0], $0xffff;
	[tilespmem:v33+s25+$0x0] =	vst.idx.msk $0xffff, v23;
	v27 =	vor.u32 v51, v1  }
0x1ed: {  	v26 =	vld.idx.msk [tilespmem:v47+s13+$0x0], $0xffff;
	[tilespmem:v48+s25+$0x0] =	vst.idx.msk $0xffff, v31;
	v30 =	vor.u32 v50, v6;
	v31 =	vor.u32 v42, v2  }
0x1ee: {  	v25 =	vld.idx.msk [tilespmem:v25+s13+$0x0], $0xffff;
	v48 =	vor.u32 v38, v10  }
0x1ef: {  	v28 =	vor.u32 v38, v15;
	[tilespmem:v21+s25+$0x0] =	vst.idx.msk $0xffff, v22;
	v34 =	vor.u32 v58, v7;
	v19 =	vld.idx.msk [tilespmem:v19+s13+$0x0], $0xffff  }
0x1f0: {  	v35 =	vor.u32 v38, v16;
	v47 =	vor.u32 v61, v13;
	v20 =	vld.idx.msk [tilespmem:v20+s13+$0x0], $0xffff  }
0x1f1: {  	v23 =	vor.u32 v61, v11;
	[tilespmem:v27+s25+$0x0] =	vst.idx.msk $0xffff, v24;
	v24 =	vor.u32 v38, v17;
	v38 =	vld [tilespmem:$0x1FC40]  }
0x1f2: {  	v21 =	vor.u32 v61, v14;
	[tilespmem:v30+s25+$0x0] =	vst.idx.msk $0xffff, v26;
	v26 =	vld.idx.msk [tilespmem:v31+s13+$0x0], $0xffff  }
0x1f3: {  	v33 =	vor.u32 v51, v0;
	v27 =	vor.u32 v61, v12;
	[tilespmem:v48+s25+$0x0] =	vst.idx.msk $0xffff, v32;
	v48 =	vld [tilespmem:$0x1FD20]  }
0x1f4: {  	[tilespmem:v28+s25+$0x0] =	vst.idx.msk $0xffff, v29;
	v28 =	vld.idx.msk [tilespmem:v34+s13+$0x0], $0xffff  }
0x1f5: {  	v29 =	vor.u32 v50, v1;
	[tilespmem:v35+s25+$0x0] =	vst.idx.msk $0xffff, v19;
	v19 =	vld.idx.msk [tilespmem:v47+s13+$0x0], $0xffff  }
0x1f6: {  	v23 =	vld.idx.msk [tilespmem:v23+s13+$0x0], $0xffff;
	v30 =	vor.u32 v38, v6  }
0x1f7: {  	v22 =	vor.u32 v39, v15;
	v31 =	vor.u32 v58, v2;
	v21 =	vld.idx.msk [tilespmem:v21+s13+$0x0], $0xffff;
	[tilespmem:v24+s25+$0x0] =	vst.idx.msk $0xffff, v25  }
0x1f8: {  	[tilespmem:v33+s25+$0x0] =	vst.idx.msk $0xffff, v20;
	v33 =	vor.u32 v39, v10;
	v32 =	vor.u32 v48, v7;
	v25 =	vld.idx.msk [tilespmem:v27+s13+$0x0], $0xffff  }
0x1f9: {  	v34 =	vor.u32 v39, v16;
	v35 =	vor.u32 v36, v13;
	v27 =	vor.u32 v62, v4;
	v62 =	vld [tilespmem:$0x1FE70]  }
0x1fa: {  	v24 =	vor.u32 v36, v11;
	[tilespmem:v29+s25+$0x0] =	vst.idx.msk $0xffff, v26;
	v26 =	vor.u32 v39, v17;
	v39 =	vld [tilespmem:$0x1FE10]  }
0x1fb: {  	v20 =	vor.u32 v36, v14;
	[tilespmem:v30+s25+$0x0] =	vst.idx.msk $0xffff, v28;
	v30 =	vor.u32 v36, v12;
	v36 =	vld [tilespmem:$0x1FDC0]  }
0x1fc: {  	v29 =	vld.idx.msk [tilespmem:v31+s13+$0x0], $0xffff;
	[tilespmem:v22+s25+$0x0] =	vst.idx.msk $0xffff, v19;
	v28 =	vor.u32 v63, v5  }
0x1fd: {  	[tilespmem:v33+s25+$0x0] =	vst.idx.msk $0xffff, v23;
	v19 =	vld.idx.msk [tilespmem:v32+s13+$0x0], $0xffff  }
0x1fe: {  	v22 =	vor.u32 v38, v1;
	[tilespmem:v34+s25+$0x0] =	vst.idx.msk $0xffff, v21;
	v21 =	vld.idx.msk [tilespmem:v35+s13+$0x0], $0xffff  }
0x1ff: {  	v32 =	vor.u32 v48, v2;
	v24 =	vld.idx.msk [tilespmem:v24+s13+$0x0], $0xffff;
	[tilespmem:v27+s25+$0x0] =	vst.idx.msk $0xffff, v18  }
0x200: {  	v20 =	vld.idx.msk [tilespmem:v20+s13+$0x0], $0xffff;
	[tilespmem:v26+s25+$0x0] =	vst.idx.msk $0xffff, v25;
	v31 =	vor.u32 v36, v6  }
0x201: {  	v23 =	vor.u32 v62, v15;
	v33 =	vor.u32 v39, v7;
	v25 =	vld.idx.msk [tilespmem:v28+s13+$0x0], $0xffff  }
0x202: {  	v63 =	vor.u32 v52, v13;
	v34 =	vor.u32 v62, v16;
	v28 =	vld.idx.msk [tilespmem:v30+s13+$0x0], $0xffff  }
0x203: {  	[tilespmem:v22+s25+$0x0] =	vst.idx.msk $0xffff, v29;
	v30 =	vor.u32 v9, v4;
	v9 =	vld [tilespmem:$0x1FE40]  }
0x204: {  	v27 =	vor.u32 v62, v10;
	v29 =	vld.idx.msk [tilespmem:v32+s13+$0x0], $0xffff  }
0x205: {  	v26 =	vor.u32 v52, v11;
	[tilespmem:v31+s25+$0x0] =	vst.idx.msk $0xffff, v19;
	v19 =	vor.u32 v60, v5;
	v60 =	vld [tilespmem:$0x1FEC0]  }
0x206: {  	v18 =	vor.u32 v52, v14;
	v22 =	vor.u32 v62, v17;
	[tilespmem:v23+s25+$0x0] =	vst.idx.msk $0xffff, v21;
	v21 =	vld.idx.msk [tilespmem:v33+s13+$0x0], $0xffff  }
0x207: {  	[tilespmem:v34+s25+$0x0] =	vst.idx.msk $0xffff, v20;
	v20 =	vld.idx.msk [tilespmem:v63+s13+$0x0], $0xffff  }
0x208: {  	v31 =	vor.u32 v52, v12;
	v63 =	vld [tilespmem:$0x1FC50]  }
0x209: {  	v23 =	vor.u32 v36, v1;
	[tilespmem:v27+s25+$0x0] =	vst.idx.msk $0xffff, v24  }
0x20a: {  	v26 =	vld.idx.msk [tilespmem:v26+s13+$0x0], $0xffff;
	[tilespmem:v30+s25+$0x0] =	vst.idx.msk $0xffff, v25  }
0x20b: {  	v33 =	vor.u32 v39, v2;
	[tilespmem:v22+s25+$0x0] =	vst.idx.msk $0xffff, v28;
	v18 =	vld.idx.msk [tilespmem:v18+s13+$0x0], $0xffff;
	v24 =	vor.u32 v60, v15  }
0x20c: {  	v30 =	vor.u32 v60, v10;
	v19 =	vld.idx.msk [tilespmem:v19+s13+$0x0], $0xffff  }
0x20d: {  	v27 =	vor.u32 v9, v7;
	v22 =	vor.u32 v8, v11;
	v28 =	vld.idx.msk [tilespmem:v31+s13+$0x0], $0xffff;
	v32 =	vor.u32 v63, v6  }
0x20e: {  	[tilespmem:v23+s25+$0x0] =	vst.idx.msk $0xffff, v29;
	v34 =	vor.u32 v60, v16;
	v23 =	vor.u32 v60, v17;
	v60 =	vld [tilespmem:$0x1FC60]  }
0x20f: {  	v62 =	vor.u32 v8, v13;
	v31 =	vor.u32 v51, v4;
	v51 =	vld [tilespmem:$0x1FF10]  }
0x210: {  	v29 =	vld.idx.msk [tilespmem:v33+s13+$0x0], $0xffff;
	[tilespmem:v24+s25+$0x0] =	vst.idx.msk $0xffff, v20  }
0x211: {  	v25 =	vor.u32 v8, v14;
	[tilespmem:v30+s25+$0x0] =	vst.idx.msk $0xffff, v26  }
0x212: {  	v24 =	vor.u32 v63, v1;
	[tilespmem:v32+s25+$0x0] =	vst.idx.msk $0xffff, v21;
	v22 =	vld.idx.msk [tilespmem:v22+s13+$0x0], $0xffff  }
0x213: {  	v21 =	vor.u32 v42, v5;
	v20 =	vld.idx.msk [tilespmem:v27+s13+$0x0], $0xffff  }
0x214: {  	v33 =	vor.u32 v9, v2;
	v32 =	vor.u32 v8, v12;
	[tilespmem:v34+s25+$0x0] =	vst.idx.msk $0xffff, v18;
	v18 =	vld.idx.msk [tilespmem:v62+s13+$0x0], $0xffff  }
0x215: {  	v26 =	vor.u32 v51, v15;
	[tilespmem:v31+s25+$0x0] =	vst.idx.msk $0xffff, v19;
	v27 =	vor.u32 v60, v6;
	v62 =	vld [tilespmem:$0x1FE60]  }
0x216: {  	v31 =	vor.u32 v51, v10;
	v42 =	vor.u32 v42, v3;
	[tilespmem:v23+s25+$0x0] =	vst.idx.msk $0xffff, v28;
	v25 =	vld.idx.msk [tilespmem:v25+s13+$0x0], $0xffff  }
0x217: {  	v34 =	vor.u32 v51, v16;
	[tilespmem:v24+s25+$0x0] =	vst.idx.msk $0xffff, v29;
	v24 =	vor.u32 v51, v17;
	v51 =	vld [tilespmem:$0x1FC70]  }
0x218: {  	v21 =	vld.idx.msk [tilespmem:v21+s13+$0x0], $0xffff  }
0x219: {  	v28 =	vld.idx.msk [tilespmem:v32+s13+$0x0], $0xffff  }
0x21a: {  	v23 =	vor.u32 v54, v11;
	v32 =	vor.u32 v50, v4;
	[tilespmem:v27+s25+$0x0] =	vst.idx.msk $0xffff, v20;
	v27 =	vld.idx.msk [tilespmem:v33+s13+$0x0], $0xffff  }
0x21b: {  	v30 =	vor.u32 v62, v7;
	v33 =	vld.idx.msk [tilespmem:v42+s13+$0x0], $0xffff  }
0x21c: {  	v19 =	vor.u32 v54, v14;
	v42 =	vld [tilespmem:$0x1FF30]  }
0x21d: {  	v47 =	vld [tilespmem:$0x1FD50];
	v20 =	vor.u32 v58, v5;
	[tilespmem:v26+s25+$0x0] =	vst.idx.msk $0xffff, v18  }
0x21e: {  	v45 =	vld [tilespmem:$0x1FD60];
	v29 =	vor.u32 v54, v12;
	[tilespmem:v31+s25+$0x0] =	vst.idx.msk $0xffff, v22;
	v31 =	vor.u32 v50, v0  }
0x21f: {  	v35 =	vor.u32 v58, v3;
	v26 =	vor.u32 v60, v1;
	v23 =	vld.idx.msk [tilespmem:v23+s13+$0x0], $0xffff;
	[tilespmem:v32+s25+$0x0] =	vst.idx.msk $0xffff, v21  }
0x220: {  	v18 =	vld.idx.msk [tilespmem:v30+s13+$0x0], $0xffff;
	[tilespmem:v34+s25+$0x0] =	vst.idx.msk $0xffff, v25;
	v25 =	vor.u32 v54, v13;
	v30 =	vor.u32 v51, v6  }
0x221: {  	v32 =	vor.u32 v42, v10;
	[tilespmem:v24+s25+$0x0] =	vst.idx.msk $0xffff, v28;
	v19 =	vld.idx.msk [tilespmem:v19+s13+$0x0], $0xffff  }
0x222: {  	v22 =	vor.u32 v47, v7;
	v20 =	vld.idx.msk [tilespmem:v20+s13+$0x0], $0xffff  }
0x223: {  	v50 =	vor.u32 v42, v16;
	[tilespmem:v31+s25+$0x0] =	vst.idx.msk $0xffff, v33;
	v28 =	vld.idx.msk [tilespmem:v29+s13+$0x0], $0xffff  }
0x224: {  	[tilespmem:v26+s25+$0x0] =	vst.idx.msk $0xffff, v27;
	v33 =	vld.idx.msk [tilespmem:v35+s13+$0x0], $0xffff  }
0x225: {  	v58 =	vor.u32 v55, v11;
	v25 =	vld.idx.msk [tilespmem:v25+s13+$0x0], $0xffff;
	[tilespmem:v30+s25+$0x0] =	vst.idx.msk $0xffff, v18  }
0x226: {  	v29 =	vor.u32 v38, v4;
	[tilespmem:v32+s25+$0x0] =	vst.idx.msk $0xffff, v23;
	v32 =	vor.u32 v38, v0;
	v38 =	vld [tilespmem:$0x1FFC0]  }
0x227: {  	v21 =	vor.u32 v55, v14;
	v26 =	vor.u32 v42, v17;
	v22 =	vld.idx.msk [tilespmem:v22+s13+$0x0], $0xffff  }
0x228: {  	v27 =	vor.u32 v55, v12;
	v35 =	vor.u32 v39, v3;
	[tilespmem:v50+s25+$0x0] =	vst.idx.msk $0xffff, v19;
	v50 =	vld [tilespmem:$0x1FC80]  }
0x229: {  	v18 =	vor.u32 v48, v5;
	v30 =	vor.u32 v42, v15;
	v42 =	vor.u32 v39, v5;
	v39 =	vld [tilespmem:$0x1FD00]  }
0x22a: {  	v19 =	vor.u32 v55, v13;
	v24 =	vld.idx.msk [tilespmem:v58+s13+$0x0], $0xffff  }
0x22b: {  	v58 =	vor.u32 v48, v3;
	[tilespmem:v29+s25+$0x0] =	vst.idx.msk $0xffff, v20;
	v48 =	vld [tilespmem:$0x1FC90]  }
0x22c: {  	v21 =	vld.idx.msk [tilespmem:v21+s13+$0x0], $0xffff;
	[tilespmem:v26+s25+$0x0] =	vst.idx.msk $0xffff, v28  }
0x22d: {  	v27 =	vld.idx.msk [tilespmem:v27+s13+$0x0], $0xffff;
	v31 =	vor.u32 v50, v6  }
0x22e: {  	v29 =	vor.u32 v38, v10;
	v18 =	vld.idx.msk [tilespmem:v18+s13+$0x0], $0xffff;
	[tilespmem:v30+s25+$0x0] =	vst.idx.msk $0xffff, v25  }
0x22f: {  	v26 =	vor.u32 v56, v11;
	v25 =	vor.u32 v36, v4;
	[tilespmem:v32+s25+$0x0] =	vst.idx.msk $0xffff, v33;
	v19 =	vld.idx.msk [tilespmem:v19+s13+$0x0], $0xffff  }
0x230: {  	v23 =	vor.u32 v45, v7;
	v28 =	vor.u32 v38, v17;
	v33 =	vld.idx.msk [tilespmem:v58+s13+$0x0], $0xffff  }
0x231: {  	v34 =	vor.u32 v38, v16;
	v58 =	vld [tilespmem:$0x1FC00]  }
0x232: {  	v30 =	vor.u32 v56, v12;
	[tilespmem:v31+s25+$0x0] =	vst.idx.msk $0xffff, v22;
	v31 =	vor.u32 v38, v15;
	v38 =	vld [tilespmem:$0x1FD70]  }
0x233: {  	v20 =	vor.u32 v56, v14;
	[tilespmem:v29+s25+$0x0] =	vst.idx.msk $0xffff, v24;
	v29 =	vor.u32 v36, v0;
	v36 =	vld [tilespmem:$0x1FDD0]  }
0x234: {  	[tilespmem:v25+s25+$0x0] =	vst.idx.msk $0xffff, v18;
	v26 =	vld.idx.msk [tilespmem:v26+s13+$0x0], $0xffff  }
0x235: {  	[tilespmem:v28+s25+$0x0] =	vst.idx.msk $0xffff, v27;
	v23 =	vld.idx.msk [tilespmem:v23+s13+$0x0], $0xffff  }
0x236: {  	v32 =	vor.u32 v48, v6;
	[tilespmem:v34+s25+$0x0] =	vst.idx.msk $0xffff, v21;
	v21 =	vor.u32 v56, v13;
	v22 =	vld.idx.msk [tilespmem:v42+s13+$0x0], $0xffff  }
0x237: {  	v25 =	vor.u32 v58, v10;
	v28 =	vld.idx.msk [tilespmem:v30+s13+$0x0], $0xffff;
	v24 =	vor.u32 v38, v7  }
0x238: {  	v34 =	vor.u32 v58, v16;
	v20 =	vld.idx.msk [tilespmem:v20+s13+$0x0], $0xffff;
	[tilespmem:v29+s25+$0x0] =	vst.idx.msk $0xffff, v33  }
0x239: {  	v42 =	vor.u32 v39, v11;
	v33 =	vld.idx.msk [tilespmem:v35+s13+$0x0], $0xffff  }
0x23a: {  	v18 =	vor.u32 v39, v14;
	[tilespmem:v31+s25+$0x0] =	vst.idx.msk $0xffff, v19;
	v19 =	vor.u32 v63, v4;
	v35 =	vld [tilespmem:$0x1FE90]  }
0x23b: {  	v30 =	vor.u32 v58, v17;
	v58 =	vor.u32 v58, v15;
	v21 =	vld.idx.msk [tilespmem:v21+s13+$0x0], $0xffff;
	[tilespmem:v32+s25+$0x0] =	vst.idx.msk $0xffff, v23  }
0x23c: {  	v31 =	vor.u32 v39, v12;
	[tilespmem:v25+s25+$0x0] =	vst.idx.msk $0xffff, v26;
	v23 =	vor.u32 v9, v5;
	v24 =	vld.idx.msk [tilespmem:v24+s13+$0x0], $0xffff  }
0x23d: {  	v25 =	vor.u32 v63, v0;
	[tilespmem:v34+s25+$0x0] =	vst.idx.msk $0xffff, v20;
	v20 =	vor.u32 v39, v13;
	v39 =	vld [tilespmem:$0x1FD80]  }
0x23e: {  	v29 =	vor.u32 v36, v6;
	v27 =	vld.idx.msk [tilespmem:v42+s13+$0x0], $0xffff  }
0x23f: {  	v63 =	vor.u32 v9, v3;
	v9 =	vld [tilespmem:$0x1FEB0];
	[tilespmem:v19+s25+$0x0] =	vst.idx.msk $0xffff, v22  }
0x240: {  	v26 =	vor.u32 v35, v16;
	v42 =	vor.u32 v35, v10;
	v18 =	vld.idx.msk [tilespmem:v18+s13+$0x0], $0xffff;
	[tilespmem:v30+s25+$0x0] =	vst.idx.msk $0xffff, v28  }
0x241: {  	v28 =	vor.u32 v53, v11;
	[tilespmem:v58+s25+$0x0] =	vst.idx.msk $0xffff, v21;
	v58 =	vor.u32 v60, v4;
	v23 =	vld.idx.msk [tilespmem:v23+s13+$0x0], $0xffff  }
0x242: {  	[tilespmem:v25+s25+$0x0] =	vst.idx.msk $0xffff, v33;
	v30 =	vld.idx.msk [tilespmem:v31+s13+$0x0], $0xffff;
	v31 =	vor.u32 v35, v17;
	v7 =	vor.u32 v39, v7  }
0x243: {  	v32 =	vor.u32 v35, v15;
	v35 =	vld [tilespmem:$0x1FDE0];
	[tilespmem:v29+s25+$0x0] =	vst.idx.msk $0xffff, v24;
	v24 =	vor.u32 v62, v5  }
0x244: {  	v19 =	vor.u32 v53, v14;
	v25 =	vld.idx.msk [tilespmem:v63+s13+$0x0], $0xffff  }
0x245: {  	v22 =	vor.u32 v60, v0;
	v20 =	vld.idx.msk [tilespmem:v20+s13+$0x0], $0xffff;
	v29 =	vor.u32 v53, v12;
	[tilespmem:v42+s25+$0x0] =	vst.idx.msk $0xffff, v27  }
0x246: {  	v42 =	vor.u32 v62, v3;
	v28 =	vld.idx.msk [tilespmem:v28+s13+$0x0], $0xffff;
	[tilespmem:v58+s25+$0x0] =	vst.idx.msk $0xffff, v23  }
0x247: {  	[tilespmem:v31+s25+$0x0] =	vst.idx.msk $0xffff, v30;
	v7 =	vld.idx.msk [tilespmem:v7+s13+$0x0], $0xffff  }
0x248: {  	v6 =	vor.u32 v35, v6;
	[tilespmem:v26+s25+$0x0] =	vst.idx.msk $0xffff, v18;
	v18 =	vor.u32 v53, v13;
	v24 =	vld.idx.msk [tilespmem:v24+s13+$0x0], $0xffff  }
0x249: {  	v63 =	vor.u32 v9, v16;
	v19 =	vld.idx.msk [tilespmem:v19+s13+$0x0], $0xffff  }
0x24a: {  	v60 =	vor.u32 v9, v10;
	[tilespmem:v22+s25+$0x0] =	vst.idx.msk $0xffff, v25;
	v26 =	vor.u32 v62, v2;
	v29 =	vld.idx.msk [tilespmem:v29+s13+$0x0], $0xffff  }
0x24b: {  	v30 =	vor.u32 v41, v11;
	[tilespmem:v32+s25+$0x0] =	vst.idx.msk $0xffff, v20;
	v20 =	vor.u32 v51, v4;
	v25 =	vld.idx.msk [tilespmem:v42+s13+$0x0], $0xffff  }
0x24c: {  	v58 =	vor.u32 v41, v14;
	v31 =	vor.u32 v9, v17;
	v32 =	vor.u32 v9, v15;
	v9 =	vld [tilespmem:$0x1FD40]  }
0x24d: {  	v23 =	vor.u32 v51, v0;
	v18 =	vld.idx.msk [tilespmem:v18+s13+$0x0], $0xffff;
	[tilespmem:v6+s25+$0x0] =	vst.idx.msk $0xffff, v7;
	v6 =	vor.u32 v47, v5  }
0x24e: {  	v7 =	vor.u32 v41, v12;
	[tilespmem:v63+s25+$0x0] =	vst.idx.msk $0xffff, v19;
	v63 =	vor.u32 v51, v1;
	v51 =	vld [tilespmem:$0x1FED0]  }
0x24f: {  	[tilespmem:v60+s25+$0x0] =	vst.idx.msk $0xffff, v28;
	v62 =	vld.idx.msk [tilespmem:v26+s13+$0x0], $0xffff;
	v19 =	vor.u32 v41, v13  }
0x250: {  	v42 =	vor.u32 v47, v2;
	v30 =	vld.idx.msk [tilespmem:v30+s13+$0x0], $0xffff;
	[tilespmem:v20+s25+$0x0] =	vst.idx.msk $0xffff, v24  }
0x251: {  	[tilespmem:v31+s25+$0x0] =	vst.idx.msk $0xffff, v29;
	v21 =	vld.idx.msk [tilespmem:v58+s13+$0x0], $0xffff  }
0x252: {  	v6 =	vld.idx.msk [tilespmem:v6+s13+$0x0], $0xffff;
	[tilespmem:v32+s25+$0x0] =	vst.idx.msk $0xffff, v18;
	v18 =	vor.u32 v50, v4  }
0x253: {  	v58 =	vor.u32 v47, v3;
	v7 =	vld.idx.msk [tilespmem:v7+s13+$0x0], $0xffff;
	v28 =	vor.u32 v51, v16  }
0x254: {  	v20 =	vor.u32 v9, v14;
	v60 =	vor.u32 v51, v10;
	v19 =	vld.idx.msk [tilespmem:v19+s13+$0x0], $0xffff;
	[tilespmem:v63+s25+$0x0] =	vst.idx.msk $0xffff, v62  }
0x255: {  	[tilespmem:v23+s25+$0x0] =	vst.idx.msk $0xffff, v25;
	v29 =	vor.u32 v9, v11;
	v31 =	vor.u32 v51, v17;
	v23 =	vld.idx.msk [tilespmem:v42+s13+$0x0], $0xffff  }
0x256: {  	v32 =	vor.u32 v45, v5;
	v62 =	vor.u32 v9, v12;
	v42 =	vor.u32 v9, v13;
	v9 =	vld [tilespmem:$0x1FEE0]  }
0x257: {  	v63 =	vor.u32 v51, v15;
	[tilespmem:v18+s25+$0x0] =	vst.idx.msk $0xffff, v6  }
0x258: {  	v25 =	vld.idx.msk [tilespmem:v58+s13+$0x0], $0xffff;
	[tilespmem:v28+s25+$0x0] =	vst.idx.msk $0xffff, v21  }
0x259: {  	v51 =	vor.u32 v50, v1;
	[tilespmem:v60+s25+$0x0] =	vst.idx.msk $0xffff, v30;
	v20 =	vld.idx.msk [tilespmem:v20+s13+$0x0], $0xffff  }
0x25a: {  	v58 =	vor.u32 v50, v0;
	[tilespmem:v31+s25+$0x0] =	vst.idx.msk $0xffff, v7;
	v29 =	vld.idx.msk [tilespmem:v29+s13+$0x0], $0xffff  }
0x25b: {  	v28 =	vor.u32 v45, v2;
	v30 =	vor.u32 v9, v16;
	v7 =	vld.idx.msk [tilespmem:v32+s13+$0x0], $0xffff  }
0x25c: {  	v60 =	vor.u32 v45, v3;
	[tilespmem:v63+s25+$0x0] =	vst.idx.msk $0xffff, v19;
	v18 =	vor.u32 v9, v10;
	v22 =	vld.idx.msk [tilespmem:v62+s13+$0x0], $0xffff  }
0x25d: {  	v6 =	vor.u32 v43, v14;
	v31 =	vor.u32 v43, v11;
	v19 =	vor.u32 v48, v4;
	v21 =	vld.idx.msk [tilespmem:v42+s13+$0x0], $0xffff  }
0x25e: {  	v62 =	vor.u32 v9, v17;
	[tilespmem:v51+s25+$0x0] =	vst.idx.msk $0xffff, v23;
	v50 =	vor.u32 v9, v15;
	v9 =	vld [tilespmem:$0x1FF40]  }
0x25f: {  	v63 =	vor.u32 v38, v5;
	[tilespmem:v58+s25+$0x0] =	vst.idx.msk $0xffff, v25  }
0x260: {  	v42 =	vor.u32 v43, v12;
	v51 =	vld.idx.msk [tilespmem:v28+s13+$0x0], $0xffff;
	[tilespmem:v30+s25+$0x0] =	vst.idx.msk $0xffff, v20  }
0x261: {  	v25 =	vld.idx.msk [tilespmem:v60+s13+$0x0], $0xffff;
	v28 =	vor.u32 v48, v1;
	v20 =	vor.u32 v43, v13;
	[tilespmem:v18+s25+$0x0] =	vst.idx.msk $0xffff, v29  }
0x262: {  	v18 =	vor.u32 v48, v0;
	[tilespmem:v19+s25+$0x0] =	vst.idx.msk $0xffff, v7;
	v6 =	vld.idx.msk [tilespmem:v6+s13+$0x0], $0xffff  }
0x263: {  	v29 =	vor.u32 v38, v2;
	v30 =	vor.u32 v9, v16;
	v31 =	vld.idx.msk [tilespmem:v31+s13+$0x0], $0xffff;
	[tilespmem:v62+s25+$0x0] =	vst.idx.msk $0xffff, v22  }
0x264: {  	v58 =	vor.u32 v38, v3;
	v19 =	vor.u32 v9, v10;
	v22 =	vld.idx.msk [tilespmem:v63+s13+$0x0], $0xffff  }
0x265: {  	v7 =	vor.u32 v44, v14;
	[tilespmem:v50+s25+$0x0] =	vst.idx.msk $0xffff, v21;
	v62 =	vor.u32 v36, v4;
	v23 =	vld.idx.msk [tilespmem:v42+s13+$0x0], $0xffff  }
0x266: {  	v60 =	vor.u32 v44, v11;
	v63 =	vor.u32 v9, v17;
	v20 =	vld.idx.msk [tilespmem:v20+s13+$0x0], $0xffff;
	[tilespmem:v28+s25+$0x0] =	vst.idx.msk $0xffff, v51  }
0x267: {  	v5 =	vor.u32 v39, v5;
	v28 =	vor.u32 v9, v15;
	[tilespmem:v18+s25+$0x0] =	vst.idx.msk $0xffff, v25;
	v9 =	vld [tilespmem:$0x1FC10]  }
0x268: {  	v18 =	vld.idx.msk [tilespmem:v29+s13+$0x0], $0xffff;
	[tilespmem:v30+s25+$0x0] =	vst.idx.msk $0xffff, v6  }
0x269: {  	v38 =	vor.u32 v44, v12;
	v25 =	vld.idx.msk [tilespmem:v58+s13+$0x0], $0xffff;
	[tilespmem:v19+s25+$0x0] =	vst.idx.msk $0xffff, v31  }
0x26a: {  	v30 =	vld.idx.msk [tilespmem:v7+s13+$0x0], $0xffff;
	[tilespmem:v62+s25+$0x0] =	vst.idx.msk $0xffff, v22  }
0x26b: {  	v6 =	vor.u32 v44, v13;
	v29 =	vor.u32 v36, v1;
	v26 =	vld.idx.msk [tilespmem:v60+s13+$0x0], $0xffff;
	[tilespmem:v63+s25+$0x0] =	vst.idx.msk $0xffff, v23  }
0x26c: {  	v4 =	vor.u32 v35, v4;
	v5 =	vld.idx.msk [tilespmem:v5+s13+$0x0], $0xffff  }
0x26d: {  	v3 =	vor.u32 v39, v3;
	v19 =	vor.u32 v36, v0;
	v31 =	vor.u32 v39, v2;
	v63 =	vld [tilespmem:$0x1FE30]  }
0x26e: {  	v48 =	vor.u32 v37, v14;
	v24 =	vld.idx.msk [tilespmem:v38+s13+$0x0], $0xffff;
	v42 =	vor.u32 v9, v16;
	v50 =	vor.u32 v9, v10  }
0x26f: {  	v7 =	vmov v14;
	[tilespmem:v28+s25+$0x0] =	vst.idx.msk $0xffff, v20;
	v20 =	vor.u32 v9, v17;
	v14 =	vor.u32 v9, v15;
	v9 =	vld [tilespmem:$0x1FD90]  }
0x270: {  	v58 =	vld.idx.msk [tilespmem:v6+s13+$0x0], $0xffff;
	[tilespmem:v29+s25+$0x0] =	vst.idx.msk $0xffff, v18  }
0x271: {  	v51 =	vor.u32 v37, v11;
	[tilespmem:v4+s25+$0x0] =	vst.idx.msk $0xffff, v5;
	v4 =	vld [tilespmem:$0x1FE30]  }
0x272: {  	v2 =	vmov v13;
	[tilespmem:v19+s25+$0x0] =	vst.idx.msk $0xffff, v25;
	v18 =	vld.idx.msk [tilespmem:v31+s13+$0x0], $0xffff  }
0x273: {  	v28 =	vor.u32 v35, v1;
	v19 =	vor.u32 v37, v2;
	v25 =	vld.idx.msk [tilespmem:v3+s13+$0x0], $0xffff  }
0x274: {  	v13 =	vor.u32 v37, v12;
	v60 =	vor.u32 v35, v0;
	[tilespmem:v42+s25+$0x0] =	vst.idx.msk $0xffff, v30;
	v30 =	vld [tilespmem:$0x1FE50]  }
0x275: {  	s7 =	sadd.s32 $0x4, s7;
	v0 =	vmov v10;
	v1 =	vmov v15;
	[tilespmem:v50+s25+$0x0] =	vst.idx.msk $0xffff, v26;
	v62 =	vor.u32 v9, v16;
	v21 =	vld.idx.msk [tilespmem:v48+s13+$0x0], $0xffff  }
0x276: {  	p0 =	slt.u32 s7, $0x1C;
	v29 =	vor.u32 v9, v0;
	[tilespmem:v20+s25+$0x0] =	vst.idx.msk $0xffff, v24;
	v23 =	vld.idx.msk [tilespmem:v51+s13+$0x0], $0xffff;
	v15 =	vor.u32 v4, v7  }
.Ltmp2:
0x277: {  	[tilespmem:v14+s25+$0x0] =	vst.idx.msk $0xffff, v58;
	(pc) =	sbr.rel @p0 .LBB2_7-.Ltmp2, $4  }
0x278: {  	v3 =	vmov v11;
	v5 =	vmov v12;
	v11 =	vld.idx.msk [tilespmem:v19+s13+$0x0], $0xffff;
	[tilespmem:v28+s25+$0x0] =	vst.idx.msk $0xffff, v18  }
0x279: {  	v6 =	vmov v16;
	v12 =	vor.u32 v63, v5;
	v10 =	vld.idx.msk [tilespmem:v13+s13+$0x0], $0xffff;
	[tilespmem:v60+s25+$0x0] =	vst.idx.msk $0xffff, v25  }
0x27a: {  	v18 =	vor.u32 v63, v2;
	v4 =	vmov v17;
	v17 =	vor.u32 v9, v1;
	[tilespmem:v62+s25+$0x0] =	vst.idx.msk $0xffff, v21  }
0x27b: {  	s8 =	sadd.s32 $0x40, s8;
	v14 =	vor.u32 v9, v4;
	[tilespmem:v29+s25+$0x0] =	vst.idx.msk $0xffff, v23;
	v16 =	vld.idx.msk [tilespmem:v15+s13+$0x0], $0xffff;
	v15 =	vor.u32 v30, v7  }
0x27c: {  	v48 =	vld [tilespmem:$0x1FD00]  }
0x27d: {  	v36 =	vmov v47;
	v47 =	vld [tilespmem:$0x1FF80]  }
0x27e: {  	v38 =	vmov v45;
	v45 =	vld [tilespmem:$0x1FC10]  }
0x27f: {  	v34 =	vld [tilespmem:$0x1FF40]  }
0x280: {  	v33 =	vld [tilespmem:$0x1FEE0]  }
0x281: {  	v32 =	vld [tilespmem:$0x1FED0]  }
0x282: {  	v31 =	vld [tilespmem:$0x1FEB0]  }
0x283: {  	v19 =	vmov v30;
	v30 =	vld [tilespmem:$0x1FE90]  }
0x284: {  	v29 =	vld [tilespmem:$0x1FC00]  }
0x285: {  	v28 =	vld [tilespmem:$0x1FFC0]  }
0x286: {  	v27 =	vld [tilespmem:$0x1FF30]  }
0x287: {  	v26 =	vld [tilespmem:$0x1FF10]  }
0x288: {  	v25 =	vld [tilespmem:$0x1FEC0]  }
0x289: {  	v24 =	vld [tilespmem:$0x1FE70]  }
0x28a: {  	v23 =	vld [tilespmem:$0x1FF20]  }
0x28b: {  	v22 =	vld [tilespmem:$0x1FEA0]  }
0x28c: {  	v21 =	vld [tilespmem:$0x1FE80]  }
0x28d: {  	v20 =	vld [tilespmem:$0x1FF00]  }
0x28e: {  	v42 =	vld [tilespmem:$0x1FEF0];
	[tilespmem:v14+s25+$0x0] =	vst.idx.msk $0xffff, v10  }
0x28f: {  	v9 =	vld [tilespmem:$0x1FFF0];
	_ =	sdelay $0x2  }
0x290: {  	[tilespmem:v17+s25+$0x0] =	vst.idx.msk $0xffff, v11  }
0x291: {  	v12 =	vld.idx.msk [tilespmem:v12+s13+$0x0], $0xffff;
	[tilespmem:v57+s25+$0x0] =	vst.idx.msk $0xffff, v16  }
0x292: {  	v39 =	vld [tilespmem:$0x1FC20];
	v10 =	vor.u32 v9, v4;
	_ =	sdelay $0x2  }
0x293: {  	v13 =	vld.idx.msk [tilespmem:v18+s13+$0x0], $0xffff;
	v11 =	vor.u32 v9, v1  }
0x294: {  	v35 =	vmovc v53;
	v53 =	vmov v8;
	v8 =	vld.idx.msk [tilespmem:v59+s13+$0x0], $0xffff;
	v58 =	vor.u32 v19, v5;
	v18 =	vor.u32 v9, v0  }
0x295: {  	v37 =	vmov v9;
	v9 =	vld.idx.msk [tilespmem:v15+s13+$0x0], $0xffff;
	v62 =	vor.u32 v39, v6;
	[tilespmem:v10+s25+$0x0] =	vst.idx.msk $0xffff, v12  }
0x296: {  	v41 =	vld [tilespmem:$0x1FCD0];
	_ =	sdelay $0x1  }
0x297: {  	[tilespmem:v11+s25+$0x0] =	vst.idx.msk $0xffff, v13  }
0x298: {  	v60 =	vor.u32 v19, v2;
	[tilespmem:v18+s25+$0x0] =	vst.idx.msk $0xffff, v8  }
0x299: {  	v19 =	vor.u32 v19, v3;
	v11 =	vld.idx.msk [tilespmem:v58+s13+$0x0], $0xffff;
	[tilespmem:v62+s25+$0x0] =	vst.idx.msk $0xffff, v9  }
0x29a: {  	v63 =	vor.u32 v39, v4;
	v58 =	vld [tilespmem:$0x1FDA0];
	v10 =	vor.u32 v41, v7;
	_ =	sdelay $0x2  }
0x29b: {  	v8 =	vor.u32 v39, v1;
	v13 =	vld.idx.msk [tilespmem:v60+s13+$0x0], $0xffff  }
0x29c: {  	v18 =	vor.u32 v39, v0;
	v51 =	vld.idx.msk [tilespmem:v19+s13+$0x0], $0xffff;
	v50 =	vor.u32 v41, v5  }
0x29d: {  	v57 =	vor.u32 v41, v2;
	[tilespmem:v63+s25+$0x0] =	vst.idx.msk $0xffff, v11;
	v9 =	vld.idx.msk [tilespmem:v10+s13+$0x0], $0xffff;
	v10 =	vor.u32 v58, v6  }
0x29e: {  	v59 =	vld [tilespmem:$0x1FCE0];
	_ =	sdelay $0x1  }
0x29f: {  	[tilespmem:v8+s25+$0x0] =	vst.idx.msk $0xffff, v13  }
0x2a0: {  	[tilespmem:v18+s25+$0x0] =	vst.idx.msk $0xffff, v51;
	v8 =	vld.idx.msk [tilespmem:v50+s13+$0x0], $0xffff  }
0x2a1: {  	v19 =	vor.u32 v41, v3;
	v13 =	vld.idx.msk [tilespmem:v57+s13+$0x0], $0xffff;
	[tilespmem:v10+s25+$0x0] =	vst.idx.msk $0xffff, v9  }
0x2a2: {  	v60 =	vor.u32 v58, v4;
	v11 =	vor.u32 v59, v7;
	v57 =	vld [tilespmem:$0x1FC30];
	_ =	sdelay $0x2  }
0x2a3: {  	v62 =	vor.u32 v58, v1  }
0x2a4: {  	v50 =	vor.u32 v58, v0;
	v18 =	vld.idx.msk [tilespmem:v19+s13+$0x0], $0xffff;
	v63 =	vor.u32 v59, v5  }
0x2a5: {  	v51 =	vor.u32 v59, v2;
	v9 =	vld.idx.msk [tilespmem:v11+s13+$0x0], $0xffff;
	[tilespmem:v60+s25+$0x0] =	vst.idx.msk $0xffff, v8;
	v10 =	vor.u32 v57, v6  }
0x2a6: {  	v58 =	vld [tilespmem:$0x1FCF0];
	_ =	sdelay $0x1  }
0x2a7: {  	[tilespmem:v62+s25+$0x0] =	vst.idx.msk $0xffff, v13  }
0x2a8: {  	v11 =	vld.idx.msk [tilespmem:v63+s13+$0x0], $0xffff;
	[tilespmem:v50+s25+$0x0] =	vst.idx.msk $0xffff, v18  }
0x2a9: {  	v19 =	vor.u32 v59, v3;
	v13 =	vld.idx.msk [tilespmem:v51+s13+$0x0], $0xffff;
	[tilespmem:v10+s25+$0x0] =	vst.idx.msk $0xffff, v9  }
0x2aa: {  	v59 =	vor.u32 v57, v4;
	v8 =	vor.u32 v58, v7;
	v51 =	vld [tilespmem:$0x1FDB0];
	_ =	sdelay $0x2  }
0x2ab: {  	v60 =	vor.u32 v57, v1  }
0x2ac: {  	v50 =	vld.idx.msk [tilespmem:v19+s13+$0x0], $0xffff;
	v18 =	vor.u32 v57, v0;
	v62 =	vor.u32 v58, v5  }
0x2ad: {  	v63 =	vor.u32 v58, v2;
	v8 =	vld.idx.msk [tilespmem:v8+s13+$0x0], $0xffff;
	[tilespmem:v59+s25+$0x0] =	vst.idx.msk $0xffff, v11;
	v9 =	vor.u32 v51, v6  }
0x2ae: {  	v57 =	vld [tilespmem:$0x1FD10];
	_ =	sdelay $0x1  }
0x2af: {  	[tilespmem:v60+s25+$0x0] =	vst.idx.msk $0xffff, v13  }
0x2b0: {  	v11 =	vld.idx.msk [tilespmem:v62+s13+$0x0], $0xffff;
	[tilespmem:v18+s25+$0x0] =	vst.idx.msk $0xffff, v50  }
0x2b1: {  	v19 =	vor.u32 v58, v3;
	v13 =	vld.idx.msk [tilespmem:v63+s13+$0x0], $0xffff;
	[tilespmem:v9+s25+$0x0] =	vst.idx.msk $0xffff, v8  }
0x2b2: {  	v58 =	vor.u32 v51, v4;
	v10 =	vor.u32 v57, v7;
	v63 =	vld [tilespmem:$0x1FC40];
	_ =	sdelay $0x2  }
0x2b3: {  	v59 =	vor.u32 v51, v1  }
0x2b4: {  	v17 =	vld.idx.msk [tilespmem:v19+s13+$0x0], $0xffff;
	v18 =	vor.u32 v51, v0  }
0x2b5: {  	v60 =	vor.u32 v57, v5;
	v8 =	vld.idx.msk [tilespmem:v10+s13+$0x0], $0xffff;
	[tilespmem:v58+s25+$0x0] =	vst.idx.msk $0xffff, v11;
	v9 =	vor.u32 v63, v6  }
0x2b6: {  	v50 =	vld [tilespmem:$0x1FD20];
	_ =	sdelay $0x1  }
0x2b7: {  	[tilespmem:v59+s25+$0x0] =	vst.idx.msk $0xffff, v13  }
0x2b8: {  	v62 =	vor.u32 v57, v2;
	[tilespmem:v18+s25+$0x0] =	vst.idx.msk $0xffff, v17  }
0x2b9: {  	v19 =	vor.u32 v57, v3;
	v11 =	vld.idx.msk [tilespmem:v60+s13+$0x0], $0xffff;
	[tilespmem:v9+s25+$0x0] =	vst.idx.msk $0xffff, v8  }
0x2ba: {  	v51 =	vor.u32 v63, v4;
	v10 =	vor.u32 v50, v7;
	v60 =	vld [tilespmem:$0x1FDC0];
	_ =	sdelay $0x2  }
0x2bb: {  	v13 =	vld.idx.msk [tilespmem:v62+s13+$0x0], $0xffff;
	v57 =	vor.u32 v63, v1  }
0x2bc: {  	v17 =	vld.idx.msk [tilespmem:v19+s13+$0x0], $0xffff;
	v18 =	vor.u32 v63, v0  }
0x2bd: {  	v58 =	vor.u32 v50, v5;
	v8 =	vld.idx.msk [tilespmem:v10+s13+$0x0], $0xffff;
	[tilespmem:v51+s25+$0x0] =	vst.idx.msk $0xffff, v11;
	v9 =	vor.u32 v60, v6  }
0x2be: {  	v62 =	vld [tilespmem:$0x1FE10];
	_ =	sdelay $0x1  }
0x2bf: {  	[tilespmem:v57+s25+$0x0] =	vst.idx.msk $0xffff, v13  }
0x2c0: {  	v59 =	vor.u32 v50, v2;
	[tilespmem:v18+s25+$0x0] =	vst.idx.msk $0xffff, v17  }
0x2c1: {  	v19 =	vor.u32 v50, v3;
	v11 =	vld.idx.msk [tilespmem:v58+s13+$0x0], $0xffff;
	[tilespmem:v9+s25+$0x0] =	vst.idx.msk $0xffff, v8  }
0x2c2: {  	v63 =	vor.u32 v60, v4;
	v10 =	vor.u32 v62, v7;
	v58 =	vld [tilespmem:$0x1FC50];
	_ =	sdelay $0x2  }
0x2c3: {  	v13 =	vld.idx.msk [tilespmem:v59+s13+$0x0], $0xffff;
	v50 =	vor.u32 v60, v1  }
0x2c4: {  	v17 =	vld.idx.msk [tilespmem:v19+s13+$0x0], $0xffff;
	v18 =	vor.u32 v60, v0  }
0x2c5: {  	v51 =	vor.u32 v62, v5;
	v8 =	vld.idx.msk [tilespmem:v10+s13+$0x0], $0xffff;
	[tilespmem:v63+s25+$0x0] =	vst.idx.msk $0xffff, v11;
	v9 =	vor.u32 v58, v6  }
0x2c6: {  	v59 =	vld [tilespmem:$0x1FE40];
	_ =	sdelay $0x1  }
0x2c7: {  	[tilespmem:v50+s25+$0x0] =	vst.idx.msk $0xffff, v13  }
0x2c8: {  	v57 =	vor.u32 v62, v2;
	[tilespmem:v18+s25+$0x0] =	vst.idx.msk $0xffff, v17  }
0x2c9: {  	v19 =	vor.u32 v62, v3;
	v11 =	vld.idx.msk [tilespmem:v51+s13+$0x0], $0xffff;
	[tilespmem:v9+s25+$0x0] =	vst.idx.msk $0xffff, v8  }
0x2ca: {  	v60 =	vor.u32 v58, v4;
	v10 =	vor.u32 v59, v7;
	v51 =	vld [tilespmem:$0x1FC60];
	_ =	sdelay $0x2  }
0x2cb: {  	v13 =	vld.idx.msk [tilespmem:v57+s13+$0x0], $0xffff;
	v62 =	vor.u32 v58, v1  }
0x2cc: {  	v17 =	vld.idx.msk [tilespmem:v19+s13+$0x0], $0xffff;
	v18 =	vor.u32 v58, v0  }
0x2cd: {  	v50 =	vor.u32 v59, v2;
	v8 =	vld.idx.msk [tilespmem:v10+s13+$0x0], $0xffff;
	[tilespmem:v60+s25+$0x0] =	vst.idx.msk $0xffff, v11;
	v9 =	vor.u32 v51, v6  }
0x2ce: {  	v57 =	vld [tilespmem:$0x1FE60];
	_ =	sdelay $0x1  }
0x2cf: {  	v63 =	vor.u32 v59, v5;
	[tilespmem:v62+s25+$0x0] =	vst.idx.msk $0xffff, v13  }
0x2d0: {  	[tilespmem:v18+s25+$0x0] =	vst.idx.msk $0xffff, v17  }
0x2d1: {  	v19 =	vor.u32 v59, v3;
	v13 =	vld.idx.msk [tilespmem:v50+s13+$0x0], $0xffff;
	[tilespmem:v9+s25+$0x0] =	vst.idx.msk $0xffff, v8  }
0x2d2: {  	v10 =	vor.u32 v57, v7;
	v50 =	vld [tilespmem:$0x1FC70];
	_ =	sdelay $0x1  }
0x2d3: {  	v11 =	vld.idx.msk [tilespmem:v63+s13+$0x0], $0xffff;
	v58 =	vor.u32 v51, v4  }
0x2d4: {  	v59 =	vor.u32 v51, v1  }
0x2d5: {  	v62 =	vld.idx.msk [tilespmem:v19+s13+$0x0], $0xffff;
	v63 =	vor.u32 v51, v0  }
0x2d6: {  	v60 =	vor.u32 v57, v5;
	v8 =	vld.idx.msk [tilespmem:v10+s13+$0x0], $0xffff;
	v9 =	vor.u32 v50, v6;
	_ =	sdelay $0x1  }
0x2d7: {  	[tilespmem:v58+s25+$0x0] =	vst.idx.msk $0xffff, v11  }
0x2d8: {  	[tilespmem:v59+s25+$0x0] =	vst.idx.msk $0xffff, v13  }
0x2d9: {  	v18 =	vor.u32 v57, v2;
	[tilespmem:v63+s25+$0x0] =	vst.idx.msk $0xffff, v62  }
0x2da: {  	v19 =	vor.u32 v57, v3;
	v11 =	vld.idx.msk [tilespmem:v60+s13+$0x0], $0xffff;
	[tilespmem:v9+s25+$0x0] =	vst.idx.msk $0xffff, v8  }
0x2db: {  	v10 =	vor.u32 v36, v7;
	v60 =	vld [tilespmem:$0x1FC80];
	_ =	sdelay $0x1  }
0x2dc: {  	v51 =	vor.u32 v50, v4  }
0x2dd: {  	v14 =	vld.idx.msk [tilespmem:v18+s13+$0x0], $0xffff;
	v58 =	vor.u32 v50, v1  }
0x2de: {  	v16 =	vld.idx.msk [tilespmem:v19+s13+$0x0], $0xffff;
	v59 =	vor.u32 v50, v0  }
0x2df: {  	v57 =	vor.u32 v36, v5;
	v8 =	vld.idx.msk [tilespmem:v10+s13+$0x0], $0xffff;
	v9 =	vor.u32 v60, v6;
	_ =	sdelay $0x1  }
0x2e0: {  	[tilespmem:v51+s25+$0x0] =	vst.idx.msk $0xffff, v11  }
0x2e1: {  	[tilespmem:v58+s25+$0x0] =	vst.idx.msk $0xffff, v14  }
0x2e2: {  	v18 =	vor.u32 v36, v2;
	[tilespmem:v59+s25+$0x0] =	vst.idx.msk $0xffff, v16  }
0x2e3: {  	v19 =	vor.u32 v36, v3;
	v11 =	vld.idx.msk [tilespmem:v57+s13+$0x0], $0xffff;
	[tilespmem:v9+s25+$0x0] =	vst.idx.msk $0xffff, v8  }
0x2e4: {  	v10 =	vor.u32 v38, v7;
	v62 =	vor.u32 v60, v4;
	v51 =	vld [tilespmem:$0x1FC90];
	_ =	sdelay $0x2  }
0x2e5: {  	v14 =	vld.idx.msk [tilespmem:v18+s13+$0x0], $0xffff;
	v41 =	vor.u32 v60, v1  }
0x2e6: {  	v16 =	vld.idx.msk [tilespmem:v19+s13+$0x0], $0xffff;
	v50 =	vor.u32 v60, v0  }
0x2e7: {  	v63 =	vor.u32 v38, v5;
	v8 =	vld.idx.msk [tilespmem:v10+s13+$0x0], $0xffff;
	[tilespmem:v62+s25+$0x0] =	vst.idx.msk $0xffff, v11;
	v9 =	vor.u32 v51, v6  }
0x2e8: {  	v57 =	vld [tilespmem:$0x1FD70];
	_ =	sdelay $0x1  }
0x2e9: {  	[tilespmem:v41+s25+$0x0] =	vst.idx.msk $0xffff, v14  }
0x2ea: {  	v18 =	vor.u32 v38, v2;
	[tilespmem:v50+s25+$0x0] =	vst.idx.msk $0xffff, v16  }
0x2eb: {  	v19 =	vor.u32 v38, v3;
	v11 =	vld.idx.msk [tilespmem:v63+s13+$0x0], $0xffff;
	[tilespmem:v9+s25+$0x0] =	vst.idx.msk $0xffff, v8  }
0x2ec: {  	v58 =	vor.u32 v51, v4;
	v10 =	vor.u32 v57, v7;
	v63 =	vld [tilespmem:$0x1FDD0];
	_ =	sdelay $0x2  }
0x2ed: {  	v14 =	vld.idx.msk [tilespmem:v18+s13+$0x0], $0xffff;
	v60 =	vor.u32 v51, v1  }
0x2ee: {  	v16 =	vld.idx.msk [tilespmem:v19+s13+$0x0], $0xffff;
	v62 =	vor.u32 v51, v0  }
0x2ef: {  	v59 =	vor.u32 v57, v5;
	v8 =	vld.idx.msk [tilespmem:v10+s13+$0x0], $0xffff;
	[tilespmem:v58+s25+$0x0] =	vst.idx.msk $0xffff, v11;
	v9 =	vor.u32 v63, v6  }
0x2f0: {  	v41 =	vld [tilespmem:$0x1FD80]  }
0x2f1: {  	v18 =	vor.u32 v57, v2  }
0x2f2: {  	v19 =	vor.u32 v57, v3;
	[tilespmem:v60+s25+$0x0] =	vst.idx.msk $0xffff, v14  }
0x2f3: {  	[tilespmem:v62+s25+$0x0] =	vst.idx.msk $0xffff, v16  }
0x2f4: {  	v10 =	vld.idx.msk [tilespmem:v59+s13+$0x0], $0xffff;
	[tilespmem:v9+s25+$0x0] =	vst.idx.msk $0xffff, v8  }
0x2f5: {  	v11 =	vor.u32 v63, v4;
	v7 =	vor.u32 v41, v7;
	v8 =	vld [tilespmem:$0x1FDE0]  }
0x2f6: {  	v50 =	vld.idx.msk [tilespmem:v18+s13+$0x0], $0xffff;
	v51 =	vor.u32 v63, v1;
	v5 =	vor.u32 v41, v5  }
0x2f7: {  	v57 =	vld.idx.msk [tilespmem:v19+s13+$0x0], $0xffff;
	v58 =	vor.u32 v63, v0;
	v2 =	vor.u32 v41, v2  }
0x2f8: {  	v3 =	vor.u32 v41, v3;
	_ =	sdelay $0x1  }
0x2f9: {  	v7 =	vld.idx.msk [tilespmem:v7+s13+$0x0], $0xffff;
	[tilespmem:v11+s25+$0x0] =	vst.idx.msk $0xffff, v10;
	v6 =	vor.u32 v8, v6  }
0x2fa: {  	[tilespmem:v51+s25+$0x0] =	vst.idx.msk $0xffff, v50;
	v5 =	vld.idx.msk [tilespmem:v5+s13+$0x0], $0xffff;
	v4 =	vor.u32 v8, v4  }
0x2fb: {  	[tilespmem:v58+s25+$0x0] =	vst.idx.msk $0xffff, v57;
	v2 =	vld.idx.msk [tilespmem:v2+s13+$0x0], $0xffff;
	v1 =	vor.u32 v8, v1  }
0x2fc: {  	v3 =	vld.idx.msk [tilespmem:v3+s13+$0x0], $0xffff;
	v0 =	vor.u32 v8, v0;
	_ =	sdelay $0x1  }
0x2fd: {  	s7 =	sshll.u32 s0, $0x14;
	[tilespmem:v6+s25+$0x0] =	vst.idx.msk $0xffff, v7  }
0x2fe: {  	s7 =	sor.u32 s4, s7;
	[tilespmem:v4+s25+$0x0] =	vst.idx.msk $0xffff, v5  }
0x2ff: {  	s7 =	sshrl.u32 s7, $0x3;
	[tilespmem:v1+s25+$0x0] =	vst.idx.msk $0xffff, v2  }
0x300: {  	s7 =	sadd.s32 s3, s7;
	[tilespmem:v0+s25+$0x0] =	vst.idx.msk $0xffff, v3  }
0x301: {  	[hbm4b:s7+s26] =	stream.strided.scatter [tilespmem:s25], [sflag:$0x3], $0x4000, s28, s26, $0x38;
	[tilespmem:$0x13200] =	vst v63  }
0x302: {  	_ =	swait.ge [sflag:s10], $0x4000  }
0x303: {  	[sflag:s10] =	ssyncset.done $0x0  }
0x304: {  	[sflag:s10] =	ssyncadd.s32 $0xFFFFC000  }
0x305: {  	_ =	swait.ge [sflag:s29], $0x1000  }
0x306: {  	[sflag:s29] =	ssyncset.done $0x0  }
0x307: {  	[sflag:s29] =	ssyncadd.s32 $0xFFFFF000  }
0x308: {  	_ =	swait.ge [sflag:s29], $0x1000  }
0x309: {  	[sflag:s29] =	ssyncset.done $0x0  }
0x30a: {  	s15 =	simm.s32 $0x0;
	s6 =	sadd.s32 $0x2, s6;
	[sflag:s29] =	ssyncadd.s32 $0xFFFFF000  }
0x30b: {  	v0 =	vmov s15;
	v4 =	vmov s6;
	_ =	swait.ge [sflag:s29], $0x1000  }
0x30c: {  	s8 =	simm.s32 $0x10;
	v5 =	vmul.u32 $0x38, v0;
	v0 =	vand.u32 $0x7E, v4;
	v4 =	vld [tilespmem:$0x1FDF0]  }
0x30d: {  	s9 =	simm.s32 $0x20;
	v1 =	vmov s8  }
0x30e: {  	s17 =	simm.s32 $0x30;
	s30 =	simm.s32 $0x50;
	v2 =	vmov s9;
	v1 =	vmul.u32 $0x38, v1  }
0x30f: {  	v3 =	vmov s17;
	s8 =	simm.s32 $0x60;
	v6 =	vmov s30;
	v2 =	vmul.u32 $0x38, v2  }
0x310: {  	s9 =	simm.s32 $0x70;
	v3 =	vmul.u32 $0x38, v3;
	v7 =	vmov s8;
	v1 =	vbroadcast v1, $0x0  }
0x311: {  	v6 =	vmul.u32 $0x38, v6;
	v8 =	vmov s9;
	v0 =	vadd.s32 v4, v0  }
0x312: {  	v7 =	vmul.u32 $0x38, v7;
	[sflag:s29] =	ssyncset.done $0x0;
	v4 =	vbroadcast v5, $0x0;
	v1 =	vadd.s32 v1, v0  }
0x313: {  	s19 =	simm.s32 $0x40;
	v8 =	vmul.u32 $0x38, v8;
	v2 =	vbroadcast v2, $0x0;
	v3 =	vbroadcast v3, $0x0;
	[sflag:s29] =	ssyncadd.s32 $0xFFFFF000  }
0x314: {  	v6 =	vbroadcast v6, $0x0;
	_ =	swait.ge [sflag:s29], $0x1000;
	v5 =	vmov s19;
	v4 =	vadd.s32 v4, v0  }
0x315: {  	[sflag:s29] =	ssyncset.done $0x0;
	v2 =	vadd.s32 v2, v0;
	v5 =	vmul.u32 $0x38, v5;
	v9 =	vadd.s32 v3, v0  }
0x316: {  	s17 =	simm.s32 $0x90;
	[sflag:s29] =	ssyncadd.s32 $0xFFFFF000;
	s19 =	simm.s32 $0xA0;
	v3 =	vbroadcast v7, $0x0;
	v7 =	vbroadcast v8, $0x0;
	v60 =	vadd.s32 v6, v0  }
0x317: {  	s15 =	simm.s32 $0x80;
	v8 =	vmov s17;
	v10 =	vmov s19;
	v5 =	vbroadcast v5, $0x0;
	v59 =	vld.idx.msk [tilespmem:v1+s1+$0x0], $0xffff  }
0x318: {  	s30 =	simm.s32 $0xB0;
	v6 =	vmov s15;
	v8 =	vmul.u32 $0x38, v8;
	v10 =	vmul.u32 $0x38, v10  }
0x319: {  	v62 =	vmul.u32 $0x38, v6;
	v6 =	vadd.s32 v5, v0;
	v1 =	vld.idx.msk [tilespmem:v4+s1+$0x0], $0xffff;
	v4 =	vmov s30  }
0x31a: {  	v3 =	vadd.s32 v3, v0;
	v2 =	vld.idx.msk [tilespmem:v2+s1+$0x0], $0xffff;
	v63 =	vmul.u32 $0x38, v4  }
0x31b: {  	s6 =	simm.s32 $0x7020;
	v7 =	vadd.s32 v7, v0;
	v11 =	vbroadcast v8, $0x0;
	v10 =	vbroadcast v10, $0x0;
	v4 =	vld.idx.msk [tilespmem:v9+s1+$0x0], $0xffff  }
0x31c: {  	s8 =	simm.s32 $0x8;
	s9 =	simm.s32 $0xC0;
	s7 =	simm.s32 $0x7060;
	v5 =	vld.idx.msk [tilespmem:v60+s1+$0x0], $0xffff;
	v9 =	vbroadcast v62, $0x0;
	v8 =	vbroadcast v63, $0x0;
	[tilespmem:s6+$0xFFFFFFF0] =	vst v59  }
.LBB2_9:
0x31d: {  	s15 =	sadd.s32 $0x10, s9;
	s8 =	sadd.s32 $0x4, s8  }
0x31e: {  	v12 =	vmov s9;
	s17 =	sadd.s32 $0x20, s9;
	s19 =	sadd.s32 $0x30, s9;
	v13 =	vadd.s32 v11, v0;
	v10 =	vadd.s32 v10, v0;
	[tilespmem:s6+$0xFFFFFFE0] =	vst v1;
	v1 =	vld.idx.msk [tilespmem:v6+s1+$0x0], $0xffff;
	p0 =	slt.u32 s8, $0x1C  }
.Ltmp3:
0x31f: {  	v11 =	vmov s15;
	v14 =	vmov s17;
	v6 =	vadd.s32 v9, v0;
	[tilespmem:s6+$0x0] =	vst v2;
	v2 =	vld.idx.msk [tilespmem:v3+s1+$0x0], $0xffff;
	v3 =	vmovc v10;
	(pc) =	sbr.rel @p0 .LBB2_9-.Ltmp3, $4  }
0x320: {  	v9 =	vmul.u32 $0x38, v11;
	v10 =	vmul.u32 $0x38, v14;
	v11 =	vmov s19;
	[tilespmem:s6+$0x10] =	vst v4;
	v4 =	vld.idx.msk [tilespmem:v7+s1+$0x0], $0xffff;
	s6 =	smov.u32 s7  }
0x321: {  	v12 =	vmul.u32 $0x38, v12;
	v7 =	vadd.s32 v8, v0;
	v14 =	vmul.u32 $0x38, v11  }
0x322: {  	v11 =	vbroadcast v9, $0x0;
	v10 =	vbroadcast v10, $0x0  }
0x323: {  	s9 =	sadd.s32 $0x40, s9;
	s7 =	sadd.s32 $0x40, s7;
	v9 =	vbroadcast v12, $0x0;
	v8 =	vbroadcast v14, $0x0;
	[tilespmem:s6+$0xFFFFFFF0] =	vst v5;
	v5 =	vld.idx.msk [tilespmem:v13+s1+$0x0], $0xffff  }
0x324: {  	_ =	sdelay $0x1  }
0x325: {  	v11 =	vadd.s32 v11, v0  }
0x326: {  	v10 =	vadd.s32 v10, v0  }
0x327: {  	v6 =	vld.idx.msk [tilespmem:v6+s1+$0x0], $0xffff;
	v9 =	vadd.s32 v9, v0  }
0x328: {  	[tilespmem:s6+$0xFFFFFFE0] =	vst v1;
	v1 =	vld.idx.msk [tilespmem:v3+s1+$0x0], $0xffff;
	v0 =	vadd.s32 v8, v0  }
0x329: {  	[tilespmem:s6+$0x0] =	vst v2;
	v2 =	vld.idx.msk [tilespmem:v7+s1+$0x0], $0xffff  }
0x32a: {  	[tilespmem:s6+$0x10] =	vst v4;
	v3 =	vld.idx.msk [tilespmem:v11+s1+$0x0], $0xffff  }
0x32b: {  	[tilespmem:s7+$0xFFFFFFF0] =	vst v5;
	v5 =	vld.idx.msk [tilespmem:v10+s1+$0x0], $0xffff  }
0x32c: {  	[tilespmem:s7+$0xFFFFFFE0] =	vst v6;
	v4 =	vld.idx.msk [tilespmem:v9+s1+$0x0], $0xffff  }
0x32d: {  	[tilespmem:s7+$0x0] =	vst v1;
	v0 =	vld.idx.msk [tilespmem:v0+s1+$0x0], $0xffff  }
0x32e: {  	s30 =	sadd.s32 $0x40, s7;
	[tilespmem:s7+$0x10] =	vst v2  }
0x32f: {  	[tilespmem:s30+$0xFFFFFFF0] =	vst v3  }
0x330: {  	[tilespmem:s30+$0x0] =	vst v5  }
0x331: {  	[tilespmem:s30+$0xFFFFFFE0] =	vst v4  }
0x332: {  	s8 =	simm.s32 $0x0;
	s9 =	simm.s32 $0x10;
	v12 =	vlaneseq.u32;
	[tilespmem:s30+$0x10] =	vst v0  }
0x333: {  	v0 =	vor.u32 s8, v12;
	[tilespmem:s13], [sflag:$0x1] =	stream.indirect.gather [hbm4b:s5+s11], $0x20, s12, s11, $0xb8;
	[tilespmem:$0x13200] =	vst v63  }
0x334: {  	s7 =	simm.s32 $0x8200;
	v1 =	vor.u32 s9, v12;
	v7 =	vshll.u32 v0, $0x5  }
0x335: {  	v3 =	vshll.u32 v1, $0x5;
	v4 =	vor.u32 v12, v7;
	[tilespmem:s7], [sflag:$0x1] =	stream.indirect.gather [hbm4b:s5+s11], $0x20, s14, s11, $0xb8;
	[tilespmem:$0x13200] =	vst v63  }
0x336: {  	s15 =	simm.s32 $0x9200;
	s17 =	simm.s32 $0x20;
	s19 =	simm.s32 $0x30;
	v8 =	vor.u32 v12, v3  }
0x337: {  	v9 =	vor.u32 s17, v12;
	[tilespmem:s15], [sflag:$0x1] =	stream.indirect.gather [hbm4b:s5+s11], $0x20, s16, s11, $0xb8;
	[tilespmem:$0x13200] =	vst v63  }
0x338: {  	v10 =	vor.u32 s19, v12;
	v5 =	vshll.u32 v9, $0x5;
	s30 =	simm.s32 $0xA200  }
0x339: {  	v2 =	vshll.u32 v10, $0x5;
	v11 =	vor.u32 v12, v5;
	v6 =	vand.u32 $0x1C8, v0;
	[tilespmem:s30], [sflag:$0x1] =	stream.indirect.gather [hbm4b:s5+s11], $0x20, s18, s11, $0xb8;
	[tilespmem:$0x13200] =	vst v63  }
0x33a: {  	v0 =	vand.u32 $0x1D8, v1;
	v12 =	vor.u32 v12, v2;
	v14 =	vor.u32 v42, v6;
	v13 =	vld.idx.msk [tilespmem:v4+s21+$0x0], $0xffff  }
0x33b: {  	v15 =	vor.u32 v46, v7;
	v16 =	vor.u32 v42, v0;
	v8 =	vld.idx.msk [tilespmem:v8+s21+$0x0], $0xffff  }
0x33c: {  	v17 =	vor.u32 v46, v3  }
0x33d: {  	v4 =	vand.u32 $0x1E8, v9  }
0x33e: {  	v1 =	vand.u32 $0x1F8, v10;
	v9 =	vld.idx.msk [tilespmem:v11+s21+$0x0], $0xffff;
	v10 =	vor.u32 v42, v4  }
0x33f: {  	v18 =	vor.u32 v46, v5;
	v11 =	vld.idx.msk [tilespmem:v12+s21+$0x0], $0xffff;
	v12 =	vor.u32 v42, v1;
	[tilespmem:v14+s25+$0x0] =	vst.idx.msk $0xffff, v13  }
0x340: {  	v13 =	vor.u32 v46, v2;
	[tilespmem:v16+s25+$0x0] =	vst.idx.msk $0xffff, v8;
	v8 =	vor.u32 v20, v6;
	v14 =	vld.idx.msk [tilespmem:v15+s21+$0x0], $0xffff  }
0x341: {  	v16 =	vor.u32 v49, v7;
	v15 =	vld.idx.msk [tilespmem:v17+s21+$0x0], $0xffff;
	v17 =	vor.u32 v20, v0  }
0x342: {  	v19 =	vor.u32 v49, v3  }
0x343: {  	[tilespmem:v10+s25+$0x0] =	vst.idx.msk $0xffff, v9  }
0x344: {  	[tilespmem:v12+s25+$0x0] =	vst.idx.msk $0xffff, v11;
	v10 =	vor.u32 v20, v4;
	v9 =	vld.idx.msk [tilespmem:v18+s21+$0x0], $0xffff  }
0x345: {  	v12 =	vor.u32 v20, v1;
	v11 =	vld.idx.msk [tilespmem:v13+s21+$0x0], $0xffff;
	v13 =	vor.u32 v49, v5;
	[tilespmem:v8+s25+$0x0] =	vst.idx.msk $0xffff, v14  }
0x346: {  	v8 =	vor.u32 v49, v2;
	[tilespmem:v17+s25+$0x0] =	vst.idx.msk $0xffff, v15;
	v15 =	vor.u32 v21, v6;
	v14 =	vld.idx.msk [tilespmem:v16+s21+$0x0], $0xffff  }
0x347: {  	v18 =	vor.u32 v21, v0;
	v17 =	vor.u32 v40, v7;
	v16 =	vld.idx.msk [tilespmem:v19+s21+$0x0], $0xffff  }
0x348: {  	v19 =	vor.u32 v40, v3  }
0x349: {  	[tilespmem:v10+s25+$0x0] =	vst.idx.msk $0xffff, v9  }
0x34a: {  	v10 =	vor.u32 v21, v4;
	[tilespmem:v12+s25+$0x0] =	vst.idx.msk $0xffff, v11;
	v9 =	vld.idx.msk [tilespmem:v13+s21+$0x0], $0xffff  }
0x34b: {  	v11 =	vor.u32 v21, v1;
	v12 =	vor.u32 v40, v5;
	v8 =	vld.idx.msk [tilespmem:v8+s21+$0x0], $0xffff;
	[tilespmem:v15+s25+$0x0] =	vst.idx.msk $0xffff, v14  }
0x34c: {  	v13 =	vor.u32 v40, v2;
	[tilespmem:v18+s25+$0x0] =	vst.idx.msk $0xffff, v16;
	v15 =	vor.u32 v22, v6;
	v14 =	vld.idx.msk [tilespmem:v17+s21+$0x0], $0xffff  }
0x34d: {  	v18 =	vor.u32 v22, v0;
	v16 =	vld.idx.msk [tilespmem:v19+s21+$0x0], $0xffff;
	v17 =	vor.u32 v61, v7  }
0x34e: {  	v19 =	vor.u32 v61, v3  }
0x34f: {  	[tilespmem:v10+s25+$0x0] =	vst.idx.msk $0xffff, v9  }
0x350: {  	v9 =	vor.u32 v22, v4;
	[tilespmem:v11+s25+$0x0] =	vst.idx.msk $0xffff, v8;
	v8 =	vld.idx.msk [tilespmem:v12+s21+$0x0], $0xffff  }
0x351: {  	v11 =	vor.u32 v22, v1;
	v12 =	vor.u32 v61, v5;
	v10 =	vld.idx.msk [tilespmem:v13+s21+$0x0], $0xffff;
	[tilespmem:v15+s25+$0x0] =	vst.idx.msk $0xffff, v14  }
0x352: {  	v13 =	vor.u32 v61, v2;
	[tilespmem:v18+s25+$0x0] =	vst.idx.msk $0xffff, v16;
	v15 =	vor.u32 v23, v6;
	v14 =	vld.idx.msk [tilespmem:v17+s21+$0x0], $0xffff  }
0x353: {  	v18 =	vor.u32 v23, v0;
	v16 =	vld.idx.msk [tilespmem:v19+s21+$0x0], $0xffff;
	v17 =	vor.u32 v47, v7  }
0x354: {  	v19 =	vor.u32 v47, v3  }
0x355: {  	[tilespmem:v9+s25+$0x0] =	vst.idx.msk $0xffff, v8  }
0x356: {  	v9 =	vor.u32 v23, v4;
	[tilespmem:v11+s25+$0x0] =	vst.idx.msk $0xffff, v10;
	v8 =	vld.idx.msk [tilespmem:v12+s21+$0x0], $0xffff  }
0x357: {  	v11 =	vor.u32 v23, v1;
	v12 =	vor.u32 v47, v5;
	v10 =	vld.idx.msk [tilespmem:v13+s21+$0x0], $0xffff;
	[tilespmem:v15+s25+$0x0] =	vst.idx.msk $0xffff, v14  }
0x358: {  	v13 =	vor.u32 v47, v2;
	[tilespmem:v18+s25+$0x0] =	vst.idx.msk $0xffff, v16;
	v15 =	vor.u32 v24, v6;
	v14 =	vld.idx.msk [tilespmem:v17+s21+$0x0], $0xffff  }
0x359: {  	v18 =	vor.u32 v24, v0;
	v16 =	vld.idx.msk [tilespmem:v19+s21+$0x0], $0xffff;
	v17 =	vor.u32 v52, v7  }
0x35a: {  	v19 =	vor.u32 v52, v3  }
0x35b: {  	[tilespmem:v9+s25+$0x0] =	vst.idx.msk $0xffff, v8  }
0x35c: {  	v9 =	vor.u32 v24, v4;
	[tilespmem:v11+s25+$0x0] =	vst.idx.msk $0xffff, v10;
	v8 =	vld.idx.msk [tilespmem:v12+s21+$0x0], $0xffff  }
0x35d: {  	v11 =	vor.u32 v24, v1;
	v12 =	vor.u32 v52, v5;
	v10 =	vld.idx.msk [tilespmem:v13+s21+$0x0], $0xffff;
	[tilespmem:v15+s25+$0x0] =	vst.idx.msk $0xffff, v14  }
0x35e: {  	v13 =	vor.u32 v52, v2;
	[tilespmem:v18+s25+$0x0] =	vst.idx.msk $0xffff, v16;
	v15 =	vor.u32 v25, v6;
	v14 =	vld.idx.msk [tilespmem:v17+s21+$0x0], $0xffff  }
0x35f: {  	v18 =	vor.u32 v25, v0;
	v16 =	vld.idx.msk [tilespmem:v19+s21+$0x0], $0xffff;
	v17 =	vor.u32 v53, v7  }
0x360: {  	v19 =	vor.u32 v53, v3  }
0x361: {  	[tilespmem:v9+s25+$0x0] =	vst.idx.msk $0xffff, v8  }
0x362: {  	v9 =	vor.u32 v25, v4;
	[tilespmem:v11+s25+$0x0] =	vst.idx.msk $0xffff, v10;
	v8 =	vld.idx.msk [tilespmem:v12+s21+$0x0], $0xffff  }
0x363: {  	v11 =	vor.u32 v25, v1;
	v12 =	vor.u32 v53, v5;
	v10 =	vld.idx.msk [tilespmem:v13+s21+$0x0], $0xffff;
	[tilespmem:v15+s25+$0x0] =	vst.idx.msk $0xffff, v14  }
0x364: {  	v13 =	vor.u32 v53, v2;
	[tilespmem:v18+s25+$0x0] =	vst.idx.msk $0xffff, v16;
	v15 =	vor.u32 v26, v6;
	v14 =	vld.idx.msk [tilespmem:v17+s21+$0x0], $0xffff  }
0x365: {  	v18 =	vor.u32 v26, v0;
	v16 =	vld.idx.msk [tilespmem:v19+s21+$0x0], $0xffff;
	v17 =	vor.u32 v54, v7  }
0x366: {  	v19 =	vor.u32 v54, v3  }
0x367: {  	[tilespmem:v9+s25+$0x0] =	vst.idx.msk $0xffff, v8  }
0x368: {  	v9 =	vor.u32 v26, v4;
	[tilespmem:v11+s25+$0x0] =	vst.idx.msk $0xffff, v10;
	v8 =	vld.idx.msk [tilespmem:v12+s21+$0x0], $0xffff  }
0x369: {  	v11 =	vor.u32 v26, v1;
	v12 =	vor.u32 v54, v5;
	v10 =	vld.idx.msk [tilespmem:v13+s21+$0x0], $0xffff;
	[tilespmem:v15+s25+$0x0] =	vst.idx.msk $0xffff, v14  }
0x36a: {  	v13 =	vor.u32 v54, v2;
	[tilespmem:v18+s25+$0x0] =	vst.idx.msk $0xffff, v16;
	v15 =	vor.u32 v27, v6;
	v14 =	vld.idx.msk [tilespmem:v17+s21+$0x0], $0xffff  }
0x36b: {  	v18 =	vor.u32 v27, v0;
	v16 =	vld.idx.msk [tilespmem:v19+s21+$0x0], $0xffff;
	v17 =	vor.u32 v55, v7  }
0x36c: {  	v19 =	vor.u32 v55, v3  }
0x36d: {  	[tilespmem:v9+s25+$0x0] =	vst.idx.msk $0xffff, v8  }
0x36e: {  	v9 =	vor.u32 v27, v4;
	[tilespmem:v11+s25+$0x0] =	vst.idx.msk $0xffff, v10;
	v8 =	vld.idx.msk [tilespmem:v12+s21+$0x0], $0xffff  }
0x36f: {  	v11 =	vor.u32 v55, v5;
	v12 =	vor.u32 v27, v1;
	v10 =	vld.idx.msk [tilespmem:v13+s21+$0x0], $0xffff;
	[tilespmem:v15+s25+$0x0] =	vst.idx.msk $0xffff, v14  }
0x370: {  	v13 =	vor.u32 v55, v2;
	[tilespmem:v18+s25+$0x0] =	vst.idx.msk $0xffff, v16;
	v15 =	vor.u32 v28, v6;
	v14 =	vld.idx.msk [tilespmem:v17+s21+$0x0], $0xffff  }
0x371: {  	v18 =	vor.u32 v28, v0;
	v16 =	vld.idx.msk [tilespmem:v19+s21+$0x0], $0xffff;
	v17 =	vor.u32 v56, v7  }
0x372: {  	v19 =	vor.u32 v56, v3  }
0x373: {  	[tilespmem:v9+s25+$0x0] =	vst.idx.msk $0xffff, v8  }
0x374: {  	v9 =	vor.u32 v28, v4;
	v8 =	vld.idx.msk [tilespmem:v11+s21+$0x0], $0xffff;
	[tilespmem:v12+s25+$0x0] =	vst.idx.msk $0xffff, v10  }
0x375: {  	v11 =	vor.u32 v56, v5;
	v12 =	vor.u32 v28, v1;
	v10 =	vld.idx.msk [tilespmem:v13+s21+$0x0], $0xffff;
	[tilespmem:v15+s25+$0x0] =	vst.idx.msk $0xffff, v14  }
0x376: {  	v13 =	vor.u32 v56, v2;
	[tilespmem:v18+s25+$0x0] =	vst.idx.msk $0xffff, v16;
	v15 =	vor.u32 v29, v6;
	v14 =	vld.idx.msk [tilespmem:v17+s21+$0x0], $0xffff  }
0x377: {  	v18 =	vor.u32 v29, v0;
	v16 =	vld.idx.msk [tilespmem:v19+s21+$0x0], $0xffff;
	v17 =	vor.u32 v48, v7  }
0x378: {  	v19 =	vor.u32 v48, v3  }
0x379: {  	[tilespmem:v9+s25+$0x0] =	vst.idx.msk $0xffff, v8  }
0x37a: {  	v9 =	vor.u32 v29, v4;
	v8 =	vld.idx.msk [tilespmem:v11+s21+$0x0], $0xffff;
	[tilespmem:v12+s25+$0x0] =	vst.idx.msk $0xffff, v10  }
0x37b: {  	v11 =	vor.u32 v48, v5;
	v12 =	vor.u32 v29, v1;
	v10 =	vld.idx.msk [tilespmem:v13+s21+$0x0], $0xffff;
	[tilespmem:v15+s25+$0x0] =	vst.idx.msk $0xffff, v14  }
0x37c: {  	v13 =	vor.u32 v48, v2;
	[tilespmem:v18+s25+$0x0] =	vst.idx.msk $0xffff, v16;
	v15 =	vor.u32 v30, v6;
	v14 =	vld.idx.msk [tilespmem:v17+s21+$0x0], $0xffff  }
0x37d: {  	v18 =	vor.u32 v30, v0;
	v16 =	vld.idx.msk [tilespmem:v19+s21+$0x0], $0xffff;
	v17 =	vor.u32 v35, v7  }
0x37e: {  	v19 =	vor.u32 v35, v3  }
0x37f: {  	[tilespmem:v9+s25+$0x0] =	vst.idx.msk $0xffff, v8  }
0x380: {  	v8 =	vld.idx.msk [tilespmem:v11+s21+$0x0], $0xffff;
	[tilespmem:v12+s25+$0x0] =	vst.idx.msk $0xffff, v10  }
0x381: {  	v9 =	vor.u32 v30, v4;
	v10 =	vld.idx.msk [tilespmem:v13+s21+$0x0], $0xffff;
	[tilespmem:v15+s25+$0x0] =	vst.idx.msk $0xffff, v14  }
0x382: {  	v12 =	vor.u32 v30, v1;
	[tilespmem:v18+s25+$0x0] =	vst.idx.msk $0xffff, v16;
	v14 =	vld.idx.msk [tilespmem:v17+s21+$0x0], $0xffff  }
0x383: {  	v15 =	vor.u32 v31, v6;
	v16 =	vld.idx.msk [tilespmem:v19+s21+$0x0], $0xffff  }
0x384: {  	v18 =	vor.u32 v31, v0;
	v20 =	vld [tilespmem:$0x1FE20];
	_ =	sdelay $0x1  }
0x385: {  	[tilespmem:v9+s25+$0x0] =	vst.idx.msk $0xffff, v8  }
0x386: {  	v11 =	vor.u32 v35, v5;
	[tilespmem:v12+s25+$0x0] =	vst.idx.msk $0xffff, v10  }
0x387: {  	v13 =	vor.u32 v35, v2;
	[tilespmem:v15+s25+$0x0] =	vst.idx.msk $0xffff, v14  }
0x388: {  	v17 =	vor.u32 v20, v7;
	[tilespmem:v18+s25+$0x0] =	vst.idx.msk $0xffff, v16  }
0x389: {  	v19 =	vor.u32 v20, v3;
	v57 =	vld [tilespmem:$0x1FD40];
	_ =	sdelay $0x1  }
0x38a: {  	v9 =	vor.u32 v31, v4;
	v8 =	vld.idx.msk [tilespmem:v11+s21+$0x0], $0xffff  }
0x38b: {  	v12 =	vor.u32 v31, v1;
	v10 =	vld.idx.msk [tilespmem:v13+s21+$0x0], $0xffff;
	v11 =	vor.u32 v20, v5  }
0x38c: {  	v13 =	vor.u32 v20, v2;
	v15 =	vor.u32 v32, v6;
	v14 =	vld.idx.msk [tilespmem:v17+s21+$0x0], $0xffff  }
0x38d: {  	v18 =	vor.u32 v32, v0;
	v16 =	vld.idx.msk [tilespmem:v19+s21+$0x0], $0xffff;
	v17 =	vor.u32 v57, v7  }
0x38e: {  	v19 =	vor.u32 v57, v3  }
0x38f: {  	[tilespmem:v9+s25+$0x0] =	vst.idx.msk $0xffff, v8  }
0x390: {  	v9 =	vor.u32 v32, v4;
	[tilespmem:v12+s25+$0x0] =	vst.idx.msk $0xffff, v10;
	v8 =	vld.idx.msk [tilespmem:v11+s21+$0x0], $0xffff  }
0x391: {  	v12 =	vor.u32 v32, v1;
	v10 =	vld.idx.msk [tilespmem:v13+s21+$0x0], $0xffff;
	v11 =	vor.u32 v57, v5;
	[tilespmem:v15+s25+$0x0] =	vst.idx.msk $0xffff, v14  }
0x392: {  	v13 =	vor.u32 v57, v2;
	[tilespmem:v18+s25+$0x0] =	vst.idx.msk $0xffff, v16;
	v15 =	vor.u32 v33, v6;
	v14 =	vld.idx.msk [tilespmem:v17+s21+$0x0], $0xffff  }
0x393: {  	v18 =	vor.u32 v33, v0;
	v16 =	vld.idx.msk [tilespmem:v19+s21+$0x0], $0xffff;
	v17 =	vor.u32 v43, v7  }
0x394: {  	v19 =	vor.u32 v43, v3  }
0x395: {  	[tilespmem:v9+s25+$0x0] =	vst.idx.msk $0xffff, v8  }
0x396: {  	[tilespmem:v12+s25+$0x0] =	vst.idx.msk $0xffff, v10;
	v9 =	vor.u32 v33, v4;
	v8 =	vld.idx.msk [tilespmem:v11+s21+$0x0], $0xffff  }
0x397: {  	v12 =	vor.u32 v33, v1;
	v10 =	vld.idx.msk [tilespmem:v13+s21+$0x0], $0xffff;
	[tilespmem:v15+s25+$0x0] =	vst.idx.msk $0xffff, v14  }
0x398: {  	[tilespmem:v18+s25+$0x0] =	vst.idx.msk $0xffff, v16;
	v15 =	vor.u32 v34, v6;
	v14 =	vld.idx.msk [tilespmem:v17+s21+$0x0], $0xffff  }
0x399: {  	v18 =	vor.u32 v34, v0;
	v16 =	vld.idx.msk [tilespmem:v19+s21+$0x0], $0xffff;
	_ =	sdelay $0x1  }
0x39a: {  	[tilespmem:v9+s25+$0x0] =	vst.idx.msk $0xffff, v8  }
0x39b: {  	v11 =	vor.u32 v43, v5;
	[tilespmem:v12+s25+$0x0] =	vst.idx.msk $0xffff, v10  }
0x39c: {  	v13 =	vor.u32 v43, v2;
	[tilespmem:v15+s25+$0x0] =	vst.idx.msk $0xffff, v14  }
0x39d: {  	v17 =	vor.u32 v44, v7;
	[tilespmem:v18+s25+$0x0] =	vst.idx.msk $0xffff, v16  }
0x39e: {  	v19 =	vor.u32 v44, v3;
	v20 =	vld [tilespmem:$0x1FE00];
	_ =	sdelay $0x1  }
0x39f: {  	v9 =	vor.u32 v34, v4;
	v8 =	vld.idx.msk [tilespmem:v11+s21+$0x0], $0xffff  }
0x3a0: {  	v12 =	vor.u32 v34, v1;
	v10 =	vld.idx.msk [tilespmem:v13+s21+$0x0], $0xffff  }
0x3a1: {  	v15 =	vor.u32 v45, v6;
	v14 =	vld.idx.msk [tilespmem:v17+s21+$0x0], $0xffff  }
0x3a2: {  	v18 =	vor.u32 v45, v0;
	v16 =	vld.idx.msk [tilespmem:v19+s21+$0x0], $0xffff;
	v17 =	vor.u32 v20, v7;
	_ =	sdelay $0x1  }
0x3a3: {  	[tilespmem:v9+s25+$0x0] =	vst.idx.msk $0xffff, v8  }
0x3a4: {  	v11 =	vor.u32 v44, v5;
	[tilespmem:v12+s25+$0x0] =	vst.idx.msk $0xffff, v10  }
0x3a5: {  	v13 =	vor.u32 v44, v2;
	v19 =	vor.u32 v20, v3;
	[tilespmem:v15+s25+$0x0] =	vst.idx.msk $0xffff, v14  }
0x3a6: {  	v12 =	vor.u32 v20, v5;
	v15 =	vor.u32 v20, v2;
	[tilespmem:v18+s25+$0x0] =	vst.idx.msk $0xffff, v16;
	v20 =	vld.idx.msk [tilespmem:v17+s21+$0x0], $0xffff  }
0x3a7: {  	v17 =	vld [tilespmem:$0x1FD90]  }
0x3a8: {  	v18 =	vld [tilespmem:$0x1FE30];
	_ =	sdelay $0x1  }
0x3a9: {  	v10 =	vor.u32 v45, v4;
	v9 =	vld.idx.msk [tilespmem:v11+s21+$0x0], $0xffff  }
0x3aa: {  	v11 =	vld.idx.msk [tilespmem:v13+s21+$0x0], $0xffff;
	v13 =	vor.u32 v45, v1  }
0x3ab: {  	v16 =	vor.u32 v17, v6  }
0x3ac: {  	v62 =	vor.u32 v18, v7  }
0x3ad: {  	v19 =	vld.idx.msk [tilespmem:v19+s21+$0x0], $0xffff;
	v63 =	vor.u32 v17, v0  }
0x3ae: {  	[tilespmem:v10+s25+$0x0] =	vst.idx.msk $0xffff, v9  }
0x3af: {  	[tilespmem:v13+s25+$0x0] =	vst.idx.msk $0xffff, v11;
	v10 =	vld.idx.msk [tilespmem:v12+s21+$0x0], $0xffff  }
0x3b0: {  	v11 =	vld.idx.msk [tilespmem:v15+s21+$0x0], $0xffff;
	[tilespmem:v16+s25+$0x0] =	vst.idx.msk $0xffff, v20  }
0x3b1: {  	v16 =	vld.idx.msk [tilespmem:v62+s21+$0x0], $0xffff  }
0x3b2: {  	v30 =	vld [tilespmem:$0x1FE50];
	[tilespmem:v63+s25+$0x0] =	vst.idx.msk $0xffff, v19  }
0x3b3: {  	v40 =	vld [tilespmem:$0x1FD70]  }
0x3b4: {  	v41 =	vld [tilespmem:$0x1FD80]  }
0x3b5: {  	v61 =	vld [tilespmem:$0x1FC20]  }
0x3b6: {  	v49 =	vld [tilespmem:$0x1FDA0]  }
0x3b7: {  	v63 =	vld [tilespmem:$0x1FC30]  }
0x3b8: {  	v9 =	vor.u32 v37, v6;
	v37 =	vld [tilespmem:$0x1FDB0]  }
0x3b9: {  	v60 =	vld [tilespmem:$0x1FC40]  }
0x3ba: {  	v62 =	vld [tilespmem:$0x1FDC0]  }
0x3bb: {  	v43 =	vld [tilespmem:$0x1FC50]  }
0x3bc: {  	v44 =	vld [tilespmem:$0x1FC60]  }
0x3bd: {  	v42 =	vld [tilespmem:$0x1FC70]  }
0x3be: {  	v46 =	vld [tilespmem:$0x1FC80]  }
0x3bf: {  	v45 =	vld [tilespmem:$0x1FC90]  }
0x3c0: {  	v48 =	vld [tilespmem:$0x1FDD0]  }
0x3c1: {  	v47 =	vld [tilespmem:$0x1FDE0]  }
0x3c2: {  	v50 =	vld [tilespmem:$0x1FCD0]  }
0x3c3: {  	v51 =	vld [tilespmem:$0x1FCE0]  }
0x3c4: {  	v52 =	vld [tilespmem:$0x1FCF0]  }
0x3c5: {  	v54 =	vld [tilespmem:$0x1FD20]  }
0x3c6: {  	v55 =	vld [tilespmem:$0x1FE10]  }
0x3c7: {  	v8 =	vor.u32 v18, v3;
	v12 =	vor.u32 v18, v5;
	v18 =	vor.u32 v18, v2;
	v56 =	vld [tilespmem:$0x1FE40]  }
0x3c8: {  	s6 =	simm.s32 $0x0;
	s7 =	simm.s32 $0x70;
	v14 =	vor.u32 v17, v4;
	v17 =	vor.u32 v17, v1;
	v58 =	vld [tilespmem:$0x1FE60];
	v15 =	vor.u32 v30, v7  }
.LBB2_11:
0x3c9: {  	_ =	sdelay $0x1  }
0x3ca: {  	v38 =	vld [tilespmem:$0x1FFF0]  }
0x3cb: {  	v35 =	vld [tilespmem:$0x1FEF0]  }
0x3cc: {  	v28 =	vlaneseq.u32;
	[tilespmem:v9+s25+$0x0] =	vst.idx.msk $0xffff, v16;
	v9 =	vld.idx.msk [tilespmem:v8+s21+$0x0], $0xffff  }
0x3cd: {  	v19 =	vor.u32 s7, v28;
	v8 =	vld [tilespmem:$0x1FE50]  }
0x3ce: {  	s9 =	sadd.s32 $0xFFFFFFE0, s7;
	v36 =	vld [tilespmem:$0x1FFB0];
	v13 =	vshll.u32 v19, $0x5;
	[tilespmem:v14+s25+$0x0] =	vst.idx.msk $0xffff, v10  }
0x3cf: {  	s8 =	sadd.s32 $0xFFFFFFD0, s7;
	v29 =	vor.u32 v30, v2;
	v23 =	vor.u32 s9, v28;
	v24 =	vor.u32 v28, v13;
	v25 =	vld.idx.msk [tilespmem:v12+s21+$0x0], $0xffff  }
0x3d0: {  	v31 =	vor.u32 v50, v7;
	v22 =	vor.u32 s8, v28;
	[tilespmem:v17+s25+$0x0] =	vst.idx.msk $0xffff, v11;
	v11 =	vshll.u32 v23, $0x5;
	v12 =	vld [tilespmem:$0x1FE30]  }
0x3d1: {  	v14 =	vshll.u32 v22, $0x5;
	v20 =	vor.u32 v38, v4;
	v18 =	vld.idx.msk [tilespmem:v18+s21+$0x0], $0xffff;
	v26 =	vor.u32 v28, v11  }
0x3d2: {  	v21 =	vor.u32 v38, v1;
	v17 =	vor.u32 v28, v14;
	v33 =	vor.u32 v8, v5;
	v8 =	vld [tilespmem:$0x1FE50]  }
0x3d3: {  	s30 =	sadd.s32 $0xFFFFFFF0, s7;
	v10 =	vand.u32 $0x1D8, v23;
	v30 =	vld.idx.msk [tilespmem:v15+s21+$0x0], $0xffff;
	v15 =	vand.u32 $0x1F8, v19;
	v19 =	vor.u32 v61, v6  }
0x3d4: {  	v23 =	vor.u32 s30, v28;
	v16 =	vand.u32 $0x1C8, v22;
	v53 =	vor.u32 v35, v15;
	v24 =	vld.idx.msk [tilespmem:v24+s21+$0x0], $0xffff  }
0x3d5: {  	v32 =	vor.u32 v38, v0;
	v27 =	vor.u32 v12, v11;
	v12 =	vshll.u32 v23, $0x5  }
0x3d6: {  	[tilespmem:v20+s25+$0x0] =	vst.idx.msk $0xffff, v25;
	v20 =	vor.u32 v35, v16;
	v25 =	vld.idx.msk [tilespmem:v26+s21+$0x0], $0xffff;
	v28 =	vor.u32 v28, v12  }
0x3d7: {  	[tilespmem:v21+s25+$0x0] =	vst.idx.msk $0xffff, v18;
	v34 =	vor.u32 v8, v3;
	v8 =	vmov v27;
	v27 =	vld.idx.msk [tilespmem:v17+s21+$0x0], $0xffff  }
0x3d8: {  	v26 =	vor.u32 v36, v13;
	v17 =	vand.u32 $0x1E8, v23;
	v23 =	vld.idx.msk [tilespmem:v29+s21+$0x0], $0xffff;
	[tilespmem:v19+s25+$0x0] =	vst.idx.msk $0xffff, v30  }
0x3d9: {  	v59 =	vor.u32 v35, v10;
	[tilespmem:v53+s25+$0x0] =	vst.idx.msk $0xffff, v24;
	v53 =	vld [tilespmem:$0x1FF00]  }
0x3da: {  	v18 =	vor.u32 v36, v14;
	v22 =	vld.idx.msk [tilespmem:v31+s21+$0x0], $0xffff  }
0x3db: {  	[tilespmem:v32+s25+$0x0] =	vst.idx.msk $0xffff, v9;
	v29 =	vor.u32 v36, v11;
	v35 =	vor.u32 v35, v17;
	v28 =	vld.idx.msk [tilespmem:v28+s21+$0x0], $0xffff  }
0x3dc: {  	v19 =	vld.idx.msk [tilespmem:v34+s21+$0x0], $0xffff  }
0x3dd: {  	v32 =	vor.u32 v36, v12;
	[tilespmem:v20+s25+$0x0] =	vst.idx.msk $0xffff, v27;
	v20 =	vld.idx.msk [tilespmem:v26+s21+$0x0], $0xffff  }
0x3de: {  	v24 =	vor.u32 v61, v1;
	[tilespmem:v59+s25+$0x0] =	vst.idx.msk $0xffff, v25;
	v59 =	vld [tilespmem:$0x1FFA0]  }
0x3df: {  	v27 =	vor.u32 v50, v2;
	v30 =	vld.idx.msk [tilespmem:v18+s21+$0x0], $0xffff  }
0x3e0: {  	v26 =	vor.u32 v49, v6;
	v29 =	vld.idx.msk [tilespmem:v29+s21+$0x0], $0xffff;
	[tilespmem:v35+s25+$0x0] =	vst.idx.msk $0xffff, v28  }
0x3e1: {  	v21 =	vor.u32 v53, v15;
	v25 =	vor.u32 v51, v7;
	v18 =	vld.idx.msk [tilespmem:v33+s21+$0x0], $0xffff  }
0x3e2: {  	v31 =	vor.u32 v53, v16;
	v39 =	vor.u32 v53, v10;
	v32 =	vld.idx.msk [tilespmem:v32+s21+$0x0], $0xffff  }
0x3e3: {  	[tilespmem:v24+s25+$0x0] =	vst.idx.msk $0xffff, v23;
	v33 =	vor.u32 v53, v17;
	v53 =	vld [tilespmem:$0x1FCA0];
	v34 =	vor.u32 v59, v13  }
0x3e4: {  	v9 =	vor.u32 v38, v16;
	v38 =	vor.u32 v59, v14;
	v24 =	vld.idx.msk [tilespmem:v27+s21+$0x0], $0xffff  }
0x3e5: {  	v28 =	vor.u32 v59, v11;
	v23 =	vor.u32 v59, v12;
	[tilespmem:v26+s25+$0x0] =	vst.idx.msk $0xffff, v22;
	v59 =	vld [tilespmem:$0x1FE80]  }
0x3e6: {  	[tilespmem:v21+s25+$0x0] =	vst.idx.msk $0xffff, v20;
	v20 =	vld.idx.msk [tilespmem:v25+s21+$0x0], $0xffff  }
0x3e7: {  	v36 =	vor.u32 v61, v0;
	[tilespmem:v39+s25+$0x0] =	vst.idx.msk $0xffff, v29;
	v39 =	vld [tilespmem:$0x1FD10]  }
0x3e8: {  	v22 =	vor.u32 v50, v3;
	[tilespmem:v31+s25+$0x0] =	vst.idx.msk $0xffff, v30;
	v26 =	vld.idx.msk [tilespmem:v34+s21+$0x0], $0xffff  }
0x3e9: {  	v27 =	vor.u32 v63, v6;
	v25 =	vor.u32 v49, v1;
	v31 =	vld.idx.msk [tilespmem:v38+s21+$0x0], $0xffff  }
0x3ea: {  	v30 =	vor.u32 v51, v2;
	[tilespmem:v33+s25+$0x0] =	vst.idx.msk $0xffff, v32;
	v29 =	vor.u32 v59, v15;
	v28 =	vld.idx.msk [tilespmem:v28+s21+$0x0], $0xffff  }
0x3eb: {  	v34 =	vor.u32 v52, v7;
	v35 =	vor.u32 v59, v16;
	v38 =	vor.u32 v53, v13;
	v23 =	vld.idx.msk [tilespmem:v23+s21+$0x0], $0xffff  }
0x3ec: {  	[tilespmem:v36+s25+$0x0] =	vst.idx.msk $0xffff, v19;
	v36 =	vor.u32 v59, v10;
	v33 =	vor.u32 v59, v17;
	v59 =	vld [tilespmem:$0x1FEA0]  }
0x3ed: {  	v32 =	vor.u32 v53, v11;
	v22 =	vld.idx.msk [tilespmem:v22+s21+$0x0], $0xffff  }
0x3ee: {  	v19 =	vor.u32 v53, v14;
	[tilespmem:v25+s25+$0x0] =	vst.idx.msk $0xffff, v24;
	v25 =	vor.u32 v53, v12;
	v53 =	vld [tilespmem:$0x1FF90]  }
0x3ef: {  	[tilespmem:v27+s25+$0x0] =	vst.idx.msk $0xffff, v20;
	v24 =	vld.idx.msk [tilespmem:v30+s21+$0x0], $0xffff  }
0x3f0: {  	v21 =	vor.u32 v49, v0;
	[tilespmem:v29+s25+$0x0] =	vst.idx.msk $0xffff, v26;
	v26 =	vld.idx.msk [tilespmem:v34+s21+$0x0], $0xffff  }
0x3f1: {  	v20 =	vor.u32 v51, v3;
	v29 =	vld.idx.msk [tilespmem:v38+s21+$0x0], $0xffff  }
0x3f2: {  	v27 =	vor.u32 v63, v1;
	[tilespmem:v35+s25+$0x0] =	vst.idx.msk $0xffff, v31;
	v38 =	vld [tilespmem:$0x1FD60]  }
0x3f3: {  	[tilespmem:v36+s25+$0x0] =	vst.idx.msk $0xffff, v28;
	v19 =	vld.idx.msk [tilespmem:v19+s21+$0x0], $0xffff  }
0x3f4: {  	v30 =	vor.u32 v37, v6;
	v31 =	vor.u32 v52, v2;
	[tilespmem:v33+s25+$0x0] =	vst.idx.msk $0xffff, v23;
	v32 =	vld.idx.msk [tilespmem:v32+s21+$0x0], $0xffff  }
0x3f5: {  	v28 =	vor.u32 v59, v15;
	v34 =	vor.u32 v39, v7;
	[tilespmem:v21+s25+$0x0] =	vst.idx.msk $0xffff, v22;
	v25 =	vld.idx.msk [tilespmem:v25+s21+$0x0], $0xffff  }
0x3f6: {  	v35 =	vor.u32 v59, v16;
	v36 =	vor.u32 v53, v13;
	v20 =	vld.idx.msk [tilespmem:v20+s21+$0x0], $0xffff  }
0x3f7: {  	v22 =	vor.u32 v59, v10;
	[tilespmem:v27+s25+$0x0] =	vst.idx.msk $0xffff, v24;
	v24 =	vor.u32 v59, v17;
	v59 =	vld [tilespmem:$0x1FF20]  }
0x3f8: {  	v21 =	vor.u32 v53, v14;
	v23 =	vor.u32 v53, v11;
	v27 =	vor.u32 v53, v12;
	v53 =	vld [tilespmem:$0x1FF80]  }
0x3f9: {  	[tilespmem:v30+s25+$0x0] =	vst.idx.msk $0xffff, v26;
	v26 =	vld.idx.msk [tilespmem:v31+s21+$0x0], $0xffff  }
0x3fa: {  	v33 =	vor.u32 v63, v0;
	[tilespmem:v28+s25+$0x0] =	vst.idx.msk $0xffff, v29;
	v28 =	vld.idx.msk [tilespmem:v34+s21+$0x0], $0xffff  }
0x3fb: {  	v29 =	vor.u32 v37, v1;
	[tilespmem:v35+s25+$0x0] =	vst.idx.msk $0xffff, v19;
	v19 =	vld.idx.msk [tilespmem:v36+s21+$0x0], $0xffff  }
0x3fc: {  	v30 =	vor.u32 v60, v6;
	v31 =	vor.u32 v39, v2;
	v36 =	vld [tilespmem:$0x1FD50]  }
0x3fd: {  	[tilespmem:v22+s25+$0x0] =	vst.idx.msk $0xffff, v32;
	v32 =	vor.u32 v54, v7;
	v21 =	vld.idx.msk [tilespmem:v21+s21+$0x0], $0xffff;
	v22 =	vor.u32 v59, v15  }
0x3fe: {  	v34 =	vor.u32 v59, v16;
	v23 =	vld.idx.msk [tilespmem:v23+s21+$0x0], $0xffff;
	v35 =	vor.u32 v53, v13;
	[tilespmem:v24+s25+$0x0] =	vst.idx.msk $0xffff, v25  }
0x3ff: {  	[tilespmem:v33+s25+$0x0] =	vst.idx.msk $0xffff, v20;
	v20 =	vor.u32 v53, v14;
	v33 =	vor.u32 v59, v10;
	v25 =	vld.idx.msk [tilespmem:v27+s21+$0x0], $0xffff  }
0x400: {  	v27 =	vor.u32 v61, v4;
	[tilespmem:v29+s25+$0x0] =	vst.idx.msk $0xffff, v26;
	v26 =	vor.u32 v59, v17;
	v59 =	vld [tilespmem:$0x1FE70]  }
0x401: {  	v24 =	vor.u32 v53, v11;
	[tilespmem:v30+s25+$0x0] =	vst.idx.msk $0xffff, v28;
	v30 =	vor.u32 v53, v12;
	v53 =	vld [tilespmem:$0x1FF70]  }
0x402: {  	v28 =	vor.u32 v50, v5;
	v29 =	vld.idx.msk [tilespmem:v31+s21+$0x0], $0xffff;
	[tilespmem:v22+s25+$0x0] =	vst.idx.msk $0xffff, v19  }
0x403: {  	v19 =	vld.idx.msk [tilespmem:v32+s21+$0x0], $0xffff;
	[tilespmem:v34+s25+$0x0] =	vst.idx.msk $0xffff, v21  }
0x404: {  	v22 =	vor.u32 v60, v1;
	[tilespmem:v33+s25+$0x0] =	vst.idx.msk $0xffff, v23;
	v21 =	vld.idx.msk [tilespmem:v35+s21+$0x0], $0xffff  }
0x405: {  	v31 =	vor.u32 v62, v6;
	v20 =	vld.idx.msk [tilespmem:v20+s21+$0x0], $0xffff;
	[tilespmem:v27+s25+$0x0] =	vst.idx.msk $0xffff, v18  }
0x406: {  	v32 =	vor.u32 v54, v2;
	v24 =	vld.idx.msk [tilespmem:v24+s21+$0x0], $0xffff;
	v23 =	vor.u32 v59, v15;
	[tilespmem:v26+s25+$0x0] =	vst.idx.msk $0xffff, v25  }
0x407: {  	v33 =	vor.u32 v55, v7;
	v34 =	vor.u32 v59, v16;
	v25 =	vld.idx.msk [tilespmem:v28+s21+$0x0], $0xffff  }
0x408: {  	v35 =	vor.u32 v53, v13;
	v18 =	vor.u32 v53, v14;
	v27 =	vor.u32 v59, v10;
	v28 =	vld.idx.msk [tilespmem:v30+s21+$0x0], $0xffff  }
0x409: {  	v30 =	vor.u32 v49, v4;
	[tilespmem:v22+s25+$0x0] =	vst.idx.msk $0xffff, v29;
	v22 =	vor.u32 v59, v17;
	v59 =	vld [tilespmem:$0x1FEC0]  }
0x40a: {  	v26 =	vor.u32 v53, v11;
	[tilespmem:v31+s25+$0x0] =	vst.idx.msk $0xffff, v19;
	v31 =	vor.u32 v53, v12;
	v53 =	vld [tilespmem:$0x1FF60]  }
0x40b: {  	v19 =	vor.u32 v51, v5;
	v29 =	vld.idx.msk [tilespmem:v32+s21+$0x0], $0xffff;
	[tilespmem:v23+s25+$0x0] =	vst.idx.msk $0xffff, v21  }
0x40c: {  	v21 =	vld.idx.msk [tilespmem:v33+s21+$0x0], $0xffff;
	[tilespmem:v34+s25+$0x0] =	vst.idx.msk $0xffff, v20  }
0x40d: {  	v23 =	vor.u32 v62, v1;
	[tilespmem:v27+s25+$0x0] =	vst.idx.msk $0xffff, v24;
	v20 =	vld.idx.msk [tilespmem:v35+s21+$0x0], $0xffff  }
0x40e: {  	v32 =	vor.u32 v43, v6;
	v18 =	vld.idx.msk [tilespmem:v18+s21+$0x0], $0xffff;
	[tilespmem:v30+s25+$0x0] =	vst.idx.msk $0xffff, v25  }
0x40f: {  	v33 =	vor.u32 v55, v2;
	v24 =	vor.u32 v59, v15;
	v26 =	vld.idx.msk [tilespmem:v26+s21+$0x0], $0xffff;
	[tilespmem:v22+s25+$0x0] =	vst.idx.msk $0xffff, v28  }
0x410: {  	v27 =	vor.u32 v56, v7;
	v34 =	vor.u32 v59, v16;
	v19 =	vld.idx.msk [tilespmem:v19+s21+$0x0], $0xffff  }
0x411: {  	v35 =	vor.u32 v53, v13;
	v25 =	vor.u32 v53, v14;
	v30 =	vor.u32 v59, v10;
	v28 =	vld.idx.msk [tilespmem:v31+s21+$0x0], $0xffff  }
0x412: {  	v31 =	vor.u32 v63, v4;
	[tilespmem:v23+s25+$0x0] =	vst.idx.msk $0xffff, v29;
	v23 =	vor.u32 v59, v17;
	v59 =	vld [tilespmem:$0x1FF10]  }
0x413: {  	v22 =	vor.u32 v53, v11;
	[tilespmem:v32+s25+$0x0] =	vst.idx.msk $0xffff, v21;
	v32 =	vor.u32 v53, v12;
	v53 =	vld [tilespmem:$0x1FF50]  }
0x414: {  	v21 =	vor.u32 v52, v5;
	v29 =	vld.idx.msk [tilespmem:v33+s21+$0x0], $0xffff;
	[tilespmem:v24+s25+$0x0] =	vst.idx.msk $0xffff, v20  }
0x415: {  	v20 =	vld.idx.msk [tilespmem:v27+s21+$0x0], $0xffff;
	[tilespmem:v34+s25+$0x0] =	vst.idx.msk $0xffff, v18  }
0x416: {  	v24 =	vor.u32 v43, v1;
	[tilespmem:v30+s25+$0x0] =	vst.idx.msk $0xffff, v26;
	v18 =	vld.idx.msk [tilespmem:v35+s21+$0x0], $0xffff  }
0x417: {  	v27 =	vor.u32 v44, v6;
	v33 =	vor.u32 v56, v2;
	v25 =	vld.idx.msk [tilespmem:v25+s21+$0x0], $0xffff;
	[tilespmem:v31+s25+$0x0] =	vst.idx.msk $0xffff, v19  }
0x418: {  	v30 =	vor.u32 v58, v7;
	v22 =	vld.idx.msk [tilespmem:v22+s21+$0x0], $0xffff;
	v26 =	vor.u32 v59, v15;
	[tilespmem:v23+s25+$0x0] =	vst.idx.msk $0xffff, v28  }
0x419: {  	v34 =	vor.u32 v59, v16;
	v21 =	vld.idx.msk [tilespmem:v21+s21+$0x0], $0xffff  }
0x41a: {  	v35 =	vor.u32 v52, v3;
	v19 =	vor.u32 v53, v14;
	v31 =	vor.u32 v59, v10;
	v28 =	vld.idx.msk [tilespmem:v32+s21+$0x0], $0xffff  }
0x41b: {  	v32 =	vor.u32 v37, v4;
	[tilespmem:v24+s25+$0x0] =	vst.idx.msk $0xffff, v29;
	v24 =	vor.u32 v59, v17;
	v59 =	vld [tilespmem:$0x1FF30]  }
0x41c: {  	v23 =	vor.u32 v53, v11;
	[tilespmem:v27+s25+$0x0] =	vst.idx.msk $0xffff, v20;
	v27 =	vld.idx.msk [tilespmem:v33+s21+$0x0], $0xffff  }
0x41d: {  	v20 =	vor.u32 v39, v5;
	v29 =	vor.u32 v53, v12;
	[tilespmem:v26+s25+$0x0] =	vst.idx.msk $0xffff, v18;
	v18 =	vld.idx.msk [tilespmem:v30+s21+$0x0], $0xffff  }
0x41e: {  	v26 =	vor.u32 v44, v1;
	[tilespmem:v34+s25+$0x0] =	vst.idx.msk $0xffff, v25;
	v25 =	vor.u32 v53, v13;
	v53 =	vld [tilespmem:$0x1FCB0]  }
0x41f: {  	v33 =	vld.idx.msk [tilespmem:v35+s21+$0x0], $0xffff;
	v30 =	vor.u32 v42, v6;
	[tilespmem:v31+s25+$0x0] =	vst.idx.msk $0xffff, v22  }
0x420: {  	v19 =	vld.idx.msk [tilespmem:v19+s21+$0x0], $0xffff;
	[tilespmem:v32+s25+$0x0] =	vst.idx.msk $0xffff, v21  }
0x421: {  	v22 =	vor.u32 v36, v7;
	v31 =	vor.u32 v37, v0;
	v23 =	vld.idx.msk [tilespmem:v23+s21+$0x0], $0xffff;
	[tilespmem:v24+s25+$0x0] =	vst.idx.msk $0xffff, v28  }
0x422: {  	v35 =	vor.u32 v39, v3;
	v34 =	vor.u32 v59, v16;
	v20 =	vld.idx.msk [tilespmem:v20+s21+$0x0], $0xffff  }
0x423: {  	v39 =	vor.u32 v59, v10;
	v28 =	vld.idx.msk [tilespmem:v29+s21+$0x0], $0xffff;
	v21 =	vor.u32 v53, v14;
	[tilespmem:v26+s25+$0x0] =	vst.idx.msk $0xffff, v27  }
0x424: {  	v26 =	vor.u32 v59, v17;
	[tilespmem:v30+s25+$0x0] =	vst.idx.msk $0xffff, v18;
	v30 =	vor.u32 v59, v15;
	v59 =	vld [tilespmem:$0x1FFC0]  }
0x425: {  	v29 =	vor.u32 v60, v4;
	v25 =	vld.idx.msk [tilespmem:v25+s21+$0x0], $0xffff  }
0x426: {  	[tilespmem:v31+s25+$0x0] =	vst.idx.msk $0xffff, v33;
	v22 =	vld.idx.msk [tilespmem:v22+s21+$0x0], $0xffff  }
0x427: {  	v24 =	vor.u32 v53, v11;
	v31 =	vor.u32 v46, v6;
	[tilespmem:v34+s25+$0x0] =	vst.idx.msk $0xffff, v19;
	v33 =	vld.idx.msk [tilespmem:v35+s21+$0x0], $0xffff  }
0x428: {  	[tilespmem:v39+s25+$0x0] =	vst.idx.msk $0xffff, v23;
	v23 =	vor.u32 v38, v7;
	v39 =	vld [tilespmem:$0x1FCC0]  }
0x429: {  	v21 =	vld.idx.msk [tilespmem:v21+s21+$0x0], $0xffff;
	v34 =	vor.u32 v59, v16  }
0x42a: {  	v32 =	vor.u32 v60, v0;
	v18 =	vor.u32 v54, v5;
	[tilespmem:v29+s25+$0x0] =	vst.idx.msk $0xffff, v20  }
0x42b: {  	v27 =	vor.u32 v53, v12;
	v19 =	vor.u32 v53, v13;
	v53 =	vld [tilespmem:$0x1FD00];
	[tilespmem:v26+s25+$0x0] =	vst.idx.msk $0xffff, v28  }
0x42c: {  	v35 =	vor.u32 v54, v3;
	v24 =	vld.idx.msk [tilespmem:v24+s21+$0x0], $0xffff;
	v29 =	vor.u32 v59, v10;
	[tilespmem:v31+s25+$0x0] =	vst.idx.msk $0xffff, v22  }
0x42d: {  	v20 =	vor.u32 v39, v14;
	v26 =	vor.u32 v39, v11;
	[tilespmem:v30+s25+$0x0] =	vst.idx.msk $0xffff, v25;
	v23 =	vld.idx.msk [tilespmem:v23+s21+$0x0], $0xffff  }
0x42e: {  	v30 =	vor.u32 v39, v12;
	[tilespmem:v34+s25+$0x0] =	vst.idx.msk $0xffff, v21;
	v21 =	vor.u32 v39, v13;
	v39 =	vld [tilespmem:$0x1FC00]  }
0x42f: {  	v18 =	vld.idx.msk [tilespmem:v18+s21+$0x0], $0xffff;
	v25 =	vor.u32 v62, v4  }
0x430: {  	v28 =	vor.u32 v59, v17;
	v27 =	vld.idx.msk [tilespmem:v27+s21+$0x0], $0xffff  }
0x431: {  	v22 =	vor.u32 v55, v5;
	[tilespmem:v32+s25+$0x0] =	vst.idx.msk $0xffff, v33;
	v32 =	vor.u32 v45, v6;
	v19 =	vld.idx.msk [tilespmem:v19+s21+$0x0], $0xffff  }
0x432: {  	v31 =	vor.u32 v59, v15;
	v33 =	vld.idx.msk [tilespmem:v35+s21+$0x0], $0xffff;
	[tilespmem:v29+s25+$0x0] =	vst.idx.msk $0xffff, v24;
	v24 =	vor.u32 v40, v7  }
0x433: {  	v20 =	vld.idx.msk [tilespmem:v20+s21+$0x0], $0xffff;
	v34 =	vor.u32 v39, v16  }
0x434: {  	[tilespmem:v25+s25+$0x0] =	vst.idx.msk $0xffff, v18  }
0x435: {  	v35 =	vor.u32 v55, v3;
	v29 =	vor.u32 v62, v0;
	v26 =	vld.idx.msk [tilespmem:v26+s21+$0x0], $0xffff;
	[tilespmem:v28+s25+$0x0] =	vst.idx.msk $0xffff, v27  }
0x436: {  	v18 =	vor.u32 v53, v14;
	v27 =	vor.u32 v53, v11;
	[tilespmem:v32+s25+$0x0] =	vst.idx.msk $0xffff, v23;
	v22 =	vld.idx.msk [tilespmem:v22+s21+$0x0], $0xffff  }
0x437: {  	[tilespmem:v31+s25+$0x0] =	vst.idx.msk $0xffff, v19;
	v19 =	vor.u32 v43, v4;
	v31 =	vor.u32 v53, v12;
	v24 =	vld.idx.msk [tilespmem:v24+s21+$0x0], $0xffff  }
0x438: {  	v25 =	vor.u32 v39, v10;
	[tilespmem:v34+s25+$0x0] =	vst.idx.msk $0xffff, v20;
	v20 =	vor.u32 v53, v13;
	v53 =	vld [tilespmem:$0x1FE90]  }
0x439: {  	v28 =	vld.idx.msk [tilespmem:v30+s21+$0x0], $0xffff;
	v30 =	vor.u32 v39, v17  }
0x43a: {  	v23 =	vor.u32 v56, v5;
	v21 =	vld.idx.msk [tilespmem:v21+s21+$0x0], $0xffff;
	v39 =	vor.u32 v39, v15;
	[tilespmem:v29+s25+$0x0] =	vst.idx.msk $0xffff, v33  }
0x43b: {  	v29 =	vor.u32 v48, v6;
	v33 =	vld.idx.msk [tilespmem:v35+s21+$0x0], $0xffff  }
0x43c: {  	v7 =	vor.u32 v41, v7;
	v35 =	vld [tilespmem:$0x1FD30];
	[tilespmem:v19+s25+$0x0] =	vst.idx.msk $0xffff, v22  }
0x43d: {  	[tilespmem:v25+s25+$0x0] =	vst.idx.msk $0xffff, v26;
	v18 =	vld.idx.msk [tilespmem:v18+s21+$0x0], $0xffff;
	v26 =	vor.u32 v53, v16  }
0x43e: {  	[tilespmem:v30+s25+$0x0] =	vst.idx.msk $0xffff, v28;
	v27 =	vld.idx.msk [tilespmem:v27+s21+$0x0], $0xffff  }
0x43f: {  	[tilespmem:v39+s25+$0x0] =	vst.idx.msk $0xffff, v21;
	v23 =	vld.idx.msk [tilespmem:v23+s21+$0x0], $0xffff  }
0x440: {  	v25 =	vor.u32 v43, v0;
	v34 =	vor.u32 v56, v3;
	v30 =	vld.idx.msk [tilespmem:v31+s21+$0x0], $0xffff;
	[tilespmem:v29+s25+$0x0] =	vst.idx.msk $0xffff, v24  }
0x441: {  	v19 =	vor.u32 v35, v14;
	v28 =	vor.u32 v35, v11;
	v29 =	vor.u32 v35, v12;
	v7 =	vld.idx.msk [tilespmem:v7+s21+$0x0], $0xffff  }
0x442: {  	v59 =	vor.u32 v53, v10;
	[tilespmem:v26+s25+$0x0] =	vst.idx.msk $0xffff, v18;
	v18 =	vor.u32 v35, v13;
	v35 =	vld [tilespmem:$0x1FEB0]  }
0x443: {  	v39 =	vor.u32 v44, v4;
	v31 =	vor.u32 v53, v17;
	v32 =	vor.u32 v53, v15;
	v53 =	vld [tilespmem:$0x1FE20];
	_ =	sdelay $0x1  }
0x444: {  	v24 =	vor.u32 v58, v5;
	v20 =	vld.idx.msk [tilespmem:v20+s21+$0x0], $0xffff;
	[tilespmem:v25+s25+$0x0] =	vst.idx.msk $0xffff, v33  }
0x445: {  	v6 =	vor.u32 v47, v6;
	v25 =	vld.idx.msk [tilespmem:v34+s21+$0x0], $0xffff  }
0x446: {  	[tilespmem:v59+s25+$0x0] =	vst.idx.msk $0xffff, v27;
	v19 =	vld.idx.msk [tilespmem:v19+s21+$0x0], $0xffff;
	v27 =	vor.u32 v35, v16  }
0x447: {  	[tilespmem:v39+s25+$0x0] =	vst.idx.msk $0xffff, v23;
	v59 =	vor.u32 v53, v14  }
0x448: {  	v22 =	vor.u32 v44, v0;
	[tilespmem:v31+s25+$0x0] =	vst.idx.msk $0xffff, v30;
	v28 =	vld.idx.msk [tilespmem:v28+s21+$0x0], $0xffff  }
0x449: {  	v33 =	vor.u32 v58, v3;
	[tilespmem:v32+s25+$0x0] =	vst.idx.msk $0xffff, v20;
	v20 =	vor.u32 v42, v4;
	v24 =	vld.idx.msk [tilespmem:v24+s21+$0x0], $0xffff  }
0x44a: {  	v26 =	vor.u32 v58, v2;
	v29 =	vld.idx.msk [tilespmem:v29+s21+$0x0], $0xffff;
	[tilespmem:v6+s25+$0x0] =	vst.idx.msk $0xffff, v7;
	v39 =	vor.u32 v35, v10  }
0x44b: {  	v31 =	vor.u32 v35, v17;
	v18 =	vld.idx.msk [tilespmem:v18+s21+$0x0], $0xffff;
	[tilespmem:v27+s25+$0x0] =	vst.idx.msk $0xffff, v19  }
0x44c: {  	v6 =	vor.u32 v36, v5;
	v32 =	vor.u32 v35, v15;
	v21 =	vld.idx.msk [tilespmem:v59+s21+$0x0], $0xffff  }
0x44d: {  	v30 =	vor.u32 v53, v11;
	[tilespmem:v22+s25+$0x0] =	vst.idx.msk $0xffff, v25;
	v59 =	vld [tilespmem:$0x1FED0]  }
0x44e: {  	v7 =	vor.u32 v53, v12;
	v25 =	vld.idx.msk [tilespmem:v33+s21+$0x0], $0xffff;
	[tilespmem:v20+s25+$0x0] =	vst.idx.msk $0xffff, v24  }
0x44f: {  	v22 =	vld.idx.msk [tilespmem:v26+s21+$0x0], $0xffff;
	v26 =	vor.u32 v42, v1;
	v19 =	vor.u32 v53, v13;
	[tilespmem:v39+s25+$0x0] =	vst.idx.msk $0xffff, v28  }
0x450: {  	v35 =	vld [tilespmem:$0x1FEE0];
	v53 =	vor.u32 v42, v0;
	v27 =	vor.u32 v36, v2;
	[tilespmem:v31+s25+$0x0] =	vst.idx.msk $0xffff, v29  }
0x451: {  	v39 =	vor.u32 v36, v3;
	[tilespmem:v32+s25+$0x0] =	vst.idx.msk $0xffff, v18;
	v18 =	vor.u32 v46, v4;
	v6 =	vld.idx.msk [tilespmem:v6+s21+$0x0], $0xffff  }
0x452: {  	v30 =	vld.idx.msk [tilespmem:v30+s21+$0x0], $0xffff;
	v28 =	vor.u32 v59, v16  }
0x453: {  	v20 =	vor.u32 v57, v14;
	v7 =	vld.idx.msk [tilespmem:v7+s21+$0x0], $0xffff;
	v24 =	vor.u32 v59, v10  }
0x454: {  	v29 =	vor.u32 v57, v11;
	v19 =	vld.idx.msk [tilespmem:v19+s21+$0x0], $0xffff;
	[tilespmem:v26+s25+$0x0] =	vst.idx.msk $0xffff, v22;
	v31 =	vor.u32 v59, v17  }
0x455: {  	v32 =	vor.u32 v38, v5;
	[tilespmem:v53+s25+$0x0] =	vst.idx.msk $0xffff, v25;
	v23 =	vld.idx.msk [tilespmem:v27+s21+$0x0], $0xffff  }
0x456: {  	v22 =	vor.u32 v57, v12;
	v26 =	vor.u32 v59, v15;
	v25 =	vld.idx.msk [tilespmem:v39+s21+$0x0], $0xffff;
	[tilespmem:v18+s25+$0x0] =	vst.idx.msk $0xffff, v6  }
0x457: {  	v53 =	vor.u32 v57, v13;
	v27 =	vor.u32 v46, v1;
	v39 =	vld [tilespmem:$0x1FFD0];
	[tilespmem:v28+s25+$0x0] =	vst.idx.msk $0xffff, v21  }
0x458: {  	[tilespmem:v24+s25+$0x0] =	vst.idx.msk $0xffff, v30;
	v24 =	vor.u32 v46, v0;
	v20 =	vld.idx.msk [tilespmem:v20+s21+$0x0], $0xffff  }
0x459: {  	v28 =	vor.u32 v38, v2;
	v30 =	vor.u32 v35, v16;
	[tilespmem:v31+s25+$0x0] =	vst.idx.msk $0xffff, v7;
	v29 =	vld.idx.msk [tilespmem:v29+s21+$0x0], $0xffff  }
0x45a: {  	v59 =	vor.u32 v38, v3;
	v18 =	vor.u32 v35, v10;
	v7 =	vld.idx.msk [tilespmem:v32+s21+$0x0], $0xffff  }
0x45b: {  	[tilespmem:v26+s25+$0x0] =	vst.idx.msk $0xffff, v19;
	v19 =	vor.u32 v45, v4;
	v22 =	vld.idx.msk [tilespmem:v22+s21+$0x0], $0xffff  }
0x45c: {  	v6 =	vor.u32 v39, v14;
	v26 =	vor.u32 v35, v17;
	v21 =	vld.idx.msk [tilespmem:v53+s21+$0x0], $0xffff;
	[tilespmem:v27+s25+$0x0] =	vst.idx.msk $0xffff, v23  }
0x45d: {  	v32 =	vor.u32 v40, v5;
	v27 =	vor.u32 v35, v15;
	v35 =	vld [tilespmem:$0x1FF40];
	[tilespmem:v24+s25+$0x0] =	vst.idx.msk $0xffff, v25  }
0x45e: {  	v53 =	vor.u32 v39, v12;
	v24 =	vld.idx.msk [tilespmem:v28+s21+$0x0], $0xffff;
	[tilespmem:v30+s25+$0x0] =	vst.idx.msk $0xffff, v20  }
0x45f: {  	v31 =	vor.u32 v39, v11;
	v25 =	vld.idx.msk [tilespmem:v59+s21+$0x0], $0xffff;
	[tilespmem:v18+s25+$0x0] =	vst.idx.msk $0xffff, v29  }
0x460: {  	v28 =	vor.u32 v45, v1;
	v20 =	vor.u32 v39, v13;
	[tilespmem:v19+s25+$0x0] =	vst.idx.msk $0xffff, v7;
	v39 =	vld [tilespmem:$0x1FFE0]  }
0x461: {  	v18 =	vor.u32 v45, v0;
	v6 =	vld.idx.msk [tilespmem:v6+s21+$0x0], $0xffff;
	[tilespmem:v26+s25+$0x0] =	vst.idx.msk $0xffff, v22  }
0x462: {  	v30 =	vor.u32 v35, v16;
	v22 =	vld.idx.msk [tilespmem:v32+s21+$0x0], $0xffff  }
0x463: {  	v29 =	vor.u32 v40, v2;
	v23 =	vld.idx.msk [tilespmem:v53+s21+$0x0], $0xffff;
	v53 =	vor.u32 v48, v4  }
0x464: {  	v59 =	vor.u32 v40, v3;
	[tilespmem:v27+s25+$0x0] =	vst.idx.msk $0xffff, v21;
	v27 =	vor.u32 v35, v17;
	v31 =	vld.idx.msk [tilespmem:v31+s21+$0x0], $0xffff  }
0x465: {  	v5 =	vor.u32 v41, v5;
	v19 =	vor.u32 v35, v10;
	v20 =	vld.idx.msk [tilespmem:v20+s21+$0x0], $0xffff;
	[tilespmem:v28+s25+$0x0] =	vst.idx.msk $0xffff, v24  }
0x466: {  	v34 =	vld [tilespmem:$0x1FC10];
	v7 =	vor.u32 v39, v14;
	[tilespmem:v18+s25+$0x0] =	vst.idx.msk $0xffff, v25  }
0x467: {  	v33 =	vld [tilespmem:$0x1FE00];
	v26 =	vor.u32 v39, v11;
	[tilespmem:v30+s25+$0x0] =	vst.idx.msk $0xffff, v6  }
0x468: {  	v24 =	vor.u32 v39, v12;
	v28 =	vor.u32 v35, v15;
	v18 =	vld.idx.msk [tilespmem:v29+s21+$0x0], $0xffff;
	[tilespmem:v53+s25+$0x0] =	vst.idx.msk $0xffff, v22  }
0x469: {  	v6 =	vor.u32 v39, v13;
	v25 =	vld.idx.msk [tilespmem:v59+s21+$0x0], $0xffff;
	v29 =	vor.u32 v48, v1;
	[tilespmem:v27+s25+$0x0] =	vst.idx.msk $0xffff, v23  }
0x46a: {  	[tilespmem:v19+s25+$0x0] =	vst.idx.msk $0xffff, v31;
	v31 =	vor.u32 v41, v2;
	v5 =	vld.idx.msk [tilespmem:v5+s21+$0x0], $0xffff  }
0x46b: {  	v19 =	vor.u32 v48, v0;
	v30 =	vld.idx.msk [tilespmem:v7+s21+$0x0], $0xffff  }
0x46c: {  	v4 =	vor.u32 v47, v4;
	v26 =	vld.idx.msk [tilespmem:v26+s21+$0x0], $0xffff  }
0x46d: {  	v3 =	vor.u32 v41, v3;
	v24 =	vld.idx.msk [tilespmem:v24+s21+$0x0], $0xffff;
	[tilespmem:v28+s25+$0x0] =	vst.idx.msk $0xffff, v20  }
0x46e: {  	v59 =	vor.u32 v34, v16;
	v27 =	vld.idx.msk [tilespmem:v6+s21+$0x0], $0xffff;
	[tilespmem:v29+s25+$0x0] =	vst.idx.msk $0xffff, v18  }
0x46f: {  	v35 =	vor.u32 v33, v14;
	v39 =	vor.u32 v34, v10;
	v18 =	vld.idx.msk [tilespmem:v31+s21+$0x0], $0xffff  }
0x470: {  	v7 =	vmov v14;
	v14 =	vor.u32 v34, v15;
	[tilespmem:v19+s25+$0x0] =	vst.idx.msk $0xffff, v25;
	v31 =	vld [tilespmem:$0x1FD90]  }
0x471: {  	v53 =	vor.u32 v33, v11;
	[tilespmem:v4+s25+$0x0] =	vst.idx.msk $0xffff, v5;
	v4 =	vld [tilespmem:$0x1FE30]  }
0x472: {  	v2 =	vmov v13;
	v20 =	vor.u32 v34, v17;
	v25 =	vld.idx.msk [tilespmem:v3+s21+$0x0], $0xffff  }
0x473: {  	v28 =	vor.u32 v47, v1;
	v19 =	vor.u32 v33, v2;
	[tilespmem:v59+s25+$0x0] =	vst.idx.msk $0xffff, v30;
	v30 =	vld [tilespmem:$0x1FE50]  }
0x474: {  	[tilespmem:v39+s25+$0x0] =	vst.idx.msk $0xffff, v26;
	v59 =	vor.u32 v47, v0;
	v21 =	vld.idx.msk [tilespmem:v35+s21+$0x0], $0xffff  }
0x475: {  	s6 =	sadd.s32 $0x4, s6;
	v13 =	vor.u32 v33, v12;
	v0 =	vmov v10;
	[tilespmem:v14+s25+$0x0] =	vst.idx.msk $0xffff, v27;
	v27 =	vld [tilespmem:$0x1FE30];
	v26 =	vor.u32 v31, v16  }
0x476: {  	p0 =	slt.u32 s6, $0x1C;
	v1 =	vmov v15;
	v23 =	vld.idx.msk [tilespmem:v53+s21+$0x0], $0xffff;
	v29 =	vor.u32 v31, v0;
	v15 =	vor.u32 v4, v7  }
.Ltmp4:
0x477: {  	[tilespmem:v20+s25+$0x0] =	vst.idx.msk $0xffff, v24;
	(pc) =	sbr.rel @p0 .LBB2_11-.Ltmp4, $4  }
0x478: {  	v3 =	vmov v11;
	v11 =	vld.idx.msk [tilespmem:v19+s21+$0x0], $0xffff;
	[tilespmem:v28+s25+$0x0] =	vst.idx.msk $0xffff, v18  }
0x479: {  	v6 =	vmovc v16;
	v5 =	vmov v12;
	v4 =	vmov v17;
	v17 =	vor.u32 v31, v1;
	[tilespmem:v59+s25+$0x0] =	vst.idx.msk $0xffff, v25  }
0x47a: {  	v10 =	vld.idx.msk [tilespmem:v13+s21+$0x0], $0xffff;
	v14 =	vor.u32 v31, v4;
	v12 =	vor.u32 v27, v5;
	[tilespmem:v26+s25+$0x0] =	vst.idx.msk $0xffff, v21  }
0x47b: {  	s7 =	sadd.s32 $0x40, s7;
	v18 =	vor.u32 v27, v2;
	[tilespmem:v29+s25+$0x0] =	vst.idx.msk $0xffff, v23;
	v16 =	vld.idx.msk [tilespmem:v15+s21+$0x0], $0xffff;
	v15 =	vor.u32 v30, v7  }
0x47c: {  	_ =	sdelay $0x3  }
0x47d: {  	[tilespmem:v14+s25+$0x0] =	vst.idx.msk $0xffff, v10  }
0x47e: {  	v21 =	vld [tilespmem:$0x1FFF0];
	_ =	sdelay $0x4  }
0x47f: {  	v12 =	vld.idx.msk [tilespmem:v12+s21+$0x0], $0xffff;
	v39 =	vor.u32 v21, v4  }
0x480: {  	v57 =	vor.u32 v30, v5  }
0x481: {  	[tilespmem:v9+s25+$0x0] =	vst.idx.msk $0xffff, v16  }
0x482: {  	[tilespmem:v17+s25+$0x0] =	vst.idx.msk $0xffff, v11;
	v9 =	vld.idx.msk [tilespmem:v15+s21+$0x0], $0xffff;
	v15 =	vor.u32 v61, v6  }
0x483: {  	v59 =	vor.u32 v50, v7;
	v13 =	vld.idx.msk [tilespmem:v18+s21+$0x0], $0xffff;
	v53 =	vor.u32 v21, v1  }
0x484: {  	v8 =	vld.idx.msk [tilespmem:v8+s21+$0x0], $0xffff;
	v17 =	vor.u32 v30, v2;
	v18 =	vor.u32 v21, v0;
	[tilespmem:v39+s25+$0x0] =	vst.idx.msk $0xffff, v12  }
0x485: {  	v19 =	vor.u32 v30, v3;
	v34 =	vor.u32 v61, v4;
	v32 =	vld.idx.msk [tilespmem:v57+s21+$0x0], $0xffff  }
0x486: {  	v39 =	vor.u32 v50, v5  }
0x487: {  	[tilespmem:v15+s25+$0x0] =	vst.idx.msk $0xffff, v9  }
0x488: {  	v9 =	vld.idx.msk [tilespmem:v59+s21+$0x0], $0xffff;
	[tilespmem:v53+s25+$0x0] =	vst.idx.msk $0xffff, v13;
	v53 =	vor.u32 v49, v6  }
0x489: {  	v35 =	vor.u32 v61, v1;
	[tilespmem:v18+s25+$0x0] =	vst.idx.msk $0xffff, v8;
	v13 =	vld.idx.msk [tilespmem:v17+s21+$0x0], $0xffff;
	v57 =	vor.u32 v51, v7  }
0x48a: {  	v18 =	vor.u32 v61, v0;
	v16 =	vld.idx.msk [tilespmem:v19+s21+$0x0], $0xffff;
	v17 =	vor.u32 v50, v2;
	[tilespmem:v34+s25+$0x0] =	vst.idx.msk $0xffff, v32  }
0x48b: {  	v61 =	vor.u32 v49, v4;
	v19 =	vor.u32 v50, v3;
	v59 =	vld.idx.msk [tilespmem:v39+s21+$0x0], $0xffff  }
0x48c: {  	v15 =	vor.u32 v51, v5  }
0x48d: {  	[tilespmem:v53+s25+$0x0] =	vst.idx.msk $0xffff, v9  }
0x48e: {  	[tilespmem:v35+s25+$0x0] =	vst.idx.msk $0xffff, v13;
	v9 =	vld.idx.msk [tilespmem:v57+s21+$0x0], $0xffff;
	v34 =	vor.u32 v63, v6  }
0x48f: {  	v32 =	vor.u32 v49, v1;
	[tilespmem:v18+s25+$0x0] =	vst.idx.msk $0xffff, v16;
	v13 =	vld.idx.msk [tilespmem:v17+s21+$0x0], $0xffff  }
0x490: {  	v16 =	vor.u32 v49, v0;
	v18 =	vld.idx.msk [tilespmem:v19+s21+$0x0], $0xffff;
	[tilespmem:v61+s25+$0x0] =	vst.idx.msk $0xffff, v59  }
0x491: {  	v50 =	vor.u32 v63, v4;
	v17 =	vor.u32 v51, v2;
	v39 =	vld.idx.msk [tilespmem:v15+s21+$0x0], $0xffff;
	_ =	sdelay $0x1  }
0x492: {  	v19 =	vor.u32 v51, v3;
	[tilespmem:v34+s25+$0x0] =	vst.idx.msk $0xffff, v9  }
0x493: {  	[tilespmem:v32+s25+$0x0] =	vst.idx.msk $0xffff, v13  }
0x494: {  	[tilespmem:v16+s25+$0x0] =	vst.idx.msk $0xffff, v18  }
0x495: {  	v35 =	vor.u32 v52, v7;
	v13 =	vld.idx.msk [tilespmem:v17+s21+$0x0], $0xffff;
	[tilespmem:v50+s25+$0x0] =	vst.idx.msk $0xffff, v39  }
0x496: {  	v51 =	vor.u32 v63, v1;
	v15 =	vor.u32 v52, v5;
	v22 =	vld [tilespmem:$0x1FD10]  }
0x497: {  	v16 =	vor.u32 v52, v2;
	v18 =	vor.u32 v63, v0;
	v17 =	vld.idx.msk [tilespmem:v19+s21+$0x0], $0xffff  }
0x498: {  	v19 =	vor.u32 v52, v3;
	_ =	sdelay $0x1  }
0x499: {  	v8 =	vld.idx.msk [tilespmem:v35+s21+$0x0], $0xffff;
	v52 =	vor.u32 v37, v6  }
0x49a: {  	v57 =	vor.u32 v37, v4;
	[tilespmem:v51+s25+$0x0] =	vst.idx.msk $0xffff, v13;
	v11 =	vld.idx.msk [tilespmem:v15+s21+$0x0], $0xffff;
	v53 =	vor.u32 v22, v7  }
0x49b: {  	v59 =	vor.u32 v37, v1;
	[tilespmem:v18+s25+$0x0] =	vst.idx.msk $0xffff, v17;
	v13 =	vld.idx.msk [tilespmem:v16+s21+$0x0], $0xffff;
	v15 =	vor.u32 v22, v5  }
0x49c: {  	v18 =	vor.u32 v37, v0;
	v17 =	vld.idx.msk [tilespmem:v19+s21+$0x0], $0xffff;
	v16 =	vor.u32 v22, v2  }
0x49d: {  	v19 =	vor.u32 v22, v3  }
0x49e: {  	[tilespmem:v52+s25+$0x0] =	vst.idx.msk $0xffff, v8  }
0x49f: {  	v61 =	vor.u32 v60, v6;
	[tilespmem:v57+s25+$0x0] =	vst.idx.msk $0xffff, v11;
	v8 =	vld.idx.msk [tilespmem:v53+s21+$0x0], $0xffff  }
0x4a0: {  	v63 =	vor.u32 v54, v7;
	v32 =	vor.u32 v60, v4;
	[tilespmem:v59+s25+$0x0] =	vst.idx.msk $0xffff, v13;
	v11 =	vld.idx.msk [tilespmem:v15+s21+$0x0], $0xffff  }
0x4a1: {  	v34 =	vor.u32 v60, v1;
	[tilespmem:v18+s25+$0x0] =	vst.idx.msk $0xffff, v17;
	v13 =	vld.idx.msk [tilespmem:v16+s21+$0x0], $0xffff;
	v15 =	vor.u32 v54, v5  }
0x4a2: {  	v18 =	vor.u32 v60, v0;
	v16 =	vor.u32 v54, v2;
	v17 =	vld.idx.msk [tilespmem:v19+s21+$0x0], $0xffff  }
0x4a3: {  	v19 =	vor.u32 v54, v3  }
0x4a4: {  	[tilespmem:v61+s25+$0x0] =	vst.idx.msk $0xffff, v8  }
0x4a5: {  	v35 =	vor.u32 v62, v6;
	[tilespmem:v32+s25+$0x0] =	vst.idx.msk $0xffff, v11;
	v8 =	vld.idx.msk [tilespmem:v63+s21+$0x0], $0xffff  }
0x4a6: {  	v39 =	vor.u32 v55, v7;
	v50 =	vor.u32 v62, v4;
	[tilespmem:v34+s25+$0x0] =	vst.idx.msk $0xffff, v13;
	v11 =	vld.idx.msk [tilespmem:v15+s21+$0x0], $0xffff  }
0x4a7: {  	v51 =	vor.u32 v62, v1;
	[tilespmem:v18+s25+$0x0] =	vst.idx.msk $0xffff, v17;
	v13 =	vld.idx.msk [tilespmem:v16+s21+$0x0], $0xffff;
	v15 =	vor.u32 v55, v5  }
0x4a8: {  	v18 =	vor.u32 v62, v0;
	v16 =	vor.u32 v55, v2;
	v17 =	vld.idx.msk [tilespmem:v19+s21+$0x0], $0xffff  }
0x4a9: {  	v19 =	vor.u32 v55, v3  }
0x4aa: {  	[tilespmem:v35+s25+$0x0] =	vst.idx.msk $0xffff, v8  }
0x4ab: {  	v52 =	vor.u32 v43, v6;
	[tilespmem:v50+s25+$0x0] =	vst.idx.msk $0xffff, v11;
	v8 =	vld.idx.msk [tilespmem:v39+s21+$0x0], $0xffff  }
0x4ac: {  	v53 =	vor.u32 v56, v7;
	v54 =	vor.u32 v43, v4;
	[tilespmem:v51+s25+$0x0] =	vst.idx.msk $0xffff, v13;
	v11 =	vld.idx.msk [tilespmem:v15+s21+$0x0], $0xffff  }
0x4ad: {  	v55 =	vor.u32 v43, v1;
	[tilespmem:v18+s25+$0x0] =	vst.idx.msk $0xffff, v17;
	v13 =	vld.idx.msk [tilespmem:v16+s21+$0x0], $0xffff;
	v15 =	vor.u32 v56, v5  }
0x4ae: {  	v18 =	vor.u32 v43, v0;
	v16 =	vor.u32 v56, v2;
	v17 =	vld.idx.msk [tilespmem:v19+s21+$0x0], $0xffff  }
0x4af: {  	v19 =	vor.u32 v56, v3  }
0x4b0: {  	[tilespmem:v52+s25+$0x0] =	vst.idx.msk $0xffff, v8  }
0x4b1: {  	v56 =	vor.u32 v44, v6;
	[tilespmem:v54+s25+$0x0] =	vst.idx.msk $0xffff, v11;
	v8 =	vld.idx.msk [tilespmem:v53+s21+$0x0], $0xffff  }
0x4b2: {  	v57 =	vor.u32 v58, v7;
	v59 =	vor.u32 v44, v4;
	[tilespmem:v55+s25+$0x0] =	vst.idx.msk $0xffff, v13;
	v11 =	vld.idx.msk [tilespmem:v15+s21+$0x0], $0xffff  }
0x4b3: {  	v60 =	vor.u32 v44, v1;
	[tilespmem:v18+s25+$0x0] =	vst.idx.msk $0xffff, v17;
	v13 =	vld.idx.msk [tilespmem:v16+s21+$0x0], $0xffff;
	v15 =	vor.u32 v58, v5  }
0x4b4: {  	v17 =	vor.u32 v44, v0;
	v18 =	vor.u32 v58, v2;
	v16 =	vld.idx.msk [tilespmem:v19+s21+$0x0], $0xffff  }
0x4b5: {  	v19 =	vor.u32 v58, v3  }
0x4b6: {  	[tilespmem:v56+s25+$0x0] =	vst.idx.msk $0xffff, v8  }
0x4b7: {  	v61 =	vor.u32 v42, v6;
	[tilespmem:v59+s25+$0x0] =	vst.idx.msk $0xffff, v11;
	v8 =	vld.idx.msk [tilespmem:v57+s21+$0x0], $0xffff  }
0x4b8: {  	v62 =	vor.u32 v36, v7;
	v63 =	vor.u32 v42, v4;
	[tilespmem:v60+s25+$0x0] =	vst.idx.msk $0xffff, v13;
	v11 =	vld.idx.msk [tilespmem:v15+s21+$0x0], $0xffff  }
0x4b9: {  	v32 =	vor.u32 v36, v5;
	[tilespmem:v17+s25+$0x0] =	vst.idx.msk $0xffff, v16;
	v14 =	vld.idx.msk [tilespmem:v18+s21+$0x0], $0xffff;
	v15 =	vor.u32 v42, v1  }
0x4ba: {  	v17 =	vor.u32 v42, v0;
	v16 =	vld.idx.msk [tilespmem:v19+s21+$0x0], $0xffff;
	v18 =	vor.u32 v36, v2  }
0x4bb: {  	v19 =	vor.u32 v36, v3  }
0x4bc: {  	[tilespmem:v61+s25+$0x0] =	vst.idx.msk $0xffff, v8  }
0x4bd: {  	v34 =	vor.u32 v46, v6;
	[tilespmem:v63+s25+$0x0] =	vst.idx.msk $0xffff, v11;
	v8 =	vld.idx.msk [tilespmem:v62+s21+$0x0], $0xffff  }
0x4be: {  	v35 =	vor.u32 v38, v7;
	v36 =	vor.u32 v46, v4;
	[tilespmem:v15+s25+$0x0] =	vst.idx.msk $0xffff, v14;
	v11 =	vld.idx.msk [tilespmem:v32+s21+$0x0], $0xffff  }
0x4bf: {  	v39 =	vor.u32 v38, v5;
	[tilespmem:v17+s25+$0x0] =	vst.idx.msk $0xffff, v16;
	v15 =	vor.u32 v46, v1;
	v14 =	vld.idx.msk [tilespmem:v18+s21+$0x0], $0xffff  }
0x4c0: {  	v17 =	vor.u32 v46, v0;
	v16 =	vld.idx.msk [tilespmem:v19+s21+$0x0], $0xffff;
	v18 =	vor.u32 v38, v2  }
0x4c1: {  	v19 =	vor.u32 v38, v3  }
0x4c2: {  	[tilespmem:v34+s25+$0x0] =	vst.idx.msk $0xffff, v8  }
0x4c3: {  	v42 =	vor.u32 v45, v6;
	[tilespmem:v36+s25+$0x0] =	vst.idx.msk $0xffff, v11;
	v8 =	vld.idx.msk [tilespmem:v35+s21+$0x0], $0xffff  }
0x4c4: {  	v43 =	vor.u32 v40, v7;
	v44 =	vor.u32 v45, v4;
	[tilespmem:v15+s25+$0x0] =	vst.idx.msk $0xffff, v14;
	v11 =	vld.idx.msk [tilespmem:v39+s21+$0x0], $0xffff  }
0x4c5: {  	v46 =	vor.u32 v40, v5;
	[tilespmem:v17+s25+$0x0] =	vst.idx.msk $0xffff, v16;
	v15 =	vor.u32 v45, v1;
	v14 =	vld.idx.msk [tilespmem:v18+s21+$0x0], $0xffff  }
0x4c6: {  	v17 =	vor.u32 v45, v0;
	v16 =	vld.idx.msk [tilespmem:v19+s21+$0x0], $0xffff;
	v18 =	vor.u32 v40, v2  }
0x4c7: {  	v19 =	vor.u32 v40, v3  }
0x4c8: {  	[tilespmem:v42+s25+$0x0] =	vst.idx.msk $0xffff, v8  }
0x4c9: {  	v50 =	vor.u32 v48, v6;
	[tilespmem:v44+s25+$0x0] =	vst.idx.msk $0xffff, v11;
	v8 =	vld.idx.msk [tilespmem:v43+s21+$0x0], $0xffff  }
0x4ca: {  	v51 =	vor.u32 v41, v7;
	v53 =	vor.u32 v48, v4;
	[tilespmem:v15+s25+$0x0] =	vst.idx.msk $0xffff, v14;
	v52 =	vld.idx.msk [tilespmem:v46+s21+$0x0], $0xffff  }
0x4cb: {  	v54 =	vor.u32 v41, v5;
	v56 =	vor.u32 v48, v1;
	[tilespmem:v17+s25+$0x0] =	vst.idx.msk $0xffff, v16;
	v55 =	vld.idx.msk [tilespmem:v18+s21+$0x0], $0xffff  }
0x4cc: {  	v58 =	vor.u32 v41, v2;
	v15 =	vor.u32 v48, v0;
	v57 =	vld.idx.msk [tilespmem:v19+s21+$0x0], $0xffff  }
0x4cd: {  	v59 =	vor.u32 v41, v3  }
0x4ce: {  	[tilespmem:v50+s25+$0x0] =	vst.idx.msk $0xffff, v8  }
0x4cf: {  	v60 =	vor.u32 v47, v6;
	[tilespmem:v53+s25+$0x0] =	vst.idx.msk $0xffff, v52;
	v7 =	vld.idx.msk [tilespmem:v51+s21+$0x0], $0xffff  }
0x4d0: {  	v61 =	vor.u32 v47, v4;
	[tilespmem:v56+s25+$0x0] =	vst.idx.msk $0xffff, v55;
	v5 =	vld.idx.msk [tilespmem:v54+s21+$0x0], $0xffff  }
0x4d1: {  	v62 =	vor.u32 v47, v1;
	[tilespmem:v15+s25+$0x0] =	vst.idx.msk $0xffff, v57;
	v2 =	vld.idx.msk [tilespmem:v58+s21+$0x0], $0xffff  }
0x4d2: {  	v63 =	vor.u32 v47, v0;
	v3 =	vld.idx.msk [tilespmem:v59+s21+$0x0], $0xffff;
	_ =	sdelay $0x1  }
0x4d3: {  	s2 =	sshll.u32 s2, $0x13;
	[tilespmem:v60+s25+$0x0] =	vst.idx.msk $0xffff, v7  }
0x4d4: {  	s2 =	sor.u32 s4, s2;
	[tilespmem:v61+s25+$0x0] =	vst.idx.msk $0xffff, v5  }
0x4d5: {  	s2 =	sshrl.u32 s2, $0x3;
	[tilespmem:v62+s25+$0x0] =	vst.idx.msk $0xffff, v2  }
0x4d6: {  	s2 =	sadd.s32 s3, s2;
	[tilespmem:v63+s25+$0x0] =	vst.idx.msk $0xffff, v3  }
0x4d7: {  	[hbm4b:s2+s26] =	stream.strided.scatter [tilespmem:s25], [sflag:$0x3], $0x4000, s28, s26, $0x38;
	[tilespmem:$0x13200] =	vst v63  }
0x4d8: {  	_ =	swait.ge [sflag:s10], $0x4000  }
0x4d9: {  	v40 =	vld [tilespmem:$0x1FEF0]  }
0x4da: {  	v24 =	vld [tilespmem:$0x1FF00]  }
0x4db: {  	v43 =	vld [tilespmem:$0x1FE80]  }
0x4dc: {  	v44 =	vld [tilespmem:$0x1FEA0]  }
0x4dd: {  	v16 =	vmov v41;
	v41 =	vld [tilespmem:$0x1FF20]  }
0x4de: {  	v46 =	vld [tilespmem:$0x1FE70]  }
0x4df: {  	v31 =	vld [tilespmem:$0x1FEC0]  }
0x4e0: {  	v26 =	vld [tilespmem:$0x1FF10]  }
0x4e1: {  	v50 =	vld [tilespmem:$0x1FF30]  }
0x4e2: {  	v25 =	vld [tilespmem:$0x1FFC0]  }
0x4e3: {  	v20 =	vld [tilespmem:$0x1FC00]  }
0x4e4: {  	v19 =	vld [tilespmem:$0x1FE90]  }
0x4e5: {  	v60 =	vld [tilespmem:$0x1FEB0]  }
0x4e6: {  	v28 =	vld [tilespmem:$0x1FED0]  }
0x4e7: {  	v29 =	vld [tilespmem:$0x1FEE0]  }
0x4e8: {  	v23 =	vld [tilespmem:$0x1FF40]  }
0x4e9: {  	v39 =	vld [tilespmem:$0x1FC10]  }
0x4ea: {  	v32 =	vld [tilespmem:$0x1FD90]  }
0x4eb: {  	v17 =	vld [tilespmem:$0x1FDF0]  }
0x4ec: {  	v18 =	vmov v37;
	v37 =	vld [tilespmem:$0x1FFB0]  }
0x4ed: {  	v48 =	vld [tilespmem:$0x1FFA0]  }
0x4ee: {  	v45 =	vld [tilespmem:$0x1FCA0]  }
0x4ef: {  	v61 =	vld [tilespmem:$0x1FF90]  }
0x4f0: {  	v54 =	vld [tilespmem:$0x1FF80]  }
0x4f1: {  	v51 =	vld [tilespmem:$0x1FF70]  }
0x4f2: {  	v63 =	vld [tilespmem:$0x1FF60]  }
0x4f3: {  	v47 =	vld [tilespmem:$0x1FF50]  }
0x4f4: {  	s0 =	sadd.s32 $0x1, s0;
	v55 =	vld [tilespmem:$0x1FCB0]  }
0x4f5: {  	p0 =	sne.s32 s0, $0x18;
	v56 =	vld [tilespmem:$0x1FCC0]  }
.Ltmp5:
0x4f6: {  	v62 =	vld [tilespmem:$0x1FD00];
	(pc) =	sbr.rel @p0 .LBB2_4-.Ltmp5, $4  }
0x4f7: {  	v53 =	vld [tilespmem:$0x1FD30]  }
0x4f8: {  	v34 =	vld [tilespmem:$0x1FE20]  }
0x4f9: {  	v52 =	vmov v21;
	[sflag:s10] =	ssyncset.done $0x0;
	v21 =	vld [tilespmem:$0x1FFD0]  }
0x4fa: {  	v22 =	vld [tilespmem:$0x1FFE0];
	[sflag:s10] =	ssyncadd.s32 $0xFFFFC000  }
0x4fb: {  	_ =	swait.ge [sflag:s20], $0x1000  }
0x4fc: {  	s0 =	simm.s32 $0x0;
	s6 =	simm.s32 $0x20;
	[sflag:s20] =	ssyncset.done $0x0  }
0x4fd: {  	s2 =	simm.s32 $0x10;
	s30 =	simm.s32 $0x30;
	v0 =	vmov s0;
	v2 =	vmov s6;
	[sflag:s20] =	ssyncadd.s32 $0xFFFFF000  }
0x4fe: {  	s7 =	simm.s32 $0x60;
	s9 =	simm.s32 $0x70;
	v1 =	vmov s2;
	v3 =	vmov s30;
	v2 =	vmul.u32 $0x38, v2;
	_ =	swait.ge [sflag:s20], $0x1000  }
0x4ff: {  	s19 =	simm.s32 $0xA0;
	v6 =	vmov s7;
	v8 =	vmov s9;
	v0 =	vmul.u32 $0x38, v0;
	[sflag:s20] =	ssyncset.done $0x0  }
0x500: {  	v10 =	vmov s19;
	v1 =	vmul.u32 $0x38, v1;
	v2 =	vbroadcast v2, $0x0;
	[sflag:s20] =	ssyncadd.s32 $0xFFFFF000  }
0x501: {  	s6 =	simm.s32 $0x40;
	v3 =	vmul.u32 $0x38, v3;
	v4 =	vbroadcast v0, $0x0;
	v0 =	vadd.s32 $0x31, v17;
	_ =	swait.ge [sflag:s20], $0x1000  }
0x502: {  	v5 =	vmov s6;
	v6 =	vmul.u32 $0x38, v6;
	v2 =	vadd.s32 v0, v2;
	[sflag:s20] =	ssyncset.done $0x0  }
0x503: {  	v8 =	vmul.u32 $0x38, v8;
	v10 =	vmul.u32 $0x38, v10;
	v1 =	vbroadcast v1, $0x0;
	[sflag:s20] =	ssyncadd.s32 $0xFFFFF000  }
0x504: {  	s8 =	simm.s32 $0x50;
	v5 =	vmul.u32 $0x38, v5;
	v3 =	vbroadcast v3, $0x0;
	v4 =	vadd.s32 v0, v4;
	_ =	swait.ge [sflag:s20], $0x1000  }
0x505: {  	v6 =	vbroadcast v6, $0x0;
	v7 =	vadd.s32 v0, v1;
	v1 =	vmov s8;
	[sflag:s20] =	ssyncset.done $0x0  }
0x506: {  	s15 =	simm.s32 $0x80;
	v8 =	vbroadcast v8, $0x0;
	v9 =	vadd.s32 v0, v3;
	v1 =	vmul.u32 $0x38, v1;
	[sflag:s20] =	ssyncadd.s32 $0xFFFFF000  }
0x507: {  	s17 =	simm.s32 $0x90;
	v5 =	vbroadcast v5, $0x0;
	v13 =	vadd.s32 v0, v6;
	v6 =	vmov s15;
	v12 =	vld.idx.msk [tilespmem:v2+s1+$0x0], $0xffff  }
0x508: {  	s30 =	simm.s32 $0xB0;
	v14 =	vmul.u32 $0x38, v6;
	v3 =	vbroadcast v1, $0x0;
	v2 =	vmov s17  }
0x509: {  	v6 =	vadd.s32 v0, v5;
	v1 =	vld.idx.msk [tilespmem:v4+s1+$0x0], $0xffff;
	v4 =	vmov s30;
	v11 =	vmul.u32 $0x38, v2  }
0x50a: {  	v3 =	vadd.s32 v0, v3;
	v2 =	vld.idx.msk [tilespmem:v7+s1+$0x0], $0xffff;
	v15 =	vmul.u32 $0x38, v4  }
0x50b: {  	v38 =	vmovc v40;
	s0 =	simm.s32 $0x7020;
	v4 =	vld.idx.msk [tilespmem:v9+s1+$0x0], $0xffff;
	v7 =	vadd.s32 v0, v8;
	v9 =	vbroadcast v11, $0x0;
	v11 =	vbroadcast v10, $0x0  }
0x50c: {  	v36 =	vmovc v19;
	v40 =	vmovc v18;
	v59 =	vmov v16;
	s7 =	simm.s32 $0xC0;
	s2 =	simm.s32 $0x7060;
	s6 =	simm.s32 $0x8;
	v5 =	vld.idx.msk [tilespmem:v13+s1+$0x0], $0xffff;
	v10 =	vbroadcast v14, $0x0;
	v8 =	vbroadcast v15, $0x0;
	[tilespmem:s0+$0x0] =	vst v12  }
.LBB2_14:
0x50d: {  	s8 =	sadd.s32 $0x10, s7;
	s6 =	sadd.s32 $0x4, s6  }
0x50e: {  	v12 =	vmov s7;
	s9 =	sadd.s32 $0x20, s7;
	s15 =	sadd.s32 $0x30, s7;
	v9 =	vadd.s32 v0, v9;
	v13 =	vadd.s32 v0, v11;
	[tilespmem:s0+$0xFFFFFFE0] =	vst v1;
	v1 =	vld.idx.msk [tilespmem:v6+s1+$0x0], $0xffff;
	p0 =	slt.u32 s6, $0x1C  }
.Ltmp6:
0x50f: {  	v11 =	vmov s8;
	v14 =	vmov s9;
	v6 =	vadd.s32 v0, v10;
	[tilespmem:s0+$0xFFFFFFF0] =	vst v2;
	v2 =	vld.idx.msk [tilespmem:v3+s1+$0x0], $0xffff;
	v3 =	vmovc v9;
	(pc) =	sbr.rel @p0 .LBB2_14-.Ltmp6, $4  }
0x510: {  	v9 =	vmul.u32 $0x38, v11;
	v10 =	vmul.u32 $0x38, v14;
	v11 =	vmov s15;
	[tilespmem:s0+$0x10] =	vst v4;
	v4 =	vld.idx.msk [tilespmem:v7+s1+$0x0], $0xffff;
	s0 =	smov.u32 s2  }
0x511: {  	v12 =	vmul.u32 $0x38, v12;
	v7 =	vadd.s32 v0, v8;
	v14 =	vmul.u32 $0x38, v11  }
0x512: {  	v9 =	vbroadcast v9, $0x0;
	v11 =	vbroadcast v10, $0x0  }
0x513: {  	s7 =	sadd.s32 $0x40, s7;
	s2 =	sadd.s32 $0x40, s2;
	v10 =	vbroadcast v12, $0x0;
	v8 =	vbroadcast v14, $0x0;
	[tilespmem:s0+$0x0] =	vst v5;
	v5 =	vld.idx.msk [tilespmem:v13+s1+$0x0], $0xffff  }
0x514: {  	_ =	sdelay $0x1  }
0x515: {  	v11 =	vadd.s32 v0, v11  }
0x516: {  	v9 =	vadd.s32 v0, v9  }
0x517: {  	v6 =	vld.idx.msk [tilespmem:v6+s1+$0x0], $0xffff;
	v10 =	vadd.s32 v0, v10  }
0x518: {  	[tilespmem:s0+$0xFFFFFFE0] =	vst v1;
	v1 =	vld.idx.msk [tilespmem:v3+s1+$0x0], $0xffff;
	v0 =	vadd.s32 v0, v8  }
0x519: {  	[tilespmem:s0+$0xFFFFFFF0] =	vst v2;
	v2 =	vld.idx.msk [tilespmem:v7+s1+$0x0], $0xffff  }
0x51a: {  	[tilespmem:s0+$0x10] =	vst v4;
	v3 =	vld.idx.msk [tilespmem:v11+s1+$0x0], $0xffff  }
0x51b: {  	[tilespmem:s2+$0x0] =	vst v5;
	v5 =	vld.idx.msk [tilespmem:v9+s1+$0x0], $0xffff  }
0x51c: {  	[tilespmem:s2+$0xFFFFFFE0] =	vst v6;
	v4 =	vld.idx.msk [tilespmem:v10+s1+$0x0], $0xffff  }
0x51d: {  	[tilespmem:s2+$0xFFFFFFF0] =	vst v1;
	v0 =	vld.idx.msk [tilespmem:v0+s1+$0x0], $0xffff  }
0x51e: {  	s9 =	sadd.s32 $0x40, s2;
	[tilespmem:s2+$0x10] =	vst v2  }
0x51f: {  	[tilespmem:s9+$0x0] =	vst v3  }
0x520: {  	[tilespmem:s9+$0xFFFFFFF0] =	vst v5  }
0x521: {  	[tilespmem:s9+$0xFFFFFFE0] =	vst v4  }
0x522: {  	s15 =	simm.s32 $0x0;
	s17 =	simm.s32 $0x10;
	v12 =	vlaneseq.u32;
	[tilespmem:s9+$0x10] =	vst v0  }
0x523: {  	v0 =	vor.u32 s15, v12;
	[tilespmem:s21], [sflag:$0x2] =	stream.indirect.gather [hbm4b:s5+s11], $0x20, s12, s11, $0xb8;
	[tilespmem:$0x13200] =	vst v63  }
0x524: {  	v1 =	vor.u32 s17, v12;
	v7 =	vshll.u32 v0, $0x5  }
0x525: {  	v3 =	vshll.u32 v1, $0x5;
	v4 =	vor.u32 v12, v7;
	[tilespmem:s22], [sflag:$0x2] =	stream.indirect.gather [hbm4b:s5+s11], $0x20, s14, s11, $0xb8;
	[tilespmem:$0x13200] =	vst v63  }
0x526: {  	s19 =	simm.s32 $0x20;
	s30 =	simm.s32 $0x30;
	v8 =	vor.u32 v12, v3  }
0x527: {  	v9 =	vor.u32 s19, v12;
	[tilespmem:s23], [sflag:$0x2] =	stream.indirect.gather [hbm4b:s5+s11], $0x20, s16, s11, $0xb8;
	[tilespmem:$0x13200] =	vst v63  }
0x528: {  	v10 =	vor.u32 s30, v12;
	v5 =	vshll.u32 v9, $0x5  }
0x529: {  	v2 =	vshll.u32 v10, $0x5;
	v11 =	vor.u32 v12, v5;
	v6 =	vand.u32 $0x1C8, v0;
	[tilespmem:s24], [sflag:$0x2] =	stream.indirect.gather [hbm4b:s5+s11], $0x20, s18, s11, $0xb8;
	[tilespmem:$0x13200] =	vst v63  }
0x52a: {  	v0 =	vand.u32 $0x1D8, v1;
	v12 =	vor.u32 v12, v2;
	v14 =	vor.u32 v38, v6;
	v13 =	vld.idx.msk [tilespmem:v4+s13+$0x0], $0xffff  }
0x52b: {  	v15 =	vor.u32 v37, v7;
	v16 =	vor.u32 v38, v0;
	v8 =	vld.idx.msk [tilespmem:v8+s13+$0x0], $0xffff  }
0x52c: {  	v17 =	vor.u32 v37, v3  }
0x52d: {  	v4 =	vand.u32 $0x1E8, v9  }
0x52e: {  	v1 =	vand.u32 $0x1F8, v10;
	v9 =	vld.idx.msk [tilespmem:v11+s13+$0x0], $0xffff;
	v10 =	vor.u32 v38, v4  }
0x52f: {  	v18 =	vor.u32 v37, v5;
	v11 =	vld.idx.msk [tilespmem:v12+s13+$0x0], $0xffff;
	v12 =	vor.u32 v38, v1;
	[tilespmem:v14+s25+$0x0] =	vst.idx.msk $0xffff, v13  }
0x530: {  	v13 =	vor.u32 v37, v2;
	[tilespmem:v16+s25+$0x0] =	vst.idx.msk $0xffff, v8;
	v8 =	vor.u32 v24, v6;
	v14 =	vld.idx.msk [tilespmem:v15+s13+$0x0], $0xffff  }
0x531: {  	v16 =	vor.u32 v48, v7;
	v15 =	vld.idx.msk [tilespmem:v17+s13+$0x0], $0xffff;
	v17 =	vor.u32 v24, v0  }
0x532: {  	v19 =	vor.u32 v48, v3  }
0x533: {  	[tilespmem:v10+s25+$0x0] =	vst.idx.msk $0xffff, v9  }
0x534: {  	[tilespmem:v12+s25+$0x0] =	vst.idx.msk $0xffff, v11;
	v10 =	vor.u32 v24, v4;
	v9 =	vld.idx.msk [tilespmem:v18+s13+$0x0], $0xffff  }
0x535: {  	v12 =	vor.u32 v24, v1;
	v11 =	vld.idx.msk [tilespmem:v13+s13+$0x0], $0xffff;
	v13 =	vor.u32 v48, v5;
	[tilespmem:v8+s25+$0x0] =	vst.idx.msk $0xffff, v14  }
0x536: {  	v8 =	vor.u32 v48, v2;
	[tilespmem:v17+s25+$0x0] =	vst.idx.msk $0xffff, v15;
	v15 =	vor.u32 v43, v6;
	v14 =	vld.idx.msk [tilespmem:v16+s13+$0x0], $0xffff  }
0x537: {  	v18 =	vor.u32 v43, v0;
	v17 =	vor.u32 v45, v7;
	v16 =	vld.idx.msk [tilespmem:v19+s13+$0x0], $0xffff  }
0x538: {  	v19 =	vor.u32 v45, v3  }
0x539: {  	[tilespmem:v10+s25+$0x0] =	vst.idx.msk $0xffff, v9  }
0x53a: {  	v10 =	vor.u32 v43, v4;
	[tilespmem:v12+s25+$0x0] =	vst.idx.msk $0xffff, v11;
	v9 =	vld.idx.msk [tilespmem:v13+s13+$0x0], $0xffff  }
0x53b: {  	v11 =	vor.u32 v43, v1;
	v12 =	vor.u32 v45, v5;
	v8 =	vld.idx.msk [tilespmem:v8+s13+$0x0], $0xffff;
	[tilespmem:v15+s25+$0x0] =	vst.idx.msk $0xffff, v14  }
0x53c: {  	v13 =	vor.u32 v45, v2;
	[tilespmem:v18+s25+$0x0] =	vst.idx.msk $0xffff, v16;
	v15 =	vor.u32 v44, v6;
	v14 =	vld.idx.msk [tilespmem:v17+s13+$0x0], $0xffff  }
0x53d: {  	v18 =	vor.u32 v44, v0;
	v16 =	vld.idx.msk [tilespmem:v19+s13+$0x0], $0xffff;
	v17 =	vor.u32 v61, v7  }
0x53e: {  	v19 =	vor.u32 v61, v3  }
0x53f: {  	[tilespmem:v10+s25+$0x0] =	vst.idx.msk $0xffff, v9  }
0x540: {  	v9 =	vor.u32 v44, v4;
	[tilespmem:v11+s25+$0x0] =	vst.idx.msk $0xffff, v8;
	v8 =	vld.idx.msk [tilespmem:v12+s13+$0x0], $0xffff  }
0x541: {  	v11 =	vor.u32 v44, v1;
	v12 =	vor.u32 v61, v5;
	v10 =	vld.idx.msk [tilespmem:v13+s13+$0x0], $0xffff;
	[tilespmem:v15+s25+$0x0] =	vst.idx.msk $0xffff, v14  }
0x542: {  	v13 =	vor.u32 v61, v2;
	[tilespmem:v18+s25+$0x0] =	vst.idx.msk $0xffff, v16;
	v15 =	vor.u32 v41, v6;
	v14 =	vld.idx.msk [tilespmem:v17+s13+$0x0], $0xffff  }
0x543: {  	v18 =	vor.u32 v41, v0;
	v16 =	vld.idx.msk [tilespmem:v19+s13+$0x0], $0xffff;
	v17 =	vor.u32 v54, v7  }
0x544: {  	v19 =	vor.u32 v54, v3  }
0x545: {  	[tilespmem:v9+s25+$0x0] =	vst.idx.msk $0xffff, v8  }
0x546: {  	v9 =	vor.u32 v41, v4;
	[tilespmem:v11+s25+$0x0] =	vst.idx.msk $0xffff, v10;
	v8 =	vld.idx.msk [tilespmem:v12+s13+$0x0], $0xffff  }
0x547: {  	v11 =	vor.u32 v41, v1;
	v12 =	vor.u32 v54, v5;
	v10 =	vld.idx.msk [tilespmem:v13+s13+$0x0], $0xffff;
	[tilespmem:v15+s25+$0x0] =	vst.idx.msk $0xffff, v14  }
0x548: {  	v13 =	vor.u32 v54, v2;
	[tilespmem:v18+s25+$0x0] =	vst.idx.msk $0xffff, v16;
	v15 =	vor.u32 v46, v6;
	v14 =	vld.idx.msk [tilespmem:v17+s13+$0x0], $0xffff  }
0x549: {  	v18 =	vor.u32 v46, v0;
	v16 =	vld.idx.msk [tilespmem:v19+s13+$0x0], $0xffff;
	v17 =	vor.u32 v51, v7  }
0x54a: {  	v19 =	vor.u32 v51, v3  }
0x54b: {  	[tilespmem:v9+s25+$0x0] =	vst.idx.msk $0xffff, v8  }
0x54c: {  	v9 =	vor.u32 v46, v4;
	[tilespmem:v11+s25+$0x0] =	vst.idx.msk $0xffff, v10;
	v8 =	vld.idx.msk [tilespmem:v12+s13+$0x0], $0xffff  }
0x54d: {  	v11 =	vor.u32 v46, v1;
	v12 =	vor.u32 v51, v5;
	v10 =	vld.idx.msk [tilespmem:v13+s13+$0x0], $0xffff;
	[tilespmem:v15+s25+$0x0] =	vst.idx.msk $0xffff, v14  }
0x54e: {  	v13 =	vor.u32 v51, v2;
	[tilespmem:v18+s25+$0x0] =	vst.idx.msk $0xffff, v16;
	v15 =	vor.u32 v31, v6;
	v14 =	vld.idx.msk [tilespmem:v17+s13+$0x0], $0xffff  }
0x54f: {  	v18 =	vor.u32 v31, v0;
	v16 =	vld.idx.msk [tilespmem:v19+s13+$0x0], $0xffff;
	v17 =	vor.u32 v63, v7  }
0x550: {  	v19 =	vor.u32 v63, v3  }
0x551: {  	[tilespmem:v9+s25+$0x0] =	vst.idx.msk $0xffff, v8  }
0x552: {  	v9 =	vor.u32 v31, v4;
	[tilespmem:v11+s25+$0x0] =	vst.idx.msk $0xffff, v10;
	v8 =	vld.idx.msk [tilespmem:v12+s13+$0x0], $0xffff  }
0x553: {  	v11 =	vor.u32 v31, v1;
	v12 =	vor.u32 v63, v5;
	v10 =	vld.idx.msk [tilespmem:v13+s13+$0x0], $0xffff;
	[tilespmem:v15+s25+$0x0] =	vst.idx.msk $0xffff, v14  }
0x554: {  	v13 =	vor.u32 v63, v2;
	[tilespmem:v18+s25+$0x0] =	vst.idx.msk $0xffff, v16;
	v15 =	vor.u32 v26, v6;
	v14 =	vld.idx.msk [tilespmem:v17+s13+$0x0], $0xffff  }
0x555: {  	v18 =	vor.u32 v26, v0;
	v16 =	vld.idx.msk [tilespmem:v19+s13+$0x0], $0xffff;
	v17 =	vor.u32 v47, v7  }
0x556: {  	v19 =	vor.u32 v47, v3  }
0x557: {  	[tilespmem:v9+s25+$0x0] =	vst.idx.msk $0xffff, v8  }
0x558: {  	v9 =	vor.u32 v26, v4;
	[tilespmem:v11+s25+$0x0] =	vst.idx.msk $0xffff, v10;
	v8 =	vld.idx.msk [tilespmem:v12+s13+$0x0], $0xffff  }
0x559: {  	v11 =	vor.u32 v26, v1;
	v12 =	vor.u32 v47, v5;
	v10 =	vld.idx.msk [tilespmem:v13+s13+$0x0], $0xffff;
	[tilespmem:v15+s25+$0x0] =	vst.idx.msk $0xffff, v14  }
0x55a: {  	v13 =	vor.u32 v47, v2;
	[tilespmem:v18+s25+$0x0] =	vst.idx.msk $0xffff, v16;
	v15 =	vor.u32 v50, v6;
	v14 =	vld.idx.msk [tilespmem:v17+s13+$0x0], $0xffff  }
0x55b: {  	v18 =	vor.u32 v50, v0;
	v16 =	vld.idx.msk [tilespmem:v19+s13+$0x0], $0xffff;
	v17 =	vor.u32 v55, v7  }
0x55c: {  	v19 =	vor.u32 v55, v3  }
0x55d: {  	[tilespmem:v9+s25+$0x0] =	vst.idx.msk $0xffff, v8  }
0x55e: {  	v9 =	vor.u32 v50, v4;
	[tilespmem:v11+s25+$0x0] =	vst.idx.msk $0xffff, v10;
	v8 =	vld.idx.msk [tilespmem:v12+s13+$0x0], $0xffff  }
0x55f: {  	v11 =	vor.u32 v55, v5;
	v12 =	vor.u32 v50, v1;
	v10 =	vld.idx.msk [tilespmem:v13+s13+$0x0], $0xffff;
	[tilespmem:v15+s25+$0x0] =	vst.idx.msk $0xffff, v14  }
0x560: {  	v13 =	vor.u32 v55, v2;
	[tilespmem:v18+s25+$0x0] =	vst.idx.msk $0xffff, v16;
	v15 =	vor.u32 v25, v6;
	v14 =	vld.idx.msk [tilespmem:v17+s13+$0x0], $0xffff  }
0x561: {  	v18 =	vor.u32 v25, v0;
	v16 =	vld.idx.msk [tilespmem:v19+s13+$0x0], $0xffff;
	v17 =	vor.u32 v56, v7  }
0x562: {  	v19 =	vor.u32 v56, v3  }
0x563: {  	[tilespmem:v9+s25+$0x0] =	vst.idx.msk $0xffff, v8  }
0x564: {  	v9 =	vor.u32 v25, v4;
	v8 =	vld.idx.msk [tilespmem:v11+s13+$0x0], $0xffff;
	[tilespmem:v12+s25+$0x0] =	vst.idx.msk $0xffff, v10  }
0x565: {  	v11 =	vor.u32 v56, v5;
	v12 =	vor.u32 v25, v1;
	v10 =	vld.idx.msk [tilespmem:v13+s13+$0x0], $0xffff;
	[tilespmem:v15+s25+$0x0] =	vst.idx.msk $0xffff, v14  }
0x566: {  	v13 =	vor.u32 v56, v2;
	[tilespmem:v18+s25+$0x0] =	vst.idx.msk $0xffff, v16;
	v15 =	vor.u32 v20, v6;
	v14 =	vld.idx.msk [tilespmem:v17+s13+$0x0], $0xffff  }
0x567: {  	v18 =	vor.u32 v20, v0;
	v16 =	vld.idx.msk [tilespmem:v19+s13+$0x0], $0xffff;
	v17 =	vor.u32 v62, v7  }
0x568: {  	v19 =	vor.u32 v62, v3  }
0x569: {  	[tilespmem:v9+s25+$0x0] =	vst.idx.msk $0xffff, v8  }
0x56a: {  	v9 =	vor.u32 v20, v4;
	v8 =	vld.idx.msk [tilespmem:v11+s13+$0x0], $0xffff;
	[tilespmem:v12+s25+$0x0] =	vst.idx.msk $0xffff, v10  }
0x56b: {  	v11 =	vor.u32 v62, v5;
	v12 =	vor.u32 v20, v1;
	v10 =	vld.idx.msk [tilespmem:v13+s13+$0x0], $0xffff;
	[tilespmem:v15+s25+$0x0] =	vst.idx.msk $0xffff, v14  }
0x56c: {  	v13 =	vor.u32 v62, v2;
	[tilespmem:v18+s25+$0x0] =	vst.idx.msk $0xffff, v16;
	v15 =	vor.u32 v36, v6;
	v14 =	vld.idx.msk [tilespmem:v17+s13+$0x0], $0xffff  }
0x56d: {  	v18 =	vor.u32 v36, v0;
	v16 =	vld.idx.msk [tilespmem:v19+s13+$0x0], $0xffff;
	v17 =	vor.u32 v53, v7  }
0x56e: {  	v19 =	vor.u32 v53, v3  }
0x56f: {  	[tilespmem:v9+s25+$0x0] =	vst.idx.msk $0xffff, v8  }
0x570: {  	v9 =	vor.u32 v36, v4;
	v8 =	vld.idx.msk [tilespmem:v11+s13+$0x0], $0xffff;
	[tilespmem:v12+s25+$0x0] =	vst.idx.msk $0xffff, v10  }
0x571: {  	v12 =	vor.u32 v36, v1;
	v10 =	vld.idx.msk [tilespmem:v13+s13+$0x0], $0xffff;
	[tilespmem:v15+s25+$0x0] =	vst.idx.msk $0xffff, v14  }
0x572: {  	[tilespmem:v18+s25+$0x0] =	vst.idx.msk $0xffff, v16;
	v15 =	vor.u32 v60, v6;
	v14 =	vld.idx.msk [tilespmem:v17+s13+$0x0], $0xffff  }
0x573: {  	v18 =	vor.u32 v60, v0;
	v16 =	vld.idx.msk [tilespmem:v19+s13+$0x0], $0xffff;
	_ =	sdelay $0x1  }
0x574: {  	[tilespmem:v9+s25+$0x0] =	vst.idx.msk $0xffff, v8  }
0x575: {  	v11 =	vor.u32 v53, v5;
	[tilespmem:v12+s25+$0x0] =	vst.idx.msk $0xffff, v10  }
0x576: {  	v13 =	vor.u32 v53, v2;
	[tilespmem:v15+s25+$0x0] =	vst.idx.msk $0xffff, v14  }
0x577: {  	v17 =	vor.u32 v34, v7;
	[tilespmem:v18+s25+$0x0] =	vst.idx.msk $0xffff, v16  }
0x578: {  	v19 =	vor.u32 v34, v3;
	v20 =	vld [tilespmem:$0x1FD40];
	_ =	sdelay $0x1  }
0x579: {  	v9 =	vor.u32 v60, v4;
	v8 =	vld.idx.msk [tilespmem:v11+s13+$0x0], $0xffff  }
0x57a: {  	v11 =	vor.u32 v34, v5;
	v12 =	vor.u32 v60, v1;
	v10 =	vld.idx.msk [tilespmem:v13+s13+$0x0], $0xffff  }
0x57b: {  	v13 =	vor.u32 v34, v2;
	v15 =	vor.u32 v28, v6;
	v14 =	vld.idx.msk [tilespmem:v17+s13+$0x0], $0xffff  }
0x57c: {  	v18 =	vor.u32 v28, v0;
	v16 =	vld.idx.msk [tilespmem:v19+s13+$0x0], $0xffff;
	v17 =	vor.u32 v20, v7  }
0x57d: {  	v19 =	vor.u32 v20, v3  }
0x57e: {  	[tilespmem:v9+s25+$0x0] =	vst.idx.msk $0xffff, v8  }
0x57f: {  	v9 =	vor.u32 v28, v4;
	v8 =	vld.idx.msk [tilespmem:v11+s13+$0x0], $0xffff;
	[tilespmem:v12+s25+$0x0] =	vst.idx.msk $0xffff, v10  }
0x580: {  	v12 =	vor.u32 v28, v1;
	v10 =	vld.idx.msk [tilespmem:v13+s13+$0x0], $0xffff;
	v11 =	vor.u32 v20, v5;
	[tilespmem:v15+s25+$0x0] =	vst.idx.msk $0xffff, v14  }
0x581: {  	v13 =	vor.u32 v20, v2;
	[tilespmem:v18+s25+$0x0] =	vst.idx.msk $0xffff, v16;
	v15 =	vor.u32 v29, v6;
	v14 =	vld.idx.msk [tilespmem:v17+s13+$0x0], $0xffff  }
0x582: {  	v18 =	vor.u32 v29, v0;
	v16 =	vld.idx.msk [tilespmem:v19+s13+$0x0], $0xffff;
	v17 =	vor.u32 v21, v7  }
0x583: {  	v19 =	vor.u32 v21, v3  }
0x584: {  	[tilespmem:v9+s25+$0x0] =	vst.idx.msk $0xffff, v8  }
0x585: {  	v9 =	vor.u32 v29, v4;
	[tilespmem:v12+s25+$0x0] =	vst.idx.msk $0xffff, v10;
	v8 =	vld.idx.msk [tilespmem:v11+s13+$0x0], $0xffff  }
0x586: {  	v12 =	vor.u32 v29, v1;
	v10 =	vld.idx.msk [tilespmem:v13+s13+$0x0], $0xffff;
	v11 =	vor.u32 v21, v5;
	[tilespmem:v15+s25+$0x0] =	vst.idx.msk $0xffff, v14  }
0x587: {  	v13 =	vor.u32 v21, v2;
	[tilespmem:v18+s25+$0x0] =	vst.idx.msk $0xffff, v16;
	v15 =	vor.u32 v23, v6;
	v14 =	vld.idx.msk [tilespmem:v17+s13+$0x0], $0xffff  }
0x588: {  	v18 =	vor.u32 v23, v0;
	v16 =	vld.idx.msk [tilespmem:v19+s13+$0x0], $0xffff;
	v17 =	vor.u32 v22, v7  }
0x589: {  	v19 =	vor.u32 v22, v3  }
0x58a: {  	[tilespmem:v9+s25+$0x0] =	vst.idx.msk $0xffff, v8  }
0x58b: {  	[tilespmem:v12+s25+$0x0] =	vst.idx.msk $0xffff, v10;
	v9 =	vor.u32 v23, v4;
	v8 =	vld.idx.msk [tilespmem:v11+s13+$0x0], $0xffff  }
0x58c: {  	v12 =	vor.u32 v23, v1;
	v10 =	vld.idx.msk [tilespmem:v13+s13+$0x0], $0xffff;
	v11 =	vor.u32 v22, v5;
	[tilespmem:v15+s25+$0x0] =	vst.idx.msk $0xffff, v14  }
0x58d: {  	v13 =	vor.u32 v22, v2;
	[tilespmem:v18+s25+$0x0] =	vst.idx.msk $0xffff, v16;
	v15 =	vor.u32 v39, v6;
	v14 =	vld.idx.msk [tilespmem:v17+s13+$0x0], $0xffff  }
0x58e: {  	v18 =	vor.u32 v39, v0;
	v16 =	vld.idx.msk [tilespmem:v19+s13+$0x0], $0xffff;
	v17 =	vor.u32 v33, v7  }
0x58f: {  	v19 =	vor.u32 v33, v3  }
0x590: {  	[tilespmem:v9+s25+$0x0] =	vst.idx.msk $0xffff, v8  }
0x591: {  	[tilespmem:v12+s25+$0x0] =	vst.idx.msk $0xffff, v10;
	v10 =	vor.u32 v39, v4;
	v9 =	vld.idx.msk [tilespmem:v11+s13+$0x0], $0xffff  }
0x592: {  	v12 =	vor.u32 v33, v5;
	v11 =	vld.idx.msk [tilespmem:v13+s13+$0x0], $0xffff;
	v13 =	vor.u32 v39, v1;
	[tilespmem:v15+s25+$0x0] =	vst.idx.msk $0xffff, v14  }
0x593: {  	v15 =	vor.u32 v33, v2;
	[tilespmem:v18+s25+$0x0] =	vst.idx.msk $0xffff, v16;
	v16 =	vor.u32 v32, v6;
	v20 =	vld.idx.msk [tilespmem:v17+s13+$0x0], $0xffff  }
0x594: {  	v58 =	vor.u32 v27, v7;
	v63 =	vor.u32 v32, v0;
	v19 =	vld.idx.msk [tilespmem:v19+s13+$0x0], $0xffff;
	_ =	sdelay $0x1  }
0x595: {  	[tilespmem:v10+s25+$0x0] =	vst.idx.msk $0xffff, v9  }
0x596: {  	[tilespmem:v13+s25+$0x0] =	vst.idx.msk $0xffff, v11;
	v10 =	vld.idx.msk [tilespmem:v12+s13+$0x0], $0xffff  }
0x597: {  	v38 =	vmov v21;
	v11 =	vld.idx.msk [tilespmem:v15+s13+$0x0], $0xffff;
	[tilespmem:v16+s25+$0x0] =	vst.idx.msk $0xffff, v20  }
0x598: {  	v48 =	vmov v25;
	v44 =	vmov v38;
	[tilespmem:v63+s25+$0x0] =	vst.idx.msk $0xffff, v19;
	v16 =	vld.idx.msk [tilespmem:v58+s13+$0x0], $0xffff  }
0x599: {  	v54 =	vmovc v52;
	v55 =	vmovc v46;
	v56 =	vmov v49;
	v53 =	vmov v23;
	v8 =	vor.u32 v27, v3;
	v47 =	vld [tilespmem:$0x1FD70]  }
0x59a: {  	v60 =	vmovc v22;
	v9 =	vor.u32 v52, v6;
	v14 =	vor.u32 v32, v4;
	v18 =	vor.u32 v27, v2;
	v42 =	vld [tilespmem:$0x1FDC0]  }
0x59b: {  	s0 =	simm.s32 $0x0;
	s2 =	simm.s32 $0x70;
	v12 =	vor.u32 v27, v5;
	v17 =	vor.u32 v32, v1;
	v15 =	vor.u32 v30, v7;
	v62 =	vld [tilespmem:$0x1FDD0];
	v58 =	vmovc v39  }
.LBB2_16:
0x59c: {  	v51 =	vld [tilespmem:$0x1FCD0]  }
0x59d: {  	v43 =	vld [tilespmem:$0x1FC20]  }
0x59e: {  	v35 =	vld [tilespmem:$0x1FEF0]  }
0x59f: {  	v36 =	vld [tilespmem:$0x1FFB0]  }
0x5a0: {  	[tilespmem:v9+s25+$0x0] =	vst.idx.msk $0xffff, v16;
	v9 =	vld.idx.msk [tilespmem:v8+s13+$0x0], $0xffff  }
0x5a1: {  	[tilespmem:v14+s25+$0x0] =	vst.idx.msk $0xffff, v10;
	v8 =	vld [tilespmem:$0x1FE50]  }
0x5a2: {  	v28 =	vlaneseq.u32;
	v25 =	vld.idx.msk [tilespmem:v12+s13+$0x0], $0xffff  }
0x5a3: {  	s7 =	sadd.s32 $0xFFFFFFE0, s2;
	v20 =	vor.u32 v54, v4;
	v19 =	vor.u32 s2, v28;
	v12 =	vld [tilespmem:$0x1FE30]  }
0x5a4: {  	s6 =	sadd.s32 $0xFFFFFFD0, s2;
	v21 =	vor.u32 v54, v1;
	v41 =	vld [tilespmem:$0x1FF00];
	v23 =	vor.u32 s7, v28;
	v13 =	vshll.u32 v19, $0x5  }
0x5a5: {  	v52 =	vld [tilespmem:$0x1FCE0];
	v22 =	vor.u32 s6, v28;
	v24 =	vor.u32 v28, v13;
	[tilespmem:v17+s25+$0x0] =	vst.idx.msk $0xffff, v11;
	v11 =	vshll.u32 v23, $0x5  }
0x5a6: {  	s30 =	sadd.s32 $0xFFFFFFF0, s2;
	v14 =	vshll.u32 v22, $0x5;
	v26 =	vor.u32 v28, v11;
	v33 =	vor.u32 v8, v5;
	v8 =	vld [tilespmem:$0x1FE50]  }
0x5a7: {  	v29 =	vor.u32 v30, v2;
	v63 =	vor.u32 s30, v28;
	v17 =	vor.u32 v28, v14;
	v18 =	vld.idx.msk [tilespmem:v18+s13+$0x0], $0xffff  }
0x5a8: {  	v32 =	vor.u32 v54, v0;
	v37 =	vld [tilespmem:$0x1FFA0];
	v27 =	vor.u32 v12, v11;
	v12 =	vshll.u32 v63, $0x5  }
0x5a9: {  	v30 =	vld.idx.msk [tilespmem:v15+s13+$0x0], $0xffff;
	v15 =	vand.u32 $0x1F8, v19;
	v19 =	vor.u32 v43, v6;
	v28 =	vor.u32 v28, v12  }
0x5aa: {  	v16 =	vand.u32 $0x1C8, v22;
	v31 =	vor.u32 v51, v7;
	v45 =	vor.u32 v35, v15;
	v24 =	vld.idx.msk [tilespmem:v24+s13+$0x0], $0xffff  }
0x5ab: {  	[tilespmem:v20+s25+$0x0] =	vst.idx.msk $0xffff, v25;
	v20 =	vor.u32 v35, v16;
	v25 =	vld.idx.msk [tilespmem:v26+s13+$0x0], $0xffff;
	v34 =	vor.u32 v8, v3  }
0x5ac: {  	v10 =	vand.u32 $0x1D8, v23;
	v26 =	vor.u32 v36, v13;
	[tilespmem:v21+s25+$0x0] =	vst.idx.msk $0xffff, v18;
	v8 =	vmov v27;
	v27 =	vld.idx.msk [tilespmem:v17+s13+$0x0], $0xffff  }
0x5ad: {  	v46 =	vor.u32 v35, v10;
	v18 =	vor.u32 v36, v14;
	v49 =	vld.idx.msk [tilespmem:v29+s13+$0x0], $0xffff;
	v17 =	vand.u32 $0x1E8, v63  }
0x5ae: {  	v29 =	vor.u32 v36, v11;
	[tilespmem:v19+s25+$0x0] =	vst.idx.msk $0xffff, v30;
	v35 =	vor.u32 v35, v17;
	v28 =	vld.idx.msk [tilespmem:v28+s13+$0x0], $0xffff  }
0x5af: {  	[tilespmem:v32+s25+$0x0] =	vst.idx.msk $0xffff, v9;
	v63 =	vld.idx.msk [tilespmem:v31+s13+$0x0], $0xffff  }
0x5b0: {  	v61 =	vor.u32 v36, v12;
	[tilespmem:v45+s25+$0x0] =	vst.idx.msk $0xffff, v24;
	v19 =	vld.idx.msk [tilespmem:v34+s13+$0x0], $0xffff  }
0x5b1: {  	[tilespmem:v20+s25+$0x0] =	vst.idx.msk $0xffff, v27;
	v20 =	vld.idx.msk [tilespmem:v26+s13+$0x0], $0xffff  }
0x5b2: {  	v24 =	vor.u32 v43, v1;
	[tilespmem:v46+s25+$0x0] =	vst.idx.msk $0xffff, v25;
	v30 =	vld.idx.msk [tilespmem:v18+s13+$0x0], $0xffff  }
0x5b3: {  	v45 =	vor.u32 v41, v15;
	v27 =	vor.u32 v51, v2;
	v29 =	vld.idx.msk [tilespmem:v29+s13+$0x0], $0xffff;
	[tilespmem:v35+s25+$0x0] =	vst.idx.msk $0xffff, v28  }
0x5b4: {  	v26 =	vor.u32 v56, v6;
	v46 =	vor.u32 v37, v13;
	v18 =	vld.idx.msk [tilespmem:v33+s13+$0x0], $0xffff  }
0x5b5: {  	v32 =	vld.idx.msk [tilespmem:v61+s13+$0x0], $0xffff  }
0x5b6: {  	v39 =	vor.u32 v41, v10;
	v31 =	vor.u32 v41, v16;
	v33 =	vor.u32 v41, v17;
	v41 =	vld [tilespmem:$0x1FC30]  }
0x5b7: {  	v25 =	vor.u32 v52, v7;
	[tilespmem:v24+s25+$0x0] =	vst.idx.msk $0xffff, v49;
	v61 =	vld [tilespmem:$0x1FCF0]  }
0x5b8: {  	v38 =	vor.u32 v37, v14;
	v24 =	vld.idx.msk [tilespmem:v27+s13+$0x0], $0xffff;
	[tilespmem:v45+s25+$0x0] =	vst.idx.msk $0xffff, v20  }
0x5b9: {  	v57 =	vor.u32 v43, v0;
	v28 =	vor.u32 v37, v11;
	[tilespmem:v26+s25+$0x0] =	vst.idx.msk $0xffff, v63;
	v26 =	vld.idx.msk [tilespmem:v46+s13+$0x0], $0xffff  }
0x5ba: {  	v49 =	vor.u32 v51, v3;
	v46 =	vld [tilespmem:$0x1FE80]  }
0x5bb: {  	v23 =	vor.u32 v37, v12;
	v37 =	vld [tilespmem:$0x1FCA0]  }
0x5bc: {  	v20 =	vld.idx.msk [tilespmem:v25+s13+$0x0], $0xffff;
	[tilespmem:v31+s25+$0x0] =	vst.idx.msk $0xffff, v30  }
0x5bd: {  	v25 =	vor.u32 v56, v1;
	[tilespmem:v39+s25+$0x0] =	vst.idx.msk $0xffff, v29;
	v31 =	vld.idx.msk [tilespmem:v38+s13+$0x0], $0xffff  }
0x5be: {  	v30 =	vor.u32 v52, v2;
	v28 =	vld.idx.msk [tilespmem:v28+s13+$0x0], $0xffff;
	[tilespmem:v57+s25+$0x0] =	vst.idx.msk $0xffff, v19;
	v27 =	vor.u32 v41, v6  }
0x5bf: {  	v34 =	vor.u32 v61, v7;
	[tilespmem:v33+s25+$0x0] =	vst.idx.msk $0xffff, v32;
	v22 =	vld.idx.msk [tilespmem:v49+s13+$0x0], $0xffff;
	v29 =	vor.u32 v46, v15  }
0x5c0: {  	v45 =	vor.u32 v37, v13;
	v23 =	vld.idx.msk [tilespmem:v23+s13+$0x0], $0xffff;
	v57 =	vor.u32 v46, v10  }
0x5c1: {  	v19 =	vor.u32 v37, v14;
	v35 =	vor.u32 v46, v16;
	v49 =	vor.u32 v46, v17;
	v46 =	vld [tilespmem:$0x1FEA0]  }
0x5c2: {  	v63 =	vor.u32 v37, v11;
	[tilespmem:v25+s25+$0x0] =	vst.idx.msk $0xffff, v24;
	v25 =	vor.u32 v37, v12;
	v37 =	vld [tilespmem:$0x1FF90]  }
0x5c3: {  	v24 =	vld.idx.msk [tilespmem:v30+s13+$0x0], $0xffff;
	[tilespmem:v27+s25+$0x0] =	vst.idx.msk $0xffff, v20  }
0x5c4: {  	v21 =	vor.u32 v56, v0;
	[tilespmem:v29+s25+$0x0] =	vst.idx.msk $0xffff, v26;
	v26 =	vld.idx.msk [tilespmem:v34+s13+$0x0], $0xffff  }
0x5c5: {  	v20 =	vor.u32 v52, v3;
	[tilespmem:v57+s25+$0x0] =	vst.idx.msk $0xffff, v28;
	v57 =	vld [tilespmem:$0x1FD10]  }
0x5c6: {  	v27 =	vor.u32 v41, v1;
	[tilespmem:v35+s25+$0x0] =	vst.idx.msk $0xffff, v31;
	v29 =	vld.idx.msk [tilespmem:v45+s13+$0x0], $0xffff  }
0x5c7: {  	v30 =	vor.u32 v40, v6;
	v19 =	vld.idx.msk [tilespmem:v19+s13+$0x0], $0xffff  }
0x5c8: {  	v31 =	vor.u32 v61, v2;
	[tilespmem:v49+s25+$0x0] =	vst.idx.msk $0xffff, v23;
	v32 =	vld.idx.msk [tilespmem:v63+s13+$0x0], $0xffff;
	v63 =	vor.u32 v46, v10  }
0x5c9: {  	v49 =	vor.u32 v37, v11;
	[tilespmem:v21+s25+$0x0] =	vst.idx.msk $0xffff, v22;
	v25 =	vld.idx.msk [tilespmem:v25+s13+$0x0], $0xffff  }
0x5ca: {  	v28 =	vor.u32 v46, v15;
	v35 =	vor.u32 v46, v16;
	v45 =	vor.u32 v37, v13;
	v20 =	vld.idx.msk [tilespmem:v20+s13+$0x0], $0xffff  }
0x5cb: {  	[tilespmem:v27+s25+$0x0] =	vst.idx.msk $0xffff, v24;
	v24 =	vor.u32 v46, v17;
	v46 =	vld [tilespmem:$0x1FC40];
	v34 =	vor.u32 v57, v7  }
0x5cc: {  	v21 =	vor.u32 v37, v14;
	v27 =	vor.u32 v37, v12;
	v37 =	vld [tilespmem:$0x1FF20];
	[tilespmem:v30+s25+$0x0] =	vst.idx.msk $0xffff, v26  }
0x5cd: {  	v26 =	vld.idx.msk [tilespmem:v31+s13+$0x0], $0xffff;
	[tilespmem:v63+s25+$0x0] =	vst.idx.msk $0xffff, v32  }
0x5ce: {  	v23 =	vld.idx.msk [tilespmem:v49+s13+$0x0], $0xffff  }
0x5cf: {  	v49 =	vld [tilespmem:$0x1FF80]  }
0x5d0: {  	[tilespmem:v28+s25+$0x0] =	vst.idx.msk $0xffff, v29;
	v28 =	vld.idx.msk [tilespmem:v34+s13+$0x0], $0xffff  }
0x5d1: {  	v33 =	vor.u32 v41, v0;
	[tilespmem:v35+s25+$0x0] =	vst.idx.msk $0xffff, v19;
	v19 =	vld.idx.msk [tilespmem:v45+s13+$0x0], $0xffff  }
0x5d2: {  	v29 =	vor.u32 v40, v1;
	v45 =	vld [tilespmem:$0x1FD20]  }
0x5d3: {  	v39 =	vor.u32 v37, v10  }
0x5d4: {  	v31 =	vor.u32 v57, v2;
	v30 =	vor.u32 v46, v6;
	[tilespmem:v24+s25+$0x0] =	vst.idx.msk $0xffff, v25  }
0x5d5: {  	v25 =	vld.idx.msk [tilespmem:v27+s13+$0x0], $0xffff;
	v27 =	vor.u32 v43, v4  }
0x5d6: {  	v36 =	vld [tilespmem:$0x1FD50];
	v22 =	vor.u32 v37, v15;
	[tilespmem:v33+s25+$0x0] =	vst.idx.msk $0xffff, v20;
	v24 =	vor.u32 v49, v11  }
0x5d7: {  	v43 =	vld [tilespmem:$0x1FE10];
	[tilespmem:v29+s25+$0x0] =	vst.idx.msk $0xffff, v26;
	v26 =	vor.u32 v37, v17;
	v32 =	vor.u32 v45, v7  }
0x5d8: {  	v34 =	vor.u32 v37, v16;
	v21 =	vld.idx.msk [tilespmem:v21+s13+$0x0], $0xffff;
	v63 =	vor.u32 v49, v13;
	[tilespmem:v39+s25+$0x0] =	vst.idx.msk $0xffff, v23  }
0x5d9: {  	v29 =	vld.idx.msk [tilespmem:v31+s13+$0x0], $0xffff;
	[tilespmem:v30+s25+$0x0] =	vst.idx.msk $0xffff, v28;
	v28 =	vor.u32 v51, v5  }
0x5da: {  	v20 =	vor.u32 v49, v14;
	[tilespmem:v27+s25+$0x0] =	vst.idx.msk $0xffff, v18;
	v30 =	vor.u32 v49, v12;
	v49 =	vld [tilespmem:$0x1FF70]  }
0x5db: {  	[tilespmem:v22+s25+$0x0] =	vst.idx.msk $0xffff, v19;
	v22 =	vor.u32 v46, v1;
	v24 =	vld.idx.msk [tilespmem:v24+s13+$0x0], $0xffff  }
0x5dc: {  	[tilespmem:v26+s25+$0x0] =	vst.idx.msk $0xffff, v25;
	v19 =	vld.idx.msk [tilespmem:v32+s13+$0x0], $0xffff;
	v32 =	vor.u32 v45, v2  }
0x5dd: {  	v31 =	vor.u32 v42, v6;
	[tilespmem:v34+s25+$0x0] =	vst.idx.msk $0xffff, v21;
	v21 =	vld.idx.msk [tilespmem:v63+s13+$0x0], $0xffff  }
0x5de: {  	v27 =	vor.u32 v55, v10;
	v25 =	vld.idx.msk [tilespmem:v28+s13+$0x0], $0xffff  }
0x5df: {  	v26 =	vor.u32 v49, v11;
	v28 =	vld.idx.msk [tilespmem:v30+s13+$0x0], $0xffff  }
0x5e0: {  	v23 =	vor.u32 v55, v15;
	v33 =	vor.u32 v43, v7;
	[tilespmem:v22+s25+$0x0] =	vst.idx.msk $0xffff, v29;
	v20 =	vld.idx.msk [tilespmem:v20+s13+$0x0], $0xffff  }
0x5e1: {  	v63 =	vor.u32 v55, v16;
	v51 =	vor.u32 v49, v13;
	v29 =	vld.idx.msk [tilespmem:v32+s13+$0x0], $0xffff  }
0x5e2: {  	v18 =	vor.u32 v49, v14;
	[tilespmem:v31+s25+$0x0] =	vst.idx.msk $0xffff, v19;
	v19 =	vor.u32 v52, v5;
	v52 =	vld [tilespmem:$0x1FC50]  }
0x5e3: {  	v30 =	vor.u32 v56, v4;
	[tilespmem:v27+s25+$0x0] =	vst.idx.msk $0xffff, v24;
	v31 =	vor.u32 v49, v12;
	v49 =	vld [tilespmem:$0x1FE40]  }
0x5e4: {  	v22 =	vor.u32 v55, v17;
	v26 =	vld.idx.msk [tilespmem:v26+s13+$0x0], $0xffff  }
0x5e5: {  	[tilespmem:v23+s25+$0x0] =	vst.idx.msk $0xffff, v21;
	v21 =	vld.idx.msk [tilespmem:v33+s13+$0x0], $0xffff  }
0x5e6: {  	[tilespmem:v63+s25+$0x0] =	vst.idx.msk $0xffff, v20;
	v20 =	vld.idx.msk [tilespmem:v51+s13+$0x0], $0xffff  }
0x5e7: {  	v23 =	vor.u32 v42, v1;
	v51 =	vld [tilespmem:$0x1FEC0]  }
0x5e8: {  	[tilespmem:v30+s25+$0x0] =	vst.idx.msk $0xffff, v25;
	v33 =	vor.u32 v43, v2;
	v63 =	vld [tilespmem:$0x1FF60]  }
0x5e9: {  	[tilespmem:v22+s25+$0x0] =	vst.idx.msk $0xffff, v28;
	v18 =	vld.idx.msk [tilespmem:v18+s13+$0x0], $0xffff;
	v32 =	vor.u32 v52, v6  }
0x5ea: {  	v19 =	vld.idx.msk [tilespmem:v19+s13+$0x0], $0xffff  }
0x5eb: {  	v27 =	vor.u32 v49, v7;
	v28 =	vld.idx.msk [tilespmem:v31+s13+$0x0], $0xffff;
	v31 =	vor.u32 v41, v4  }
0x5ec: {  	[tilespmem:v23+s25+$0x0] =	vst.idx.msk $0xffff, v29;
	v41 =	vld [tilespmem:$0x1FF10];
	v24 =	vor.u32 v51, v15;
	v34 =	vor.u32 v51, v16  }
0x5ed: {  	v39 =	vor.u32 v63, v13;
	v25 =	vor.u32 v63, v14;
	v30 =	vor.u32 v51, v10;
	v29 =	vld.idx.msk [tilespmem:v33+s13+$0x0], $0xffff  }
0x5ee: {  	v22 =	vor.u32 v63, v11;
	[tilespmem:v32+s25+$0x0] =	vst.idx.msk $0xffff, v21;
	v32 =	vor.u32 v63, v12;
	v63 =	vld [tilespmem:$0x1FC60]  }
0x5ef: {  	v23 =	vor.u32 v51, v17;
	v51 =	vld [tilespmem:$0x1FE60]  }
0x5f0: {  	v35 =	vor.u32 v61, v3;
	v21 =	vor.u32 v61, v5;
	[tilespmem:v31+s25+$0x0] =	vst.idx.msk $0xffff, v19;
	v61 =	vld [tilespmem:$0x1FF50]  }
0x5f1: {  	[tilespmem:v24+s25+$0x0] =	vst.idx.msk $0xffff, v20;
	v20 =	vld.idx.msk [tilespmem:v27+s13+$0x0], $0xffff  }
0x5f2: {  	v24 =	vor.u32 v52, v1;
	[tilespmem:v34+s25+$0x0] =	vst.idx.msk $0xffff, v18;
	v18 =	vld.idx.msk [tilespmem:v39+s13+$0x0], $0xffff  }
0x5f3: {  	v33 =	vor.u32 v49, v2;
	[tilespmem:v30+s25+$0x0] =	vst.idx.msk $0xffff, v26;
	v25 =	vld.idx.msk [tilespmem:v25+s13+$0x0], $0xffff;
	v27 =	vor.u32 v63, v6  }
0x5f4: {  	v26 =	vor.u32 v41, v15;
	v30 =	vor.u32 v51, v7;
	[tilespmem:v23+s25+$0x0] =	vst.idx.msk $0xffff, v28;
	v22 =	vld.idx.msk [tilespmem:v22+s13+$0x0], $0xffff  }
0x5f5: {  	v34 =	vor.u32 v41, v16;
	v21 =	vld.idx.msk [tilespmem:v21+s13+$0x0], $0xffff  }
0x5f6: {  	v28 =	vld.idx.msk [tilespmem:v32+s13+$0x0], $0xffff  }
0x5f7: {  	v31 =	vor.u32 v41, v10;
	[tilespmem:v24+s25+$0x0] =	vst.idx.msk $0xffff, v29;
	v24 =	vor.u32 v41, v17;
	v41 =	vld [tilespmem:$0x1FCB0]  }
0x5f8: {  	v39 =	vor.u32 v40, v4;
	[tilespmem:v27+s25+$0x0] =	vst.idx.msk $0xffff, v20;
	v27 =	vld.idx.msk [tilespmem:v33+s13+$0x0], $0xffff  }
0x5f9: {  	v19 =	vor.u32 v61, v14;
	v23 =	vor.u32 v61, v11;
	[tilespmem:v26+s25+$0x0] =	vst.idx.msk $0xffff, v18;
	v18 =	vld.idx.msk [tilespmem:v30+s13+$0x0], $0xffff  }
0x5fa: {  	v29 =	vor.u32 v61, v12;
	[tilespmem:v34+s25+$0x0] =	vst.idx.msk $0xffff, v25;
	v25 =	vor.u32 v61, v13;
	v61 =	vld [tilespmem:$0x1FC70]  }
0x5fb: {  	v38 =	vld [tilespmem:$0x1FD60];
	v20 =	vor.u32 v57, v5  }
0x5fc: {  	v26 =	vor.u32 v63, v1;
	v33 =	vld.idx.msk [tilespmem:v35+s13+$0x0], $0xffff;
	[tilespmem:v31+s25+$0x0] =	vst.idx.msk $0xffff, v22  }
0x5fd: {  	v37 =	vld [tilespmem:$0x1FC00];
	v31 =	vor.u32 v40, v0;
	[tilespmem:v39+s25+$0x0] =	vst.idx.msk $0xffff, v21  }
0x5fe: {  	v35 =	vor.u32 v57, v3;
	v57 =	vor.u32 v50, v10;
	v23 =	vld.idx.msk [tilespmem:v23+s13+$0x0], $0xffff;
	[tilespmem:v24+s25+$0x0] =	vst.idx.msk $0xffff, v28  }
0x5ff: {  	v24 =	vor.u32 v41, v11;
	v28 =	vld.idx.msk [tilespmem:v29+s13+$0x0], $0xffff;
	v30 =	vor.u32 v61, v6  }
0x600: {  	v22 =	vor.u32 v36, v7;
	v29 =	vor.u32 v46, v4;
	v20 =	vld.idx.msk [tilespmem:v20+s13+$0x0], $0xffff  }
0x601: {  	v34 =	vor.u32 v50, v16;
	v19 =	vld.idx.msk [tilespmem:v19+s13+$0x0], $0xffff;
	[tilespmem:v26+s25+$0x0] =	vst.idx.msk $0xffff, v27  }
0x602: {  	v32 =	vor.u32 v46, v0;
	v46 =	vld [tilespmem:$0x1FCC0];
	[tilespmem:v31+s25+$0x0] =	vst.idx.msk $0xffff, v33  }
0x603: {  	v26 =	vor.u32 v50, v17;
	v33 =	vld.idx.msk [tilespmem:v35+s13+$0x0], $0xffff;
	[tilespmem:v57+s25+$0x0] =	vst.idx.msk $0xffff, v23  }
0x604: {  	v21 =	vor.u32 v41, v14;
	v24 =	vld.idx.msk [tilespmem:v24+s13+$0x0], $0xffff;
	[tilespmem:v30+s25+$0x0] =	vst.idx.msk $0xffff, v18  }
0x605: {  	v57 =	vor.u32 v45, v3;
	[tilespmem:v29+s25+$0x0] =	vst.idx.msk $0xffff, v20;
	v29 =	vor.u32 v48, v10;
	v22 =	vld.idx.msk [tilespmem:v22+s13+$0x0], $0xffff  }
0x606: {  	v27 =	vor.u32 v41, v12;
	[tilespmem:v34+s25+$0x0] =	vst.idx.msk $0xffff, v19;
	v19 =	vor.u32 v41, v13;
	v41 =	vld [tilespmem:$0x1FC80]  }
0x607: {  	v25 =	vld.idx.msk [tilespmem:v25+s13+$0x0], $0xffff  }
0x608: {  	v35 =	vld [tilespmem:$0x1FD40];
	v18 =	vor.u32 v45, v5;
	[tilespmem:v26+s25+$0x0] =	vst.idx.msk $0xffff, v28  }
0x609: {  	v30 =	vor.u32 v50, v15;
	v26 =	vor.u32 v46, v11;
	[tilespmem:v32+s25+$0x0] =	vst.idx.msk $0xffff, v33;
	v45 =	vld [tilespmem:$0x1FC90]  }
0x60a: {  	v33 =	vld.idx.msk [tilespmem:v57+s13+$0x0], $0xffff;
	[tilespmem:v29+s25+$0x0] =	vst.idx.msk $0xffff, v24;
	v29 =	vor.u32 v42, v0  }
0x60b: {  	v39 =	vor.u32 v43, v3;
	v27 =	vld.idx.msk [tilespmem:v27+s13+$0x0], $0xffff;
	v31 =	vor.u32 v41, v6  }
0x60c: {  	v23 =	vor.u32 v38, v7;
	v21 =	vld.idx.msk [tilespmem:v21+s13+$0x0], $0xffff  }
0x60d: {  	v34 =	vor.u32 v48, v16;
	v18 =	vld.idx.msk [tilespmem:v18+s13+$0x0], $0xffff  }
0x60e: {  	[tilespmem:v30+s25+$0x0] =	vst.idx.msk $0xffff, v25;
	v25 =	vor.u32 v42, v4;
	v26 =	vld.idx.msk [tilespmem:v26+s13+$0x0], $0xffff  }
0x60f: {  	v20 =	vor.u32 v46, v14;
	v28 =	vor.u32 v48, v17;
	v19 =	vld.idx.msk [tilespmem:v19+s13+$0x0], $0xffff;
	[tilespmem:v29+s25+$0x0] =	vst.idx.msk $0xffff, v33  }
0x610: {  	v30 =	vor.u32 v46, v12;
	v33 =	vld.idx.msk [tilespmem:v39+s13+$0x0], $0xffff;
	[tilespmem:v31+s25+$0x0] =	vst.idx.msk $0xffff, v22  }
0x611: {  	v22 =	vor.u32 v43, v5;
	v31 =	vor.u32 v48, v15;
	v23 =	vld.idx.msk [tilespmem:v23+s13+$0x0], $0xffff  }
0x612: {  	v32 =	vor.u32 v45, v6;
	[tilespmem:v34+s25+$0x0] =	vst.idx.msk $0xffff, v21;
	v21 =	vor.u32 v46, v13;
	v46 =	vld [tilespmem:$0x1FD00]  }
0x613: {  	v24 =	vor.u32 v47, v7;
	[tilespmem:v25+s25+$0x0] =	vst.idx.msk $0xffff, v18;
	v39 =	vld [tilespmem:$0x1FEB0]  }
0x614: {  	v57 =	vor.u32 v37, v16;
	[tilespmem:v28+s25+$0x0] =	vst.idx.msk $0xffff, v27;
	v20 =	vld.idx.msk [tilespmem:v20+s13+$0x0], $0xffff  }
0x615: {  	v28 =	vld.idx.msk [tilespmem:v30+s13+$0x0], $0xffff  }
0x616: {  	v25 =	vor.u32 v37, v10;
	v22 =	vld.idx.msk [tilespmem:v22+s13+$0x0], $0xffff;
	[tilespmem:v31+s25+$0x0] =	vst.idx.msk $0xffff, v19  }
0x617: {  	v19 =	vor.u32 v52, v4;
	v18 =	vor.u32 v46, v14;
	v21 =	vld.idx.msk [tilespmem:v21+s13+$0x0], $0xffff;
	[tilespmem:v32+s25+$0x0] =	vst.idx.msk $0xffff, v23  }
0x618: {  	v30 =	vor.u32 v37, v17;
	v27 =	vor.u32 v46, v11;
	v24 =	vld.idx.msk [tilespmem:v24+s13+$0x0], $0xffff  }
0x619: {  	v23 =	vor.u32 v49, v5;
	[tilespmem:v57+s25+$0x0] =	vst.idx.msk $0xffff, v20;
	v57 =	vld [tilespmem:$0x1FE90]  }
0x61a: {  	v31 =	vor.u32 v46, v12;
	v32 =	vor.u32 v37, v15;
	v20 =	vor.u32 v46, v13;
	v46 =	vld [tilespmem:$0x1FD30]  }
0x61b: {  	[tilespmem:v25+s25+$0x0] =	vst.idx.msk $0xffff, v26;
	v25 =	vor.u32 v52, v0;
	v37 =	vld [tilespmem:$0x1FDE0]  }
0x61c: {  	v34 =	vor.u32 v49, v3;
	[tilespmem:v19+s25+$0x0] =	vst.idx.msk $0xffff, v22;
	v18 =	vld.idx.msk [tilespmem:v18+s13+$0x0], $0xffff  }
0x61d: {  	v29 =	vor.u32 v62, v6;
	v27 =	vld.idx.msk [tilespmem:v27+s13+$0x0], $0xffff;
	[tilespmem:v30+s25+$0x0] =	vst.idx.msk $0xffff, v28  }
0x61e: {  	v7 =	vor.u32 v59, v7;
	v26 =	vor.u32 v57, v16;
	v23 =	vld.idx.msk [tilespmem:v23+s13+$0x0], $0xffff  }
0x61f: {  	[tilespmem:v32+s25+$0x0] =	vst.idx.msk $0xffff, v21;
	v19 =	vor.u32 v46, v14;
	v49 =	vor.u32 v57, v10;
	v30 =	vld.idx.msk [tilespmem:v31+s13+$0x0], $0xffff  }
0x620: {  	v52 =	vor.u32 v63, v4;
	[tilespmem:v25+s25+$0x0] =	vst.idx.msk $0xffff, v33;
	v28 =	vor.u32 v46, v11;
	v20 =	vld.idx.msk [tilespmem:v20+s13+$0x0], $0xffff  }
0x621: {  	v63 =	vor.u32 v63, v0;
	v6 =	vor.u32 v37, v6;
	v31 =	vor.u32 v57, v17;
	v25 =	vld.idx.msk [tilespmem:v34+s13+$0x0], $0xffff  }
0x622: {  	[tilespmem:v29+s25+$0x0] =	vst.idx.msk $0xffff, v24;
	v24 =	vor.u32 v51, v5;
	v29 =	vor.u32 v46, v12;
	v34 =	vld [tilespmem:$0x1FE20]  }
0x623: {  	v57 =	vor.u32 v57, v15;
	v7 =	vld.idx.msk [tilespmem:v7+s13+$0x0], $0xffff;
	[tilespmem:v26+s25+$0x0] =	vst.idx.msk $0xffff, v18;
	v18 =	vor.u32 v46, v13  }
0x624: {  	[tilespmem:v49+s25+$0x0] =	vst.idx.msk $0xffff, v27;
	v26 =	vor.u32 v51, v2;
	v27 =	vor.u32 v39, v16;
	v19 =	vld.idx.msk [tilespmem:v19+s13+$0x0], $0xffff  }
0x625: {  	v46 =	vor.u32 v51, v3;
	[tilespmem:v52+s25+$0x0] =	vst.idx.msk $0xffff, v23;
	v51 =	vor.u32 v39, v10;
	v28 =	vld.idx.msk [tilespmem:v28+s13+$0x0], $0xffff  }
0x626: {  	v52 =	vor.u32 v39, v15;
	[tilespmem:v31+s25+$0x0] =	vst.idx.msk $0xffff, v30;
	v31 =	vor.u32 v39, v17;
	v39 =	vld [tilespmem:$0x1FED0]  }
0x627: {  	v24 =	vld.idx.msk [tilespmem:v24+s13+$0x0], $0xffff  }
0x628: {  	v49 =	vor.u32 v34, v14;
	[tilespmem:v57+s25+$0x0] =	vst.idx.msk $0xffff, v20;
	v20 =	vor.u32 v61, v4;
	v29 =	vld.idx.msk [tilespmem:v29+s13+$0x0], $0xffff  }
0x629: {  	v30 =	vor.u32 v34, v11;
	[tilespmem:v6+s25+$0x0] =	vst.idx.msk $0xffff, v7;
	v18 =	vld.idx.msk [tilespmem:v18+s13+$0x0], $0xffff  }
0x62a: {  	v6 =	vor.u32 v36, v5;
	[tilespmem:v63+s25+$0x0] =	vst.idx.msk $0xffff, v25;
	v57 =	vld.idx.msk [tilespmem:v26+s13+$0x0], $0xffff  }
0x62b: {  	v7 =	vor.u32 v34, v12;
	v63 =	vor.u32 v61, v0;
	v25 =	vld.idx.msk [tilespmem:v46+s13+$0x0], $0xffff;
	[tilespmem:v27+s25+$0x0] =	vst.idx.msk $0xffff, v19  }
0x62c: {  	v26 =	vor.u32 v61, v1;
	v61 =	vld [tilespmem:$0x1FEE0];
	v19 =	vor.u32 v34, v13;
	[tilespmem:v51+s25+$0x0] =	vst.idx.msk $0xffff, v28  }
0x62d: {  	v46 =	vor.u32 v36, v3;
	v21 =	vld.idx.msk [tilespmem:v49+s13+$0x0], $0xffff;
	[tilespmem:v20+s25+$0x0] =	vst.idx.msk $0xffff, v24  }
0x62e: {  	v27 =	vor.u32 v36, v2;
	v28 =	vor.u32 v39, v16;
	v30 =	vld.idx.msk [tilespmem:v30+s13+$0x0], $0xffff;
	[tilespmem:v31+s25+$0x0] =	vst.idx.msk $0xffff, v29  }
0x62f: {  	v20 =	vor.u32 v35, v14;
	v24 =	vor.u32 v39, v10;
	v6 =	vld.idx.msk [tilespmem:v6+s13+$0x0], $0xffff  }
0x630: {  	v7 =	vld.idx.msk [tilespmem:v7+s13+$0x0], $0xffff;
	[tilespmem:v52+s25+$0x0] =	vst.idx.msk $0xffff, v18;
	v18 =	vor.u32 v41, v4  }
0x631: {  	v29 =	vor.u32 v35, v11;
	v31 =	vor.u32 v39, v17;
	[tilespmem:v63+s25+$0x0] =	vst.idx.msk $0xffff, v25;
	v19 =	vld.idx.msk [tilespmem:v19+s13+$0x0], $0xffff  }
0x632: {  	v49 =	vor.u32 v38, v5;
	[tilespmem:v26+s25+$0x0] =	vst.idx.msk $0xffff, v57;
	v26 =	vor.u32 v39, v15;
	v25 =	vld.idx.msk [tilespmem:v46+s13+$0x0], $0xffff  }
0x633: {  	v57 =	vor.u32 v35, v13;
	v52 =	vld.idx.msk [tilespmem:v27+s13+$0x0], $0xffff;
	[tilespmem:v28+s25+$0x0] =	vst.idx.msk $0xffff, v21;
	v27 =	vor.u32 v41, v1  }
0x634: {  	v51 =	vor.u32 v35, v12;
	[tilespmem:v24+s25+$0x0] =	vst.idx.msk $0xffff, v30;
	v30 =	vor.u32 v61, v16;
	v20 =	vld.idx.msk [tilespmem:v20+s13+$0x0], $0xffff  }
0x635: {  	v24 =	vor.u32 v41, v0;
	v28 =	vor.u32 v38, v2;
	[tilespmem:v18+s25+$0x0] =	vst.idx.msk $0xffff, v6  }
0x636: {  	v63 =	vor.u32 v38, v3;
	v29 =	vld.idx.msk [tilespmem:v29+s13+$0x0], $0xffff;
	v18 =	vor.u32 v61, v10;
	[tilespmem:v31+s25+$0x0] =	vst.idx.msk $0xffff, v7  }
0x637: {  	v6 =	vor.u32 v44, v14;
	[tilespmem:v26+s25+$0x0] =	vst.idx.msk $0xffff, v19;
	v19 =	vor.u32 v45, v4;
	v7 =	vld.idx.msk [tilespmem:v49+s13+$0x0], $0xffff  }
0x638: {  	v31 =	vor.u32 v44, v11;
	v21 =	vld.idx.msk [tilespmem:v57+s13+$0x0], $0xffff;
	[tilespmem:v27+s25+$0x0] =	vst.idx.msk $0xffff, v52;
	v27 =	vor.u32 v61, v15  }
0x639: {  	v26 =	vor.u32 v61, v17;
	v22 =	vld.idx.msk [tilespmem:v51+s13+$0x0], $0xffff;
	[tilespmem:v30+s25+$0x0] =	vst.idx.msk $0xffff, v20;
	v20 =	vor.u32 v44, v13  }
0x63a: {  	v39 =	vor.u32 v47, v5;
	[tilespmem:v24+s25+$0x0] =	vst.idx.msk $0xffff, v25;
	v24 =	vld.idx.msk [tilespmem:v28+s13+$0x0], $0xffff  }
0x63b: {  	v43 =	vor.u32 v44, v12;
	v25 =	vld.idx.msk [tilespmem:v63+s13+$0x0], $0xffff;
	v28 =	vor.u32 v45, v1;
	[tilespmem:v18+s25+$0x0] =	vst.idx.msk $0xffff, v29  }
0x63c: {  	v6 =	vld.idx.msk [tilespmem:v6+s13+$0x0], $0xffff;
	v18 =	vor.u32 v45, v0;
	[tilespmem:v19+s25+$0x0] =	vst.idx.msk $0xffff, v7  }
0x63d: {  	v30 =	vor.u32 v53, v16;
	v31 =	vld.idx.msk [tilespmem:v31+s13+$0x0], $0xffff;
	[tilespmem:v27+s25+$0x0] =	vst.idx.msk $0xffff, v21  }
0x63e: {  	v46 =	vor.u32 v47, v3;
	v19 =	vor.u32 v53, v10;
	[tilespmem:v26+s25+$0x0] =	vst.idx.msk $0xffff, v22;
	v20 =	vld.idx.msk [tilespmem:v20+s13+$0x0], $0xffff  }
0x63f: {  	v49 =	vor.u32 v62, v4;
	v29 =	vor.u32 v47, v2;
	v22 =	vld.idx.msk [tilespmem:v39+s13+$0x0], $0xffff  }
0x640: {  	v7 =	vor.u32 v60, v14;
	v27 =	vor.u32 v53, v17;
	[tilespmem:v28+s25+$0x0] =	vst.idx.msk $0xffff, v24;
	v23 =	vld.idx.msk [tilespmem:v43+s13+$0x0], $0xffff  }
0x641: {  	v33 =	vld [tilespmem:$0x1FE00];
	v5 =	vor.u32 v59, v5;
	[tilespmem:v18+s25+$0x0] =	vst.idx.msk $0xffff, v25  }
0x642: {  	v32 =	vld [tilespmem:$0x1FD90];
	v26 =	vor.u32 v60, v11;
	v28 =	vor.u32 v53, v15;
	[tilespmem:v30+s25+$0x0] =	vst.idx.msk $0xffff, v6  }
0x643: {  	v6 =	vor.u32 v60, v13;
	v25 =	vld.idx.msk [tilespmem:v46+s13+$0x0], $0xffff;
	[tilespmem:v19+s25+$0x0] =	vst.idx.msk $0xffff, v31  }
0x644: {  	v24 =	vor.u32 v60, v12;
	v18 =	vld.idx.msk [tilespmem:v29+s13+$0x0], $0xffff;
	v29 =	vor.u32 v62, v1;
	[tilespmem:v49+s25+$0x0] =	vst.idx.msk $0xffff, v22  }
0x645: {  	v30 =	vld.idx.msk [tilespmem:v7+s13+$0x0], $0xffff;
	v19 =	vor.u32 v62, v0;
	v31 =	vor.u32 v59, v2;
	[tilespmem:v27+s25+$0x0] =	vst.idx.msk $0xffff, v23  }
0x646: {  	v4 =	vor.u32 v37, v4;
	v5 =	vld.idx.msk [tilespmem:v5+s13+$0x0], $0xffff  }
0x647: {  	v3 =	vor.u32 v59, v3;
	v51 =	vor.u32 v58, v16;
	v26 =	vld.idx.msk [tilespmem:v26+s13+$0x0], $0xffff;
	[tilespmem:v28+s25+$0x0] =	vst.idx.msk $0xffff, v20  }
0x648: {  	v52 =	vor.u32 v33, v14;
	v57 =	vor.u32 v58, v10;
	v27 =	vld.idx.msk [tilespmem:v6+s13+$0x0], $0xffff  }
0x649: {  	v61 =	vor.u32 v33, v11;
	[tilespmem:v29+s25+$0x0] =	vst.idx.msk $0xffff, v18;
	v24 =	vld.idx.msk [tilespmem:v24+s13+$0x0], $0xffff  }
0x64a: {  	v7 =	vmov v14;
	v14 =	vor.u32 v58, v15;
	[tilespmem:v19+s25+$0x0] =	vst.idx.msk $0xffff, v25;
	v18 =	vld.idx.msk [tilespmem:v31+s13+$0x0], $0xffff  }
0x64b: {  	v2 =	vmov v13;
	v20 =	vor.u32 v58, v17;
	[tilespmem:v4+s25+$0x0] =	vst.idx.msk $0xffff, v5;
	v4 =	vld [tilespmem:$0x1FE30]  }
0x64c: {  	v28 =	vor.u32 v37, v1;
	[tilespmem:v51+s25+$0x0] =	vst.idx.msk $0xffff, v30;
	v19 =	vor.u32 v33, v2;
	v25 =	vld.idx.msk [tilespmem:v3+s13+$0x0], $0xffff  }
0x64d: {  	v63 =	vor.u32 v37, v0;
	v21 =	vld.idx.msk [tilespmem:v52+s13+$0x0], $0xffff;
	[tilespmem:v57+s25+$0x0] =	vst.idx.msk $0xffff, v26  }
0x64e: {  	v13 =	vor.u32 v33, v12;
	v0 =	vmov v10;
	v26 =	vor.u32 v32, v16;
	v23 =	vld.idx.msk [tilespmem:v61+s13+$0x0], $0xffff  }
0x64f: {  	s0 =	sadd.s32 $0x4, s0;
	v29 =	vor.u32 v32, v0;
	[tilespmem:v14+s25+$0x0] =	vst.idx.msk $0xffff, v27;
	v27 =	vld [tilespmem:$0x1FE30]  }
0x650: {  	p0 =	slt.u32 s0, $0x1C;
	v1 =	vmov v15;
	v30 =	vld [tilespmem:$0x1FE50];
	[tilespmem:v20+s25+$0x0] =	vst.idx.msk $0xffff, v24;
	v15 =	vor.u32 v4, v7  }
.Ltmp7:
0x651: {  	v3 =	vmov v11;
	v11 =	vld.idx.msk [tilespmem:v19+s13+$0x0], $0xffff;
	[tilespmem:v28+s25+$0x0] =	vst.idx.msk $0xffff, v18;
	(pc) =	sbr.rel @p0 .LBB2_16-.Ltmp7, $4  }
0x652: {  	[tilespmem:v63+s25+$0x0] =	vst.idx.msk $0xffff, v25  }
0x653: {  	v9 =	vor.u32 v54, v16;
	v6 =	vmov v16;
	v5 =	vmov v12;
	v10 =	vld.idx.msk [tilespmem:v13+s13+$0x0], $0xffff;
	[tilespmem:v26+s25+$0x0] =	vst.idx.msk $0xffff, v21  }
0x654: {  	[tilespmem:v29+s25+$0x0] =	vst.idx.msk $0xffff, v23;
	v12 =	vor.u32 v27, v5;
	v18 =	vor.u32 v27, v2;
	v4 =	vmov v17  }
0x655: {  	s2 =	sadd.s32 $0x40, s2;
	v17 =	vor.u32 v32, v1;
	v14 =	vor.u32 v32, v4;
	v16 =	vld.idx.msk [tilespmem:v15+s13+$0x0], $0xffff;
	v15 =	vor.u32 v30, v7  }
0x656: {  	_ =	sdelay $0x3  }
0x657: {  	[tilespmem:v14+s25+$0x0] =	vst.idx.msk $0xffff, v10  }
0x658: {  	v10 =	vor.u32 v54, v4;
	v12 =	vld.idx.msk [tilespmem:v12+s13+$0x0], $0xffff  }
0x659: {  	[tilespmem:v17+s25+$0x0] =	vst.idx.msk $0xffff, v11  }
0x65a: {  	[tilespmem:v9+s25+$0x0] =	vst.idx.msk $0xffff, v16  }
0x65b: {  	v20 =	vld [tilespmem:$0x1FC20]  }
0x65c: {  	v11 =	vor.u32 v54, v1;
	v13 =	vld.idx.msk [tilespmem:v18+s13+$0x0], $0xffff;
	v14 =	vor.u32 v30, v5  }
0x65d: {  	[tilespmem:v10+s25+$0x0] =	vst.idx.msk $0xffff, v12  }
0x65e: {  	v21 =	vld [tilespmem:$0x1FCD0]  }
0x65f: {  	v8 =	vld.idx.msk [tilespmem:v8+s13+$0x0], $0xffff;
	v17 =	vor.u32 v30, v2;
	v18 =	vor.u32 v54, v0  }
0x660: {  	v9 =	vld.idx.msk [tilespmem:v15+s13+$0x0], $0xffff;
	v15 =	vor.u32 v20, v6  }
0x661: {  	v19 =	vor.u32 v30, v3;
	[tilespmem:v11+s25+$0x0] =	vst.idx.msk $0xffff, v13;
	v11 =	vld.idx.msk [tilespmem:v14+s13+$0x0], $0xffff;
	v12 =	vor.u32 v20, v4;
	_ =	sdelay $0x1  }
0x662: {  	v10 =	vor.u32 v21, v7  }
0x663: {  	[tilespmem:v18+s25+$0x0] =	vst.idx.msk $0xffff, v8;
	v13 =	vld.idx.msk [tilespmem:v17+s13+$0x0], $0xffff;
	v8 =	vor.u32 v20, v1;
	v14 =	vor.u32 v21, v5  }
0x664: {  	[tilespmem:v15+s25+$0x0] =	vst.idx.msk $0xffff, v9  }
0x665: {  	v16 =	vld.idx.msk [tilespmem:v19+s13+$0x0], $0xffff;
	[tilespmem:v12+s25+$0x0] =	vst.idx.msk $0xffff, v11  }
0x666: {  	v18 =	vor.u32 v20, v0;
	v46 =	vld [tilespmem:$0x1FCE0]  }
0x667: {  	v9 =	vld.idx.msk [tilespmem:v10+s13+$0x0], $0xffff;
	v10 =	vor.u32 v56, v6  }
0x668: {  	v12 =	vor.u32 v56, v4;
	[tilespmem:v8+s25+$0x0] =	vst.idx.msk $0xffff, v13;
	v8 =	vld.idx.msk [tilespmem:v14+s13+$0x0], $0xffff;
	_ =	sdelay $0x2  }
0x669: {  	v17 =	vor.u32 v21, v2;
	[tilespmem:v18+s25+$0x0] =	vst.idx.msk $0xffff, v16  }
0x66a: {  	v19 =	vor.u32 v21, v3;
	[tilespmem:v10+s25+$0x0] =	vst.idx.msk $0xffff, v9  }
0x66b: {  	v11 =	vor.u32 v46, v7;
	v49 =	vld [tilespmem:$0x1FC30];
	[tilespmem:v12+s25+$0x0] =	vst.idx.msk $0xffff, v8  }
0x66c: {  	v15 =	vor.u32 v46, v5;
	v51 =	vld [tilespmem:$0x1FCF0];
	_ =	sdelay $0x1  }
0x66d: {  	v13 =	vld.idx.msk [tilespmem:v17+s13+$0x0], $0xffff;
	v14 =	vor.u32 v56, v1  }
0x66e: {  	v16 =	vor.u32 v56, v0;
	v18 =	vld.idx.msk [tilespmem:v19+s13+$0x0], $0xffff;
	v17 =	vor.u32 v46, v2  }
0x66f: {  	v19 =	vor.u32 v46, v3;
	v9 =	vld.idx.msk [tilespmem:v11+s13+$0x0], $0xffff;
	v10 =	vor.u32 v49, v6  }
0x670: {  	v11 =	vld.idx.msk [tilespmem:v15+s13+$0x0], $0xffff;
	v12 =	vor.u32 v49, v4;
	v8 =	vor.u32 v51, v7;
	_ =	sdelay $0x1  }
0x671: {  	[tilespmem:v14+s25+$0x0] =	vst.idx.msk $0xffff, v13;
	v15 =	vor.u32 v51, v5  }
0x672: {  	[tilespmem:v16+s25+$0x0] =	vst.idx.msk $0xffff, v18;
	v13 =	vld.idx.msk [tilespmem:v17+s13+$0x0], $0xffff  }
0x673: {  	v17 =	vld.idx.msk [tilespmem:v19+s13+$0x0], $0xffff;
	v14 =	vor.u32 v49, v1;
	[tilespmem:v10+s25+$0x0] =	vst.idx.msk $0xffff, v9  }
0x674: {  	v18 =	vor.u32 v49, v0;
	[tilespmem:v12+s25+$0x0] =	vst.idx.msk $0xffff, v11;
	v8 =	vld.idx.msk [tilespmem:v8+s13+$0x0], $0xffff  }
0x675: {  	v9 =	vor.u32 v40, v6;
	v52 =	vld [tilespmem:$0x1FD10]  }
0x676: {  	v12 =	vor.u32 v40, v4;
	v11 =	vld.idx.msk [tilespmem:v15+s13+$0x0], $0xffff;
	_ =	sdelay $0x1  }
0x677: {  	[tilespmem:v14+s25+$0x0] =	vst.idx.msk $0xffff, v13  }
0x678: {  	v16 =	vor.u32 v51, v2;
	[tilespmem:v18+s25+$0x0] =	vst.idx.msk $0xffff, v17  }
0x679: {  	v19 =	vor.u32 v51, v3;
	[tilespmem:v9+s25+$0x0] =	vst.idx.msk $0xffff, v8  }
0x67a: {  	v10 =	vor.u32 v52, v7;
	v57 =	vld [tilespmem:$0x1FC40];
	[tilespmem:v12+s25+$0x0] =	vst.idx.msk $0xffff, v11  }
0x67b: {  	v15 =	vor.u32 v52, v5;
	v61 =	vld [tilespmem:$0x1FD20];
	_ =	sdelay $0x1  }
0x67c: {  	v14 =	vor.u32 v40, v1;
	v13 =	vld.idx.msk [tilespmem:v16+s13+$0x0], $0xffff  }
0x67d: {  	v18 =	vor.u32 v40, v0;
	v17 =	vld.idx.msk [tilespmem:v19+s13+$0x0], $0xffff;
	v16 =	vor.u32 v52, v2  }
0x67e: {  	v19 =	vor.u32 v52, v3;
	v8 =	vld.idx.msk [tilespmem:v10+s13+$0x0], $0xffff;
	v9 =	vor.u32 v57, v6  }
0x67f: {  	v11 =	vld.idx.msk [tilespmem:v15+s13+$0x0], $0xffff;
	v12 =	vor.u32 v57, v4;
	v10 =	vor.u32 v61, v7;
	_ =	sdelay $0x1  }
0x680: {  	[tilespmem:v14+s25+$0x0] =	vst.idx.msk $0xffff, v13  }
0x681: {  	[tilespmem:v18+s25+$0x0] =	vst.idx.msk $0xffff, v17;
	v13 =	vld.idx.msk [tilespmem:v16+s13+$0x0], $0xffff;
	v14 =	vor.u32 v57, v1  }
0x682: {  	v17 =	vld.idx.msk [tilespmem:v19+s13+$0x0], $0xffff;
	v18 =	vor.u32 v57, v0;
	[tilespmem:v9+s25+$0x0] =	vst.idx.msk $0xffff, v8  }
0x683: {  	v15 =	vor.u32 v61, v5;
	v9 =	vor.u32 v42, v6;
	[tilespmem:v12+s25+$0x0] =	vst.idx.msk $0xffff, v11;
	v8 =	vld.idx.msk [tilespmem:v10+s13+$0x0], $0xffff  }
0x684: {  	v63 =	vld [tilespmem:$0x1FE10];
	_ =	sdelay $0x1  }
0x685: {  	[tilespmem:v14+s25+$0x0] =	vst.idx.msk $0xffff, v13  }
0x686: {  	v16 =	vor.u32 v61, v2;
	[tilespmem:v18+s25+$0x0] =	vst.idx.msk $0xffff, v17  }
0x687: {  	v19 =	vor.u32 v61, v3;
	v11 =	vld.idx.msk [tilespmem:v15+s13+$0x0], $0xffff;
	[tilespmem:v9+s25+$0x0] =	vst.idx.msk $0xffff, v8  }
0x688: {  	v12 =	vor.u32 v42, v4;
	v10 =	vor.u32 v63, v7;
	v37 =	vld [tilespmem:$0x1FC50];
	_ =	sdelay $0x2  }
0x689: {  	v14 =	vor.u32 v42, v1;
	v13 =	vld.idx.msk [tilespmem:v16+s13+$0x0], $0xffff  }
0x68a: {  	v18 =	vor.u32 v42, v0;
	v17 =	vld.idx.msk [tilespmem:v19+s13+$0x0], $0xffff  }
0x68b: {  	v15 =	vor.u32 v63, v5;
	[tilespmem:v12+s25+$0x0] =	vst.idx.msk $0xffff, v11;
	v8 =	vld.idx.msk [tilespmem:v10+s13+$0x0], $0xffff;
	v9 =	vor.u32 v37, v6  }
0x68c: {  	v39 =	vld [tilespmem:$0x1FE40];
	_ =	sdelay $0x1  }
0x68d: {  	[tilespmem:v14+s25+$0x0] =	vst.idx.msk $0xffff, v13  }
0x68e: {  	v16 =	vor.u32 v63, v2;
	[tilespmem:v18+s25+$0x0] =	vst.idx.msk $0xffff, v17  }
0x68f: {  	v19 =	vor.u32 v63, v3;
	v11 =	vld.idx.msk [tilespmem:v15+s13+$0x0], $0xffff;
	[tilespmem:v9+s25+$0x0] =	vst.idx.msk $0xffff, v8  }
0x690: {  	v12 =	vor.u32 v37, v4;
	v10 =	vor.u32 v39, v7;
	v40 =	vld [tilespmem:$0x1FC60];
	_ =	sdelay $0x2  }
0x691: {  	v13 =	vld.idx.msk [tilespmem:v16+s13+$0x0], $0xffff;
	v14 =	vor.u32 v37, v1  }
0x692: {  	v17 =	vld.idx.msk [tilespmem:v19+s13+$0x0], $0xffff;
	v18 =	vor.u32 v37, v0  }
0x693: {  	v8 =	vld.idx.msk [tilespmem:v10+s13+$0x0], $0xffff;
	[tilespmem:v12+s25+$0x0] =	vst.idx.msk $0xffff, v11;
	v9 =	vor.u32 v40, v6  }
0x694: {  	v41 =	vld [tilespmem:$0x1FE60];
	_ =	sdelay $0x1  }
0x695: {  	v15 =	vor.u32 v39, v5;
	[tilespmem:v14+s25+$0x0] =	vst.idx.msk $0xffff, v13  }
0x696: {  	v16 =	vor.u32 v39, v2;
	[tilespmem:v18+s25+$0x0] =	vst.idx.msk $0xffff, v17  }
0x697: {  	v19 =	vor.u32 v39, v3;
	[tilespmem:v9+s25+$0x0] =	vst.idx.msk $0xffff, v8  }
0x698: {  	v10 =	vor.u32 v41, v7;
	v42 =	vld [tilespmem:$0x1FC70];
	_ =	sdelay $0x1  }
0x699: {  	v11 =	vld.idx.msk [tilespmem:v15+s13+$0x0], $0xffff;
	v12 =	vor.u32 v40, v4  }
0x69a: {  	v13 =	vld.idx.msk [tilespmem:v16+s13+$0x0], $0xffff;
	v14 =	vor.u32 v40, v1  }
0x69b: {  	v16 =	vld.idx.msk [tilespmem:v19+s13+$0x0], $0xffff;
	v17 =	vor.u32 v40, v0  }
0x69c: {  	v8 =	vld.idx.msk [tilespmem:v10+s13+$0x0], $0xffff;
	v9 =	vor.u32 v42, v6;
	_ =	sdelay $0x1  }
0x69d: {  	[tilespmem:v12+s25+$0x0] =	vst.idx.msk $0xffff, v11  }
0x69e: {  	v15 =	vor.u32 v41, v5;
	[tilespmem:v14+s25+$0x0] =	vst.idx.msk $0xffff, v13  }
0x69f: {  	v18 =	vor.u32 v41, v2;
	[tilespmem:v17+s25+$0x0] =	vst.idx.msk $0xffff, v16  }
0x6a0: {  	v19 =	vor.u32 v41, v3;
	[tilespmem:v9+s25+$0x0] =	vst.idx.msk $0xffff, v8  }
0x6a1: {  	v10 =	vor.u32 v36, v7;
	v43 =	vld [tilespmem:$0x1FC80];
	_ =	sdelay $0x1  }
0x6a2: {  	v11 =	vld.idx.msk [tilespmem:v15+s13+$0x0], $0xffff;
	v12 =	vor.u32 v42, v4  }
0x6a3: {  	v14 =	vld.idx.msk [tilespmem:v18+s13+$0x0], $0xffff;
	v15 =	vor.u32 v42, v1  }
0x6a4: {  	v16 =	vld.idx.msk [tilespmem:v19+s13+$0x0], $0xffff;
	v17 =	vor.u32 v42, v0  }
0x6a5: {  	v8 =	vld.idx.msk [tilespmem:v10+s13+$0x0], $0xffff;
	v9 =	vor.u32 v43, v6;
	_ =	sdelay $0x1  }
0x6a6: {  	[tilespmem:v12+s25+$0x0] =	vst.idx.msk $0xffff, v11  }
0x6a7: {  	v13 =	vor.u32 v36, v5;
	[tilespmem:v15+s25+$0x0] =	vst.idx.msk $0xffff, v14  }
0x6a8: {  	v18 =	vor.u32 v36, v2;
	[tilespmem:v17+s25+$0x0] =	vst.idx.msk $0xffff, v16  }
0x6a9: {  	v19 =	vor.u32 v36, v3;
	[tilespmem:v9+s25+$0x0] =	vst.idx.msk $0xffff, v8  }
0x6aa: {  	v10 =	vor.u32 v38, v7;
	v45 =	vld [tilespmem:$0x1FC90];
	_ =	sdelay $0x1  }
0x6ab: {  	v11 =	vld.idx.msk [tilespmem:v13+s13+$0x0], $0xffff;
	v12 =	vor.u32 v43, v4  }
0x6ac: {  	v13 =	vor.u32 v38, v5;
	v14 =	vld.idx.msk [tilespmem:v18+s13+$0x0], $0xffff;
	v15 =	vor.u32 v43, v1  }
0x6ad: {  	v16 =	vld.idx.msk [tilespmem:v19+s13+$0x0], $0xffff;
	v18 =	vor.u32 v38, v2;
	v17 =	vor.u32 v43, v0  }
0x6ae: {  	v19 =	vor.u32 v38, v3;
	v8 =	vld.idx.msk [tilespmem:v10+s13+$0x0], $0xffff;
	v9 =	vor.u32 v45, v6  }
0x6af: {  	v10 =	vor.u32 v47, v7  }
0x6b0: {  	[tilespmem:v12+s25+$0x0] =	vst.idx.msk $0xffff, v11  }
0x6b1: {  	[tilespmem:v15+s25+$0x0] =	vst.idx.msk $0xffff, v14;
	v11 =	vld.idx.msk [tilespmem:v13+s13+$0x0], $0xffff;
	v12 =	vor.u32 v45, v4  }
0x6b2: {  	[tilespmem:v17+s25+$0x0] =	vst.idx.msk $0xffff, v16;
	v14 =	vld.idx.msk [tilespmem:v18+s13+$0x0], $0xffff;
	v15 =	vor.u32 v45, v1  }
0x6b3: {  	v16 =	vld.idx.msk [tilespmem:v19+s13+$0x0], $0xffff;
	v17 =	vor.u32 v45, v0;
	[tilespmem:v9+s25+$0x0] =	vst.idx.msk $0xffff, v8  }
0x6b4: {  	v13 =	vor.u32 v47, v5;
	v9 =	vor.u32 v62, v6;
	v8 =	vld.idx.msk [tilespmem:v10+s13+$0x0], $0xffff;
	_ =	sdelay $0x1  }
0x6b5: {  	v18 =	vor.u32 v47, v2;
	[tilespmem:v12+s25+$0x0] =	vst.idx.msk $0xffff, v11  }
0x6b6: {  	v19 =	vor.u32 v47, v3;
	[tilespmem:v15+s25+$0x0] =	vst.idx.msk $0xffff, v14  }
0x6b7: {  	[tilespmem:v17+s25+$0x0] =	vst.idx.msk $0xffff, v16  }
0x6b8: {  	v10 =	vld.idx.msk [tilespmem:v13+s13+$0x0], $0xffff;
	[tilespmem:v9+s25+$0x0] =	vst.idx.msk $0xffff, v8  }
0x6b9: {  	v7 =	vor.u32 v59, v7;
	v11 =	vor.u32 v62, v4;
	v8 =	vld [tilespmem:$0x1FDE0]  }
0x6ba: {  	v5 =	vor.u32 v59, v5;
	v12 =	vld.idx.msk [tilespmem:v18+s13+$0x0], $0xffff;
	v13 =	vor.u32 v62, v1  }
0x6bb: {  	v2 =	vor.u32 v59, v2;
	v15 =	vor.u32 v62, v0;
	v14 =	vld.idx.msk [tilespmem:v19+s13+$0x0], $0xffff  }
0x6bc: {  	v3 =	vor.u32 v59, v3;
	_ =	sdelay $0x1  }
0x6bd: {  	v7 =	vld.idx.msk [tilespmem:v7+s13+$0x0], $0xffff;
	[tilespmem:v11+s25+$0x0] =	vst.idx.msk $0xffff, v10;
	v6 =	vor.u32 v8, v6  }
0x6be: {  	[tilespmem:v13+s25+$0x0] =	vst.idx.msk $0xffff, v12;
	v5 =	vld.idx.msk [tilespmem:v5+s13+$0x0], $0xffff;
	v4 =	vor.u32 v8, v4  }
0x6bf: {  	[tilespmem:v15+s25+$0x0] =	vst.idx.msk $0xffff, v14;
	v2 =	vld.idx.msk [tilespmem:v2+s13+$0x0], $0xffff;
	v1 =	vor.u32 v8, v1  }
0x6c0: {  	v3 =	vld.idx.msk [tilespmem:v3+s13+$0x0], $0xffff;
	v0 =	vor.u32 v8, v0;
	_ =	sdelay $0x1  }
0x6c1: {  	[tilespmem:v6+s25+$0x0] =	vst.idx.msk $0xffff, v7  }
0x6c2: {  	[tilespmem:v4+s25+$0x0] =	vst.idx.msk $0xffff, v5  }
0x6c3: {  	[tilespmem:v1+s25+$0x0] =	vst.idx.msk $0xffff, v2  }
0x6c4: {  	[tilespmem:v0+s25+$0x0] =	vst.idx.msk $0xffff, v3  }
0x6c5: {  	s0 =	rddreg [dreg:$0x4]  }
0x6c6: {  	[hbm4b:s0+s26] =	stream.strided.scatter [tilespmem:s25], [sflag:$0x3], $0x4000, s28, s26, $0x38;
	[tilespmem:$0x13200] =	vst v63  }
0x6c7: {  	_ =	swait.ge [sflag:s10], $0x4000  }
0x6c8: {  	[sflag:s10] =	ssyncset.done $0x0  }
0x6c9: {  	[sflag:s10] =	ssyncadd.s32 $0xFFFFC000  }
0x6ca: {  	_ =	swait.ge [sflag:s29], $0x1000  }
0x6cb: {  	[sflag:s29] =	ssyncset.done $0x0  }
0x6cc: {  	[sflag:s29] =	ssyncadd.s32 $0xFFFFF000  }
0x6cd: {  	_ =	swait.ge [sflag:s29], $0x1000  }
0x6ce: {  	[sflag:s29] =	ssyncset.done $0x0  }
0x6cf: {  	[sflag:s29] =	ssyncadd.s32 $0xFFFFF000  }
0x6d0: {  	_ =	swait.ge [sflag:s29], $0x1000  }
0x6d1: {  	s17 =	simm.s32 $0x0;
	v11 =	vlaneseq.u32;
	[sflag:s29] =	ssyncset.done $0x0  }
0x6d2: {  	s2 =	simm.s32 $0x10;
	v0 =	vor.u32 s17, v11;
	[sflag:s29] =	ssyncadd.s32 $0xFFFFF000  }
0x6d3: {  	v1 =	vor.u32 s2, v11;
	v6 =	vshll.u32 v0, $0x5;
	_ =	swait.ge [sflag:s29], $0x1000  }
0x6d4: {  	v59 =	vshll.u32 v1, $0x5;
	v3 =	vor.u32 v11, v6;
	v17 =	vld [tilespmem:$0x1FEF0]  }
0x6d5: {  	v7 =	vor.u32 v11, v59;
	_ =	sdelay $0x1  }
0x6d6: {  	[sflag:s29] =	ssyncset.done $0x0  }
0x6d7: {  	v5 =	vand.u32 $0x1C8, v0;
	[sflag:s29] =	ssyncadd.s32 $0xFFFFF000  }
0x6d8: {  	v0 =	vand.u32 $0x1D8, v1;
	v12 =	vld.idx.msk [tilespmem:v3+s21+$0x0], $0xffff;
	v13 =	vor.u32 v17, v5  }
0x6d9: {  	v7 =	vld.idx.msk [tilespmem:v7+s21+$0x0], $0xffff;
	v15 =	vor.u32 v17, v0  }
0x6da: {  	s19 =	simm.s32 $0x20;
	v18 =	vld [tilespmem:$0x1FFB0]  }
0x6db: {  	s30 =	simm.s32 $0x30;
	v8 =	vor.u32 s19, v11  }
0x6dc: {  	v9 =	vor.u32 s30, v11;
	v4 =	vshll.u32 v8, $0x5  }
0x6dd: {  	v2 =	vshll.u32 v9, $0x5;
	v10 =	vor.u32 v11, v4;
	[tilespmem:v13+s25+$0x0] =	vst.idx.msk $0xffff, v12  }
0x6de: {  	v11 =	vor.u32 v11, v2;
	[tilespmem:v15+s25+$0x0] =	vst.idx.msk $0xffff, v7  }
0x6df: {  	v14 =	vor.u32 v18, v6;
	v19 =	vld [tilespmem:$0x1FF00]  }
0x6e0: {  	v16 =	vor.u32 v18, v59  }
0x6e1: {  	v3 =	vand.u32 $0x1E8, v8  }
0x6e2: {  	v1 =	vand.u32 $0x1F8, v9;
	v8 =	vld.idx.msk [tilespmem:v10+s21+$0x0], $0xffff;
	v9 =	vor.u32 v17, v3  }
0x6e3: {  	v10 =	vld.idx.msk [tilespmem:v11+s21+$0x0], $0xffff;
	v11 =	vor.u32 v17, v1  }
0x6e4: {  	v13 =	vld.idx.msk [tilespmem:v14+s21+$0x0], $0xffff;
	v7 =	vor.u32 v19, v5  }
0x6e5: {  	v14 =	vld.idx.msk [tilespmem:v16+s21+$0x0], $0xffff;
	v16 =	vor.u32 v19, v0  }
0x6e6: {  	v46 =	vld [tilespmem:$0x1FFA0]  }
0x6e7: {  	[tilespmem:v9+s25+$0x0] =	vst.idx.msk $0xffff, v8  }
0x6e8: {  	[tilespmem:v11+s25+$0x0] =	vst.idx.msk $0xffff, v10  }
0x6e9: {  	v17 =	vor.u32 v18, v4;
	[tilespmem:v7+s25+$0x0] =	vst.idx.msk $0xffff, v13  }
0x6ea: {  	v12 =	vor.u32 v18, v2;
	[tilespmem:v16+s25+$0x0] =	vst.idx.msk $0xffff, v14  }
0x6eb: {  	v15 =	vor.u32 v46, v6;
	v9 =	vor.u32 v19, v3;
	v11 =	vor.u32 v19, v1;
	v19 =	vld [tilespmem:$0x1FE80]  }
0x6ec: {  	v18 =	vor.u32 v46, v59;
	_ =	sdelay $0x1  }
0x6ed: {  	v8 =	vld.idx.msk [tilespmem:v17+s21+$0x0], $0xffff  }
0x6ee: {  	v10 =	vld.idx.msk [tilespmem:v12+s21+$0x0], $0xffff  }
0x6ef: {  	v13 =	vld.idx.msk [tilespmem:v15+s21+$0x0], $0xffff;
	v14 =	vor.u32 v19, v5  }
0x6f0: {  	v15 =	vld.idx.msk [tilespmem:v18+s21+$0x0], $0xffff;
	v17 =	vor.u32 v19, v0  }
0x6f1: {  	v49 =	vld [tilespmem:$0x1FCA0]  }
0x6f2: {  	[tilespmem:v9+s25+$0x0] =	vst.idx.msk $0xffff, v8  }
0x6f3: {  	[tilespmem:v11+s25+$0x0] =	vst.idx.msk $0xffff, v10  }
0x6f4: {  	v12 =	vor.u32 v46, v4;
	[tilespmem:v14+s25+$0x0] =	vst.idx.msk $0xffff, v13  }
0x6f5: {  	v7 =	vor.u32 v46, v2;
	[tilespmem:v17+s25+$0x0] =	vst.idx.msk $0xffff, v15  }
0x6f6: {  	v16 =	vor.u32 v49, v6;
	v9 =	vor.u32 v19, v3;
	v10 =	vor.u32 v19, v1;
	v19 =	vld [tilespmem:$0x1FEA0]  }
0x6f7: {  	v18 =	vor.u32 v49, v59;
	_ =	sdelay $0x1  }
0x6f8: {  	v8 =	vld.idx.msk [tilespmem:v12+s21+$0x0], $0xffff  }
0x6f9: {  	v7 =	vld.idx.msk [tilespmem:v7+s21+$0x0], $0xffff  }
0x6fa: {  	v13 =	vld.idx.msk [tilespmem:v16+s21+$0x0], $0xffff;
	v14 =	vor.u32 v19, v5  }
0x6fb: {  	v15 =	vld.idx.msk [tilespmem:v18+s21+$0x0], $0xffff;
	v17 =	vor.u32 v19, v0  }
0x6fc: {  	v51 =	vld [tilespmem:$0x1FF90]  }
0x6fd: {  	[tilespmem:v9+s25+$0x0] =	vst.idx.msk $0xffff, v8  }
0x6fe: {  	[tilespmem:v10+s25+$0x0] =	vst.idx.msk $0xffff, v7  }
0x6ff: {  	v11 =	vor.u32 v49, v4;
	[tilespmem:v14+s25+$0x0] =	vst.idx.msk $0xffff, v13  }
0x700: {  	v12 =	vor.u32 v49, v2;
	[tilespmem:v17+s25+$0x0] =	vst.idx.msk $0xffff, v15  }
0x701: {  	v16 =	vor.u32 v51, v6;
	v8 =	vor.u32 v19, v3;
	v10 =	vor.u32 v19, v1;
	v19 =	vld [tilespmem:$0x1FF20]  }
0x702: {  	v18 =	vor.u32 v51, v59;
	v52 =	vld [tilespmem:$0x1FF80];
	_ =	sdelay $0x1  }
0x703: {  	v7 =	vld.idx.msk [tilespmem:v11+s21+$0x0], $0xffff  }
0x704: {  	v9 =	vld.idx.msk [tilespmem:v12+s21+$0x0], $0xffff;
	v11 =	vor.u32 v51, v4  }
0x705: {  	v12 =	vor.u32 v51, v2;
	v13 =	vld.idx.msk [tilespmem:v16+s21+$0x0], $0xffff;
	v14 =	vor.u32 v19, v5  }
0x706: {  	v15 =	vld.idx.msk [tilespmem:v18+s21+$0x0], $0xffff;
	v16 =	vor.u32 v52, v6;
	v17 =	vor.u32 v19, v0  }
0x707: {  	v18 =	vor.u32 v52, v59  }
0x708: {  	[tilespmem:v8+s25+$0x0] =	vst.idx.msk $0xffff, v7  }
0x709: {  	[tilespmem:v10+s25+$0x0] =	vst.idx.msk $0xffff, v9;
	v7 =	vld.idx.msk [tilespmem:v11+s21+$0x0], $0xffff  }
0x70a: {  	v9 =	vld.idx.msk [tilespmem:v12+s21+$0x0], $0xffff;
	v8 =	vor.u32 v19, v3;
	[tilespmem:v14+s25+$0x0] =	vst.idx.msk $0xffff, v13  }
0x70b: {  	v10 =	vor.u32 v19, v1;
	[tilespmem:v17+s25+$0x0] =	vst.idx.msk $0xffff, v15;
	v13 =	vld.idx.msk [tilespmem:v16+s21+$0x0], $0xffff  }
0x70c: {  	v11 =	vor.u32 v52, v4;
	v14 =	vor.u32 v55, v5;
	v15 =	vld.idx.msk [tilespmem:v18+s21+$0x0], $0xffff  }
0x70d: {  	v12 =	vor.u32 v52, v2;
	v17 =	vor.u32 v55, v0;
	v19 =	vld [tilespmem:$0x1FF70];
	_ =	sdelay $0x1  }
0x70e: {  	[tilespmem:v8+s25+$0x0] =	vst.idx.msk $0xffff, v7  }
0x70f: {  	[tilespmem:v10+s25+$0x0] =	vst.idx.msk $0xffff, v9  }
0x710: {  	v7 =	vld.idx.msk [tilespmem:v11+s21+$0x0], $0xffff;
	[tilespmem:v14+s25+$0x0] =	vst.idx.msk $0xffff, v13  }
0x711: {  	v9 =	vld.idx.msk [tilespmem:v12+s21+$0x0], $0xffff;
	v16 =	vor.u32 v19, v6;
	[tilespmem:v17+s25+$0x0] =	vst.idx.msk $0xffff, v15  }
0x712: {  	v18 =	vor.u32 v19, v59;
	v11 =	vor.u32 v19, v4;
	v12 =	vor.u32 v19, v2;
	v19 =	vld [tilespmem:$0x1FEC0];
	_ =	sdelay $0x2  }
0x713: {  	v8 =	vor.u32 v55, v3  }
0x714: {  	v10 =	vor.u32 v55, v1;
	v63 =	vld [tilespmem:$0x1FF60]  }
0x715: {  	v13 =	vld.idx.msk [tilespmem:v16+s21+$0x0], $0xffff;
	v14 =	vor.u32 v19, v5  }
0x716: {  	v15 =	vld.idx.msk [tilespmem:v18+s21+$0x0], $0xffff;
	v17 =	vor.u32 v19, v0;
	_ =	sdelay $0x1  }
0x717: {  	[tilespmem:v8+s25+$0x0] =	vst.idx.msk $0xffff, v7  }
0x718: {  	[tilespmem:v10+s25+$0x0] =	vst.idx.msk $0xffff, v9  }
0x719: {  	[tilespmem:v14+s25+$0x0] =	vst.idx.msk $0xffff, v13  }
0x71a: {  	v16 =	vor.u32 v63, v6;
	[tilespmem:v17+s25+$0x0] =	vst.idx.msk $0xffff, v15  }
0x71b: {  	v18 =	vor.u32 v63, v59;
	v8 =	vor.u32 v19, v3;
	v10 =	vor.u32 v19, v1;
	v19 =	vld [tilespmem:$0x1FF10];
	_ =	sdelay $0x1  }
0x71c: {  	v7 =	vld.idx.msk [tilespmem:v11+s21+$0x0], $0xffff  }
0x71d: {  	v9 =	vld.idx.msk [tilespmem:v12+s21+$0x0], $0xffff  }
0x71e: {  	v13 =	vld.idx.msk [tilespmem:v16+s21+$0x0], $0xffff  }
0x71f: {  	v15 =	vld.idx.msk [tilespmem:v18+s21+$0x0], $0xffff;
	v14 =	vor.u32 v19, v5  }
0x720: {  	v55 =	vld [tilespmem:$0x1FF50];
	v17 =	vor.u32 v19, v0;
	_ =	sdelay $0x1  }
0x721: {  	[tilespmem:v8+s25+$0x0] =	vst.idx.msk $0xffff, v7  }
0x722: {  	v11 =	vor.u32 v63, v4;
	[tilespmem:v10+s25+$0x0] =	vst.idx.msk $0xffff, v9  }
0x723: {  	v12 =	vor.u32 v63, v2;
	[tilespmem:v14+s25+$0x0] =	vst.idx.msk $0xffff, v13  }
0x724: {  	v16 =	vor.u32 v55, v6;
	[tilespmem:v17+s25+$0x0] =	vst.idx.msk $0xffff, v15  }
0x725: {  	v18 =	vor.u32 v55, v59;
	v61 =	vld [tilespmem:$0x1FCB0];
	_ =	sdelay $0x1  }
0x726: {  	v7 =	vld.idx.msk [tilespmem:v11+s21+$0x0], $0xffff;
	v8 =	vor.u32 v19, v3  }
0x727: {  	v9 =	vld.idx.msk [tilespmem:v12+s21+$0x0], $0xffff;
	v10 =	vor.u32 v19, v1;
	v11 =	vor.u32 v55, v4  }
0x728: {  	v12 =	vor.u32 v55, v2;
	v14 =	vor.u32 v50, v5;
	v13 =	vld.idx.msk [tilespmem:v16+s21+$0x0], $0xffff  }
0x729: {  	v17 =	vor.u32 v50, v0;
	v15 =	vld.idx.msk [tilespmem:v18+s21+$0x0], $0xffff;
	v16 =	vor.u32 v61, v6  }
0x72a: {  	v18 =	vor.u32 v61, v59  }
0x72b: {  	[tilespmem:v8+s25+$0x0] =	vst.idx.msk $0xffff, v7  }
0x72c: {  	[tilespmem:v10+s25+$0x0] =	vst.idx.msk $0xffff, v9;
	v8 =	vor.u32 v50, v3;
	v7 =	vld.idx.msk [tilespmem:v11+s21+$0x0], $0xffff  }
0x72d: {  	v9 =	vld.idx.msk [tilespmem:v12+s21+$0x0], $0xffff;
	v11 =	vor.u32 v50, v1;
	[tilespmem:v14+s25+$0x0] =	vst.idx.msk $0xffff, v13  }
0x72e: {  	[tilespmem:v17+s25+$0x0] =	vst.idx.msk $0xffff, v15;
	v14 =	vor.u32 v48, v5;
	v13 =	vld.idx.msk [tilespmem:v16+s21+$0x0], $0xffff  }
0x72f: {  	v17 =	vor.u32 v48, v0;
	v15 =	vld.idx.msk [tilespmem:v18+s21+$0x0], $0xffff  }
0x730: {  	v37 =	vld [tilespmem:$0x1FCC0]  }
0x731: {  	[tilespmem:v8+s25+$0x0] =	vst.idx.msk $0xffff, v7  }
0x732: {  	[tilespmem:v11+s25+$0x0] =	vst.idx.msk $0xffff, v9  }
0x733: {  	v10 =	vor.u32 v61, v4;
	[tilespmem:v14+s25+$0x0] =	vst.idx.msk $0xffff, v13  }
0x734: {  	v12 =	vor.u32 v61, v2;
	[tilespmem:v17+s25+$0x0] =	vst.idx.msk $0xffff, v15  }
0x735: {  	v16 =	vor.u32 v37, v6;
	v19 =	vld [tilespmem:$0x1FC00]  }
0x736: {  	v18 =	vor.u32 v37, v59;
	_ =	sdelay $0x1  }
0x737: {  	v8 =	vor.u32 v48, v3;
	v7 =	vld.idx.msk [tilespmem:v10+s21+$0x0], $0xffff  }
0x738: {  	v11 =	vor.u32 v48, v1;
	v9 =	vld.idx.msk [tilespmem:v12+s21+$0x0], $0xffff  }
0x739: {  	v13 =	vld.idx.msk [tilespmem:v16+s21+$0x0], $0xffff;
	v14 =	vor.u32 v19, v5  }
0x73a: {  	v15 =	vld.idx.msk [tilespmem:v18+s21+$0x0], $0xffff;
	v17 =	vor.u32 v19, v0  }
0x73b: {  	v57 =	vld [tilespmem:$0x1FD00]  }
0x73c: {  	[tilespmem:v8+s25+$0x0] =	vst.idx.msk $0xffff, v7  }
0x73d: {  	[tilespmem:v11+s25+$0x0] =	vst.idx.msk $0xffff, v9  }
0x73e: {  	v10 =	vor.u32 v37, v4;
	[tilespmem:v14+s25+$0x0] =	vst.idx.msk $0xffff, v13  }
0x73f: {  	v12 =	vor.u32 v37, v2;
	[tilespmem:v17+s25+$0x0] =	vst.idx.msk $0xffff, v15  }
0x740: {  	v16 =	vor.u32 v57, v6;
	v8 =	vor.u32 v19, v3;
	v11 =	vor.u32 v19, v1;
	v19 =	vld [tilespmem:$0x1FE90]  }
0x741: {  	v18 =	vor.u32 v57, v59;
	_ =	sdelay $0x1  }
0x742: {  	v7 =	vld.idx.msk [tilespmem:v10+s21+$0x0], $0xffff  }
0x743: {  	v9 =	vld.idx.msk [tilespmem:v12+s21+$0x0], $0xffff  }
0x744: {  	v13 =	vld.idx.msk [tilespmem:v16+s21+$0x0], $0xffff;
	v14 =	vor.u32 v19, v5  }
0x745: {  	v15 =	vld.idx.msk [tilespmem:v18+s21+$0x0], $0xffff;
	v17 =	vor.u32 v19, v0  }
0x746: {  	v45 =	vld [tilespmem:$0x1FD30]  }
0x747: {  	[tilespmem:v8+s25+$0x0] =	vst.idx.msk $0xffff, v7  }
0x748: {  	[tilespmem:v11+s25+$0x0] =	vst.idx.msk $0xffff, v9  }
0x749: {  	v10 =	vor.u32 v57, v4;
	[tilespmem:v14+s25+$0x0] =	vst.idx.msk $0xffff, v13  }
0x74a: {  	v12 =	vor.u32 v57, v2;
	[tilespmem:v17+s25+$0x0] =	vst.idx.msk $0xffff, v15  }
0x74b: {  	v16 =	vor.u32 v45, v6;
	v8 =	vor.u32 v19, v3;
	v11 =	vor.u32 v19, v1;
	v19 =	vld [tilespmem:$0x1FEB0]  }
0x74c: {  	v18 =	vor.u32 v45, v59;
	_ =	sdelay $0x1  }
0x74d: {  	v7 =	vld.idx.msk [tilespmem:v10+s21+$0x0], $0xffff  }
0x74e: {  	v9 =	vld.idx.msk [tilespmem:v12+s21+$0x0], $0xffff  }
0x74f: {  	v13 =	vld.idx.msk [tilespmem:v16+s21+$0x0], $0xffff;
	v14 =	vor.u32 v19, v5  }
0x750: {  	v15 =	vld.idx.msk [tilespmem:v18+s21+$0x0], $0xffff;
	v17 =	vor.u32 v19, v0;
	_ =	sdelay $0x1  }
0x751: {  	[tilespmem:v8+s25+$0x0] =	vst.idx.msk $0xffff, v7  }
0x752: {  	[tilespmem:v11+s25+$0x0] =	vst.idx.msk $0xffff, v9  }
0x753: {  	v10 =	vor.u32 v45, v4;
	[tilespmem:v14+s25+$0x0] =	vst.idx.msk $0xffff, v13  }
0x754: {  	v12 =	vor.u32 v45, v2;
	[tilespmem:v17+s25+$0x0] =	vst.idx.msk $0xffff, v15  }
0x755: {  	v16 =	vor.u32 v34, v6;
	v8 =	vor.u32 v19, v3;
	v11 =	vor.u32 v19, v1;
	v19 =	vld [tilespmem:$0x1FED0]  }
0x756: {  	v18 =	vor.u32 v34, v59;
	_ =	sdelay $0x1  }
0x757: {  	v7 =	vld.idx.msk [tilespmem:v10+s21+$0x0], $0xffff  }
0x758: {  	v9 =	vld.idx.msk [tilespmem:v12+s21+$0x0], $0xffff  }
0x759: {  	v13 =	vld.idx.msk [tilespmem:v16+s21+$0x0], $0xffff;
	v14 =	vor.u32 v19, v5  }
0x75a: {  	v15 =	vld.idx.msk [tilespmem:v18+s21+$0x0], $0xffff;
	v17 =	vor.u32 v19, v0;
	_ =	sdelay $0x1  }
0x75b: {  	[tilespmem:v8+s25+$0x0] =	vst.idx.msk $0xffff, v7  }
0x75c: {  	[tilespmem:v11+s25+$0x0] =	vst.idx.msk $0xffff, v9  }
0x75d: {  	v10 =	vor.u32 v34, v4;
	[tilespmem:v14+s25+$0x0] =	vst.idx.msk $0xffff, v13  }
0x75e: {  	v12 =	vor.u32 v34, v2;
	[tilespmem:v17+s25+$0x0] =	vst.idx.msk $0xffff, v15  }
0x75f: {  	v16 =	vor.u32 v35, v6;
	v8 =	vor.u32 v19, v3;
	v11 =	vor.u32 v19, v1;
	v19 =	vld [tilespmem:$0x1FEE0]  }
0x760: {  	v18 =	vor.u32 v35, v59;
	_ =	sdelay $0x1  }
0x761: {  	v7 =	vld.idx.msk [tilespmem:v10+s21+$0x0], $0xffff  }
0x762: {  	v9 =	vld.idx.msk [tilespmem:v12+s21+$0x0], $0xffff;
	v10 =	vor.u32 v35, v4  }
0x763: {  	v12 =	vor.u32 v35, v2;
	v13 =	vld.idx.msk [tilespmem:v16+s21+$0x0], $0xffff;
	v14 =	vor.u32 v19, v5  }
0x764: {  	v15 =	vld.idx.msk [tilespmem:v18+s21+$0x0], $0xffff;
	v16 =	vor.u32 v44, v6;
	v17 =	vor.u32 v19, v0  }
0x765: {  	v18 =	vor.u32 v44, v59  }
0x766: {  	[tilespmem:v8+s25+$0x0] =	vst.idx.msk $0xffff, v7  }
0x767: {  	[tilespmem:v11+s25+$0x0] =	vst.idx.msk $0xffff, v9;
	v7 =	vld.idx.msk [tilespmem:v10+s21+$0x0], $0xffff;
	v8 =	vor.u32 v19, v3  }
0x768: {  	v9 =	vld.idx.msk [tilespmem:v12+s21+$0x0], $0xffff;
	v10 =	vor.u32 v44, v4;
	v11 =	vor.u32 v19, v1;
	[tilespmem:v14+s25+$0x0] =	vst.idx.msk $0xffff, v13  }
0x769: {  	v12 =	vor.u32 v44, v2;
	[tilespmem:v17+s25+$0x0] =	vst.idx.msk $0xffff, v15;
	v14 =	vor.u32 v53, v5;
	v13 =	vld.idx.msk [tilespmem:v16+s21+$0x0], $0xffff  }
0x76a: {  	v17 =	vor.u32 v53, v0;
	v15 =	vld.idx.msk [tilespmem:v18+s21+$0x0], $0xffff;
	v16 =	vor.u32 v60, v6  }
0x76b: {  	v18 =	vor.u32 v60, v59  }
0x76c: {  	[tilespmem:v8+s25+$0x0] =	vst.idx.msk $0xffff, v7  }
0x76d: {  	[tilespmem:v11+s25+$0x0] =	vst.idx.msk $0xffff, v9;
	v8 =	vor.u32 v53, v3;
	v7 =	vld.idx.msk [tilespmem:v10+s21+$0x0], $0xffff  }
0x76e: {  	v11 =	vor.u32 v53, v1;
	v9 =	vld.idx.msk [tilespmem:v12+s21+$0x0], $0xffff;
	v10 =	vor.u32 v60, v4;
	[tilespmem:v14+s25+$0x0] =	vst.idx.msk $0xffff, v13  }
0x76f: {  	v12 =	vor.u32 v60, v2;
	[tilespmem:v17+s25+$0x0] =	vst.idx.msk $0xffff, v15;
	v14 =	vor.u32 v58, v5;
	v13 =	vld.idx.msk [tilespmem:v16+s21+$0x0], $0xffff  }
0x770: {  	v17 =	vor.u32 v58, v0;
	v15 =	vld.idx.msk [tilespmem:v18+s21+$0x0], $0xffff;
	v16 =	vor.u32 v33, v6  }
0x771: {  	v18 =	vor.u32 v33, v59  }
0x772: {  	[tilespmem:v8+s25+$0x0] =	vst.idx.msk $0xffff, v7  }
0x773: {  	[tilespmem:v11+s25+$0x0] =	vst.idx.msk $0xffff, v9;
	v8 =	vor.u32 v58, v3;
	v7 =	vld.idx.msk [tilespmem:v10+s21+$0x0], $0xffff  }
0x774: {  	v11 =	vor.u32 v58, v1;
	v9 =	vld.idx.msk [tilespmem:v12+s21+$0x0], $0xffff;
	v10 =	vor.u32 v33, v4;
	[tilespmem:v14+s25+$0x0] =	vst.idx.msk $0xffff, v13  }
0x775: {  	v12 =	vor.u32 v33, v2;
	[tilespmem:v17+s25+$0x0] =	vst.idx.msk $0xffff, v15;
	v15 =	vor.u32 v32, v5;
	v14 =	vld.idx.msk [tilespmem:v16+s21+$0x0], $0xffff  }
0x776: {  	v19 =	vor.u32 v32, v0;
	v17 =	vld.idx.msk [tilespmem:v18+s21+$0x0], $0xffff;
	v18 =	vor.u32 v27, v6;
	_ =	sdelay $0x1  }
0x777: {  	v28 =	vor.u32 v54, v5;
	v52 =	vmov v35;
	v58 =	vmov v57;
	[tilespmem:v8+s25+$0x0] =	vst.idx.msk $0xffff, v7  }
0x778: {  	v8 =	vor.u32 v27, v59;
	[tilespmem:v11+s25+$0x0] =	vst.idx.msk $0xffff, v9;
	v13 =	vor.u32 v32, v3;
	v9 =	vld.idx.msk [tilespmem:v10+s21+$0x0], $0xffff  }
0x779: {  	v11 =	vor.u32 v27, v4;
	v10 =	vld.idx.msk [tilespmem:v12+s21+$0x0], $0xffff;
	v16 =	vor.u32 v32, v1;
	[tilespmem:v15+s25+$0x0] =	vst.idx.msk $0xffff, v14  }
0x77a: {  	s2 =	simm.s32 $0x70;
	s0 =	simm.s32 $0x0;
	[tilespmem:v19+s25+$0x0] =	vst.idx.msk $0xffff, v17;
	v17 =	vor.u32 v27, v2;
	v14 =	vor.u32 v30, v6;
	v15 =	vld.idx.msk [tilespmem:v18+s21+$0x0], $0xffff  }
.LBB2_18:
0x77b: {  	_ = 	snop  }
0x77c: {  	v7 =	vlaneseq.u32  }
0x77d: {  	s6 =	sadd.s32 $0xFFFFFFD0, s2;
	s7 =	sadd.s32 $0xFFFFFFE0, s2;
	v18 =	vor.u32 s2, v7  }
0x77e: {  	s30 =	sadd.s32 $0xFFFFFFF0, s2;
	[tilespmem:v16+s25+$0x0] =	vst.idx.msk $0xffff, v10;
	v21 =	vor.u32 s6, v7;
	v22 =	vor.u32 s7, v7;
	v12 =	vshll.u32 v18, $0x5  }
0x77f: {  	v8 =	vld.idx.msk [tilespmem:v8+s21+$0x0], $0xffff;
	v39 =	vor.u32 s30, v7;
	v10 =	vshll.u32 v22, $0x5;
	v23 =	vor.u32 v7, v12;
	[tilespmem:v13+s25+$0x0] =	vst.idx.msk $0xffff, v9  }
0x780: {  	v25 =	vor.u32 v7, v10;
	v13 =	vshll.u32 v21, $0x5;
	v24 =	vld.idx.msk [tilespmem:v11+s21+$0x0], $0xffff;
	v11 =	vshll.u32 v39, $0x5  }
0x781: {  	v26 =	vor.u32 v27, v10;
	v16 =	vor.u32 v7, v13;
	v27 =	vor.u32 v7, v11;
	v7 =	vld [tilespmem:$0x1FE50]  }
0x782: {  	v42 =	vld [tilespmem:$0x1FCD0]  }
0x783: {  	v43 =	vld [tilespmem:$0x1FC20]  }
0x784: {  	v20 =	vor.u32 v54, v1;
	v17 =	vld.idx.msk [tilespmem:v17+s21+$0x0], $0xffff  }
0x785: {  	v34 =	vld [tilespmem:$0x1FEF0];
	[tilespmem:v28+s25+$0x0] =	vst.idx.msk $0xffff, v15;
	v28 =	vor.u32 v30, v2  }
0x786: {  	v32 =	vor.u32 v7, v4;
	v7 =	vld [tilespmem:$0x1FE50]  }
0x787: {  	v40 =	vld [tilespmem:$0x1FF00]  }
0x788: {  	v19 =	vor.u32 v54, v3;
	v29 =	vld.idx.msk [tilespmem:v14+s21+$0x0], $0xffff  }
0x789: {  	v23 =	vld.idx.msk [tilespmem:v23+s21+$0x0], $0xffff;
	[tilespmem:v20+s25+$0x0] =	vst.idx.msk $0xffff, v17  }
0x78a: {  	v14 =	vand.u32 $0x1F8, v18;
	v18 =	vor.u32 v43, v5;
	v49 =	vld.idx.msk [tilespmem:v28+s21+$0x0], $0xffff  }
0x78b: {  	v31 =	vor.u32 v54, v0;
	v30 =	vor.u32 v42, v6;
	v33 =	vor.u32 v7, v59;
	v7 =	vld [tilespmem:$0x1FFB0]  }
0x78c: {  	v51 =	vmov v26;
	v26 =	vld.idx.msk [tilespmem:v16+s21+$0x0], $0xffff  }
0x78d: {  	v9 =	vand.u32 $0x1D8, v22;
	[tilespmem:v19+s25+$0x0] =	vst.idx.msk $0xffff, v24;
	v24 =	vld.idx.msk [tilespmem:v25+s21+$0x0], $0xffff  }
0x78e: {  	v15 =	vand.u32 $0x1C8, v21;
	v41 =	vor.u32 v34, v14;
	v16 =	vand.u32 $0x1E8, v39;
	v39 =	vld [tilespmem:$0x1FFA0]  }
0x78f: {  	v46 =	vor.u32 v34, v9;
	v19 =	vor.u32 v34, v15;
	[tilespmem:v18+s25+$0x0] =	vst.idx.msk $0xffff, v29;
	v27 =	vld.idx.msk [tilespmem:v27+s21+$0x0], $0xffff  }
0x790: {  	[tilespmem:v31+s25+$0x0] =	vst.idx.msk $0xffff, v8;
	v8 =	vor.u32 v54, v15;
	v50 =	vld.idx.msk [tilespmem:v30+s21+$0x0], $0xffff;
	v25 =	vor.u32 v7, v12  }
0x791: {  	[tilespmem:$0x1FBF0] =	vst v8;
	v8 =	vld [tilespmem:$0x1FCA0];
	v17 =	vor.u32 v7, v13  }
0x792: {  	v34 =	vor.u32 v34, v16;
	v28 =	vor.u32 v7, v10;
	v18 =	vld.idx.msk [tilespmem:v33+s21+$0x0], $0xffff  }
0x793: {  	[tilespmem:v41+s25+$0x0] =	vst.idx.msk $0xffff, v23;
	v31 =	vor.u32 v7, v11;
	v7 =	vld [tilespmem:$0x1FCE0]  }
0x794: {  	[tilespmem:v46+s25+$0x0] =	vst.idx.msk $0xffff, v24;
	v46 =	vld [tilespmem:$0x1FC30]  }
0x795: {  	v53 =	vor.u32 v43, v1;
	[tilespmem:v19+s25+$0x0] =	vst.idx.msk $0xffff, v26;
	v19 =	vld.idx.msk [tilespmem:v25+s21+$0x0], $0xffff  }
0x796: {  	v26 =	vor.u32 v42, v2;
	v25 =	vor.u32 v56, v5;
	v29 =	vld.idx.msk [tilespmem:v17+s21+$0x0], $0xffff  }
0x797: {  	v55 =	vor.u32 v40, v14;
	[tilespmem:v34+s25+$0x0] =	vst.idx.msk $0xffff, v27;
	v28 =	vld.idx.msk [tilespmem:v28+s21+$0x0], $0xffff  }
0x798: {  	v24 =	vor.u32 v7, v6;
	v17 =	vld.idx.msk [tilespmem:v32+s21+$0x0], $0xffff  }
0x799: {  	v38 =	vor.u32 v40, v9;
	v57 =	vor.u32 v39, v12;
	v31 =	vld.idx.msk [tilespmem:v31+s21+$0x0], $0xffff  }
0x79a: {  	v27 =	vor.u32 v39, v10;
	v32 =	vor.u32 v40, v16;
	[tilespmem:v53+s25+$0x0] =	vst.idx.msk $0xffff, v49;
	v53 =	vld [tilespmem:$0x1FCF0]  }
0x79b: {  	v30 =	vor.u32 v40, v15;
	v22 =	vor.u32 v39, v11;
	v23 =	vld.idx.msk [tilespmem:v26+s21+$0x0], $0xffff;
	[tilespmem:v25+s25+$0x0] =	vst.idx.msk $0xffff, v50  }
0x79c: {  	v35 =	vor.u32 v43, v0;
	v36 =	vor.u32 v39, v13;
	[tilespmem:v55+s25+$0x0] =	vst.idx.msk $0xffff, v19;
	v55 =	vld [tilespmem:$0x1FE80]  }
0x79d: {  	v40 =	vor.u32 v42, v59;
	v19 =	vld.idx.msk [tilespmem:v24+s21+$0x0], $0xffff  }
0x79e: {  	[tilespmem:v38+s25+$0x0] =	vst.idx.msk $0xffff, v28;
	v25 =	vld.idx.msk [tilespmem:v57+s21+$0x0], $0xffff  }
0x79f: {  	[tilespmem:v32+s25+$0x0] =	vst.idx.msk $0xffff, v31;
	v27 =	vld.idx.msk [tilespmem:v27+s21+$0x0], $0xffff  }
0x7a0: {  	v24 =	vor.u32 v56, v1;
	[tilespmem:v30+s25+$0x0] =	vst.idx.msk $0xffff, v29;
	v22 =	vld.idx.msk [tilespmem:v22+s21+$0x0], $0xffff  }
0x7a1: {  	v26 =	vor.u32 v46, v5;
	v29 =	vor.u32 v7, v2;
	[tilespmem:v35+s25+$0x0] =	vst.idx.msk $0xffff, v18;
	v30 =	vld.idx.msk [tilespmem:v36+s21+$0x0], $0xffff  }
0x7a2: {  	v41 =	vor.u32 v53, v6;
	v21 =	vld.idx.msk [tilespmem:v40+s21+$0x0], $0xffff;
	v28 =	vor.u32 v55, v14  }
0x7a3: {  	v50 =	vor.u32 v8, v12;
	v40 =	vld [tilespmem:$0x1FDB0];
	v49 =	vor.u32 v55, v15  }
0x7a4: {  	v31 =	vor.u32 v8, v10;
	v57 =	vor.u32 v55, v9;
	v32 =	vor.u32 v55, v16;
	v55 =	vld [tilespmem:$0x1FEA0]  }
0x7a5: {  	v18 =	vor.u32 v8, v13;
	[tilespmem:v24+s25+$0x0] =	vst.idx.msk $0xffff, v23;
	v24 =	vor.u32 v8, v11;
	v8 =	vld [tilespmem:$0x1FD10]  }
0x7a6: {  	[tilespmem:v26+s25+$0x0] =	vst.idx.msk $0xffff, v19;
	v23 =	vld.idx.msk [tilespmem:v29+s21+$0x0], $0xffff  }
0x7a7: {  	v20 =	vor.u32 v56, v0;
	[tilespmem:v28+s25+$0x0] =	vst.idx.msk $0xffff, v25;
	v25 =	vld.idx.msk [tilespmem:v41+s21+$0x0], $0xffff  }
0x7a8: {  	v19 =	vor.u32 v7, v59;
	[tilespmem:v49+s25+$0x0] =	vst.idx.msk $0xffff, v30;
	v49 =	vld [tilespmem:$0x1FF90]  }
0x7a9: {  	v26 =	vor.u32 v46, v1;
	v28 =	vld.idx.msk [tilespmem:v50+s21+$0x0], $0xffff  }
0x7aa: {  	v29 =	vor.u32 v40, v5;
	[tilespmem:v57+s25+$0x0] =	vst.idx.msk $0xffff, v27;
	v18 =	vld.idx.msk [tilespmem:v18+s21+$0x0], $0xffff  }
0x7ab: {  	v41 =	vor.u32 v55, v9;
	[tilespmem:v32+s25+$0x0] =	vst.idx.msk $0xffff, v22;
	v31 =	vld.idx.msk [tilespmem:v31+s21+$0x0], $0xffff  }
0x7ac: {  	v30 =	vor.u32 v53, v2;
	v27 =	vor.u32 v55, v14;
	[tilespmem:v20+s25+$0x0] =	vst.idx.msk $0xffff, v21;
	v24 =	vld.idx.msk [tilespmem:v24+s21+$0x0], $0xffff  }
0x7ad: {  	v34 =	vor.u32 v55, v15;
	v33 =	vor.u32 v8, v6;
	v19 =	vld.idx.msk [tilespmem:v19+s21+$0x0], $0xffff  }
0x7ae: {  	v39 =	vld [tilespmem:$0x1FF80];
	[tilespmem:v26+s25+$0x0] =	vst.idx.msk $0xffff, v23;
	v23 =	vor.u32 v55, v16;
	v55 =	vmov v48;
	v57 =	vor.u32 v49, v13  }
0x7af: {  	v48 =	vmovc v54;
	v54 =	vmovc v47;
	v47 =	vmov v60;
	v60 =	vmov v44;
	v44 =	vmov v62;
	v62 =	vld [tilespmem:$0x1FC40];
	[tilespmem:v29+s25+$0x0] =	vst.idx.msk $0xffff, v25  }
0x7b0: {  	v22 =	vor.u32 v49, v10;
	[tilespmem:v41+s25+$0x0] =	vst.idx.msk $0xffff, v31;
	v41 =	vld [tilespmem:$0x1FF20]  }
0x7b1: {  	v50 =	vor.u32 v49, v12;
	v25 =	vld.idx.msk [tilespmem:v30+s21+$0x0], $0xffff;
	[tilespmem:v27+s25+$0x0] =	vst.idx.msk $0xffff, v28  }
0x7b2: {  	v32 =	vor.u32 v46, v0;
	v26 =	vor.u32 v49, v11;
	v27 =	vld.idx.msk [tilespmem:v33+s21+$0x0], $0xffff;
	[tilespmem:v34+s25+$0x0] =	vst.idx.msk $0xffff, v18  }
0x7b3: {  	v28 =	vor.u32 v40, v1;
	v20 =	vld.idx.msk [tilespmem:v57+s21+$0x0], $0xffff  }
0x7b4: {  	v29 =	vor.u32 v62, v5;
	v57 =	vld [tilespmem:$0x1FD20]  }
0x7b5: {  	v22 =	vld.idx.msk [tilespmem:v22+s21+$0x0], $0xffff;
	v49 =	vor.u32 v41, v9  }
0x7b6: {  	[tilespmem:v23+s25+$0x0] =	vst.idx.msk $0xffff, v24;
	v18 =	vld.idx.msk [tilespmem:v50+s21+$0x0], $0xffff;
	v50 =	vor.u32 v39, v10  }
0x7b7: {  	[tilespmem:v32+s25+$0x0] =	vst.idx.msk $0xffff, v19;
	v24 =	vld.idx.msk [tilespmem:v26+s21+$0x0], $0xffff;
	v26 =	vor.u32 v43, v3  }
0x7b8: {  	v35 =	vld [tilespmem:$0x1FDC0];
	v30 =	vor.u32 v8, v2;
	[tilespmem:v28+s25+$0x0] =	vst.idx.msk $0xffff, v25;
	v25 =	vor.u32 v41, v16  }
0x7b9: {  	v43 =	vld [tilespmem:$0x1FE70];
	v21 =	vor.u32 v41, v14;
	[tilespmem:v29+s25+$0x0] =	vst.idx.msk $0xffff, v27;
	v27 =	vor.u32 v42, v4  }
0x7ba: {  	v33 =	vor.u32 v41, v15;
	v41 =	vld [tilespmem:$0x1FE10];
	v31 =	vor.u32 v57, v6;
	[tilespmem:v49+s25+$0x0] =	vst.idx.msk $0xffff, v22  }
0x7bb: {  	v34 =	vor.u32 v39, v12;
	v23 =	vld.idx.msk [tilespmem:v50+s21+$0x0], $0xffff  }
0x7bc: {  	v19 =	vor.u32 v39, v13;
	[tilespmem:v26+s25+$0x0] =	vst.idx.msk $0xffff, v17;
	v50 =	vld [tilespmem:$0x1FF70]  }
0x7bd: {  	v28 =	vld.idx.msk [tilespmem:v30+s21+$0x0], $0xffff;
	v29 =	vor.u32 v39, v11;
	[tilespmem:v25+s25+$0x0] =	vst.idx.msk $0xffff, v24  }
0x7be: {  	[tilespmem:v21+s25+$0x0] =	vst.idx.msk $0xffff, v18;
	v21 =	vor.u32 v62, v1;
	v24 =	vld.idx.msk [tilespmem:v27+s21+$0x0], $0xffff  }
0x7bf: {  	v30 =	vor.u32 v35, v5;
	v18 =	vld.idx.msk [tilespmem:v31+s21+$0x0], $0xffff;
	v31 =	vor.u32 v57, v2  }
0x7c0: {  	v22 =	vor.u32 v43, v14;
	v32 =	vor.u32 v41, v6;
	[tilespmem:v33+s25+$0x0] =	vst.idx.msk $0xffff, v20;
	v20 =	vld.idx.msk [tilespmem:v34+s21+$0x0], $0xffff  }
0x7c1: {  	v49 =	vor.u32 v43, v15;
	v19 =	vld.idx.msk [tilespmem:v19+s21+$0x0], $0xffff;
	v42 =	vor.u32 v50, v12  }
0x7c2: {  	v27 =	vld.idx.msk [tilespmem:v29+s21+$0x0], $0xffff  }
0x7c3: {  	v26 =	vor.u32 v43, v9;
	[tilespmem:v21+s25+$0x0] =	vst.idx.msk $0xffff, v28;
	v21 =	vor.u32 v43, v16;
	v43 =	vld [tilespmem:$0x1FEC0]  }
0x7c4: {  	[tilespmem:v30+s25+$0x0] =	vst.idx.msk $0xffff, v18;
	v28 =	vld.idx.msk [tilespmem:v31+s21+$0x0], $0xffff  }
0x7c5: {  	[tilespmem:v22+s25+$0x0] =	vst.idx.msk $0xffff, v20;
	v20 =	vld.idx.msk [tilespmem:v32+s21+$0x0], $0xffff  }
0x7c6: {  	[tilespmem:v49+s25+$0x0] =	vst.idx.msk $0xffff, v19;
	v19 =	vld.idx.msk [tilespmem:v42+s21+$0x0], $0xffff  }
0x7c7: {  	v42 =	vld [tilespmem:$0x1FC50]  }
0x7c8: {  	v29 =	vor.u32 v56, v3;
	v18 =	vor.u32 v7, v4;
	v7 =	vld [tilespmem:$0x1FE40]  }
0x7c9: {  	v17 =	vor.u32 v50, v13  }
0x7ca: {  	v25 =	vor.u32 v50, v10  }
0x7cb: {  	v22 =	vor.u32 v35, v1  }
0x7cc: {  	[tilespmem:v26+s25+$0x0] =	vst.idx.msk $0xffff, v23;
	v32 =	vor.u32 v41, v2;
	v31 =	vor.u32 v42, v5  }
0x7cd: {  	[tilespmem:v29+s25+$0x0] =	vst.idx.msk $0xffff, v24;
	v23 =	vor.u32 v43, v14;
	v26 =	vor.u32 v7, v6  }
0x7ce: {  	v30 =	vor.u32 v50, v11;
	v50 =	vor.u32 v63, v12;
	v49 =	vor.u32 v43, v15;
	v17 =	vld.idx.msk [tilespmem:v17+s21+$0x0], $0xffff  }
0x7cf: {  	[tilespmem:v21+s25+$0x0] =	vst.idx.msk $0xffff, v27;
	v25 =	vld.idx.msk [tilespmem:v25+s21+$0x0], $0xffff  }
0x7d0: {  	v18 =	vld.idx.msk [tilespmem:v18+s21+$0x0], $0xffff;
	[tilespmem:v22+s25+$0x0] =	vst.idx.msk $0xffff, v28  }
0x7d1: {  	v28 =	vld.idx.msk [tilespmem:v32+s21+$0x0], $0xffff;
	[tilespmem:v31+s25+$0x0] =	vst.idx.msk $0xffff, v20  }
0x7d2: {  	[tilespmem:v23+s25+$0x0] =	vst.idx.msk $0xffff, v19;
	v19 =	vld.idx.msk [tilespmem:v26+s21+$0x0], $0xffff  }
0x7d3: {  	v29 =	vor.u32 v43, v9;
	[tilespmem:v49+s25+$0x0] =	vst.idx.msk $0xffff, v17;
	v17 =	vld.idx.msk [tilespmem:v50+s21+$0x0], $0xffff  }
0x7d4: {  	v39 =	vor.u32 v63, v10;
	v50 =	vld [tilespmem:$0x1FC60]  }
0x7d5: {  	v27 =	vld.idx.msk [tilespmem:v30+s21+$0x0], $0xffff;
	v30 =	vor.u32 v46, v3  }
0x7d6: {  	v24 =	vor.u32 v63, v13;
	v22 =	vor.u32 v43, v16;
	v43 =	vld [tilespmem:$0x1FF10]  }
0x7d7: {  	v20 =	vor.u32 v53, v4;
	v49 =	vmov v56;
	v56 =	vld [tilespmem:$0x1FE60]  }
0x7d8: {  	v23 =	vor.u32 v42, v1;
	[tilespmem:v29+s25+$0x0] =	vst.idx.msk $0xffff, v25;
	v31 =	vor.u32 v63, v11  }
0x7d9: {  	v32 =	vor.u32 v7, v2;
	v21 =	vld.idx.msk [tilespmem:v39+s21+$0x0], $0xffff;
	v26 =	vor.u32 v50, v5  }
0x7da: {  	v34 =	vor.u32 v53, v59;
	v39 =	vld [tilespmem:$0x1FF50];
	[tilespmem:v30+s25+$0x0] =	vst.idx.msk $0xffff, v18  }
0x7db: {  	v30 =	vor.u32 v43, v9;
	[tilespmem:v22+s25+$0x0] =	vst.idx.msk $0xffff, v27;
	v24 =	vld.idx.msk [tilespmem:v24+s21+$0x0], $0xffff  }
0x7dc: {  	v25 =	vor.u32 v43, v14;
	v20 =	vld.idx.msk [tilespmem:v20+s21+$0x0], $0xffff;
	v29 =	vor.u32 v56, v6  }
0x7dd: {  	v33 =	vor.u32 v43, v15;
	[tilespmem:v23+s25+$0x0] =	vst.idx.msk $0xffff, v28;
	v27 =	vld.idx.msk [tilespmem:v31+s21+$0x0], $0xffff  }
0x7de: {  	[tilespmem:v26+s25+$0x0] =	vst.idx.msk $0xffff, v19;
	v26 =	vld.idx.msk [tilespmem:v32+s21+$0x0], $0xffff  }
0x7df: {  	v18 =	vor.u32 v39, v13;
	v32 =	vld.idx.msk [tilespmem:v34+s21+$0x0], $0xffff  }
0x7e0: {  	v31 =	vor.u32 v40, v3;
	[tilespmem:v30+s25+$0x0] =	vst.idx.msk $0xffff, v21;
	v30 =	vor.u32 v40, v0;
	v40 =	vld [tilespmem:$0x1FF30]  }
0x7e1: {  	v53 =	vor.u32 v39, v10;
	v23 =	vor.u32 v43, v16;
	[tilespmem:v25+s25+$0x0] =	vst.idx.msk $0xffff, v17;
	v17 =	vld.idx.msk [tilespmem:v29+s21+$0x0], $0xffff  }
0x7e2: {  	v28 =	vor.u32 v39, v11;
	[tilespmem:v33+s25+$0x0] =	vst.idx.msk $0xffff, v24;
	v24 =	vor.u32 v39, v12;
	v39 =	vld [tilespmem:$0x1FC70]  }
0x7e3: {  	v36 =	vld [tilespmem:$0x1FD50];
	v19 =	vor.u32 v8, v4  }
0x7e4: {  	v38 =	vld [tilespmem:$0x1FD60];
	v25 =	vor.u32 v50, v1  }
0x7e5: {  	[tilespmem:v31+s25+$0x0] =	vst.idx.msk $0xffff, v20;
	v34 =	vld [tilespmem:$0x1FE20]  }
0x7e6: {  	v46 =	vor.u32 v8, v59;
	[tilespmem:v23+s25+$0x0] =	vst.idx.msk $0xffff, v27;
	v22 =	vld.idx.msk [tilespmem:v53+s21+$0x0], $0xffff;
	v31 =	vor.u32 v40, v9  }
0x7e7: {  	v23 =	vor.u32 v61, v10;
	v27 =	vld.idx.msk [tilespmem:v28+s21+$0x0], $0xffff;
	v29 =	vor.u32 v39, v5  }
0x7e8: {  	v21 =	vor.u32 v36, v6;
	v28 =	vor.u32 v62, v3;
	v19 =	vld.idx.msk [tilespmem:v19+s21+$0x0], $0xffff  }
0x7e9: {  	v18 =	vld.idx.msk [tilespmem:v18+s21+$0x0], $0xffff;
	v43 =	vor.u32 v40, v15;
	[tilespmem:v25+s25+$0x0] =	vst.idx.msk $0xffff, v26  }
0x7ea: {  	v25 =	vor.u32 v40, v16;
	[tilespmem:v30+s25+$0x0] =	vst.idx.msk $0xffff, v32;
	v24 =	vld.idx.msk [tilespmem:v24+s21+$0x0], $0xffff  }
0x7eb: {  	v32 =	vld.idx.msk [tilespmem:v46+s21+$0x0], $0xffff;
	[tilespmem:v31+s25+$0x0] =	vst.idx.msk $0xffff, v22;
	v31 =	vor.u32 v62, v0  }
0x7ec: {  	[tilespmem:v29+s25+$0x0] =	vst.idx.msk $0xffff, v17;
	v17 =	vor.u32 v57, v4;
	v29 =	vor.u32 v40, v14;
	v23 =	vld.idx.msk [tilespmem:v23+s21+$0x0], $0xffff  }
0x7ed: {  	v46 =	vor.u32 v57, v59;
	[tilespmem:v28+s25+$0x0] =	vst.idx.msk $0xffff, v19;
	v28 =	vor.u32 v55, v9;
	v21 =	vld.idx.msk [tilespmem:v21+s21+$0x0], $0xffff  }
0x7ee: {  	v26 =	vor.u32 v61, v11;
	[tilespmem:v43+s25+$0x0] =	vst.idx.msk $0xffff, v18;
	v43 =	vld [tilespmem:$0x1FC80]  }
0x7ef: {  	v53 =	vor.u32 v61, v13;
	v33 =	vld [tilespmem:$0x1FE00];
	[tilespmem:v25+s25+$0x0] =	vst.idx.msk $0xffff, v27  }
0x7f0: {  	v57 =	vld [tilespmem:$0x1FC00];
	[tilespmem:v31+s25+$0x0] =	vst.idx.msk $0xffff, v32  }
0x7f1: {  	v18 =	vor.u32 v61, v12;
	v17 =	vld.idx.msk [tilespmem:v17+s21+$0x0], $0xffff;
	[tilespmem:v29+s25+$0x0] =	vst.idx.msk $0xffff, v24;
	v24 =	vor.u32 v35, v3  }
0x7f2: {  	v25 =	vor.u32 v37, v10;
	v32 =	vld.idx.msk [tilespmem:v46+s21+$0x0], $0xffff;
	[tilespmem:v28+s25+$0x0] =	vst.idx.msk $0xffff, v23;
	v28 =	vor.u32 v35, v0  }
0x7f3: {  	v8 =	vmov v51;
	v51 =	vor.u32 v41, v59;
	v26 =	vld.idx.msk [tilespmem:v26+s21+$0x0], $0xffff;
	v30 =	vor.u32 v43, v5  }
0x7f4: {  	v20 =	vld.idx.msk [tilespmem:v53+s21+$0x0], $0xffff  }
0x7f5: {  	v22 =	vor.u32 v38, v6;
	v62 =	vmovc v44;
	v44 =	vmovc v60;
	v60 =	vmov v47;
	v27 =	vor.u32 v55, v16;
	v53 =	vld [tilespmem:$0x1FC90]  }
0x7f6: {  	v47 =	vmov v54;
	v54 =	vmov v48;
	v29 =	vor.u32 v37, v11;
	v18 =	vld.idx.msk [tilespmem:v18+s21+$0x0], $0xffff;
	[tilespmem:v24+s25+$0x0] =	vst.idx.msk $0xffff, v17  }
0x7f7: {  	v19 =	vor.u32 v37, v13;
	v40 =	vor.u32 v55, v15;
	v25 =	vld.idx.msk [tilespmem:v25+s21+$0x0], $0xffff;
	[tilespmem:v28+s25+$0x0] =	vst.idx.msk $0xffff, v32  }
0x7f8: {  	v24 =	vor.u32 v57, v9;
	[tilespmem:v30+s25+$0x0] =	vst.idx.msk $0xffff, v21;
	v21 =	vor.u32 v41, v4;
	v32 =	vld.idx.msk [tilespmem:v51+s21+$0x0], $0xffff  }
0x7f9: {  	v48 =	vmovc v55;
	v30 =	vor.u32 v55, v14;
	v55 =	vor.u32 v7, v4;
	v41 =	vor.u32 v7, v59;
	v7 =	vld [tilespmem:$0x1FDE0]  }
0x7fa: {  	v31 =	vor.u32 v53, v5;
	[tilespmem:v27+s25+$0x0] =	vst.idx.msk $0xffff, v26;
	v22 =	vld.idx.msk [tilespmem:v22+s21+$0x0], $0xffff  }
0x7fb: {  	v26 =	vor.u32 v58, v10;
	v27 =	vld.idx.msk [tilespmem:v29+s21+$0x0], $0xffff  }
0x7fc: {  	v23 =	vor.u32 v47, v6;
	[tilespmem:v40+s25+$0x0] =	vst.idx.msk $0xffff, v20;
	v20 =	vor.u32 v37, v12;
	v40 =	vld [tilespmem:$0x1FD80]  }
0x7fd: {  	v46 =	vor.u32 v57, v15;
	v17 =	vor.u32 v58, v13;
	v19 =	vld.idx.msk [tilespmem:v19+s21+$0x0], $0xffff;
	[tilespmem:v24+s25+$0x0] =	vst.idx.msk $0xffff, v25  }
0x7fe: {  	v29 =	vor.u32 v57, v16;
	v24 =	vor.u32 v42, v0;
	v21 =	vld.idx.msk [tilespmem:v21+s21+$0x0], $0xffff;
	[tilespmem:v30+s25+$0x0] =	vst.idx.msk $0xffff, v18  }
0x7ff: {  	v18 =	vor.u32 v42, v3;
	[tilespmem:v31+s25+$0x0] =	vst.idx.msk $0xffff, v22;
	v31 =	vor.u32 v57, v14;
	v57 =	vld [tilespmem:$0x1FE90]  }
0x800: {  	v26 =	vld.idx.msk [tilespmem:v26+s21+$0x0], $0xffff  }
0x801: {  	v20 =	vld.idx.msk [tilespmem:v20+s21+$0x0], $0xffff  }
0x802: {  	v30 =	vor.u32 v58, v11;
	v23 =	vld.idx.msk [tilespmem:v23+s21+$0x0], $0xffff;
	[tilespmem:v46+s25+$0x0] =	vst.idx.msk $0xffff, v19  }
0x803: {  	v28 =	vor.u32 v62, v5;
	v19 =	vor.u32 v58, v12;
	v17 =	vld.idx.msk [tilespmem:v17+s21+$0x0], $0xffff;
	[tilespmem:v24+s25+$0x0] =	vst.idx.msk $0xffff, v32  }
0x804: {  	v6 =	vor.u32 v40, v6;
	[tilespmem:v18+s25+$0x0] =	vst.idx.msk $0xffff, v21;
	v24 =	vld.idx.msk [tilespmem:v41+s21+$0x0], $0xffff;
	v25 =	vor.u32 v57, v15  }
0x805: {  	v41 =	vld [tilespmem:$0x1FEB0];
	v42 =	vor.u32 v57, v9;
	[tilespmem:v29+s25+$0x0] =	vst.idx.msk $0xffff, v27  }
0x806: {  	v18 =	vor.u32 v45, v13;
	[tilespmem:v31+s25+$0x0] =	vst.idx.msk $0xffff, v20;
	v20 =	vor.u32 v50, v3;
	v22 =	vld.idx.msk [tilespmem:v55+s21+$0x0], $0xffff  }
0x807: {  	v51 =	vor.u32 v50, v0;
	v27 =	vor.u32 v45, v10;
	v29 =	vld.idx.msk [tilespmem:v30+s21+$0x0], $0xffff;
	v30 =	vor.u32 v57, v16  }
0x808: {  	v31 =	vor.u32 v57, v14;
	v19 =	vld.idx.msk [tilespmem:v19+s21+$0x0], $0xffff;
	[tilespmem:v28+s25+$0x0] =	vst.idx.msk $0xffff, v23;
	v23 =	vor.u32 v56, v4  }
0x809: {  	v5 =	vor.u32 v7, v5;
	v28 =	vor.u32 v45, v11;
	v6 =	vld.idx.msk [tilespmem:v6+s21+$0x0], $0xffff;
	[tilespmem:v25+s25+$0x0] =	vst.idx.msk $0xffff, v17  }
0x80a: {  	v57 =	vld [tilespmem:$0x1FED0];
	v50 =	vor.u32 v41, v9;
	v17 =	vor.u32 v45, v12;
	[tilespmem:v42+s25+$0x0] =	vst.idx.msk $0xffff, v26  }
0x80b: {  	v25 =	vor.u32 v56, v2;
	v26 =	vor.u32 v41, v15;
	v18 =	vld.idx.msk [tilespmem:v18+s21+$0x0], $0xffff;
	[tilespmem:v20+s25+$0x0] =	vst.idx.msk $0xffff, v22  }
0x80c: {  	v42 =	vor.u32 v56, v59;
	v56 =	vmov v49;
	v27 =	vld.idx.msk [tilespmem:v27+s21+$0x0], $0xffff;
	[tilespmem:v30+s25+$0x0] =	vst.idx.msk $0xffff, v29  }
0x80d: {  	v49 =	vor.u32 v34, v13;
	[tilespmem:v31+s25+$0x0] =	vst.idx.msk $0xffff, v19;
	v19 =	vor.u32 v39, v3;
	v23 =	vld.idx.msk [tilespmem:v23+s21+$0x0], $0xffff  }
0x80e: {  	[tilespmem:v51+s25+$0x0] =	vst.idx.msk $0xffff, v24;
	v29 =	vor.u32 v34, v10;
	v30 =	vor.u32 v41, v16;
	v28 =	vld.idx.msk [tilespmem:v28+s21+$0x0], $0xffff  }
0x80f: {  	[tilespmem:v5+s25+$0x0] =	vst.idx.msk $0xffff, v6;
	v5 =	vor.u32 v36, v4;
	v17 =	vld.idx.msk [tilespmem:v17+s21+$0x0], $0xffff  }
0x810: {  	v31 =	vor.u32 v41, v14;
	v6 =	vor.u32 v34, v11;
	v51 =	vld.idx.msk [tilespmem:v25+s21+$0x0], $0xffff;
	[tilespmem:v26+s25+$0x0] =	vst.idx.msk $0xffff, v18  }
0x811: {  	v55 =	vor.u32 v39, v0;
	v24 =	vld.idx.msk [tilespmem:v42+s21+$0x0], $0xffff;
	v18 =	vor.u32 v34, v12;
	[tilespmem:v50+s25+$0x0] =	vst.idx.msk $0xffff, v27  }
0x812: {  	v25 =	vor.u32 v39, v1;
	v20 =	vld.idx.msk [tilespmem:v49+s21+$0x0], $0xffff;
	[tilespmem:v19+s25+$0x0] =	vst.idx.msk $0xffff, v23  }
0x813: {  	v42 =	vor.u32 v36, v59;
	v27 =	vor.u32 v57, v15;
	v29 =	vld.idx.msk [tilespmem:v29+s21+$0x0], $0xffff;
	[tilespmem:v30+s25+$0x0] =	vst.idx.msk $0xffff, v28  }
0x814: {  	v46 =	vor.u32 v57, v9;
	v26 =	vor.u32 v36, v2;
	v5 =	vld.idx.msk [tilespmem:v5+s21+$0x0], $0xffff  }
0x815: {  	v19 =	vor.u32 v52, v13;
	v6 =	vld.idx.msk [tilespmem:v6+s21+$0x0], $0xffff;
	[tilespmem:v31+s25+$0x0] =	vst.idx.msk $0xffff, v17;
	v17 =	vor.u32 v43, v3  }
0x816: {  	v28 =	vor.u32 v52, v10;
	v30 =	vor.u32 v57, v16;
	[tilespmem:v55+s25+$0x0] =	vst.idx.msk $0xffff, v24;
	v18 =	vld.idx.msk [tilespmem:v18+s21+$0x0], $0xffff  }
0x817: {  	v31 =	vor.u32 v38, v4;
	[tilespmem:v25+s25+$0x0] =	vst.idx.msk $0xffff, v51;
	v25 =	vor.u32 v57, v14;
	v57 =	vld [tilespmem:$0x1FEE0]  }
0x818: {  	v49 =	vor.u32 v52, v11;
	v24 =	vld.idx.msk [tilespmem:v42+s21+$0x0], $0xffff;
	[tilespmem:v27+s25+$0x0] =	vst.idx.msk $0xffff, v20  }
0x819: {  	v51 =	vor.u32 v52, v12;
	v50 =	vld.idx.msk [tilespmem:v26+s21+$0x0], $0xffff;
	[tilespmem:v46+s25+$0x0] =	vst.idx.msk $0xffff, v29  }
0x81a: {  	v55 =	vor.u32 v43, v0;
	v19 =	vld.idx.msk [tilespmem:v19+s21+$0x0], $0xffff;
	[tilespmem:v17+s25+$0x0] =	vst.idx.msk $0xffff, v5  }
0x81b: {  	v26 =	vor.u32 v43, v1;
	v28 =	vld.idx.msk [tilespmem:v28+s21+$0x0], $0xffff;
	[tilespmem:v30+s25+$0x0] =	vst.idx.msk $0xffff, v6  }
0x81c: {  	v46 =	vor.u32 v38, v59;
	v29 =	vor.u32 v57, v15;
	v6 =	vld.idx.msk [tilespmem:v31+s21+$0x0], $0xffff  }
0x81d: {  	v27 =	vor.u32 v38, v2;
	v17 =	vor.u32 v57, v9;
	[tilespmem:v25+s25+$0x0] =	vst.idx.msk $0xffff, v18;
	v21 =	vld.idx.msk [tilespmem:v49+s21+$0x0], $0xffff  }
0x81e: {  	v5 =	vor.u32 v44, v13;
	v18 =	vor.u32 v53, v3;
	v20 =	vld.idx.msk [tilespmem:v51+s21+$0x0], $0xffff  }
0x81f: {  	v30 =	vor.u32 v44, v10;
	v25 =	vor.u32 v57, v16;
	[tilespmem:v55+s25+$0x0] =	vst.idx.msk $0xffff, v24;
	v51 =	vld [tilespmem:$0x1FF40]  }
0x820: {  	v32 =	vld [tilespmem:$0x1FD90];
	v31 =	vor.u32 v47, v4;
	[tilespmem:v26+s25+$0x0] =	vst.idx.msk $0xffff, v50  }
0x821: {  	v49 =	vor.u32 v44, v11;
	v26 =	vor.u32 v57, v14;
	v24 =	vld.idx.msk [tilespmem:v46+s21+$0x0], $0xffff;
	[tilespmem:v29+s25+$0x0] =	vst.idx.msk $0xffff, v19  }
0x822: {  	v50 =	vld.idx.msk [tilespmem:v27+s21+$0x0], $0xffff;
	v27 =	vor.u32 v53, v1;
	v19 =	vor.u32 v44, v12;
	[tilespmem:v17+s25+$0x0] =	vst.idx.msk $0xffff, v28  }
0x823: {  	v17 =	vor.u32 v53, v0;
	v5 =	vld.idx.msk [tilespmem:v5+s21+$0x0], $0xffff;
	[tilespmem:v18+s25+$0x0] =	vst.idx.msk $0xffff, v6  }
0x824: {  	v28 =	vor.u32 v47, v2;
	v29 =	vor.u32 v51, v15;
	v30 =	vld.idx.msk [tilespmem:v30+s21+$0x0], $0xffff;
	[tilespmem:v25+s25+$0x0] =	vst.idx.msk $0xffff, v21  }
0x825: {  	v53 =	vor.u32 v47, v59;
	v18 =	vor.u32 v51, v9;
	v21 =	vld.idx.msk [tilespmem:v31+s21+$0x0], $0xffff  }
0x826: {  	v55 =	vor.u32 v62, v3;
	v6 =	vor.u32 v60, v13;
	[tilespmem:v26+s25+$0x0] =	vst.idx.msk $0xffff, v20;
	v22 =	vld.idx.msk [tilespmem:v49+s21+$0x0], $0xffff  }
0x827: {  	v26 =	vor.u32 v51, v16;
	v25 =	vor.u32 v60, v10;
	v19 =	vld.idx.msk [tilespmem:v19+s21+$0x0], $0xffff;
	[tilespmem:v27+s25+$0x0] =	vst.idx.msk $0xffff, v50  }
0x828: {  	v4 =	vor.u32 v40, v4;
	v46 =	vld [tilespmem:$0x1FC10];
	[tilespmem:v17+s25+$0x0] =	vst.idx.msk $0xffff, v24  }
0x829: {  	v57 =	vor.u32 v60, v11;
	v27 =	vor.u32 v51, v14;
	v17 =	vld.idx.msk [tilespmem:v28+s21+$0x0], $0xffff;
	[tilespmem:v29+s25+$0x0] =	vst.idx.msk $0xffff, v5  }
0x82a: {  	v5 =	vor.u32 v60, v12;
	v24 =	vld.idx.msk [tilespmem:v53+s21+$0x0], $0xffff;
	v28 =	vor.u32 v62, v1;
	[tilespmem:v18+s25+$0x0] =	vst.idx.msk $0xffff, v30  }
0x82b: {  	v30 =	vor.u32 v40, v2;
	v29 =	vld.idx.msk [tilespmem:v6+s21+$0x0], $0xffff;
	[tilespmem:v55+s25+$0x0] =	vst.idx.msk $0xffff, v21  }
0x82c: {  	v18 =	vor.u32 v62, v0;
	v25 =	vld.idx.msk [tilespmem:v25+s21+$0x0], $0xffff;
	[tilespmem:v26+s25+$0x0] =	vst.idx.msk $0xffff, v22  }
0x82d: {  	v3 =	vor.u32 v7, v3;
	v4 =	vld.idx.msk [tilespmem:v4+s21+$0x0], $0xffff  }
0x82e: {  	v31 =	vor.u32 v46, v15;
	v49 =	vor.u32 v40, v59;
	v23 =	vld.idx.msk [tilespmem:v57+s21+$0x0], $0xffff;
	[tilespmem:v27+s25+$0x0] =	vst.idx.msk $0xffff, v19  }
0x82f: {  	v50 =	vor.u32 v33, v13;
	v51 =	vor.u32 v46, v9;
	v26 =	vld.idx.msk [tilespmem:v5+s21+$0x0], $0xffff;
	[tilespmem:v28+s25+$0x0] =	vst.idx.msk $0xffff, v17  }
0x830: {  	v53 =	vor.u32 v33, v10;
	v2 =	vmovc v12;
	v6 =	vmov v13;
	v13 =	vor.u32 v46, v14;
	v17 =	vld.idx.msk [tilespmem:v30+s21+$0x0], $0xffff  }
0x831: {  	[tilespmem:v18+s25+$0x0] =	vst.idx.msk $0xffff, v24;
	v18 =	vor.u32 v33, v2;
	v30 =	vld [tilespmem:$0x1FE50]  }
0x832: {  	v27 =	vor.u32 v7, v1;
	[tilespmem:v3+s25+$0x0] =	vst.idx.msk $0xffff, v4;
	v3 =	vld [tilespmem:$0x1FE30]  }
0x833: {  	v19 =	vor.u32 v46, v16;
	[tilespmem:v31+s25+$0x0] =	vst.idx.msk $0xffff, v29;
	v24 =	vld.idx.msk [tilespmem:v49+s21+$0x0], $0xffff  }
0x834: {  	v12 =	vor.u32 v33, v11;
	v55 =	vor.u32 v7, v0;
	[tilespmem:v51+s25+$0x0] =	vst.idx.msk $0xffff, v25;
	v20 =	vld.idx.msk [tilespmem:v50+s21+$0x0], $0xffff  }
0x835: {  	v0 =	vmov v9;
	v25 =	vor.u32 v32, v15;
	v22 =	vld.idx.msk [tilespmem:v53+s21+$0x0], $0xffff;
	[tilespmem:v13+s25+$0x0] =	vst.idx.msk $0xffff, v26  }
0x836: {  	s0 =	sadd.s32 $0x4, s0;
	v59 =	vmov v10;
	v28 =	vor.u32 v32, v0;
	v10 =	vld.idx.msk [tilespmem:v18+s21+$0x0], $0xffff  }
0x837: {  	p0 =	slt.u32 s0, $0x1C;
	v1 =	vmov v14;
	[tilespmem:v27+s25+$0x0] =	vst.idx.msk $0xffff, v17;
	v27 =	vld [tilespmem:$0x1FE30];
	v14 =	vor.u32 v3, v6  }
.Ltmp8:
0x838: {  	[tilespmem:v19+s25+$0x0] =	vst.idx.msk $0xffff, v23;
	(pc) =	sbr.rel @p0 .LBB2_18-.Ltmp8, $4  }
0x839: {  	[tilespmem:v55+s25+$0x0] =	vst.idx.msk $0xffff, v24  }
0x83a: {  	v5 =	vmov v15;
	v9 =	vld.idx.msk [tilespmem:v12+s21+$0x0], $0xffff;
	[tilespmem:v25+s25+$0x0] =	vst.idx.msk $0xffff, v20;
	v3 =	vmov v16  }
0x83b: {  	v4 =	vmov v11;
	[tilespmem:v28+s25+$0x0] =	vst.idx.msk $0xffff, v22;
	v28 =	vld [tilespmem:$0x1FBF0];
	v16 =	vor.u32 v32, v1;
	v13 =	vor.u32 v32, v3  }
0x83c: {  	s2 =	sadd.s32 $0x40, s2;
	v11 =	vor.u32 v27, v4;
	v17 =	vor.u32 v27, v2;
	v15 =	vld.idx.msk [tilespmem:v14+s21+$0x0], $0xffff;
	v14 =	vor.u32 v30, v6  }
0x83d: {  	v57 =	vld [tilespmem:$0x1FF80]  }
0x83e: {  	v51 =	vld [tilespmem:$0x1FF70]  }
0x83f: {  	v53 =	vld [tilespmem:$0x1FF90]  }
0x840: {  	v37 =	vld [tilespmem:$0x1FFB0]  }
0x841: {  	v41 =	vld [tilespmem:$0x1FF20]  }
0x842: {  	v61 =	vld [tilespmem:$0x1FF40]  }
0x843: {  	v50 =	vld [tilespmem:$0x1FF30];
	[tilespmem:v13+s25+$0x0] =	vst.idx.msk $0xffff, v9  }
0x844: {  	v42 =	vor.u32 v54, v3;
	v11 =	vld.idx.msk [tilespmem:v11+s21+$0x0], $0xffff  }
0x845: {  	[tilespmem:v16+s25+$0x0] =	vst.idx.msk $0xffff, v10  }
0x846: {  	[tilespmem:v28+s25+$0x0] =	vst.idx.msk $0xffff, v15  }
0x847: {  	v19 =	vld [tilespmem:$0x1FC20]  }
0x848: {  	v45 =	vor.u32 v30, v4  }
0x849: {  	v12 =	vld.idx.msk [tilespmem:v17+s21+$0x0], $0xffff;
	[tilespmem:v42+s25+$0x0] =	vst.idx.msk $0xffff, v11  }
0x84a: {  	v43 =	vor.u32 v54, v1;
	v20 =	vld [tilespmem:$0x1FCD0]  }
0x84b: {  	v7 =	vld.idx.msk [tilespmem:v8+s21+$0x0], $0xffff;
	v17 =	vor.u32 v54, v0  }
0x84c: {  	v16 =	vor.u32 v30, v2;
	v46 =	vld.idx.msk [tilespmem:v14+s21+$0x0], $0xffff;
	v49 =	vor.u32 v19, v5  }
0x84d: {  	v18 =	vor.u32 v30, v59;
	v55 =	vld.idx.msk [tilespmem:v45+s21+$0x0], $0xffff;
	v58 =	vor.u32 v19, v3;
	_ =	sdelay $0x1  }
0x84e: {  	[tilespmem:v43+s25+$0x0] =	vst.idx.msk $0xffff, v12;
	v52 =	vor.u32 v20, v6  }
0x84f: {  	[tilespmem:v17+s25+$0x0] =	vst.idx.msk $0xffff, v7  }
0x850: {  	v12 =	vld.idx.msk [tilespmem:v16+s21+$0x0], $0xffff;
	[tilespmem:v49+s25+$0x0] =	vst.idx.msk $0xffff, v46  }
0x851: {  	v39 =	vor.u32 v19, v1;
	v15 =	vld.idx.msk [tilespmem:v18+s21+$0x0], $0xffff;
	v40 =	vor.u32 v20, v4;
	[tilespmem:v58+s25+$0x0] =	vst.idx.msk $0xffff, v55  }
0x852: {  	v17 =	vor.u32 v19, v0;
	v16 =	vor.u32 v20, v2;
	v19 =	vld [tilespmem:$0x1FCE0]  }
0x853: {  	v42 =	vor.u32 v56, v5;
	v18 =	vor.u32 v20, v59;
	v8 =	vld.idx.msk [tilespmem:v52+s21+$0x0], $0xffff;
	_ =	sdelay $0x2  }
0x854: {  	[tilespmem:v39+s25+$0x0] =	vst.idx.msk $0xffff, v12;
	v45 =	vld.idx.msk [tilespmem:v40+s21+$0x0], $0xffff  }
0x855: {  	[tilespmem:v17+s25+$0x0] =	vst.idx.msk $0xffff, v15;
	v12 =	vld.idx.msk [tilespmem:v16+s21+$0x0], $0xffff  }
0x856: {  	v46 =	vor.u32 v56, v3;
	v17 =	vld.idx.msk [tilespmem:v18+s21+$0x0], $0xffff;
	v43 =	vor.u32 v19, v6;
	[tilespmem:v42+s25+$0x0] =	vst.idx.msk $0xffff, v8  }
0x857: {  	v52 =	vor.u32 v19, v4;
	v16 =	vor.u32 v19, v2;
	v18 =	vor.u32 v19, v59;
	v19 =	vld [tilespmem:$0x1FC30];
	_ =	sdelay $0x2  }
0x858: {  	v49 =	vor.u32 v56, v1  }
0x859: {  	v15 =	vor.u32 v56, v0;
	[tilespmem:v46+s25+$0x0] =	vst.idx.msk $0xffff, v45;
	v8 =	vld.idx.msk [tilespmem:v43+s21+$0x0], $0xffff  }
0x85a: {  	v20 =	vld [tilespmem:$0x1FCF0];
	v55 =	vor.u32 v19, v5;
	_ =	sdelay $0x2  }
0x85b: {  	[tilespmem:v49+s25+$0x0] =	vst.idx.msk $0xffff, v12  }
0x85c: {  	[tilespmem:v15+s25+$0x0] =	vst.idx.msk $0xffff, v17  }
0x85d: {  	v58 =	vld.idx.msk [tilespmem:v52+s21+$0x0], $0xffff;
	v39 =	vor.u32 v19, v3;
	v56 =	vor.u32 v20, v6;
	[tilespmem:v55+s25+$0x0] =	vst.idx.msk $0xffff, v8  }
0x85e: {  	v23 =	vld [tilespmem:$0x1FDB0]  }
0x85f: {  	v42 =	vor.u32 v20, v4  }
0x860: {  	v12 =	vld.idx.msk [tilespmem:v16+s21+$0x0], $0xffff  }
0x861: {  	v16 =	vld.idx.msk [tilespmem:v18+s21+$0x0], $0xffff;
	v40 =	vor.u32 v19, v1  }
0x862: {  	v17 =	vor.u32 v19, v0;
	v15 =	vor.u32 v20, v2;
	v7 =	vld.idx.msk [tilespmem:v56+s21+$0x0], $0xffff;
	[tilespmem:v39+s25+$0x0] =	vst.idx.msk $0xffff, v58  }
0x863: {  	v18 =	vor.u32 v20, v59;
	v19 =	vld [tilespmem:$0x1FD10];
	v43 =	vor.u32 v23, v5  }
0x864: {  	v10 =	vld.idx.msk [tilespmem:v42+s21+$0x0], $0xffff;
	v46 =	vor.u32 v23, v3;
	_ =	sdelay $0x1  }
0x865: {  	[tilespmem:v40+s25+$0x0] =	vst.idx.msk $0xffff, v12  }
0x866: {  	[tilespmem:v17+s25+$0x0] =	vst.idx.msk $0xffff, v16;
	v12 =	vld.idx.msk [tilespmem:v15+s21+$0x0], $0xffff  }
0x867: {  	v16 =	vld.idx.msk [tilespmem:v18+s21+$0x0], $0xffff;
	v45 =	vor.u32 v19, v6;
	v52 =	vor.u32 v19, v4;
	[tilespmem:v43+s25+$0x0] =	vst.idx.msk $0xffff, v7  }
0x868: {  	v15 =	vor.u32 v19, v2;
	v18 =	vor.u32 v19, v59;
	v19 =	vld [tilespmem:$0x1FC40];
	[tilespmem:v46+s25+$0x0] =	vst.idx.msk $0xffff, v10  }
0x869: {  	v20 =	vld [tilespmem:$0x1FD20];
	_ =	sdelay $0x1  }
0x86a: {  	v49 =	vor.u32 v23, v1  }
0x86b: {  	v17 =	vor.u32 v23, v0  }
0x86c: {  	v7 =	vld.idx.msk [tilespmem:v45+s21+$0x0], $0xffff;
	v55 =	vor.u32 v19, v5  }
0x86d: {  	v10 =	vld.idx.msk [tilespmem:v52+s21+$0x0], $0xffff;
	v58 =	vor.u32 v19, v3;
	v56 =	vor.u32 v20, v6;
	_ =	sdelay $0x1  }
0x86e: {  	[tilespmem:v49+s25+$0x0] =	vst.idx.msk $0xffff, v12  }
0x86f: {  	[tilespmem:v17+s25+$0x0] =	vst.idx.msk $0xffff, v16;
	v12 =	vld.idx.msk [tilespmem:v15+s21+$0x0], $0xffff;
	v39 =	vor.u32 v19, v1  }
0x870: {  	v16 =	vld.idx.msk [tilespmem:v18+s21+$0x0], $0xffff;
	v17 =	vor.u32 v19, v0;
	[tilespmem:v55+s25+$0x0] =	vst.idx.msk $0xffff, v7  }
0x871: {  	v42 =	vor.u32 v35, v5;
	v40 =	vor.u32 v20, v4;
	[tilespmem:v58+s25+$0x0] =	vst.idx.msk $0xffff, v10;
	v7 =	vld.idx.msk [tilespmem:v56+s21+$0x0], $0xffff  }
0x872: {  	v43 =	vld [tilespmem:$0x1FE10];
	_ =	sdelay $0x1  }
0x873: {  	[tilespmem:v39+s25+$0x0] =	vst.idx.msk $0xffff, v12  }
0x874: {  	v15 =	vor.u32 v20, v2;
	[tilespmem:v17+s25+$0x0] =	vst.idx.msk $0xffff, v16  }
0x875: {  	v18 =	vor.u32 v20, v59;
	v10 =	vld.idx.msk [tilespmem:v40+s21+$0x0], $0xffff;
	[tilespmem:v42+s25+$0x0] =	vst.idx.msk $0xffff, v7  }
0x876: {  	v46 =	vor.u32 v35, v3;
	v45 =	vor.u32 v43, v6;
	v19 =	vld [tilespmem:$0x1FC50];
	_ =	sdelay $0x2  }
0x877: {  	v49 =	vor.u32 v35, v1;
	v12 =	vld.idx.msk [tilespmem:v15+s21+$0x0], $0xffff  }
0x878: {  	v17 =	vor.u32 v35, v0;
	v16 =	vld.idx.msk [tilespmem:v18+s21+$0x0], $0xffff  }
0x879: {  	v58 =	vor.u32 v43, v4;
	[tilespmem:v46+s25+$0x0] =	vst.idx.msk $0xffff, v10;
	v7 =	vld.idx.msk [tilespmem:v45+s21+$0x0], $0xffff;
	v39 =	vor.u32 v19, v5  }
0x87a: {  	v55 =	vld [tilespmem:$0x1FE40];
	_ =	sdelay $0x1  }
0x87b: {  	[tilespmem:v49+s25+$0x0] =	vst.idx.msk $0xffff, v12  }
0x87c: {  	v15 =	vor.u32 v43, v2;
	[tilespmem:v17+s25+$0x0] =	vst.idx.msk $0xffff, v16  }
0x87d: {  	v18 =	vor.u32 v43, v59;
	v10 =	vld.idx.msk [tilespmem:v58+s21+$0x0], $0xffff;
	v42 =	vor.u32 v19, v3;
	[tilespmem:v39+s25+$0x0] =	vst.idx.msk $0xffff, v7  }
0x87e: {  	v43 =	vor.u32 v19, v1;
	v17 =	vor.u32 v19, v0;
	v40 =	vor.u32 v55, v6;
	v19 =	vld [tilespmem:$0x1FC60];
	_ =	sdelay $0x2  }
0x87f: {  	v12 =	vld.idx.msk [tilespmem:v15+s21+$0x0], $0xffff  }
0x880: {  	v16 =	vld.idx.msk [tilespmem:v18+s21+$0x0], $0xffff  }
0x881: {  	v7 =	vld.idx.msk [tilespmem:v40+s21+$0x0], $0xffff;
	[tilespmem:v42+s25+$0x0] =	vst.idx.msk $0xffff, v10;
	v46 =	vor.u32 v19, v5  }
0x882: {  	v20 =	vld [tilespmem:$0x1FE60];
	_ =	sdelay $0x1  }
0x883: {  	v45 =	vor.u32 v55, v4;
	[tilespmem:v43+s25+$0x0] =	vst.idx.msk $0xffff, v12  }
0x884: {  	v15 =	vor.u32 v55, v2;
	[tilespmem:v17+s25+$0x0] =	vst.idx.msk $0xffff, v16  }
0x885: {  	v18 =	vor.u32 v55, v59;
	v52 =	vor.u32 v19, v3;
	[tilespmem:v46+s25+$0x0] =	vst.idx.msk $0xffff, v7  }
0x886: {  	v55 =	vor.u32 v19, v1;
	v16 =	vor.u32 v19, v0;
	v49 =	vor.u32 v20, v6;
	v19 =	vld [tilespmem:$0x1FC70];
	_ =	sdelay $0x1  }
0x887: {  	v10 =	vld.idx.msk [tilespmem:v45+s21+$0x0], $0xffff  }
0x888: {  	v12 =	vld.idx.msk [tilespmem:v15+s21+$0x0], $0xffff  }
0x889: {  	v15 =	vld.idx.msk [tilespmem:v18+s21+$0x0], $0xffff  }
0x88a: {  	v7 =	vld.idx.msk [tilespmem:v49+s21+$0x0], $0xffff;
	v58 =	vor.u32 v19, v5;
	_ =	sdelay $0x1  }
0x88b: {  	[tilespmem:v52+s25+$0x0] =	vst.idx.msk $0xffff, v10  }
0x88c: {  	v56 =	vor.u32 v20, v4;
	[tilespmem:v55+s25+$0x0] =	vst.idx.msk $0xffff, v12  }
0x88d: {  	v17 =	vor.u32 v20, v2;
	[tilespmem:v16+s25+$0x0] =	vst.idx.msk $0xffff, v15  }
0x88e: {  	v35 =	vor.u32 v36, v6;
	v18 =	vor.u32 v20, v59;
	[tilespmem:v58+s25+$0x0] =	vst.idx.msk $0xffff, v7  }
0x88f: {  	v39 =	vor.u32 v19, v3;
	v42 =	vor.u32 v19, v1;
	v16 =	vor.u32 v19, v0;
	v19 =	vld [tilespmem:$0x1FC80];
	_ =	sdelay $0x1  }
0x890: {  	v10 =	vld.idx.msk [tilespmem:v56+s21+$0x0], $0xffff  }
0x891: {  	v13 =	vld.idx.msk [tilespmem:v17+s21+$0x0], $0xffff  }
0x892: {  	v15 =	vld.idx.msk [tilespmem:v18+s21+$0x0], $0xffff  }
0x893: {  	v40 =	vor.u32 v36, v4;
	v7 =	vld.idx.msk [tilespmem:v35+s21+$0x0], $0xffff;
	v43 =	vor.u32 v19, v5;
	_ =	sdelay $0x1  }
0x894: {  	[tilespmem:v39+s25+$0x0] =	vst.idx.msk $0xffff, v10  }
0x895: {  	[tilespmem:v42+s25+$0x0] =	vst.idx.msk $0xffff, v13  }
0x896: {  	v17 =	vor.u32 v36, v2;
	[tilespmem:v16+s25+$0x0] =	vst.idx.msk $0xffff, v15  }
0x897: {  	v45 =	vor.u32 v38, v6;
	v18 =	vor.u32 v36, v59;
	v10 =	vld.idx.msk [tilespmem:v40+s21+$0x0], $0xffff;
	[tilespmem:v43+s25+$0x0] =	vst.idx.msk $0xffff, v7  }
0x898: {  	v46 =	vor.u32 v19, v3;
	v52 =	vor.u32 v19, v1;
	v16 =	vor.u32 v19, v0;
	v19 =	vld [tilespmem:$0x1FC90]  }
0x899: {  	v49 =	vor.u32 v38, v4;
	_ =	sdelay $0x1  }
0x89a: {  	v13 =	vld.idx.msk [tilespmem:v17+s21+$0x0], $0xffff  }
0x89b: {  	v15 =	vld.idx.msk [tilespmem:v18+s21+$0x0], $0xffff;
	v17 =	vor.u32 v38, v2  }
0x89c: {  	v18 =	vor.u32 v38, v59;
	v7 =	vld.idx.msk [tilespmem:v45+s21+$0x0], $0xffff;
	[tilespmem:v46+s25+$0x0] =	vst.idx.msk $0xffff, v10;
	v55 =	vor.u32 v19, v5  }
0x89d: {  	v56 =	vor.u32 v47, v6;
	v10 =	vld.idx.msk [tilespmem:v49+s21+$0x0], $0xffff;
	v58 =	vor.u32 v19, v3;
	_ =	sdelay $0x1  }
0x89e: {  	[tilespmem:v52+s25+$0x0] =	vst.idx.msk $0xffff, v13  }
0x89f: {  	[tilespmem:v16+s25+$0x0] =	vst.idx.msk $0xffff, v15;
	v13 =	vld.idx.msk [tilespmem:v17+s21+$0x0], $0xffff;
	v36 =	vor.u32 v19, v1  }
0x8a0: {  	v15 =	vld.idx.msk [tilespmem:v18+s21+$0x0], $0xffff;
	v16 =	vor.u32 v19, v0;
	[tilespmem:v55+s25+$0x0] =	vst.idx.msk $0xffff, v7  }
0x8a1: {  	v35 =	vor.u32 v47, v4;
	v38 =	vor.u32 v62, v5;
	[tilespmem:v58+s25+$0x0] =	vst.idx.msk $0xffff, v10;
	v7 =	vld.idx.msk [tilespmem:v56+s21+$0x0], $0xffff  }
0x8a2: {  	v19 =	vld [tilespmem:$0x1FD80]  }
0x8a3: {  	v17 =	vor.u32 v47, v2  }
0x8a4: {  	v18 =	vor.u32 v47, v59;
	[tilespmem:v36+s25+$0x0] =	vst.idx.msk $0xffff, v13  }
0x8a5: {  	[tilespmem:v16+s25+$0x0] =	vst.idx.msk $0xffff, v15  }
0x8a6: {  	v40 =	vld.idx.msk [tilespmem:v35+s21+$0x0], $0xffff;
	[tilespmem:v38+s25+$0x0] =	vst.idx.msk $0xffff, v7  }
0x8a7: {  	v42 =	vor.u32 v62, v3;
	v39 =	vor.u32 v19, v6;
	v8 =	vld [tilespmem:$0x1FDE0]  }
0x8a8: {  	v46 =	vor.u32 v62, v1;
	v45 =	vld.idx.msk [tilespmem:v17+s21+$0x0], $0xffff;
	v43 =	vor.u32 v19, v4  }
0x8a9: {  	v49 =	vor.u32 v62, v0;
	v47 =	vld.idx.msk [tilespmem:v18+s21+$0x0], $0xffff;
	v52 =	vor.u32 v19, v2  }
0x8aa: {  	v15 =	vor.u32 v19, v59;
	_ =	sdelay $0x1  }
0x8ab: {  	[tilespmem:v42+s25+$0x0] =	vst.idx.msk $0xffff, v40;
	v6 =	vld.idx.msk [tilespmem:v39+s21+$0x0], $0xffff;
	v55 =	vor.u32 v8, v5  }
0x8ac: {  	[tilespmem:v46+s25+$0x0] =	vst.idx.msk $0xffff, v45;
	v4 =	vld.idx.msk [tilespmem:v43+s21+$0x0], $0xffff;
	v56 =	vor.u32 v8, v3  }
0x8ad: {  	[tilespmem:v49+s25+$0x0] =	vst.idx.msk $0xffff, v47;
	v2 =	vld.idx.msk [tilespmem:v52+s21+$0x0], $0xffff;
	v58 =	vor.u32 v8, v1  }
0x8ae: {  	v59 =	vld.idx.msk [tilespmem:v15+s21+$0x0], $0xffff;
	v62 =	vor.u32 v8, v0;
	_ =	sdelay $0x1  }
0x8af: {  	[tilespmem:v55+s25+$0x0] =	vst.idx.msk $0xffff, v6  }
0x8b0: {  	[tilespmem:v56+s25+$0x0] =	vst.idx.msk $0xffff, v4  }
0x8b1: {  	[tilespmem:v58+s25+$0x0] =	vst.idx.msk $0xffff, v2  }
0x8b2: {  	[tilespmem:v62+s25+$0x0] =	vst.idx.msk $0xffff, v59  }
0x8b3: {  	s0 =	rddreg [dreg:$0x5]  }
0x8b4: {  	[hbm4b:s0+s26] =	stream.strided.scatter [tilespmem:s25], [sflag:$0x3], $0x4000, s28, s26, $0x38;
	[tilespmem:$0x13200] =	vst v63  }
0x8b5: {  	_ =	swait.ge [sflag:s10], $0x4000  }
0x8b6: {  	v42 =	vld [tilespmem:$0x1FE90]  }
0x8b7: {  	v22 =	vmov v60;
	v60 =	vld [tilespmem:$0x1FEB0]  }
0x8b8: {  	v28 =	vld [tilespmem:$0x1FED0]  }
0x8b9: {  	v29 =	vld [tilespmem:$0x1FEE0]  }
0x8ba: {  	v40 =	vld [tilespmem:$0x1FEF0]  }
0x8bb: {  	v31 =	vld [tilespmem:$0x1FEC0]  }
0x8bc: {  	s2 =	rddreg [dreg:$0x7];
	v24 =	vld [tilespmem:$0x1FF00]  }
0x8bd: {  	s30 =	rddreg [dreg:$0x6];
	v26 =	vld [tilespmem:$0x1FF10];
	s2 =	sadd.s32 $0x1, s2  }
0x8be: {  	v43 =	vld [tilespmem:$0x1FE80];
	p0 =	sne.s32 s2, s30  }
.Ltmp9:
0x8bf: {  	v21 =	vmov v44;
	v44 =	vld [tilespmem:$0x1FEA0];
	(pc) =	sbr.rel @p0 .LBB2_1-.Ltmp9, $4  }
0x8c0: {  	v17 =	vld [tilespmem:$0x1FDF0]  }
0x8c1: {  	v46 =	vld [tilespmem:$0x1FE70]  }
0x8c2: {  	v25 =	vmov v48;
	[sflag:s10] =	ssyncset.done $0x0;
	v48 =	vld [tilespmem:$0x1FFA0]  }
0x8c3: {  	v52 =	vmov v54;
	v47 =	vld [tilespmem:$0x1FF50];
	[sflag:s10] =	ssyncadd.s32 $0xFFFFC000  }
0x8c4: {  	_ =	sfence.sel $0x180000  }
0x8c5: {  	[bflag:$0x0] =	sbarrier.arrive $0xFFFF  }
0x8c6: {  	_ =	strace $0x90000047  }
0x8c7: {  	s0 =	stileid.u32;
	[bflag:$0x2] =	sbarrier.arrive $0xFFFF  }
0x8c8: {  	p0 =	sne.s32 s0, $0x0;
	s0 =	rddreg [dreg:$0x2]  }
0x8c9: {  	s0 =	sadd.s32 @!p0 $0x100000, s0  }
0x8ca: {  	[sflag:s0] =	ssyncadd.tile.s32 @!p0 $0x1;
	_ =	shalt  }
.Lfunc_end2:
_tile_overlayer_lowered:
.L_overlay_start_2:
0x8cb: {  	(tag) =	ssettag $0x2  }
0x8cc: {  	s0 =	rddreg [dreg:$0x0];
	s2 =	stileid.u32  }
0x8cd: {  	s1 =	rddreg [dreg:$0x1];
	p0 =	sne.s32 s2, $0x0  }
0x8ce: {  	s3 =	rddreg [dreg:$0x2];
	[bflag:$0x3] =	sbarrier.arrive $0xFFFF;
	s2 =	simm.s32 @!p0 $0x1C03  }
0x8cf: {  	[timem:s3], [sflag:s2] =	dma.local @!p0 [hbm:s0], s1  }
0x8d0: {  	s0 =	simm.s32 @!p0 $0x3  }
0x8d1: {  	_ =	swait.ge @!p0 [sflag:s0], s1  }
0x8d2: {  	s1 =	ssub.s32 @!p0 $0x0, s1;
	[sflag:s0] =	ssyncset.done @!p0 $0x0  }
0x8d3: {  	[sflag:s0] =	ssyncadd.s32 @!p0 s1  }
0x8d4: {  	[bflag:$0x3] =	sbarrier.arrive $0xFFFF  }
0x8d5: {  	_ =	shalt  }

</sc_bundles>
